<compile_context>
chip_gen: v7x
topology: tpu7x:2x2x1
jax: 0.10.2.dev20260603
libtpu: 0.0.44.dev20260713+nightly
codegen_flags: <defaults>
</compile_context>

<pallas_src>
import functools

import jax
import jax.numpy as jnp
from jax import lax
from jax.experimental import pallas as pl
from jax.experimental.pallas import tpu as pltpu
from jax.experimental.pallas import tpu_sc as plsc

N = 10000
E = 320000
D = 128
DE = 16
DH = D // 2

NC = 2
NS = 16
EH = E // 2
EPT = EH // NS
B = 80
NCH = EPT // B
NP = 10240
ROWS_PER_TILE = NP // NS



_BE = 4000


def _edge_mlp_body(row_off, ef_hbm, w1, b1, w2, b2, out, ef_v0, ef_v1,
                   sem0, sem1):
    p = pl.program_id(0)
    npairs = pl.num_programs(0)
    base = row_off + p * (2 * _BE)

    def _cp(r0, buf, sem):
        return pltpu.make_async_copy(ef_hbm.at[pl.ds(r0, _BE), :], buf, sem)

    @pl.when(p == 0)
    def _():
        _cp(base, ef_v0, sem0).start()
        _cp(base + _BE, ef_v1, sem1).start()

    def _sub(buf, sem, r0, out_slot):
        _cp(r0, buf, sem).wait()
        h = jnp.maximum(
            jnp.dot(buf[...], w1[...], preferred_element_type=jnp.float32)
            + b1[...], 0.0)
        out[pl.ds(out_slot * _BE, _BE), :] = (
            jnp.dot(h, w2[...], preferred_element_type=jnp.float32) + b2[...])

    _sub(ef_v0, sem0, base, 0)
    @pl.when(p + 1 < npairs)
    def _():
        _cp(base + 2 * _BE, ef_v0, sem0).start()
    _sub(ef_v1, sem1, base + _BE, 1)
    @pl.when(p + 1 < npairs)
    def _():
        _cp(base + 3 * _BE, ef_v1, sem1).start()


def _edge_mlp(edge_feat, eW1, eb1, eW2, eb2, half):
    wspec = lambda r, c: pl.BlockSpec((r, c), lambda i: (0, 0))
    return pl.pallas_call(
        functools.partial(_edge_mlp_body, half * EH),
        grid=(EH // (2 * _BE),),
        in_specs=[
            pl.BlockSpec(memory_space=pl.ANY),
            wspec(DE, 2 * DE), wspec(1, 2 * DE),
            wspec(2 * DE, D), wspec(1, D),
        ],
        out_specs=pl.BlockSpec((2 * _BE, D), lambda i: (i, 0)),
        out_shape=jax.ShapeDtypeStruct((EH, D), jnp.float32),
        scratch_shapes=[
            pltpu.VMEM((_BE, DE), jnp.float32),
            pltpu.VMEM((_BE, DE), jnp.float32),
            pltpu.SemaphoreType.DMA,
            pltpu.SemaphoreType.DMA,
        ],
    )(edge_feat, eW1, eb1.reshape(1, -1), eW2, eb2.reshape(1, -1))



def _sc_body(half, nf_hbm, ei_hbm, e2_hbm, out_hbm, src_all, dst_all,
             src_v0, dst_v0, eidx_v0, rows_v0, e_v0,
             src_v1, dst_v1, eidx_v1, rows_v1, e_v1,
             acc, sem_g0, sem_e0, sem_g1, sem_e1):
    c = lax.axis_index("c")
    s = lax.axis_index("s")
    rows_v = rows_v0

    def _zrow(r, carry):
        for j in range(DH // 16):
            rows_v[r, pl.ds(16 * j, 16)] = jnp.zeros((16,), jnp.float32)
        return carry
    lax.fori_loop(0, B, _zrow, 0)
    base = s * ROWS_PER_TILE
    for k in range(ROWS_PER_TILE // B):
        pltpu.sync_copy(rows_v, acc.at[pl.ds(base + k * B, B)])
    plsc.subcore_barrier()

    hoff = half * EH
    pltpu.sync_copy(ei_hbm.at[pl.ds(hoff + s * EPT, EPT)], src_all)
    pltpu.sync_copy(ei_hbm.at[pl.ds(E + hoff + s * EPT, EPT)], dst_all)

    ebase = 2 * s * EPT + c
    iota2 = 2 * lax.iota(jnp.int32, 16)

    def _fire(i, src_v, dst_v, eidx_v, rows_v, e_v, sem_g, sem_e):
        for j in range(B // 16):
            sl = pl.ds(16 * j, 16)
            src_v[sl] = src_all[pl.ds(i * B + 16 * j, 16)] * 2 + c
            dst_v[sl] = dst_all[pl.ds(i * B + 16 * j, 16)]
            eidx_v[sl] = (ebase + 2 * (i * B + 16 * j)) + iota2
        cp_g = pltpu.async_copy(nf_hbm.at[src_v], rows_v, sem_g)
        cp_e = pltpu.async_copy(e2_hbm.at[eidx_v], e_v, sem_e)
        return cp_g, cp_e

    def _drain_process(src_v, dst_v, eidx_v, rows_v, e_v, sem_g, sem_e):
        pltpu.make_async_copy(nf_hbm.at[src_v], rows_v, sem_g).wait()
        pltpu.make_async_copy(e2_hbm.at[eidx_v], e_v, sem_e).wait()

        def _row(r2, rc):
            for rr in range(2):
                for j in range(DH // 16):
                    sl = pl.ds(16 * j, 16)
                    r = 2 * r2 + rr
                    e_v[r, sl] = jnp.maximum(rows_v[r, sl] + e_v[r, sl], 0.0)
            return rc
        lax.fori_loop(0, B // 2, _row, 0)
        pltpu.sync_copy(e_v, acc.at[dst_v], add=True)

    buf0 = (src_v0, dst_v0, eidx_v0, rows_v0, e_v0, sem_g0, sem_e0)
    buf1 = (src_v1, dst_v1, eidx_v1, rows_v1, e_v1, sem_g1, sem_e1)
    _fire(0, *buf0)
    _fire(1, *buf1)

    def _pair(t, carry):
        _drain_process(*buf0)
        _fire(2 * t + 2, *buf0)
        _drain_process(*buf1)
        _fire(2 * t + 3, *buf1)
        return carry
    if NCH % 2 == 0:
        lax.fori_loop(0, (NCH - 2) // 2, _pair, 0)
        _drain_process(*buf0)
        _drain_process(*buf1)
    else:
        lax.fori_loop(0, (NCH - 3) // 2, _pair, 0)
        _drain_process(*buf0)
        _fire(NCH - 1, *buf0)
        _drain_process(*buf1)
        _drain_process(*buf0)

    plsc.subcore_barrier()
    pltpu.sync_copy(acc.at[pl.ds(base, ROWS_PER_TILE)],
                    out_hbm.at[pl.ds(base, ROWS_PER_TILE), pl.ds(c * DH, DH)])


def _sc_aggregate(nf64, ei_flat, e2, half):
    mesh = plsc.VectorSubcoreMesh(core_axis_name="c", subcore_axis_name="s")
    f = functools.partial(
        pl.kernel,
        mesh=mesh,
        out_type=jax.ShapeDtypeStruct((NP, D), jnp.float32),
        scratch_types=[
            pltpu.VMEM((EPT,), jnp.int32),
            pltpu.VMEM((EPT,), jnp.int32),
            pltpu.VMEM((B,), jnp.int32),
            pltpu.VMEM((B,), jnp.int32),
            pltpu.VMEM((B,), jnp.int32),
            pltpu.VMEM((B, DH), jnp.float32),
            pltpu.VMEM((B, DH), jnp.float32),
            pltpu.VMEM((B,), jnp.int32),
            pltpu.VMEM((B,), jnp.int32),
            pltpu.VMEM((B,), jnp.int32),
            pltpu.VMEM((B, DH), jnp.float32),
            pltpu.VMEM((B, DH), jnp.float32),
            pltpu.VMEM_SHARED((NP, DH), jnp.float32),
            pltpu.SemaphoreType.DMA,
            pltpu.SemaphoreType.DMA,
            pltpu.SemaphoreType.DMA,
            pltpu.SemaphoreType.DMA,
        ],
        compiler_params=pltpu.CompilerParams(use_tc_tiling_on_sc=False),
    )(functools.partial(_sc_body, half))
    return f(nf64, ei_flat, e2)



def _node_mlp_body(nf, pa, pb, eps, w1, b1, w2, b2, out):
    h = (1.0 + eps[0, 0]) * nf[...] + pa[...] + pb[...]
    h1 = jnp.maximum(
        jnp.dot(h, w1[...], preferred_element_type=jnp.float32) + b1[...], 0.0)
    out[...] = jnp.dot(h1, w2[...], preferred_element_type=jnp.float32) + b2[...]


def _node_mlp(node_feat, pa, pb, eps, W1, b1, W2, b2):
    BN = 400
    return pl.pallas_call(
        _node_mlp_body,
        grid=(N // BN,),
        in_specs=[
            pl.BlockSpec((BN, D), lambda i: (i, 0)),
            pl.BlockSpec((BN, D), lambda i: (i, 0)),
            pl.BlockSpec((BN, D), lambda i: (i, 0)),
            pl.BlockSpec((1, 1), lambda i: (0, 0)),
            pl.BlockSpec((D, 2 * D), lambda i: (0, 0)),
            pl.BlockSpec((1, 2 * D), lambda i: (0, 0)),
            pl.BlockSpec((2 * D, D), lambda i: (0, 0)),
            pl.BlockSpec((1, D), lambda i: (0, 0)),
        ],
        out_specs=pl.BlockSpec((BN, D), lambda i: (i, 0)),
        out_shape=jax.ShapeDtypeStruct((N, D), jnp.float32),
    )(node_feat, pa, pb, eps.reshape(1, 1), W1, b1.reshape(1, -1), W2,
      b2.reshape(1, -1))



def kernel(node_feat, edge_index, edge_feat, W1, b1, W2, b2,
           eW1, eb1, eW2, eb2, eps):
    nf64 = node_feat.reshape(2 * N, DH)
    ei_flat = edge_index.reshape(2 * E)
    e_a = _edge_mlp(edge_feat, eW1, eb1, eW2, eb2, 0)
    e_b = _edge_mlp(edge_feat, eW1, eb1, eW2, eb2, 1)
    pa = _sc_aggregate(nf64, ei_flat, e_a.reshape(2 * EH, DH), 0)
    pb = _sc_aggregate(nf64, ei_flat, e_b.reshape(2 * EH, DH), 1)
    return _node_mlp(node_feat, pa, pb, eps, W1, b1, W2, b2)

# --- scband reference (transcript-rebuilt; emitter-appended) ---
"""Pipeline reference for scband-ginelayer-88845693485603 (READ-ONLY COPY).

The authoritative reference and input builder live on the scoring server;
editing this copy changes nothing except your own understanding.
"""

import jax, jax.numpy as jnp
import numpy as np

N = 10000
E = 320000
D = 128
DE = 16


def setup_inputs(seed: int = 0) -> dict:
    key = jax.random.key(seed)
    ks = jax.random.split(key, 12)
    node_feat = jax.random.normal(ks[0], (N, D), dtype=jnp.float32)
    edge_index = jax.random.randint(ks[1], (2, E), 0, N, dtype=jnp.int32)
    edge_feat = jax.random.normal(ks[2], (E, DE), dtype=jnp.float32)
    # node MLP: MLPLayers(2, [D, 2D, D]) -> Linear(D,2D), ReLU, Linear(2D,D)
    W1 = jax.random.normal(ks[3], (D, 2 * D), dtype=jnp.float32) * 0.05
    b1 = jnp.zeros((2 * D,), dtype=jnp.float32)
    W2 = jax.random.normal(ks[4], (2 * D, D), dtype=jnp.float32) * 0.05
    b2 = jnp.zeros((D,), dtype=jnp.float32)
    # edge MLP: MLPLayers(2, [DE, 2DE, D]) -> Linear(DE,2DE), ReLU, Linear(2DE,D)
    eW1 = jax.random.normal(ks[5], (DE, 2 * DE), dtype=jnp.float32) * 0.05
    eb1 = jnp.zeros((2 * DE,), dtype=jnp.float32)
    eW2 = jax.random.normal(ks[6], (2 * DE, D), dtype=jnp.float32) * 0.05
    eb2 = jnp.zeros((D,), dtype=jnp.float32)
    eps = jnp.zeros((1,), dtype=jnp.float32)
    return {"node_feat": node_feat, "edge_index": edge_index, "edge_feat": edge_feat,
            "W1": W1, "b1": b1, "W2": W2, "b2": b2,
            "eW1": eW1, "eb1": eb1, "eW2": eW2, "eb2": eb2, "eps": eps}


def reference(node_feat, edge_index, edge_feat, W1, b1, W2, b2, eW1, eb1, eW2, eb2, eps):
    src = edge_index[0]
    dst = edge_index[1]
    # edge MLP projecting edge features into node feature space
    e_hidden = jax.nn.relu(jnp.dot(edge_feat, eW1) + eb1)
    e = jnp.dot(e_hidden, eW2) + eb2
    # message: relu(h_src + e), gather on src (SparseCore gather)
    msg = jax.nn.relu(jnp.take(node_feat, src, axis=0) + e)
    # sum aggregation to dst nodes (SparseCore scatter-add)
    out_h = jax.ops.segment_sum(msg, dst, num_segments=node_feat.shape[0])
    h = (1.0 + eps) * node_feat + out_h
    h1 = jax.nn.relu(jnp.dot(h, W1) + b1)
    out = jnp.dot(h1, W2) + b2
    return out

if __name__ == "__main__":
    import jax
    _d = setup_inputs()
    print(jax.jit(kernel)(*tuple(_d.values())))

</pallas_src>

<mosaic_0001>
#map = affine_map<(d0, d1) -> (0, 0)>
#map1 = affine_map<(d0, d1) -> (0)>
module attributes {stable_mosaic.version = 14 : i64} {
  func.func @_sc_body(%arg0: i32, %arg1: i32, %arg2: memref<20000x64xf32, #tpu.memory_space<hbm>>, %arg3: memref<640000xi32, #tpu.memory_space<hbm>>, %arg4: memref<320000x64xf32, #tpu.memory_space<hbm>>, %arg5: memref<10240x128xf32, #tpu.memory_space<hbm>>, %arg6: memref<10000xi32, #tpu.memory_space<vmem>>, %arg7: memref<10000xi32, #tpu.memory_space<vmem>>, %arg8: memref<80xi32, #tpu.memory_space<vmem>>, %arg9: memref<80xi32, #tpu.memory_space<vmem>>, %arg10: memref<80xi32, #tpu.memory_space<vmem>>, %arg11: memref<80x64xf32, #tpu.memory_space<vmem>>, %arg12: memref<80x64xf32, #tpu.memory_space<vmem>>, %arg13: memref<80xi32, #tpu.memory_space<vmem>>, %arg14: memref<80xi32, #tpu.memory_space<vmem>>, %arg15: memref<80xi32, #tpu.memory_space<vmem>>, %arg16: memref<80x64xf32, #tpu.memory_space<vmem>>, %arg17: memref<80x64xf32, #tpu.memory_space<vmem>>, %arg18: memref<10240x64xf32, #tpu.memory_space<vmem_shared>>, %arg19: memref<!tpu.dma_semaphore, #tpu.memory_space<semaphore_mem>>, %arg20: memref<!tpu.dma_semaphore, #tpu.memory_space<semaphore_mem>>, %arg21: memref<!tpu.dma_semaphore, #tpu.memory_space<semaphore_mem>>, %arg22: memref<!tpu.dma_semaphore, #tpu.memory_space<semaphore_mem>>) attributes {dimension_semantics = [#tpu.dimension_semantics<core_parallel>, #tpu.dimension_semantics<subcore_parallel>], iteration_bounds = array<i64: 2, 16>, scalar_prefetch = 0 : i64, scratch_operands = 17 : i64, tpu.core_type = #tpu.core_type<sc_vector_subcore>, window_params = [{transform_indices = #map}, {transform_indices = #map1}, {transform_indices = #map}, {transform_indices = #map}]} {
    %scan3A = arith.constant 0 : i32
    %scan3A_0 = arith.constant 0 : i32
    %scan3A_1 = arith.constant 80 : i32
    %scan3A_2 = arith.addi %scan3A_0, %scan3A_1 : i32
    %scan3A_3 = arith.constant 1 : i32
    scf.for %scan3A_501 = %scan3A_0 to %scan3A_2 step %scan3A_3  : i32 {
      %broadcast_in_dim3A = arith.constant 0.000000e+00 : f32
      %broadcast_in_dim3A_502 = vector.broadcast %broadcast_in_dim3A : f32 to vector<16xf32>
      %swap3A_503 = arith.index_cast %scan3A_501 : i32 to index
      %swap3A_504 = arith.constant 0 : index
      %swap3A_505 = tpu.vector_load %arg11[%swap3A_503, %swap3A_504] {strides = array<i32>} : memref<80x64xf32, #tpu.memory_space<vmem>>, vector<1x16xf32>,
      %swap3A_506 = vector.shape_cast %swap3A_505 : vector<1x16xf32> to vector<16xf32>
      %swap3A_507 = vector.shape_cast %broadcast_in_dim3A_502 : vector<16xf32> to vector<1x16xf32>
      tpu.vector_store %arg11[%swap3A_503, %swap3A_504], %swap3A_507 {strides = array<i32>} : memref<80x64xf32, #tpu.memory_space<vmem>>, vector<1x16xf32>,
      %broadcast_in_dim3A_508 = arith.constant 0.000000e+00 : f32
      %broadcast_in_dim3A_509 = vector.broadcast %broadcast_in_dim3A_508 : f32 to vector<16xf32>
      %swap3A_510 = arith.index_cast %scan3A_501 : i32 to index
      %swap3A_511 = arith.constant 16 : index
      %swap3A_512 = tpu.vector_load %arg11[%swap3A_510, %swap3A_511] {strides = array<i32>} : memref<80x64xf32, #tpu.memory_space<vmem>>, vector<1x16xf32>,
      %swap3A_513 = vector.shape_cast %swap3A_512 : vector<1x16xf32> to vector<16xf32>
      %swap3A_514 = vector.shape_cast %broadcast_in_dim3A_509 : vector<16xf32> to vector<1x16xf32>
      tpu.vector_store %arg11[%swap3A_510, %swap3A_511], %swap3A_514 {strides = array<i32>} : memref<80x64xf32, #tpu.memory_space<vmem>>, vector<1x16xf32>,
      %broadcast_in_dim3A_515 = arith.constant 0.000000e+00 : f32
      %broadcast_in_dim3A_516 = vector.broadcast %broadcast_in_dim3A_515 : f32 to vector<16xf32>
      %swap3A_517 = arith.index_cast %scan3A_501 : i32 to index
      %swap3A_518 = arith.constant 32 : index
      %swap3A_519 = tpu.vector_load %arg11[%swap3A_517, %swap3A_518] {strides = array<i32>} : memref<80x64xf32, #tpu.memory_space<vmem>>, vector<1x16xf32>,
      %swap3A_520 = vector.shape_cast %swap3A_519 : vector<1x16xf32> to vector<16xf32>
      %swap3A_521 = vector.shape_cast %broadcast_in_dim3A_516 : vector<16xf32> to vector<1x16xf32>
      tpu.vector_store %arg11[%swap3A_517, %swap3A_518], %swap3A_521 {strides = array<i32>} : memref<80x64xf32, #tpu.memory_space<vmem>>, vector<1x16xf32>,
      %broadcast_in_dim3A_522 = arith.constant 0.000000e+00 : f32
      %broadcast_in_dim3A_523 = vector.broadcast %broadcast_in_dim3A_522 : f32 to vector<16xf32>
      %swap3A_524 = arith.index_cast %scan3A_501 : i32 to index
      %swap3A_525 = arith.constant 48 : index
      %swap3A_526 = tpu.vector_load %arg11[%swap3A_524, %swap3A_525] {strides = array<i32>} : memref<80x64xf32, #tpu.memory_space<vmem>>, vector<1x16xf32>,
      %swap3A_527 = vector.shape_cast %swap3A_526 : vector<1x16xf32> to vector<16xf32>
      %swap3A_528 = vector.shape_cast %broadcast_in_dim3A_523 : vector<16xf32> to vector<1x16xf32>
      tpu.vector_store %arg11[%swap3A_524, %swap3A_525], %swap3A_528 {strides = array<i32>} : memref<80x64xf32, #tpu.memory_space<vmem>>, vector<1x16xf32>,
    }
    %scan3A_4 = arith.constant 80 : i32
    %mul3A = arith.constant 640 : i32
    %mul3A_5 = arith.muli %arg1, %mul3A : i32
    %add3A = arith.constant 0 : i32
    %add3A_6 = arith.addi %mul3A_5, %add3A : i32
    "tpu.region"() ({
      %run_scoped3A = tpu.sem_alloc : memref<!tpu.dma_semaphore, #tpu.memory_space<semaphore_mem>>
      %dma_start3A_501 = arith.constant 0 : i32
      %dma_start3A_502 = tpu.memref_slice %arg18[%add3A_6, %dma_start3A_501] : memref<10240x64xf32, #tpu.memory_space<vmem_shared>> -> memref<80x64xf32, #tpu.memory_space<vmem_shared>>
      %dma_start3A_503 = arith.constant 0 : i32
      %dma_start3A_504 = tpu.memref_slice %arg18[%add3A_6, %dma_start3A_503] : memref<10240x64xf32, #tpu.memory_space<vmem_shared>> -> memref<80x64xf32, #tpu.memory_space<vmem_shared>>
      tpu.enqueue_dma source(%arg11 : memref<80x64xf32, #tpu.memory_space<vmem>>) target(%dma_start3A_504 : memref<80x64xf32, #tpu.memory_space<vmem_shared>>) target_semaphore(%run_scoped3A : memref<!tpu.dma_semaphore, #tpu.memory_space<semaphore_mem>>)
      %dma_wait3A_505 = arith.constant 0 : i32
      %dma_wait3A_506 = tpu.memref_slice %arg18[%add3A_6, %dma_wait3A_505] : memref<10240x64xf32, #tpu.memory_space<vmem_shared>> -> memref<80x64xf32, #tpu.memory_space<vmem_shared>>
      %dma_wait3A_507 = arith.constant 0 : i32
      %dma_wait3A_508 = tpu.memref_slice %arg18[%add3A_6, %dma_wait3A_507] : memref<10240x64xf32, #tpu.memory_space<vmem_shared>> -> memref<80x64xf32, #tpu.memory_space<vmem_shared>>
      tpu.wait_dma2 semaphore(%run_scoped3A : memref<!tpu.dma_semaphore, #tpu.memory_space<semaphore_mem>>) src(%arg11 : memref<80x64xf32, #tpu.memory_space<vmem>>) dst(%dma_wait3A_508 : memref<80x64xf32, #tpu.memory_space<vmem_shared>>)
      tpu.yield
    }) : () -> ()
    %add3A_7 = arith.constant 80 : i32
    %add3A_8 = arith.addi %mul3A_5, %add3A_7 : i32
    "tpu.region"() ({
      %run_scoped3A = tpu.sem_alloc : memref<!tpu.dma_semaphore, #tpu.memory_space<semaphore_mem>>
      %dma_start3A_501 = arith.constant 0 : i32
      %dma_start3A_502 = tpu.memref_slice %arg18[%add3A_8, %dma_start3A_501] : memref<10240x64xf32, #tpu.memory_space<vmem_shared>> -> memref<80x64xf32, #tpu.memory_space<vmem_shared>>
      %dma_start3A_503 = arith.constant 0 : i32
      %dma_start3A_504 = tpu.memref_slice %arg18[%add3A_8, %dma_start3A_503] : memref<10240x64xf32, #tpu.memory_space<vmem_shared>> -> memref<80x64xf32, #tpu.memory_space<vmem_shared>>
      tpu.enqueue_dma source(%arg11 : memref<80x64xf32, #tpu.memory_space<vmem>>) target(%dma_start3A_504 : memref<80x64xf32, #tpu.memory_space<vmem_shared>>) target_semaphore(%run_scoped3A : memref<!tpu.dma_semaphore, #tpu.memory_space<semaphore_mem>>)
      %dma_wait3A_505 = arith.constant 0 : i32
      %dma_wait3A_506 = tpu.memref_slice %arg18[%add3A_8, %dma_wait3A_505] : memref<10240x64xf32, #tpu.memory_space<vmem_shared>> -> memref<80x64xf32, #tpu.memory_space<vmem_shared>>
      %dma_wait3A_507 = arith.constant 0 : i32
      %dma_wait3A_508 = tpu.memref_slice %arg18[%add3A_8, %dma_wait3A_507] : memref<10240x64xf32, #tpu.memory_space<vmem_shared>> -> memref<80x64xf32, #tpu.memory_space<vmem_shared>>
      tpu.wait_dma2 semaphore(%run_scoped3A : memref<!tpu.dma_semaphore, #tpu.memory_space<semaphore_mem>>) src(%arg11 : memref<80x64xf32, #tpu.memory_space<vmem>>) dst(%dma_wait3A_508 : memref<80x64xf32, #tpu.memory_space<vmem_shared>>)
      tpu.yield
    }) : () -> ()
    %add3A_9 = arith.constant 160 : i32
    %add3A_10 = arith.addi %mul3A_5, %add3A_9 : i32
    "tpu.region"() ({
      %run_scoped3A = tpu.sem_alloc : memref<!tpu.dma_semaphore, #tpu.memory_space<semaphore_mem>>
      %dma_start3A_501 = arith.constant 0 : i32
      %dma_start3A_502 = tpu.memref_slice %arg18[%add3A_10, %dma_start3A_501] : memref<10240x64xf32, #tpu.memory_space<vmem_shared>> -> memref<80x64xf32, #tpu.memory_space<vmem_shared>>
      %dma_start3A_503 = arith.constant 0 : i32
      %dma_start3A_504 = tpu.memref_slice %arg18[%add3A_10, %dma_start3A_503] : memref<10240x64xf32, #tpu.memory_space<vmem_shared>> -> memref<80x64xf32, #tpu.memory_space<vmem_shared>>
      tpu.enqueue_dma source(%arg11 : memref<80x64xf32, #tpu.memory_space<vmem>>) target(%dma_start3A_504 : memref<80x64xf32, #tpu.memory_space<vmem_shared>>) target_semaphore(%run_scoped3A : memref<!tpu.dma_semaphore, #tpu.memory_space<semaphore_mem>>)
      %dma_wait3A_505 = arith.constant 0 : i32
      %dma_wait3A_506 = tpu.memref_slice %arg18[%add3A_10, %dma_wait3A_505] : memref<10240x64xf32, #tpu.memory_space<vmem_shared>> -> memref<80x64xf32, #tpu.memory_space<vmem_shared>>
      %dma_wait3A_507 = arith.constant 0 : i32
      %dma_wait3A_508 = tpu.memref_slice %arg18[%add3A_10, %dma_wait3A_507] : memref<10240x64xf32, #tpu.memory_space<vmem_shared>> -> memref<80x64xf32, #tpu.memory_space<vmem_shared>>
      tpu.wait_dma2 semaphore(%run_scoped3A : memref<!tpu.dma_semaphore, #tpu.memory_space<semaphore_mem>>) src(%arg11 : memref<80x64xf32, #tpu.memory_space<vmem>>) dst(%dma_wait3A_508 : memref<80x64xf32, #tpu.memory_space<vmem_shared>>)
      tpu.yield
    }) : () -> ()
    %add3A_11 = arith.constant 240 : i32
    %add3A_12 = arith.addi %mul3A_5, %add3A_11 : i32
    "tpu.region"() ({
      %run_scoped3A = tpu.sem_alloc : memref<!tpu.dma_semaphore, #tpu.memory_space<semaphore_mem>>
      %dma_start3A_501 = arith.constant 0 : i32
      %dma_start3A_502 = tpu.memref_slice %arg18[%add3A_12, %dma_start3A_501] : memref<10240x64xf32, #tpu.memory_space<vmem_shared>> -> memref<80x64xf32, #tpu.memory_space<vmem_shared>>
      %dma_start3A_503 = arith.constant 0 : i32
      %dma_start3A_504 = tpu.memref_slice %arg18[%add3A_12, %dma_start3A_503] : memref<10240x64xf32, #tpu.memory_space<vmem_shared>> -> memref<80x64xf32, #tpu.memory_space<vmem_shared>>
      tpu.enqueue_dma source(%arg11 : memref<80x64xf32, #tpu.memory_space<vmem>>) target(%dma_start3A_504 : memref<80x64xf32, #tpu.memory_space<vmem_shared>>) target_semaphore(%run_scoped3A : memref<!tpu.dma_semaphore, #tpu.memory_space<semaphore_mem>>)
      %dma_wait3A_505 = arith.constant 0 : i32
      %dma_wait3A_506 = tpu.memref_slice %arg18[%add3A_12, %dma_wait3A_505] : memref<10240x64xf32, #tpu.memory_space<vmem_shared>> -> memref<80x64xf32, #tpu.memory_space<vmem_shared>>
      %dma_wait3A_507 = arith.constant 0 : i32
      %dma_wait3A_508 = tpu.memref_slice %arg18[%add3A_12, %dma_wait3A_507] : memref<10240x64xf32, #tpu.memory_space<vmem_shared>> -> memref<80x64xf32, #tpu.memory_space<vmem_shared>>
      tpu.wait_dma2 semaphore(%run_scoped3A : memref<!tpu.dma_semaphore, #tpu.memory_space<semaphore_mem>>) src(%arg11 : memref<80x64xf32, #tpu.memory_space<vmem>>) dst(%dma_wait3A_508 : memref<80x64xf32, #tpu.memory_space<vmem_shared>>)
      tpu.yield
    }) : () -> ()
    %add3A_13 = arith.constant 320 : i32
    %add3A_14 = arith.addi %mul3A_5, %add3A_13 : i32
    "tpu.region"() ({
      %run_scoped3A = tpu.sem_alloc : memref<!tpu.dma_semaphore, #tpu.memory_space<semaphore_mem>>
      %dma_start3A_501 = arith.constant 0 : i32
      %dma_start3A_502 = tpu.memref_slice %arg18[%add3A_14, %dma_start3A_501] : memref<10240x64xf32, #tpu.memory_space<vmem_shared>> -> memref<80x64xf32, #tpu.memory_space<vmem_shared>>
      %dma_start3A_503 = arith.constant 0 : i32
      %dma_start3A_504 = tpu.memref_slice %arg18[%add3A_14, %dma_start3A_503] : memref<10240x64xf32, #tpu.memory_space<vmem_shared>> -> memref<80x64xf32, #tpu.memory_space<vmem_shared>>
      tpu.enqueue_dma source(%arg11 : memref<80x64xf32, #tpu.memory_space<vmem>>) target(%dma_start3A_504 : memref<80x64xf32, #tpu.memory_space<vmem_shared>>) target_semaphore(%run_scoped3A : memref<!tpu.dma_semaphore, #tpu.memory_space<semaphore_mem>>)
      %dma_wait3A_505 = arith.constant 0 : i32
      %dma_wait3A_506 = tpu.memref_slice %arg18[%add3A_14, %dma_wait3A_505] : memref<10240x64xf32, #tpu.memory_space<vmem_shared>> -> memref<80x64xf32, #tpu.memory_space<vmem_shared>>
      %dma_wait3A_507 = arith.constant 0 : i32
      %dma_wait3A_508 = tpu.memref_slice %arg18[%add3A_14, %dma_wait3A_507] : memref<10240x64xf32, #tpu.memory_space<vmem_shared>> -> memref<80x64xf32, #tpu.memory_space<vmem_shared>>
      tpu.wait_dma2 semaphore(%run_scoped3A : memref<!tpu.dma_semaphore, #tpu.memory_space<semaphore_mem>>) src(%arg11 : memref<80x64xf32, #tpu.memory_space<vmem>>) dst(%dma_wait3A_508 : memref<80x64xf32, #tpu.memory_space<vmem_shared>>)
      tpu.yield
    }) : () -> ()
    %add3A_15 = arith.constant 400 : i32
    %add3A_16 = arith.addi %mul3A_5, %add3A_15 : i32
    "tpu.region"() ({
      %run_scoped3A = tpu.sem_alloc : memref<!tpu.dma_semaphore, #tpu.memory_space<semaphore_mem>>
      %dma_start3A_501 = arith.constant 0 : i32
      %dma_start3A_502 = tpu.memref_slice %arg18[%add3A_16, %dma_start3A_501] : memref<10240x64xf32, #tpu.memory_space<vmem_shared>> -> memref<80x64xf32, #tpu.memory_space<vmem_shared>>
      %dma_start3A_503 = arith.constant 0 : i32
      %dma_start3A_504 = tpu.memref_slice %arg18[%add3A_16, %dma_start3A_503] : memref<10240x64xf32, #tpu.memory_space<vmem_shared>> -> memref<80x64xf32, #tpu.memory_space<vmem_shared>>
      tpu.enqueue_dma source(%arg11 : memref<80x64xf32, #tpu.memory_space<vmem>>) target(%dma_start3A_504 : memref<80x64xf32, #tpu.memory_space<vmem_shared>>) target_semaphore(%run_scoped3A : memref<!tpu.dma_semaphore, #tpu.memory_space<semaphore_mem>>)
      %dma_wait3A_505 = arith.constant 0 : i32
      %dma_wait3A_506 = tpu.memref_slice %arg18[%add3A_16, %dma_wait3A_505] : memref<10240x64xf32, #tpu.memory_space<vmem_shared>> -> memref<80x64xf32, #tpu.memory_space<vmem_shared>>
      %dma_wait3A_507 = arith.constant 0 : i32
      %dma_wait3A_508 = tpu.memref_slice %arg18[%add3A_16, %dma_wait3A_507] : memref<10240x64xf32, #tpu.memory_space<vmem_shared>> -> memref<80x64xf32, #tpu.memory_space<vmem_shared>>
      tpu.wait_dma2 semaphore(%run_scoped3A : memref<!tpu.dma_semaphore, #tpu.memory_space<semaphore_mem>>) src(%arg11 : memref<80x64xf32, #tpu.memory_space<vmem>>) dst(%dma_wait3A_508 : memref<80x64xf32, #tpu.memory_space<vmem_shared>>)
      tpu.yield
    }) : () -> ()
    %add3A_17 = arith.constant 480 : i32
    %add3A_18 = arith.addi %mul3A_5, %add3A_17 : i32
    "tpu.region"() ({
      %run_scoped3A = tpu.sem_alloc : memref<!tpu.dma_semaphore, #tpu.memory_space<semaphore_mem>>
      %dma_start3A_501 = arith.constant 0 : i32
      %dma_start3A_502 = tpu.memref_slice %arg18[%add3A_18, %dma_start3A_501] : memref<10240x64xf32, #tpu.memory_space<vmem_shared>> -> memref<80x64xf32, #tpu.memory_space<vmem_shared>>
      %dma_start3A_503 = arith.constant 0 : i32
      %dma_start3A_504 = tpu.memref_slice %arg18[%add3A_18, %dma_start3A_503] : memref<10240x64xf32, #tpu.memory_space<vmem_shared>> -> memref<80x64xf32, #tpu.memory_space<vmem_shared>>
      tpu.enqueue_dma source(%arg11 : memref<80x64xf32, #tpu.memory_space<vmem>>) target(%dma_start3A_504 : memref<80x64xf32, #tpu.memory_space<vmem_shared>>) target_semaphore(%run_scoped3A : memref<!tpu.dma_semaphore, #tpu.memory_space<semaphore_mem>>)
      %dma_wait3A_505 = arith.constant 0 : i32
      %dma_wait3A_506 = tpu.memref_slice %arg18[%add3A_18, %dma_wait3A_505] : memref<10240x64xf32, #tpu.memory_space<vmem_shared>> -> memref<80x64xf32, #tpu.memory_space<vmem_shared>>
      %dma_wait3A_507 = arith.constant 0 : i32
      %dma_wait3A_508 = tpu.memref_slice %arg18[%add3A_18, %dma_wait3A_507] : memref<10240x64xf32, #tpu.memory_space<vmem_shared>> -> memref<80x64xf32, #tpu.memory_space<vmem_shared>>
      tpu.wait_dma2 semaphore(%run_scoped3A : memref<!tpu.dma_semaphore, #tpu.memory_space<semaphore_mem>>) src(%arg11 : memref<80x64xf32, #tpu.memory_space<vmem>>) dst(%dma_wait3A_508 : memref<80x64xf32, #tpu.memory_space<vmem_shared>>)
      tpu.yield
    }) : () -> ()
    %add3A_19 = arith.constant 560 : i32
    %add3A_20 = arith.addi %mul3A_5, %add3A_19 : i32
    "tpu.region"() ({
      %run_scoped3A = tpu.sem_alloc : memref<!tpu.dma_semaphore, #tpu.memory_space<semaphore_mem>>
      %dma_start3A_501 = arith.constant 0 : i32
      %dma_start3A_502 = tpu.memref_slice %arg18[%add3A_20, %dma_start3A_501] : memref<10240x64xf32, #tpu.memory_space<vmem_shared>> -> memref<80x64xf32, #tpu.memory_space<vmem_shared>>
      %dma_start3A_503 = arith.constant 0 : i32
      %dma_start3A_504 = tpu.memref_slice %arg18[%add3A_20, %dma_start3A_503] : memref<10240x64xf32, #tpu.memory_space<vmem_shared>> -> memref<80x64xf32, #tpu.memory_space<vmem_shared>>
      tpu.enqueue_dma source(%arg11 : memref<80x64xf32, #tpu.memory_space<vmem>>) target(%dma_start3A_504 : memref<80x64xf32, #tpu.memory_space<vmem_shared>>) target_semaphore(%run_scoped3A : memref<!tpu.dma_semaphore, #tpu.memory_space<semaphore_mem>>)
      %dma_wait3A_505 = arith.constant 0 : i32
      %dma_wait3A_506 = tpu.memref_slice %arg18[%add3A_20, %dma_wait3A_505] : memref<10240x64xf32, #tpu.memory_space<vmem_shared>> -> memref<80x64xf32, #tpu.memory_space<vmem_shared>>
      %dma_wait3A_507 = arith.constant 0 : i32
      %dma_wait3A_508 = tpu.memref_slice %arg18[%add3A_20, %dma_wait3A_507] : memref<10240x64xf32, #tpu.memory_space<vmem_shared>> -> memref<80x64xf32, #tpu.memory_space<vmem_shared>>
      tpu.wait_dma2 semaphore(%run_scoped3A : memref<!tpu.dma_semaphore, #tpu.memory_space<semaphore_mem>>) src(%arg11 : memref<80x64xf32, #tpu.memory_space<vmem>>) dst(%dma_wait3A_508 : memref<80x64xf32, #tpu.memory_space<vmem_shared>>)
      tpu.yield
    }) : () -> ()
    %barrier3A = arith.constant 0 : index
    tpu.barrier barrier_id(%barrier3A)
    %mul3A_21 = arith.constant 10000 : i32
    %mul3A_22 = arith.muli %arg1, %mul3A_21 : i32
    %add3A_23 = arith.constant 0 : i32
    %add3A_24 = arith.addi %add3A_23, %mul3A_22 : i32
    "tpu.region"() ({
      %run_scoped3A = tpu.sem_alloc : memref<!tpu.dma_semaphore, #tpu.memory_space<semaphore_mem>>
      %dma_start3A_501 = tpu.memref_slice %arg3[%add3A_24] : memref<640000xi32, #tpu.memory_space<hbm>> -> memref<10000xi32, #tpu.memory_space<hbm>>
      %dma_start3A_502 = tpu.memref_slice %arg3[%add3A_24] : memref<640000xi32, #tpu.memory_space<hbm>> -> memref<10000xi32, #tpu.memory_space<hbm>>
      tpu.enqueue_dma source(%dma_start3A_502 : memref<10000xi32, #tpu.memory_space<hbm>>) target(%arg6 : memref<10000xi32, #tpu.memory_space<vmem>>) target_semaphore(%run_scoped3A : memref<!tpu.dma_semaphore, #tpu.memory_space<semaphore_mem>>)
      %dma_wait3A_503 = tpu.memref_slice %arg3[%add3A_24] : memref<640000xi32, #tpu.memory_space<hbm>> -> memref<10000xi32, #tpu.memory_space<hbm>>
      %dma_wait3A_504 = tpu.memref_slice %arg3[%add3A_24] : memref<640000xi32, #tpu.memory_space<hbm>> -> memref<10000xi32, #tpu.memory_space<hbm>>
      tpu.wait_dma2 semaphore(%run_scoped3A : memref<!tpu.dma_semaphore, #tpu.memory_space<semaphore_mem>>) src(%dma_wait3A_504 : memref<10000xi32, #tpu.memory_space<hbm>>) dst(%arg6 : memref<10000xi32, #tpu.memory_space<vmem>>)
      tpu.yield
    }) : () -> ()
    %mul3A_25 = arith.constant 10000 : i32
    %mul3A_26 = arith.muli %arg1, %mul3A_25 : i32
    %add3A_27 = arith.constant 320000 : i32
    %add3A_28 = arith.addi %add3A_27, %mul3A_26 : i32
    "tpu.region"() ({
      %run_scoped3A = tpu.sem_alloc : memref<!tpu.dma_semaphore, #tpu.memory_space<semaphore_mem>>
      %dma_start3A_501 = tpu.memref_slice %arg3[%add3A_28] : memref<640000xi32, #tpu.memory_space<hbm>> -> memref<10000xi32, #tpu.memory_space<hbm>>
      %dma_start3A_502 = tpu.memref_slice %arg3[%add3A_28] : memref<640000xi32, #tpu.memory_space<hbm>> -> memref<10000xi32, #tpu.memory_space<hbm>>
      tpu.enqueue_dma source(%dma_start3A_502 : memref<10000xi32, #tpu.memory_space<hbm>>) target(%arg7 : memref<10000xi32, #tpu.memory_space<vmem>>) target_semaphore(%run_scoped3A : memref<!tpu.dma_semaphore, #tpu.memory_space<semaphore_mem>>)
      %dma_wait3A_503 = tpu.memref_slice %arg3[%add3A_28] : memref<640000xi32, #tpu.memory_space<hbm>> -> memref<10000xi32, #tpu.memory_space<hbm>>
      %dma_wait3A_504 = tpu.memref_slice %arg3[%add3A_28] : memref<640000xi32, #tpu.memory_space<hbm>> -> memref<10000xi32, #tpu.memory_space<hbm>>
      tpu.wait_dma2 semaphore(%run_scoped3A : memref<!tpu.dma_semaphore, #tpu.memory_space<semaphore_mem>>) src(%dma_wait3A_504 : memref<10000xi32, #tpu.memory_space<hbm>>) dst(%arg7 : memref<10000xi32, #tpu.memory_space<vmem>>)
      tpu.yield
    }) : () -> ()
    %mul3A_29 = arith.constant 2 : i32
    %mul3A_30 = arith.muli %mul3A_29, %arg1 : i32
    %mul3A_31 = arith.constant 10000 : i32
    %mul3A_32 = arith.muli %mul3A_30, %mul3A_31 : i32
    %add3A_33 = arith.addi %mul3A_32, %arg0 : i32
    %iota3A = tpu.iota {dimensions = array<i32: 0>} : vector<16xi32>
    %mul3A_34 = arith.constant 2 : i32
    %mul3A_35 = vector.broadcast %mul3A_34 : i32 to vector<16xi32>
    %mul3A_36 = arith.muli %mul3A_35, %iota3A : vector<16xi32>
    %get3A = arith.constant 0 : index
    %get3A_37 = tpu.vector_load %arg6[%get3A] {strides = array<i32>} : memref<10000xi32, #tpu.memory_space<vmem>>, vector<16xi32>,
    %get3A_38 = vector.shape_cast %get3A_37 : vector<16xi32> to vector<16xi32>
    %mul3A_39 = arith.constant 2 : i32
    %mul3A_40 = vector.broadcast %mul3A_39 : i32 to vector<16xi32>
    %mul3A_41 = arith.muli %get3A_38, %mul3A_40 : vector<16xi32>
    %add3A_42 = vector.broadcast %arg0 : i32 to vector<16xi32>
    %add3A_43 = arith.addi %mul3A_41, %add3A_42 : vector<16xi32>
    %swap3A = arith.constant 0 : index
    %swap3A_44 = tpu.vector_load %arg8[%swap3A] {strides = array<i32>} : memref<80xi32, #tpu.memory_space<vmem>>, vector<16xi32>,
    %swap3A_45 = vector.shape_cast %swap3A_44 : vector<16xi32> to vector<16xi32>
    %swap3A_46 = vector.shape_cast %add3A_43 : vector<16xi32> to vector<16xi32>
    tpu.vector_store %arg8[%swap3A], %swap3A_46 {strides = array<i32>} : memref<80xi32, #tpu.memory_space<vmem>>, vector<16xi32>,
    %get3A_47 = arith.constant 0 : index
    %get3A_48 = tpu.vector_load %arg7[%get3A_47] {strides = array<i32>} : memref<10000xi32, #tpu.memory_space<vmem>>, vector<16xi32>,
    %get3A_49 = vector.shape_cast %get3A_48 : vector<16xi32> to vector<16xi32>
    %swap3A_50 = arith.constant 0 : index
    %swap3A_51 = tpu.vector_load %arg9[%swap3A_50] {strides = array<i32>} : memref<80xi32, #tpu.memory_space<vmem>>, vector<16xi32>,
    %swap3A_52 = vector.shape_cast %swap3A_51 : vector<16xi32> to vector<16xi32>
    %swap3A_53 = vector.shape_cast %get3A_49 : vector<16xi32> to vector<16xi32>
    tpu.vector_store %arg9[%swap3A_50], %swap3A_53 {strides = array<i32>} : memref<80xi32, #tpu.memory_space<vmem>>, vector<16xi32>,
    %add3A_54 = arith.constant 0 : i32
    %add3A_55 = arith.addi %add3A_33, %add3A_54 : i32
    %add3A_56 = vector.broadcast %add3A_55 : i32 to vector<16xi32>
    %add3A_57 = arith.addi %add3A_56, %mul3A_36 : vector<16xi32>
    %swap3A_58 = arith.constant 0 : index
    %swap3A_59 = tpu.vector_load %arg10[%swap3A_58] {strides = array<i32>} : memref<80xi32, #tpu.memory_space<vmem>>, vector<16xi32>,
    %swap3A_60 = vector.shape_cast %swap3A_59 : vector<16xi32> to vector<16xi32>
    %swap3A_61 = vector.shape_cast %add3A_57 : vector<16xi32> to vector<16xi32>
    tpu.vector_store %arg10[%swap3A_58], %swap3A_61 {strides = array<i32>} : memref<80xi32, #tpu.memory_space<vmem>>, vector<16xi32>,
    %get3A_62 = arith.constant 16 : index
    %get3A_63 = tpu.vector_load %arg6[%get3A_62] {strides = array<i32>} : memref<10000xi32, #tpu.memory_space<vmem>>, vector<16xi32>,
    %get3A_64 = vector.shape_cast %get3A_63 : vector<16xi32> to vector<16xi32>
    %mul3A_65 = arith.constant 2 : i32
    %mul3A_66 = vector.broadcast %mul3A_65 : i32 to vector<16xi32>
    %mul3A_67 = arith.muli %get3A_64, %mul3A_66 : vector<16xi32>
    %add3A_68 = vector.broadcast %arg0 : i32 to vector<16xi32>
    %add3A_69 = arith.addi %mul3A_67, %add3A_68 : vector<16xi32>
    %swap3A_70 = arith.constant 16 : index
    %swap3A_71 = tpu.vector_load %arg8[%swap3A_70] {strides = array<i32>} : memref<80xi32, #tpu.memory_space<vmem>>, vector<16xi32>,
    %swap3A_72 = vector.shape_cast %swap3A_71 : vector<16xi32> to vector<16xi32>
    %swap3A_73 = vector.shape_cast %add3A_69 : vector<16xi32> to vector<16xi32>
    tpu.vector_store %arg8[%swap3A_70], %swap3A_73 {strides = array<i32>} : memref<80xi32, #tpu.memory_space<vmem>>, vector<16xi32>,
    %get3A_74 = arith.constant 16 : index
    %get3A_75 = tpu.vector_load %arg7[%get3A_74] {strides = array<i32>} : memref<10000xi32, #tpu.memory_space<vmem>>, vector<16xi32>,
    %get3A_76 = vector.shape_cast %get3A_75 : vector<16xi32> to vector<16xi32>
    %swap3A_77 = arith.constant 16 : index
    %swap3A_78 = tpu.vector_load %arg9[%swap3A_77] {strides = array<i32>} : memref<80xi32, #tpu.memory_space<vmem>>, vector<16xi32>,
    %swap3A_79 = vector.shape_cast %swap3A_78 : vector<16xi32> to vector<16xi32>
    %swap3A_80 = vector.shape_cast %get3A_76 : vector<16xi32> to vector<16xi32>
    tpu.vector_store %arg9[%swap3A_77], %swap3A_80 {strides = array<i32>} : memref<80xi32, #tpu.memory_space<vmem>>, vector<16xi32>,
    %add3A_81 = arith.constant 32 : i32
    %add3A_82 = arith.addi %add3A_33, %add3A_81 : i32
    %add3A_83 = vector.broadcast %add3A_82 : i32 to vector<16xi32>
    %add3A_84 = arith.addi %add3A_83, %mul3A_36 : vector<16xi32>
    %swap3A_85 = arith.constant 16 : index
    %swap3A_86 = tpu.vector_load %arg10[%swap3A_85] {strides = array<i32>} : memref<80xi32, #tpu.memory_space<vmem>>, vector<16xi32>,
    %swap3A_87 = vector.shape_cast %swap3A_86 : vector<16xi32> to vector<16xi32>
    %swap3A_88 = vector.shape_cast %add3A_84 : vector<16xi32> to vector<16xi32>
    tpu.vector_store %arg10[%swap3A_85], %swap3A_88 {strides = array<i32>} : memref<80xi32, #tpu.memory_space<vmem>>, vector<16xi32>,
    %get3A_89 = arith.constant 32 : index
    %get3A_90 = tpu.vector_load %arg6[%get3A_89] {strides = array<i32>} : memref<10000xi32, #tpu.memory_space<vmem>>, vector<16xi32>,
    %get3A_91 = vector.shape_cast %get3A_90 : vector<16xi32> to vector<16xi32>
    %mul3A_92 = arith.constant 2 : i32
    %mul3A_93 = vector.broadcast %mul3A_92 : i32 to vector<16xi32>
    %mul3A_94 = arith.muli %get3A_91, %mul3A_93 : vector<16xi32>
    %add3A_95 = vector.broadcast %arg0 : i32 to vector<16xi32>
    %add3A_96 = arith.addi %mul3A_94, %add3A_95 : vector<16xi32>
    %swap3A_97 = arith.constant 32 : index
    %swap3A_98 = tpu.vector_load %arg8[%swap3A_97] {strides = array<i32>} : memref<80xi32, #tpu.memory_space<vmem>>, vector<16xi32>,
    %swap3A_99 = vector.shape_cast %swap3A_98 : vector<16xi32> to vector<16xi32>
    %swap3A_100 = vector.shape_cast %add3A_96 : vector<16xi32> to vector<16xi32>
    tpu.vector_store %arg8[%swap3A_97], %swap3A_100 {strides = array<i32>} : memref<80xi32, #tpu.memory_space<vmem>>, vector<16xi32>,
    %get3A_101 = arith.constant 32 : index
    %get3A_102 = tpu.vector_load %arg7[%get3A_101] {strides = array<i32>} : memref<10000xi32, #tpu.memory_space<vmem>>, vector<16xi32>,
    %get3A_103 = vector.shape_cast %get3A_102 : vector<16xi32> to vector<16xi32>
    %swap3A_104 = arith.constant 32 : index
    %swap3A_105 = tpu.vector_load %arg9[%swap3A_104] {strides = array<i32>} : memref<80xi32, #tpu.memory_space<vmem>>, vector<16xi32>,
    %swap3A_106 = vector.shape_cast %swap3A_105 : vector<16xi32> to vector<16xi32>
    %swap3A_107 = vector.shape_cast %get3A_103 : vector<16xi32> to vector<16xi32>
    tpu.vector_store %arg9[%swap3A_104], %swap3A_107 {strides = array<i32>} : memref<80xi32, #tpu.memory_space<vmem>>, vector<16xi32>,
    %add3A_108 = arith.constant 64 : i32
    %add3A_109 = arith.addi %add3A_33, %add3A_108 : i32
    %add3A_110 = vector.broadcast %add3A_109 : i32 to vector<16xi32>
    %add3A_111 = arith.addi %add3A_110, %mul3A_36 : vector<16xi32>
    %swap3A_112 = arith.constant 32 : index
    %swap3A_113 = tpu.vector_load %arg10[%swap3A_112] {strides = array<i32>} : memref<80xi32, #tpu.memory_space<vmem>>, vector<16xi32>,
    %swap3A_114 = vector.shape_cast %swap3A_113 : vector<16xi32> to vector<16xi32>
    %swap3A_115 = vector.shape_cast %add3A_111 : vector<16xi32> to vector<16xi32>
    tpu.vector_store %arg10[%swap3A_112], %swap3A_115 {strides = array<i32>} : memref<80xi32, #tpu.memory_space<vmem>>, vector<16xi32>,
    %get3A_116 = arith.constant 48 : index
    %get3A_117 = tpu.vector_load %arg6[%get3A_116] {strides = array<i32>} : memref<10000xi32, #tpu.memory_space<vmem>>, vector<16xi32>,
    %get3A_118 = vector.shape_cast %get3A_117 : vector<16xi32> to vector<16xi32>
    %mul3A_119 = arith.constant 2 : i32
    %mul3A_120 = vector.broadcast %mul3A_119 : i32 to vector<16xi32>
    %mul3A_121 = arith.muli %get3A_118, %mul3A_120 : vector<16xi32>
    %add3A_122 = vector.broadcast %arg0 : i32 to vector<16xi32>
    %add3A_123 = arith.addi %mul3A_121, %add3A_122 : vector<16xi32>
    %swap3A_124 = arith.constant 48 : index
    %swap3A_125 = tpu.vector_load %arg8[%swap3A_124] {strides = array<i32>} : memref<80xi32, #tpu.memory_space<vmem>>, vector<16xi32>,
    %swap3A_126 = vector.shape_cast %swap3A_125 : vector<16xi32> to vector<16xi32>
    %swap3A_127 = vector.shape_cast %add3A_123 : vector<16xi32> to vector<16xi32>
    tpu.vector_store %arg8[%swap3A_124], %swap3A_127 {strides = array<i32>} : memref<80xi32, #tpu.memory_space<vmem>>, vector<16xi32>,
    %get3A_128 = arith.constant 48 : index
    %get3A_129 = tpu.vector_load %arg7[%get3A_128] {strides = array<i32>} : memref<10000xi32, #tpu.memory_space<vmem>>, vector<16xi32>,
    %get3A_130 = vector.shape_cast %get3A_129 : vector<16xi32> to vector<16xi32>
    %swap3A_131 = arith.constant 48 : index
    %swap3A_132 = tpu.vector_load %arg9[%swap3A_131] {strides = array<i32>} : memref<80xi32, #tpu.memory_space<vmem>>, vector<16xi32>,
    %swap3A_133 = vector.shape_cast %swap3A_132 : vector<16xi32> to vector<16xi32>
    %swap3A_134 = vector.shape_cast %get3A_130 : vector<16xi32> to vector<16xi32>
    tpu.vector_store %arg9[%swap3A_131], %swap3A_134 {strides = array<i32>} : memref<80xi32, #tpu.memory_space<vmem>>, vector<16xi32>,
    %add3A_135 = arith.constant 96 : i32
    %add3A_136 = arith.addi %add3A_33, %add3A_135 : i32
    %add3A_137 = vector.broadcast %add3A_136 : i32 to vector<16xi32>
    %add3A_138 = arith.addi %add3A_137, %mul3A_36 : vector<16xi32>
    %swap3A_139 = arith.constant 48 : index
    %swap3A_140 = tpu.vector_load %arg10[%swap3A_139] {strides = array<i32>} : memref<80xi32, #tpu.memory_space<vmem>>, vector<16xi32>,
    %swap3A_141 = vector.shape_cast %swap3A_140 : vector<16xi32> to vector<16xi32>
    %swap3A_142 = vector.shape_cast %add3A_138 : vector<16xi32> to vector<16xi32>
    tpu.vector_store %arg10[%swap3A_139], %swap3A_142 {strides = array<i32>} : memref<80xi32, #tpu.memory_space<vmem>>, vector<16xi32>,
    %get3A_143 = arith.constant 64 : index
    %get3A_144 = tpu.vector_load %arg6[%get3A_143] {strides = array<i32>} : memref<10000xi32, #tpu.memory_space<vmem>>, vector<16xi32>,
    %get3A_145 = vector.shape_cast %get3A_144 : vector<16xi32> to vector<16xi32>
    %mul3A_146 = arith.constant 2 : i32
    %mul3A_147 = vector.broadcast %mul3A_146 : i32 to vector<16xi32>
    %mul3A_148 = arith.muli %get3A_145, %mul3A_147 : vector<16xi32>
    %add3A_149 = vector.broadcast %arg0 : i32 to vector<16xi32>
    %add3A_150 = arith.addi %mul3A_148, %add3A_149 : vector<16xi32>
    %swap3A_151 = arith.constant 64 : index
    %swap3A_152 = tpu.vector_load %arg8[%swap3A_151] {strides = array<i32>} : memref<80xi32, #tpu.memory_space<vmem>>, vector<16xi32>,
    %swap3A_153 = vector.shape_cast %swap3A_152 : vector<16xi32> to vector<16xi32>
    %swap3A_154 = vector.shape_cast %add3A_150 : vector<16xi32> to vector<16xi32>
    tpu.vector_store %arg8[%swap3A_151], %swap3A_154 {strides = array<i32>} : memref<80xi32, #tpu.memory_space<vmem>>, vector<16xi32>,
    %get3A_155 = arith.constant 64 : index
    %get3A_156 = tpu.vector_load %arg7[%get3A_155] {strides = array<i32>} : memref<10000xi32, #tpu.memory_space<vmem>>, vector<16xi32>,
    %get3A_157 = vector.shape_cast %get3A_156 : vector<16xi32> to vector<16xi32>
    %swap3A_158 = arith.constant 64 : index
    %swap3A_159 = tpu.vector_load %arg9[%swap3A_158] {strides = array<i32>} : memref<80xi32, #tpu.memory_space<vmem>>, vector<16xi32>,
    %swap3A_160 = vector.shape_cast %swap3A_159 : vector<16xi32> to vector<16xi32>
    %swap3A_161 = vector.shape_cast %get3A_157 : vector<16xi32> to vector<16xi32>
    tpu.vector_store %arg9[%swap3A_158], %swap3A_161 {strides = array<i32>} : memref<80xi32, #tpu.memory_space<vmem>>, vector<16xi32>,
    %add3A_162 = arith.constant 128 : i32
    %add3A_163 = arith.addi %add3A_33, %add3A_162 : i32
    %add3A_164 = vector.broadcast %add3A_163 : i32 to vector<16xi32>
    %add3A_165 = arith.addi %add3A_164, %mul3A_36 : vector<16xi32>
    %swap3A_166 = arith.constant 64 : index
    %swap3A_167 = tpu.vector_load %arg10[%swap3A_166] {strides = array<i32>} : memref<80xi32, #tpu.memory_space<vmem>>, vector<16xi32>,
    %swap3A_168 = vector.shape_cast %swap3A_167 : vector<16xi32> to vector<16xi32>
    %swap3A_169 = vector.shape_cast %add3A_165 : vector<16xi32> to vector<16xi32>
    tpu.vector_store %arg10[%swap3A_166], %swap3A_169 {strides = array<i32>} : memref<80xi32, #tpu.memory_space<vmem>>, vector<16xi32>,
    %dma_start3A = arith.constant 0 : i32
    %dma_start3A_170 = arith.constant 0 : i32
    %dma_start3A_171 = tpu.memref_slice %arg2[%dma_start3A, %dma_start3A_170] : memref<20000x64xf32, #tpu.memory_space<hbm>> -> memref<20000x64xf32, #tpu.memory_space<hbm>>
    tpu.enqueue_indirect_dma source(%dma_start3A_171 : memref<20000x64xf32, #tpu.memory_space<hbm>>) target(%arg11 : memref<80x64xf32, #tpu.memory_space<vmem>>) offsets(%arg8 : memref<80xi32, #tpu.memory_space<vmem>>) semaphore(%arg19 : memref<!tpu.dma_semaphore, #tpu.memory_space<semaphore_mem>>)
    %dma_start3A_172 = arith.constant 0 : i32
    %dma_start3A_173 = arith.constant 0 : i32
    %dma_start3A_174 = tpu.memref_slice %arg4[%dma_start3A_172, %dma_start3A_173] : memref<320000x64xf32, #tpu.memory_space<hbm>> -> memref<320000x64xf32, #tpu.memory_space<hbm>>
    tpu.enqueue_indirect_dma source(%dma_start3A_174 : memref<320000x64xf32, #tpu.memory_space<hbm>>) target(%arg12 : memref<80x64xf32, #tpu.memory_space<vmem>>) offsets(%arg10 : memref<80xi32, #tpu.memory_space<vmem>>) semaphore(%arg20 : memref<!tpu.dma_semaphore, #tpu.memory_space<semaphore_mem>>)
    %get3A_175 = arith.constant 80 : index
    %get3A_176 = tpu.vector_load %arg6[%get3A_175] {strides = array<i32>} : memref<10000xi32, #tpu.memory_space<vmem>>, vector<16xi32>,
    %get3A_177 = vector.shape_cast %get3A_176 : vector<16xi32> to vector<16xi32>
    %mul3A_178 = arith.constant 2 : i32
    %mul3A_179 = vector.broadcast %mul3A_178 : i32 to vector<16xi32>
    %mul3A_180 = arith.muli %get3A_177, %mul3A_179 : vector<16xi32>
    %add3A_181 = vector.broadcast %arg0 : i32 to vector<16xi32>
    %add3A_182 = arith.addi %mul3A_180, %add3A_181 : vector<16xi32>
    %swap3A_183 = arith.constant 0 : index
    %swap3A_184 = tpu.vector_load %arg13[%swap3A_183] {strides = array<i32>} : memref<80xi32, #tpu.memory_space<vmem>>, vector<16xi32>,
    %swap3A_185 = vector.shape_cast %swap3A_184 : vector<16xi32> to vector<16xi32>
    %swap3A_186 = vector.shape_cast %add3A_182 : vector<16xi32> to vector<16xi32>
    tpu.vector_store %arg13[%swap3A_183], %swap3A_186 {strides = array<i32>} : memref<80xi32, #tpu.memory_space<vmem>>, vector<16xi32>,
    %get3A_187 = arith.constant 80 : index
    %get3A_188 = tpu.vector_load %arg7[%get3A_187] {strides = array<i32>} : memref<10000xi32, #tpu.memory_space<vmem>>, vector<16xi32>,
    %get3A_189 = vector.shape_cast %get3A_188 : vector<16xi32> to vector<16xi32>
    %swap3A_190 = arith.constant 0 : index
    %swap3A_191 = tpu.vector_load %arg14[%swap3A_190] {strides = array<i32>} : memref<80xi32, #tpu.memory_space<vmem>>, vector<16xi32>,
    %swap3A_192 = vector.shape_cast %swap3A_191 : vector<16xi32> to vector<16xi32>
    %swap3A_193 = vector.shape_cast %get3A_189 : vector<16xi32> to vector<16xi32>
    tpu.vector_store %arg14[%swap3A_190], %swap3A_193 {strides = array<i32>} : memref<80xi32, #tpu.memory_space<vmem>>, vector<16xi32>,
    %add3A_194 = arith.constant 160 : i32
    %add3A_195 = arith.addi %add3A_33, %add3A_194 : i32
    %add3A_196 = vector.broadcast %add3A_195 : i32 to vector<16xi32>
    %add3A_197 = arith.addi %add3A_196, %mul3A_36 : vector<16xi32>
    %swap3A_198 = arith.constant 0 : index
    %swap3A_199 = tpu.vector_load %arg15[%swap3A_198] {strides = array<i32>} : memref<80xi32, #tpu.memory_space<vmem>>, vector<16xi32>,
    %swap3A_200 = vector.shape_cast %swap3A_199 : vector<16xi32> to vector<16xi32>
    %swap3A_201 = vector.shape_cast %add3A_197 : vector<16xi32> to vector<16xi32>
    tpu.vector_store %arg15[%swap3A_198], %swap3A_201 {strides = array<i32>} : memref<80xi32, #tpu.memory_space<vmem>>, vector<16xi32>,
    %get3A_202 = arith.constant 96 : index
    %get3A_203 = tpu.vector_load %arg6[%get3A_202] {strides = array<i32>} : memref<10000xi32, #tpu.memory_space<vmem>>, vector<16xi32>,
    %get3A_204 = vector.shape_cast %get3A_203 : vector<16xi32> to vector<16xi32>
    %mul3A_205 = arith.constant 2 : i32
    %mul3A_206 = vector.broadcast %mul3A_205 : i32 to vector<16xi32>
    %mul3A_207 = arith.muli %get3A_204, %mul3A_206 : vector<16xi32>
    %add3A_208 = vector.broadcast %arg0 : i32 to vector<16xi32>
    %add3A_209 = arith.addi %mul3A_207, %add3A_208 : vector<16xi32>
    %swap3A_210 = arith.constant 16 : index
    %swap3A_211 = tpu.vector_load %arg13[%swap3A_210] {strides = array<i32>} : memref<80xi32, #tpu.memory_space<vmem>>, vector<16xi32>,
    %swap3A_212 = vector.shape_cast %swap3A_211 : vector<16xi32> to vector<16xi32>
    %swap3A_213 = vector.shape_cast %add3A_209 : vector<16xi32> to vector<16xi32>
    tpu.vector_store %arg13[%swap3A_210], %swap3A_213 {strides = array<i32>} : memref<80xi32, #tpu.memory_space<vmem>>, vector<16xi32>,
    %get3A_214 = arith.constant 96 : index
    %get3A_215 = tpu.vector_load %arg7[%get3A_214] {strides = array<i32>} : memref<10000xi32, #tpu.memory_space<vmem>>, vector<16xi32>,
    %get3A_216 = vector.shape_cast %get3A_215 : vector<16xi32> to vector<16xi32>
    %swap3A_217 = arith.constant 16 : index
    %swap3A_218 = tpu.vector_load %arg14[%swap3A_217] {strides = array<i32>} : memref<80xi32, #tpu.memory_space<vmem>>, vector<16xi32>,
    %swap3A_219 = vector.shape_cast %swap3A_218 : vector<16xi32> to vector<16xi32>
    %swap3A_220 = vector.shape_cast %get3A_216 : vector<16xi32> to vector<16xi32>
    tpu.vector_store %arg14[%swap3A_217], %swap3A_220 {strides = array<i32>} : memref<80xi32, #tpu.memory_space<vmem>>, vector<16xi32>,
    %add3A_221 = arith.constant 192 : i32
    %add3A_222 = arith.addi %add3A_33, %add3A_221 : i32
    %add3A_223 = vector.broadcast %add3A_222 : i32 to vector<16xi32>
    %add3A_224 = arith.addi %add3A_223, %mul3A_36 : vector<16xi32>
    %swap3A_225 = arith.constant 16 : index
    %swap3A_226 = tpu.vector_load %arg15[%swap3A_225] {strides = array<i32>} : memref<80xi32, #tpu.memory_space<vmem>>, vector<16xi32>,
    %swap3A_227 = vector.shape_cast %swap3A_226 : vector<16xi32> to vector<16xi32>
    %swap3A_228 = vector.shape_cast %add3A_224 : vector<16xi32> to vector<16xi32>
    tpu.vector_store %arg15[%swap3A_225], %swap3A_228 {strides = array<i32>} : memref<80xi32, #tpu.memory_space<vmem>>, vector<16xi32>,
    %get3A_229 = arith.constant 112 : index
    %get3A_230 = tpu.vector_load %arg6[%get3A_229] {strides = array<i32>} : memref<10000xi32, #tpu.memory_space<vmem>>, vector<16xi32>,
    %get3A_231 = vector.shape_cast %get3A_230 : vector<16xi32> to vector<16xi32>
    %mul3A_232 = arith.constant 2 : i32
    %mul3A_233 = vector.broadcast %mul3A_232 : i32 to vector<16xi32>
    %mul3A_234 = arith.muli %get3A_231, %mul3A_233 : vector<16xi32>
    %add3A_235 = vector.broadcast %arg0 : i32 to vector<16xi32>
    %add3A_236 = arith.addi %mul3A_234, %add3A_235 : vector<16xi32>
    %swap3A_237 = arith.constant 32 : index
    %swap3A_238 = tpu.vector_load %arg13[%swap3A_237] {strides = array<i32>} : memref<80xi32, #tpu.memory_space<vmem>>, vector<16xi32>,
    %swap3A_239 = vector.shape_cast %swap3A_238 : vector<16xi32> to vector<16xi32>
    %swap3A_240 = vector.shape_cast %add3A_236 : vector<16xi32> to vector<16xi32>
    tpu.vector_store %arg13[%swap3A_237], %swap3A_240 {strides = array<i32>} : memref<80xi32, #tpu.memory_space<vmem>>, vector<16xi32>,
    %get3A_241 = arith.constant 112 : index
    %get3A_242 = tpu.vector_load %arg7[%get3A_241] {strides = array<i32>} : memref<10000xi32, #tpu.memory_space<vmem>>, vector<16xi32>,
    %get3A_243 = vector.shape_cast %get3A_242 : vector<16xi32> to vector<16xi32>
    %swap3A_244 = arith.constant 32 : index
    %swap3A_245 = tpu.vector_load %arg14[%swap3A_244] {strides = array<i32>} : memref<80xi32, #tpu.memory_space<vmem>>, vector<16xi32>,
    %swap3A_246 = vector.shape_cast %swap3A_245 : vector<16xi32> to vector<16xi32>
    %swap3A_247 = vector.shape_cast %get3A_243 : vector<16xi32> to vector<16xi32>
    tpu.vector_store %arg14[%swap3A_244], %swap3A_247 {strides = array<i32>} : memref<80xi32, #tpu.memory_space<vmem>>, vector<16xi32>,
    %add3A_248 = arith.constant 224 : i32
    %add3A_249 = arith.addi %add3A_33, %add3A_248 : i32
    %add3A_250 = vector.broadcast %add3A_249 : i32 to vector<16xi32>
    %add3A_251 = arith.addi %add3A_250, %mul3A_36 : vector<16xi32>
    %swap3A_252 = arith.constant 32 : index
    %swap3A_253 = tpu.vector_load %arg15[%swap3A_252] {strides = array<i32>} : memref<80xi32, #tpu.memory_space<vmem>>, vector<16xi32>,
    %swap3A_254 = vector.shape_cast %swap3A_253 : vector<16xi32> to vector<16xi32>
    %swap3A_255 = vector.shape_cast %add3A_251 : vector<16xi32> to vector<16xi32>
    tpu.vector_store %arg15[%swap3A_252], %swap3A_255 {strides = array<i32>} : memref<80xi32, #tpu.memory_space<vmem>>, vector<16xi32>,
    %get3A_256 = arith.constant 128 : index
    %get3A_257 = tpu.vector_load %arg6[%get3A_256] {strides = array<i32>} : memref<10000xi32, #tpu.memory_space<vmem>>, vector<16xi32>,
    %get3A_258 = vector.shape_cast %get3A_257 : vector<16xi32> to vector<16xi32>
    %mul3A_259 = arith.constant 2 : i32
    %mul3A_260 = vector.broadcast %mul3A_259 : i32 to vector<16xi32>
    %mul3A_261 = arith.muli %get3A_258, %mul3A_260 : vector<16xi32>
    %add3A_262 = vector.broadcast %arg0 : i32 to vector<16xi32>
    %add3A_263 = arith.addi %mul3A_261, %add3A_262 : vector<16xi32>
    %swap3A_264 = arith.constant 48 : index
    %swap3A_265 = tpu.vector_load %arg13[%swap3A_264] {strides = array<i32>} : memref<80xi32, #tpu.memory_space<vmem>>, vector<16xi32>,
    %swap3A_266 = vector.shape_cast %swap3A_265 : vector<16xi32> to vector<16xi32>
    %swap3A_267 = vector.shape_cast %add3A_263 : vector<16xi32> to vector<16xi32>
    tpu.vector_store %arg13[%swap3A_264], %swap3A_267 {strides = array<i32>} : memref<80xi32, #tpu.memory_space<vmem>>, vector<16xi32>,
    %get3A_268 = arith.constant 128 : index
    %get3A_269 = tpu.vector_load %arg7[%get3A_268] {strides = array<i32>} : memref<10000xi32, #tpu.memory_space<vmem>>, vector<16xi32>,
    %get3A_270 = vector.shape_cast %get3A_269 : vector<16xi32> to vector<16xi32>
    %swap3A_271 = arith.constant 48 : index
    %swap3A_272 = tpu.vector_load %arg14[%swap3A_271] {strides = array<i32>} : memref<80xi32, #tpu.memory_space<vmem>>, vector<16xi32>,
    %swap3A_273 = vector.shape_cast %swap3A_272 : vector<16xi32> to vector<16xi32>
    %swap3A_274 = vector.shape_cast %get3A_270 : vector<16xi32> to vector<16xi32>
    tpu.vector_store %arg14[%swap3A_271], %swap3A_274 {strides = array<i32>} : memref<80xi32, #tpu.memory_space<vmem>>, vector<16xi32>,
    %add3A_275 = arith.constant 256 : i32
    %add3A_276 = arith.addi %add3A_33, %add3A_275 : i32
    %add3A_277 = vector.broadcast %add3A_276 : i32 to vector<16xi32>
    %add3A_278 = arith.addi %add3A_277, %mul3A_36 : vector<16xi32>
    %swap3A_279 = arith.constant 48 : index
    %swap3A_280 = tpu.vector_load %arg15[%swap3A_279] {strides = array<i32>} : memref<80xi32, #tpu.memory_space<vmem>>, vector<16xi32>,
    %swap3A_281 = vector.shape_cast %swap3A_280 : vector<16xi32> to vector<16xi32>
    %swap3A_282 = vector.shape_cast %add3A_278 : vector<16xi32> to vector<16xi32>
    tpu.vector_store %arg15[%swap3A_279], %swap3A_282 {strides = array<i32>} : memref<80xi32, #tpu.memory_space<vmem>>, vector<16xi32>,
    %get3A_283 = arith.constant 144 : index
    %get3A_284 = tpu.vector_load %arg6[%get3A_283] {strides = array<i32>} : memref<10000xi32, #tpu.memory_space<vmem>>, vector<16xi32>,
    %get3A_285 = vector.shape_cast %get3A_284 : vector<16xi32> to vector<16xi32>
    %mul3A_286 = arith.constant 2 : i32
    %mul3A_287 = vector.broadcast %mul3A_286 : i32 to vector<16xi32>
    %mul3A_288 = arith.muli %get3A_285, %mul3A_287 : vector<16xi32>
    %add3A_289 = vector.broadcast %arg0 : i32 to vector<16xi32>
    %add3A_290 = arith.addi %mul3A_288, %add3A_289 : vector<16xi32>
    %swap3A_291 = arith.constant 64 : index
    %swap3A_292 = tpu.vector_load %arg13[%swap3A_291] {strides = array<i32>} : memref<80xi32, #tpu.memory_space<vmem>>, vector<16xi32>,
    %swap3A_293 = vector.shape_cast %swap3A_292 : vector<16xi32> to vector<16xi32>
    %swap3A_294 = vector.shape_cast %add3A_290 : vector<16xi32> to vector<16xi32>
    tpu.vector_store %arg13[%swap3A_291], %swap3A_294 {strides = array<i32>} : memref<80xi32, #tpu.memory_space<vmem>>, vector<16xi32>,
    %get3A_295 = arith.constant 144 : index
    %get3A_296 = tpu.vector_load %arg7[%get3A_295] {strides = array<i32>} : memref<10000xi32, #tpu.memory_space<vmem>>, vector<16xi32>,
    %get3A_297 = vector.shape_cast %get3A_296 : vector<16xi32> to vector<16xi32>
    %swap3A_298 = arith.constant 64 : index
    %swap3A_299 = tpu.vector_load %arg14[%swap3A_298] {strides = array<i32>} : memref<80xi32, #tpu.memory_space<vmem>>, vector<16xi32>,
    %swap3A_300 = vector.shape_cast %swap3A_299 : vector<16xi32> to vector<16xi32>
    %swap3A_301 = vector.shape_cast %get3A_297 : vector<16xi32> to vector<16xi32>
    tpu.vector_store %arg14[%swap3A_298], %swap3A_301 {strides = array<i32>} : memref<80xi32, #tpu.memory_space<vmem>>, vector<16xi32>,
    %add3A_302 = arith.constant 288 : i32
    %add3A_303 = arith.addi %add3A_33, %add3A_302 : i32
    %add3A_304 = vector.broadcast %add3A_303 : i32 to vector<16xi32>
    %add3A_305 = arith.addi %add3A_304, %mul3A_36 : vector<16xi32>
    %swap3A_306 = arith.constant 64 : index
    %swap3A_307 = tpu.vector_load %arg15[%swap3A_306] {strides = array<i32>} : memref<80xi32, #tpu.memory_space<vmem>>, vector<16xi32>,
    %swap3A_308 = vector.shape_cast %swap3A_307 : vector<16xi32> to vector<16xi32>
    %swap3A_309 = vector.shape_cast %add3A_305 : vector<16xi32> to vector<16xi32>
    tpu.vector_store %arg15[%swap3A_306], %swap3A_309 {strides = array<i32>} : memref<80xi32, #tpu.memory_space<vmem>>, vector<16xi32>,
    %dma_start3A_310 = arith.constant 0 : i32
    %dma_start3A_311 = arith.constant 0 : i32
    %dma_start3A_312 = tpu.memref_slice %arg2[%dma_start3A_310, %dma_start3A_311] : memref<20000x64xf32, #tpu.memory_space<hbm>> -> memref<20000x64xf32, #tpu.memory_space<hbm>>
    tpu.enqueue_indirect_dma source(%dma_start3A_312 : memref<20000x64xf32, #tpu.memory_space<hbm>>) target(%arg16 : memref<80x64xf32, #tpu.memory_space<vmem>>) offsets(%arg13 : memref<80xi32, #tpu.memory_space<vmem>>) semaphore(%arg21 : memref<!tpu.dma_semaphore, #tpu.memory_space<semaphore_mem>>)
    %dma_start3A_313 = arith.constant 0 : i32
    %dma_start3A_314 = arith.constant 0 : i32
    %dma_start3A_315 = tpu.memref_slice %arg4[%dma_start3A_313, %dma_start3A_314] : memref<320000x64xf32, #tpu.memory_space<hbm>> -> memref<320000x64xf32, #tpu.memory_space<hbm>>
    tpu.enqueue_indirect_dma source(%dma_start3A_315 : memref<320000x64xf32, #tpu.memory_space<hbm>>) target(%arg17 : memref<80x64xf32, #tpu.memory_space<vmem>>) offsets(%arg15 : memref<80xi32, #tpu.memory_space<vmem>>) semaphore(%arg22 : memref<!tpu.dma_semaphore, #tpu.memory_space<semaphore_mem>>)
    %scan3A_316 = arith.constant 0 : i32
    %scan3A_317 = arith.constant 0 : i32
    %scan3A_318 = arith.constant 61 : i32
    %scan3A_319 = arith.addi %scan3A_317, %scan3A_318 : i32
    %scan3A_320 = arith.constant 1 : i32
    scf.for %scan3A_501 = %scan3A_317 to %scan3A_319 step %scan3A_320  : i32 {
      %dma_wait3A_502 = arith.constant 0 : i32
      %dma_wait3A_503 = arith.constant 0 : i32
      %dma_wait3A_504 = tpu.memref_slice %arg2[%dma_wait3A_502, %dma_wait3A_503] : memref<20000x64xf32, #tpu.memory_space<hbm>> -> memref<20000x64xf32, #tpu.memory_space<hbm>>
      tpu.wait_indirect_dma semaphore(%arg19 : memref<!tpu.dma_semaphore, #tpu.memory_space<semaphore_mem>>) src(%dma_wait3A_504 : memref<20000x64xf32, #tpu.memory_space<hbm>>) dst(%arg11 : memref<80x64xf32, #tpu.memory_space<vmem>>)
      %dma_wait3A_505 = arith.constant 0 : i32
      %dma_wait3A_506 = arith.constant 0 : i32
      %dma_wait3A_507 = tpu.memref_slice %arg4[%dma_wait3A_505, %dma_wait3A_506] : memref<320000x64xf32, #tpu.memory_space<hbm>> -> memref<320000x64xf32, #tpu.memory_space<hbm>>
      tpu.wait_indirect_dma semaphore(%arg20 : memref<!tpu.dma_semaphore, #tpu.memory_space<semaphore_mem>>) src(%dma_wait3A_507 : memref<320000x64xf32, #tpu.memory_space<hbm>>) dst(%arg12 : memref<80x64xf32, #tpu.memory_space<vmem>>)
      %scan3A_508 = arith.constant 0 : i32
      %scan3A_509 = arith.constant 0 : i32
      %scan3A_510 = arith.constant 40 : i32
      %scan3A_511 = arith.addi %scan3A_509, %scan3A_510 : i32
      %scan3A_512 = arith.constant 1 : i32
      scf.for %scan3A_946 = %scan3A_509 to %scan3A_511 step %scan3A_512  : i32 {
        %mul3A_947 = arith.constant 2 : i32
        %mul3A_948 = arith.muli %mul3A_947, %scan3A_946 : i32
        %add3A_949 = arith.constant 0 : i32
        %add3A_950 = arith.addi %mul3A_948, %add3A_949 : i32
        %get3A_951 = arith.index_cast %add3A_950 : i32 to index
        %get3A_952 = arith.constant 0 : index
        %get3A_953 = tpu.vector_load %arg11[%get3A_951, %get3A_952] {strides = array<i32>} : memref<80x64xf32, #tpu.memory_space<vmem>>, vector<1x16xf32>,
        %get3A_954 = vector.shape_cast %get3A_953 : vector<1x16xf32> to vector<16xf32>
        %get3A_955 = arith.index_cast %add3A_950 : i32 to index
        %get3A_956 = arith.constant 0 : index
        %get3A_957 = tpu.vector_load %arg12[%get3A_955, %get3A_956] {strides = array<i32>} : memref<80x64xf32, #tpu.memory_space<vmem>>, vector<1x16xf32>,
        %get3A_958 = vector.shape_cast %get3A_957 : vector<1x16xf32> to vector<16xf32>
        %add3A_959 = arith.addf %get3A_954, %get3A_958 : vector<16xf32>
        %max3A = arith.constant 0.000000e+00 : f32
        %max3A_960 = vector.broadcast %max3A : f32 to vector<16xf32>
        %max3A_961 = arith.maximumf %add3A_959, %max3A_960 : vector<16xf32>
        %swap3A_962 = arith.index_cast %add3A_950 : i32 to index
        %swap3A_963 = arith.constant 0 : index
        %swap3A_964 = tpu.vector_load %arg12[%swap3A_962, %swap3A_963] {strides = array<i32>} : memref<80x64xf32, #tpu.memory_space<vmem>>, vector<1x16xf32>,
        %swap3A_965 = vector.shape_cast %swap3A_964 : vector<1x16xf32> to vector<16xf32>
        %swap3A_966 = vector.shape_cast %max3A_961 : vector<16xf32> to vector<1x16xf32>
        tpu.vector_store %arg12[%swap3A_962, %swap3A_963], %swap3A_966 {strides = array<i32>} : memref<80x64xf32, #tpu.memory_space<vmem>>, vector<1x16xf32>,
        %mul3A_967 = arith.constant 2 : i32
        %mul3A_968 = arith.muli %mul3A_967, %scan3A_946 : i32
        %add3A_969 = arith.constant 0 : i32
        %add3A_970 = arith.addi %mul3A_968, %add3A_969 : i32
        %get3A_971 = arith.index_cast %add3A_970 : i32 to index
        %get3A_972 = arith.constant 16 : index
        %get3A_973 = tpu.vector_load %arg11[%get3A_971, %get3A_972] {strides = array<i32>} : memref<80x64xf32, #tpu.memory_space<vmem>>, vector<1x16xf32>,
        %get3A_974 = vector.shape_cast %get3A_973 : vector<1x16xf32> to vector<16xf32>
        %get3A_975 = arith.index_cast %add3A_970 : i32 to index
        %get3A_976 = arith.constant 16 : index
        %get3A_977 = tpu.vector_load %arg12[%get3A_975, %get3A_976] {strides = array<i32>} : memref<80x64xf32, #tpu.memory_space<vmem>>, vector<1x16xf32>,
        %get3A_978 = vector.shape_cast %get3A_977 : vector<1x16xf32> to vector<16xf32>
        %add3A_979 = arith.addf %get3A_974, %get3A_978 : vector<16xf32>
        %max3A_980 = arith.constant 0.000000e+00 : f32
        %max3A_981 = vector.broadcast %max3A_980 : f32 to vector<16xf32>
        %max3A_982 = arith.maximumf %add3A_979, %max3A_981 : vector<16xf32>
        %swap3A_983 = arith.index_cast %add3A_970 : i32 to index
        %swap3A_984 = arith.constant 16 : index
        %swap3A_985 = tpu.vector_load %arg12[%swap3A_983, %swap3A_984] {strides = array<i32>} : memref<80x64xf32, #tpu.memory_space<vmem>>, vector<1x16xf32>,
        %swap3A_986 = vector.shape_cast %swap3A_985 : vector<1x16xf32> to vector<16xf32>
        %swap3A_987 = vector.shape_cast %max3A_982 : vector<16xf32> to vector<1x16xf32>
        tpu.vector_store %arg12[%swap3A_983, %swap3A_984], %swap3A_987 {strides = array<i32>} : memref<80x64xf32, #tpu.memory_space<vmem>>, vector<1x16xf32>,
        %mul3A_988 = arith.constant 2 : i32
        %mul3A_989 = arith.muli %mul3A_988, %scan3A_946 : i32
        %add3A_990 = arith.constant 0 : i32
        %add3A_991 = arith.addi %mul3A_989, %add3A_990 : i32
        %get3A_992 = arith.index_cast %add3A_991 : i32 to index
        %get3A_993 = arith.constant 32 : index
        %get3A_994 = tpu.vector_load %arg11[%get3A_992, %get3A_993] {strides = array<i32>} : memref<80x64xf32, #tpu.memory_space<vmem>>, vector<1x16xf32>,
        %get3A_995 = vector.shape_cast %get3A_994 : vector<1x16xf32> to vector<16xf32>
        %get3A_996 = arith.index_cast %add3A_991 : i32 to index
        %get3A_997 = arith.constant 32 : index
        %get3A_998 = tpu.vector_load %arg12[%get3A_996, %get3A_997] {strides = array<i32>} : memref<80x64xf32, #tpu.memory_space<vmem>>, vector<1x16xf32>,
        %get3A_999 = vector.shape_cast %get3A_998 : vector<1x16xf32> to vector<16xf32>
        %add3A_1000 = arith.addf %get3A_995, %get3A_999 : vector<16xf32>
        %max3A_1001 = arith.constant 0.000000e+00 : f32
        %max3A_1002 = vector.broadcast %max3A_1001 : f32 to vector<16xf32>
        %max3A_1003 = arith.maximumf %add3A_1000, %max3A_1002 : vector<16xf32>
        %swap3A_1004 = arith.index_cast %add3A_991 : i32 to index
        %swap3A_1005 = arith.constant 32 : index
        %swap3A_1006 = tpu.vector_load %arg12[%swap3A_1004, %swap3A_1005] {strides = array<i32>} : memref<80x64xf32, #tpu.memory_space<vmem>>, vector<1x16xf32>,
        %swap3A_1007 = vector.shape_cast %swap3A_1006 : vector<1x16xf32> to vector<16xf32>
        %swap3A_1008 = vector.shape_cast %max3A_1003 : vector<16xf32> to vector<1x16xf32>
        tpu.vector_store %arg12[%swap3A_1004, %swap3A_1005], %swap3A_1008 {strides = array<i32>} : memref<80x64xf32, #tpu.memory_space<vmem>>, vector<1x16xf32>,
        %mul3A_1009 = arith.constant 2 : i32
        %mul3A_1010 = arith.muli %mul3A_1009, %scan3A_946 : i32
        %add3A_1011 = arith.constant 0 : i32
        %add3A_1012 = arith.addi %mul3A_1010, %add3A_1011 : i32
        %get3A_1013 = arith.index_cast %add3A_1012 : i32 to index
        %get3A_1014 = arith.constant 48 : index
        %get3A_1015 = tpu.vector_load %arg11[%get3A_1013, %get3A_1014] {strides = array<i32>} : memref<80x64xf32, #tpu.memory_space<vmem>>, vector<1x16xf32>,
        %get3A_1016 = vector.shape_cast %get3A_1015 : vector<1x16xf32> to vector<16xf32>
        %get3A_1017 = arith.index_cast %add3A_1012 : i32 to index
        %get3A_1018 = arith.constant 48 : index
        %get3A_1019 = tpu.vector_load %arg12[%get3A_1017, %get3A_1018] {strides = array<i32>} : memref<80x64xf32, #tpu.memory_space<vmem>>, vector<1x16xf32>,
        %get3A_1020 = vector.shape_cast %get3A_1019 : vector<1x16xf32> to vector<16xf32>
        %add3A_1021 = arith.addf %get3A_1016, %get3A_1020 : vector<16xf32>
        %max3A_1022 = arith.constant 0.000000e+00 : f32
        %max3A_1023 = vector.broadcast %max3A_1022 : f32 to vector<16xf32>
        %max3A_1024 = arith.maximumf %add3A_1021, %max3A_1023 : vector<16xf32>
        %swap3A_1025 = arith.index_cast %add3A_1012 : i32 to index
        %swap3A_1026 = arith.constant 48 : index
        %swap3A_1027 = tpu.vector_load %arg12[%swap3A_1025, %swap3A_1026] {strides = array<i32>} : memref<80x64xf32, #tpu.memory_space<vmem>>, vector<1x16xf32>,
        %swap3A_1028 = vector.shape_cast %swap3A_1027 : vector<1x16xf32> to vector<16xf32>
        %swap3A_1029 = vector.shape_cast %max3A_1024 : vector<16xf32> to vector<1x16xf32>
        tpu.vector_store %arg12[%swap3A_1025, %swap3A_1026], %swap3A_1029 {strides = array<i32>} : memref<80x64xf32, #tpu.memory_space<vmem>>, vector<1x16xf32>,
        %mul3A_1030 = arith.constant 2 : i32
        %mul3A_1031 = arith.muli %mul3A_1030, %scan3A_946 : i32
        %add3A_1032 = arith.constant 1 : i32
        %add3A_1033 = arith.addi %mul3A_1031, %add3A_1032 : i32
        %get3A_1034 = arith.index_cast %add3A_1033 : i32 to index
        %get3A_1035 = arith.constant 0 : index
        %get3A_1036 = tpu.vector_load %arg11[%get3A_1034, %get3A_1035] {strides = array<i32>} : memref<80x64xf32, #tpu.memory_space<vmem>>, vector<1x16xf32>,
        %get3A_1037 = vector.shape_cast %get3A_1036 : vector<1x16xf32> to vector<16xf32>
        %get3A_1038 = arith.index_cast %add3A_1033 : i32 to index
        %get3A_1039 = arith.constant 0 : index
        %get3A_1040 = tpu.vector_load %arg12[%get3A_1038, %get3A_1039] {strides = array<i32>} : memref<80x64xf32, #tpu.memory_space<vmem>>, vector<1x16xf32>,
        %get3A_1041 = vector.shape_cast %get3A_1040 : vector<1x16xf32> to vector<16xf32>
        %add3A_1042 = arith.addf %get3A_1037, %get3A_1041 : vector<16xf32>
        %max3A_1043 = arith.constant 0.000000e+00 : f32
        %max3A_1044 = vector.broadcast %max3A_1043 : f32 to vector<16xf32>
        %max3A_1045 = arith.maximumf %add3A_1042, %max3A_1044 : vector<16xf32>
        %swap3A_1046 = arith.index_cast %add3A_1033 : i32 to index
        %swap3A_1047 = arith.constant 0 : index
        %swap3A_1048 = tpu.vector_load %arg12[%swap3A_1046, %swap3A_1047] {strides = array<i32>} : memref<80x64xf32, #tpu.memory_space<vmem>>, vector<1x16xf32>,
        %swap3A_1049 = vector.shape_cast %swap3A_1048 : vector<1x16xf32> to vector<16xf32>
        %swap3A_1050 = vector.shape_cast %max3A_1045 : vector<16xf32> to vector<1x16xf32>
        tpu.vector_store %arg12[%swap3A_1046, %swap3A_1047], %swap3A_1050 {strides = array<i32>} : memref<80x64xf32, #tpu.memory_space<vmem>>, vector<1x16xf32>,
        %mul3A_1051 = arith.constant 2 : i32
        %mul3A_1052 = arith.muli %mul3A_1051, %scan3A_946 : i32
        %add3A_1053 = arith.constant 1 : i32
        %add3A_1054 = arith.addi %mul3A_1052, %add3A_1053 : i32
        %get3A_1055 = arith.index_cast %add3A_1054 : i32 to index
        %get3A_1056 = arith.constant 16 : index
        %get3A_1057 = tpu.vector_load %arg11[%get3A_1055, %get3A_1056] {strides = array<i32>} : memref<80x64xf32, #tpu.memory_space<vmem>>, vector<1x16xf32>,
        %get3A_1058 = vector.shape_cast %get3A_1057 : vector<1x16xf32> to vector<16xf32>
        %get3A_1059 = arith.index_cast %add3A_1054 : i32 to index
        %get3A_1060 = arith.constant 16 : index
        %get3A_1061 = tpu.vector_load %arg12[%get3A_1059, %get3A_1060] {strides = array<i32>} : memref<80x64xf32, #tpu.memory_space<vmem>>, vector<1x16xf32>,
        %get3A_1062 = vector.shape_cast %get3A_1061 : vector<1x16xf32> to vector<16xf32>
        %add3A_1063 = arith.addf %get3A_1058, %get3A_1062 : vector<16xf32>
        %max3A_1064 = arith.constant 0.000000e+00 : f32
        %max3A_1065 = vector.broadcast %max3A_1064 : f32 to vector<16xf32>
        %max3A_1066 = arith.maximumf %add3A_1063, %max3A_1065 : vector<16xf32>
        %swap3A_1067 = arith.index_cast %add3A_1054 : i32 to index
        %swap3A_1068 = arith.constant 16 : index
        %swap3A_1069 = tpu.vector_load %arg12[%swap3A_1067, %swap3A_1068] {strides = array<i32>} : memref<80x64xf32, #tpu.memory_space<vmem>>, vector<1x16xf32>,
        %swap3A_1070 = vector.shape_cast %swap3A_1069 : vector<1x16xf32> to vector<16xf32>
        %swap3A_1071 = vector.shape_cast %max3A_1066 : vector<16xf32> to vector<1x16xf32>
        tpu.vector_store %arg12[%swap3A_1067, %swap3A_1068], %swap3A_1071 {strides = array<i32>} : memref<80x64xf32, #tpu.memory_space<vmem>>, vector<1x16xf32>,
        %mul3A_1072 = arith.constant 2 : i32
        %mul3A_1073 = arith.muli %mul3A_1072, %scan3A_946 : i32
        %add3A_1074 = arith.constant 1 : i32
        %add3A_1075 = arith.addi %mul3A_1073, %add3A_1074 : i32
        %get3A_1076 = arith.index_cast %add3A_1075 : i32 to index
        %get3A_1077 = arith.constant 32 : index
        %get3A_1078 = tpu.vector_load %arg11[%get3A_1076, %get3A_1077] {strides = array<i32>} : memref<80x64xf32, #tpu.memory_space<vmem>>, vector<1x16xf32>,
        %get3A_1079 = vector.shape_cast %get3A_1078 : vector<1x16xf32> to vector<16xf32>
        %get3A_1080 = arith.index_cast %add3A_1075 : i32 to index
        %get3A_1081 = arith.constant 32 : index
        %get3A_1082 = tpu.vector_load %arg12[%get3A_1080, %get3A_1081] {strides = array<i32>} : memref<80x64xf32, #tpu.memory_space<vmem>>, vector<1x16xf32>,
        %get3A_1083 = vector.shape_cast %get3A_1082 : vector<1x16xf32> to vector<16xf32>
        %add3A_1084 = arith.addf %get3A_1079, %get3A_1083 : vector<16xf32>
        %max3A_1085 = arith.constant 0.000000e+00 : f32
        %max3A_1086 = vector.broadcast %max3A_1085 : f32 to vector<16xf32>
        %max3A_1087 = arith.maximumf %add3A_1084, %max3A_1086 : vector<16xf32>
        %swap3A_1088 = arith.index_cast %add3A_1075 : i32 to index
        %swap3A_1089 = arith.constant 32 : index
        %swap3A_1090 = tpu.vector_load %arg12[%swap3A_1088, %swap3A_1089] {strides = array<i32>} : memref<80x64xf32, #tpu.memory_space<vmem>>, vector<1x16xf32>,
        %swap3A_1091 = vector.shape_cast %swap3A_1090 : vector<1x16xf32> to vector<16xf32>
        %swap3A_1092 = vector.shape_cast %max3A_1087 : vector<16xf32> to vector<1x16xf32>
        tpu.vector_store %arg12[%swap3A_1088, %swap3A_1089], %swap3A_1092 {strides = array<i32>} : memref<80x64xf32, #tpu.memory_space<vmem>>, vector<1x16xf32>,
        %mul3A_1093 = arith.constant 2 : i32
        %mul3A_1094 = arith.muli %mul3A_1093, %scan3A_946 : i32
        %add3A_1095 = arith.constant 1 : i32
        %add3A_1096 = arith.addi %mul3A_1094, %add3A_1095 : i32
        %get3A_1097 = arith.index_cast %add3A_1096 : i32 to index
        %get3A_1098 = arith.constant 48 : index
        %get3A_1099 = tpu.vector_load %arg11[%get3A_1097, %get3A_1098] {strides = array<i32>} : memref<80x64xf32, #tpu.memory_space<vmem>>, vector<1x16xf32>,
        %get3A_1100 = vector.shape_cast %get3A_1099 : vector<1x16xf32> to vector<16xf32>
        %get3A_1101 = arith.index_cast %add3A_1096 : i32 to index
        %get3A_1102 = arith.constant 48 : index
        %get3A_1103 = tpu.vector_load %arg12[%get3A_1101, %get3A_1102] {strides = array<i32>} : memref<80x64xf32, #tpu.memory_space<vmem>>, vector<1x16xf32>,
        %get3A_1104 = vector.shape_cast %get3A_1103 : vector<1x16xf32> to vector<16xf32>
        %add3A_1105 = arith.addf %get3A_1100, %get3A_1104 : vector<16xf32>
        %max3A_1106 = arith.constant 0.000000e+00 : f32
        %max3A_1107 = vector.broadcast %max3A_1106 : f32 to vector<16xf32>
        %max3A_1108 = arith.maximumf %add3A_1105, %max3A_1107 : vector<16xf32>
        %swap3A_1109 = arith.index_cast %add3A_1096 : i32 to index
        %swap3A_1110 = arith.constant 48 : index
        %swap3A_1111 = tpu.vector_load %arg12[%swap3A_1109, %swap3A_1110] {strides = array<i32>} : memref<80x64xf32, #tpu.memory_space<vmem>>, vector<1x16xf32>,
        %swap3A_1112 = vector.shape_cast %swap3A_1111 : vector<1x16xf32> to vector<16xf32>
        %swap3A_1113 = vector.shape_cast %max3A_1108 : vector<16xf32> to vector<1x16xf32>
        tpu.vector_store %arg12[%swap3A_1109, %swap3A_1110], %swap3A_1113 {strides = array<i32>} : memref<80x64xf32, #tpu.memory_space<vmem>>, vector<1x16xf32>,
      }
      %scan3A_513 = arith.constant 40 : i32
      "tpu.region"() ({
        %run_scoped3A = tpu.sem_alloc : memref<!tpu.dma_semaphore, #tpu.memory_space<semaphore_mem>>
        %dma_start3A_946 = arith.constant 0 : i32
        %dma_start3A_947 = arith.constant 0 : i32
        %dma_start3A_948 = tpu.memref_slice %arg18[%dma_start3A_946, %dma_start3A_947] : memref<10240x64xf32, #tpu.memory_space<vmem_shared>> -> memref<10240x64xf32, #tpu.memory_space<vmem_shared>>
        tpu.enqueue_indirect_dma source(%arg12 : memref<80x64xf32, #tpu.memory_space<vmem>>) target(%dma_start3A_948 : memref<10240x64xf32, #tpu.memory_space<vmem_shared>>) offsets(%arg9 : memref<80xi32, #tpu.memory_space<vmem>>) semaphore(%run_scoped3A : memref<!tpu.dma_semaphore, #tpu.memory_space<semaphore_mem>>) {add = true}
        %dma_wait3A_949 = arith.constant 0 : i32
        %dma_wait3A_950 = arith.constant 0 : i32
        %dma_wait3A_951 = tpu.memref_slice %arg18[%dma_wait3A_949, %dma_wait3A_950] : memref<10240x64xf32, #tpu.memory_space<vmem_shared>> -> memref<10240x64xf32, #tpu.memory_space<vmem_shared>>
        tpu.wait_indirect_dma semaphore(%run_scoped3A : memref<!tpu.dma_semaphore, #tpu.memory_space<semaphore_mem>>) src(%arg12 : memref<80x64xf32, #tpu.memory_space<vmem>>) dst(%dma_wait3A_951 : memref<10240x64xf32, #tpu.memory_space<vmem_shared>>)
        tpu.yield
      }) : () -> ()
      %mul3A_514 = arith.constant 2 : i32
      %mul3A_515 = arith.muli %mul3A_514, %scan3A_501 : i32
      %add3A_516 = arith.constant 2 : i32
      %add3A_517 = arith.addi %mul3A_515, %add3A_516 : i32
      %mul3A_518 = arith.constant 80 : i32
      %mul3A_519 = arith.muli %add3A_517, %mul3A_518 : i32
      %add3A_520 = arith.constant 0 : i32
      %add3A_521 = arith.addi %mul3A_519, %add3A_520 : i32
      %get3A_522 = arith.index_cast %add3A_521 : i32 to index
      %get3A_523 = tpu.vector_load %arg6[%get3A_522] {strides = array<i32>} : memref<10000xi32, #tpu.memory_space<vmem>>, vector<16xi32>,
      %get3A_524 = vector.shape_cast %get3A_523 : vector<16xi32> to vector<16xi32>
      %mul3A_525 = arith.constant 2 : i32
      %mul3A_526 = vector.broadcast %mul3A_525 : i32 to vector<16xi32>
      %mul3A_527 = arith.muli %get3A_524, %mul3A_526 : vector<16xi32>
      %add3A_528 = vector.broadcast %arg0 : i32 to vector<16xi32>
      %add3A_529 = arith.addi %mul3A_527, %add3A_528 : vector<16xi32>
      %swap3A_530 = arith.constant 0 : index
      %swap3A_531 = tpu.vector_load %arg8[%swap3A_530] {strides = array<i32>} : memref<80xi32, #tpu.memory_space<vmem>>, vector<16xi32>,
      %swap3A_532 = vector.shape_cast %swap3A_531 : vector<16xi32> to vector<16xi32>
      %swap3A_533 = vector.shape_cast %add3A_529 : vector<16xi32> to vector<16xi32>
      tpu.vector_store %arg8[%swap3A_530], %swap3A_533 {strides = array<i32>} : memref<80xi32, #tpu.memory_space<vmem>>, vector<16xi32>,
      %mul3A_534 = arith.constant 80 : i32
      %mul3A_535 = arith.muli %add3A_517, %mul3A_534 : i32
      %add3A_536 = arith.constant 0 : i32
      %add3A_537 = arith.addi %mul3A_535, %add3A_536 : i32
      %get3A_538 = arith.index_cast %add3A_537 : i32 to index
      %get3A_539 = tpu.vector_load %arg7[%get3A_538] {strides = array<i32>} : memref<10000xi32, #tpu.memory_space<vmem>>, vector<16xi32>,
      %get3A_540 = vector.shape_cast %get3A_539 : vector<16xi32> to vector<16xi32>
      %swap3A_541 = arith.constant 0 : index
      %swap3A_542 = tpu.vector_load %arg9[%swap3A_541] {strides = array<i32>} : memref<80xi32, #tpu.memory_space<vmem>>, vector<16xi32>,
      %swap3A_543 = vector.shape_cast %swap3A_542 : vector<16xi32> to vector<16xi32>
      %swap3A_544 = vector.shape_cast %get3A_540 : vector<16xi32> to vector<16xi32>
      tpu.vector_store %arg9[%swap3A_541], %swap3A_544 {strides = array<i32>} : memref<80xi32, #tpu.memory_space<vmem>>, vector<16xi32>,
      %mul3A_545 = arith.constant 80 : i32
      %mul3A_546 = arith.muli %add3A_517, %mul3A_545 : i32
      %add3A_547 = arith.constant 0 : i32
      %add3A_548 = arith.addi %mul3A_546, %add3A_547 : i32
      %mul3A_549 = arith.constant 2 : i32
      %mul3A_550 = arith.muli %mul3A_549, %add3A_548 : i32
      %add3A_551 = arith.addi %add3A_33, %mul3A_550 : i32
      %add3A_552 = vector.broadcast %add3A_551 : i32 to vector<16xi32>
      %add3A_553 = arith.addi %add3A_552, %mul3A_36 : vector<16xi32>
      %swap3A_554 = arith.constant 0 : index
      %swap3A_555 = tpu.vector_load %arg10[%swap3A_554] {strides = array<i32>} : memref<80xi32, #tpu.memory_space<vmem>>, vector<16xi32>,
      %swap3A_556 = vector.shape_cast %swap3A_555 : vector<16xi32> to vector<16xi32>
      %swap3A_557 = vector.shape_cast %add3A_553 : vector<16xi32> to vector<16xi32>
      tpu.vector_store %arg10[%swap3A_554], %swap3A_557 {strides = array<i32>} : memref<80xi32, #tpu.memory_space<vmem>>, vector<16xi32>,
      %mul3A_558 = arith.constant 80 : i32
      %mul3A_559 = arith.muli %add3A_517, %mul3A_558 : i32
      %add3A_560 = arith.constant 16 : i32
      %add3A_561 = arith.addi %mul3A_559, %add3A_560 : i32
      %get3A_562 = arith.index_cast %add3A_561 : i32 to index
      %get3A_563 = tpu.vector_load %arg6[%get3A_562] {strides = array<i32>} : memref<10000xi32, #tpu.memory_space<vmem>>, vector<16xi32>,
      %get3A_564 = vector.shape_cast %get3A_563 : vector<16xi32> to vector<16xi32>
      %mul3A_565 = arith.constant 2 : i32
      %mul3A_566 = vector.broadcast %mul3A_565 : i32 to vector<16xi32>
      %mul3A_567 = arith.muli %get3A_564, %mul3A_566 : vector<16xi32>
      %add3A_568 = vector.broadcast %arg0 : i32 to vector<16xi32>
      %add3A_569 = arith.addi %mul3A_567, %add3A_568 : vector<16xi32>
      %swap3A_570 = arith.constant 16 : index
      %swap3A_571 = tpu.vector_load %arg8[%swap3A_570] {strides = array<i32>} : memref<80xi32, #tpu.memory_space<vmem>>, vector<16xi32>,
      %swap3A_572 = vector.shape_cast %swap3A_571 : vector<16xi32> to vector<16xi32>
      %swap3A_573 = vector.shape_cast %add3A_569 : vector<16xi32> to vector<16xi32>
      tpu.vector_store %arg8[%swap3A_570], %swap3A_573 {strides = array<i32>} : memref<80xi32, #tpu.memory_space<vmem>>, vector<16xi32>,
      %mul3A_574 = arith.constant 80 : i32
      %mul3A_575 = arith.muli %add3A_517, %mul3A_574 : i32
      %add3A_576 = arith.constant 16 : i32
      %add3A_577 = arith.addi %mul3A_575, %add3A_576 : i32
      %get3A_578 = arith.index_cast %add3A_577 : i32 to index
      %get3A_579 = tpu.vector_load %arg7[%get3A_578] {strides = array<i32>} : memref<10000xi32, #tpu.memory_space<vmem>>, vector<16xi32>,
      %get3A_580 = vector.shape_cast %get3A_579 : vector<16xi32> to vector<16xi32>
      %swap3A_581 = arith.constant 16 : index
      %swap3A_582 = tpu.vector_load %arg9[%swap3A_581] {strides = array<i32>} : memref<80xi32, #tpu.memory_space<vmem>>, vector<16xi32>,
      %swap3A_583 = vector.shape_cast %swap3A_582 : vector<16xi32> to vector<16xi32>
      %swap3A_584 = vector.shape_cast %get3A_580 : vector<16xi32> to vector<16xi32>
      tpu.vector_store %arg9[%swap3A_581], %swap3A_584 {strides = array<i32>} : memref<80xi32, #tpu.memory_space<vmem>>, vector<16xi32>,
      %mul3A_585 = arith.constant 80 : i32
      %mul3A_586 = arith.muli %add3A_517, %mul3A_585 : i32
      %add3A_587 = arith.constant 16 : i32
      %add3A_588 = arith.addi %mul3A_586, %add3A_587 : i32
      %mul3A_589 = arith.constant 2 : i32
      %mul3A_590 = arith.muli %mul3A_589, %add3A_588 : i32
      %add3A_591 = arith.addi %add3A_33, %mul3A_590 : i32
      %add3A_592 = vector.broadcast %add3A_591 : i32 to vector<16xi32>
      %add3A_593 = arith.addi %add3A_592, %mul3A_36 : vector<16xi32>
      %swap3A_594 = arith.constant 16 : index
      %swap3A_595 = tpu.vector_load %arg10[%swap3A_594] {strides = array<i32>} : memref<80xi32, #tpu.memory_space<vmem>>, vector<16xi32>,
      %swap3A_596 = vector.shape_cast %swap3A_595 : vector<16xi32> to vector<16xi32>
      %swap3A_597 = vector.shape_cast %add3A_593 : vector<16xi32> to vector<16xi32>
      tpu.vector_store %arg10[%swap3A_594], %swap3A_597 {strides = array<i32>} : memref<80xi32, #tpu.memory_space<vmem>>, vector<16xi32>,
      %mul3A_598 = arith.constant 80 : i32
      %mul3A_599 = arith.muli %add3A_517, %mul3A_598 : i32
      %add3A_600 = arith.constant 32 : i32
      %add3A_601 = arith.addi %mul3A_599, %add3A_600 : i32
      %get3A_602 = arith.index_cast %add3A_601 : i32 to index
      %get3A_603 = tpu.vector_load %arg6[%get3A_602] {strides = array<i32>} : memref<10000xi32, #tpu.memory_space<vmem>>, vector<16xi32>,
      %get3A_604 = vector.shape_cast %get3A_603 : vector<16xi32> to vector<16xi32>
      %mul3A_605 = arith.constant 2 : i32
      %mul3A_606 = vector.broadcast %mul3A_605 : i32 to vector<16xi32>
      %mul3A_607 = arith.muli %get3A_604, %mul3A_606 : vector<16xi32>
      %add3A_608 = vector.broadcast %arg0 : i32 to vector<16xi32>
      %add3A_609 = arith.addi %mul3A_607, %add3A_608 : vector<16xi32>
      %swap3A_610 = arith.constant 32 : index
      %swap3A_611 = tpu.vector_load %arg8[%swap3A_610] {strides = array<i32>} : memref<80xi32, #tpu.memory_space<vmem>>, vector<16xi32>,
      %swap3A_612 = vector.shape_cast %swap3A_611 : vector<16xi32> to vector<16xi32>
      %swap3A_613 = vector.shape_cast %add3A_609 : vector<16xi32> to vector<16xi32>
      tpu.vector_store %arg8[%swap3A_610], %swap3A_613 {strides = array<i32>} : memref<80xi32, #tpu.memory_space<vmem>>, vector<16xi32>,
      %mul3A_614 = arith.constant 80 : i32
      %mul3A_615 = arith.muli %add3A_517, %mul3A_614 : i32
      %add3A_616 = arith.constant 32 : i32
      %add3A_617 = arith.addi %mul3A_615, %add3A_616 : i32
      %get3A_618 = arith.index_cast %add3A_617 : i32 to index
      %get3A_619 = tpu.vector_load %arg7[%get3A_618] {strides = array<i32>} : memref<10000xi32, #tpu.memory_space<vmem>>, vector<16xi32>,
      %get3A_620 = vector.shape_cast %get3A_619 : vector<16xi32> to vector<16xi32>
      %swap3A_621 = arith.constant 32 : index
      %swap3A_622 = tpu.vector_load %arg9[%swap3A_621] {strides = array<i32>} : memref<80xi32, #tpu.memory_space<vmem>>, vector<16xi32>,
      %swap3A_623 = vector.shape_cast %swap3A_622 : vector<16xi32> to vector<16xi32>
      %swap3A_624 = vector.shape_cast %get3A_620 : vector<16xi32> to vector<16xi32>
      tpu.vector_store %arg9[%swap3A_621], %swap3A_624 {strides = array<i32>} : memref<80xi32, #tpu.memory_space<vmem>>, vector<16xi32>,
      %mul3A_625 = arith.constant 80 : i32
      %mul3A_626 = arith.muli %add3A_517, %mul3A_625 : i32
      %add3A_627 = arith.constant 32 : i32
      %add3A_628 = arith.addi %mul3A_626, %add3A_627 : i32
      %mul3A_629 = arith.constant 2 : i32
      %mul3A_630 = arith.muli %mul3A_629, %add3A_628 : i32
      %add3A_631 = arith.addi %add3A_33, %mul3A_630 : i32
      %add3A_632 = vector.broadcast %add3A_631 : i32 to vector<16xi32>
      %add3A_633 = arith.addi %add3A_632, %mul3A_36 : vector<16xi32>
      %swap3A_634 = arith.constant 32 : index
      %swap3A_635 = tpu.vector_load %arg10[%swap3A_634] {strides = array<i32>} : memref<80xi32, #tpu.memory_space<vmem>>, vector<16xi32>,
      %swap3A_636 = vector.shape_cast %swap3A_635 : vector<16xi32> to vector<16xi32>
      %swap3A_637 = vector.shape_cast %add3A_633 : vector<16xi32> to vector<16xi32>
      tpu.vector_store %arg10[%swap3A_634], %swap3A_637 {strides = array<i32>} : memref<80xi32, #tpu.memory_space<vmem>>, vector<16xi32>,
      %mul3A_638 = arith.constant 80 : i32
      %mul3A_639 = arith.muli %add3A_517, %mul3A_638 : i32
      %add3A_640 = arith.constant 48 : i32
      %add3A_641 = arith.addi %mul3A_639, %add3A_640 : i32
      %get3A_642 = arith.index_cast %add3A_641 : i32 to index
      %get3A_643 = tpu.vector_load %arg6[%get3A_642] {strides = array<i32>} : memref<10000xi32, #tpu.memory_space<vmem>>, vector<16xi32>,
      %get3A_644 = vector.shape_cast %get3A_643 : vector<16xi32> to vector<16xi32>
      %mul3A_645 = arith.constant 2 : i32
      %mul3A_646 = vector.broadcast %mul3A_645 : i32 to vector<16xi32>
      %mul3A_647 = arith.muli %get3A_644, %mul3A_646 : vector<16xi32>
      %add3A_648 = vector.broadcast %arg0 : i32 to vector<16xi32>
      %add3A_649 = arith.addi %mul3A_647, %add3A_648 : vector<16xi32>
      %swap3A_650 = arith.constant 48 : index
      %swap3A_651 = tpu.vector_load %arg8[%swap3A_650] {strides = array<i32>} : memref<80xi32, #tpu.memory_space<vmem>>, vector<16xi32>,
      %swap3A_652 = vector.shape_cast %swap3A_651 : vector<16xi32> to vector<16xi32>
      %swap3A_653 = vector.shape_cast %add3A_649 : vector<16xi32> to vector<16xi32>
      tpu.vector_store %arg8[%swap3A_650], %swap3A_653 {strides = array<i32>} : memref<80xi32, #tpu.memory_space<vmem>>, vector<16xi32>,
      %mul3A_654 = arith.constant 80 : i32
      %mul3A_655 = arith.muli %add3A_517, %mul3A_654 : i32
      %add3A_656 = arith.constant 48 : i32
      %add3A_657 = arith.addi %mul3A_655, %add3A_656 : i32
      %get3A_658 = arith.index_cast %add3A_657 : i32 to index
      %get3A_659 = tpu.vector_load %arg7[%get3A_658] {strides = array<i32>} : memref<10000xi32, #tpu.memory_space<vmem>>, vector<16xi32>,
      %get3A_660 = vector.shape_cast %get3A_659 : vector<16xi32> to vector<16xi32>
      %swap3A_661 = arith.constant 48 : index
      %swap3A_662 = tpu.vector_load %arg9[%swap3A_661] {strides = array<i32>} : memref<80xi32, #tpu.memory_space<vmem>>, vector<16xi32>,
      %swap3A_663 = vector.shape_cast %swap3A_662 : vector<16xi32> to vector<16xi32>
      %swap3A_664 = vector.shape_cast %get3A_660 : vector<16xi32> to vector<16xi32>
      tpu.vector_store %arg9[%swap3A_661], %swap3A_664 {strides = array<i32>} : memref<80xi32, #tpu.memory_space<vmem>>, vector<16xi32>,
      %mul3A_665 = arith.constant 80 : i32
      %mul3A_666 = arith.muli %add3A_517, %mul3A_665 : i32
      %add3A_667 = arith.constant 48 : i32
      %add3A_668 = arith.addi %mul3A_666, %add3A_667 : i32
      %mul3A_669 = arith.constant 2 : i32
      %mul3A_670 = arith.muli %mul3A_669, %add3A_668 : i32
      %add3A_671 = arith.addi %add3A_33, %mul3A_670 : i32
      %add3A_672 = vector.broadcast %add3A_671 : i32 to vector<16xi32>
      %add3A_673 = arith.addi %add3A_672, %mul3A_36 : vector<16xi32>
      %swap3A_674 = arith.constant 48 : index
      %swap3A_675 = tpu.vector_load %arg10[%swap3A_674] {strides = array<i32>} : memref<80xi32, #tpu.memory_space<vmem>>, vector<16xi32>,
      %swap3A_676 = vector.shape_cast %swap3A_675 : vector<16xi32> to vector<16xi32>
      %swap3A_677 = vector.shape_cast %add3A_673 : vector<16xi32> to vector<16xi32>
      tpu.vector_store %arg10[%swap3A_674], %swap3A_677 {strides = array<i32>} : memref<80xi32, #tpu.memory_space<vmem>>, vector<16xi32>,
      %mul3A_678 = arith.constant 80 : i32
      %mul3A_679 = arith.muli %add3A_517, %mul3A_678 : i32
      %add3A_680 = arith.constant 64 : i32
      %add3A_681 = arith.addi %mul3A_679, %add3A_680 : i32
      %get3A_682 = arith.index_cast %add3A_681 : i32 to index
      %get3A_683 = tpu.vector_load %arg6[%get3A_682] {strides = array<i32>} : memref<10000xi32, #tpu.memory_space<vmem>>, vector<16xi32>,
      %get3A_684 = vector.shape_cast %get3A_683 : vector<16xi32> to vector<16xi32>
      %mul3A_685 = arith.constant 2 : i32
      %mul3A_686 = vector.broadcast %mul3A_685 : i32 to vector<16xi32>
      %mul3A_687 = arith.muli %get3A_684, %mul3A_686 : vector<16xi32>
      %add3A_688 = vector.broadcast %arg0 : i32 to vector<16xi32>
      %add3A_689 = arith.addi %mul3A_687, %add3A_688 : vector<16xi32>
      %swap3A_690 = arith.constant 64 : index
      %swap3A_691 = tpu.vector_load %arg8[%swap3A_690] {strides = array<i32>} : memref<80xi32, #tpu.memory_space<vmem>>, vector<16xi32>,
      %swap3A_692 = vector.shape_cast %swap3A_691 : vector<16xi32> to vector<16xi32>
      %swap3A_693 = vector.shape_cast %add3A_689 : vector<16xi32> to vector<16xi32>
      tpu.vector_store %arg8[%swap3A_690], %swap3A_693 {strides = array<i32>} : memref<80xi32, #tpu.memory_space<vmem>>, vector<16xi32>,
      %mul3A_694 = arith.constant 80 : i32
      %mul3A_695 = arith.muli %add3A_517, %mul3A_694 : i32
      %add3A_696 = arith.constant 64 : i32
      %add3A_697 = arith.addi %mul3A_695, %add3A_696 : i32
      %get3A_698 = arith.index_cast %add3A_697 : i32 to index
      %get3A_699 = tpu.vector_load %arg7[%get3A_698] {strides = array<i32>} : memref<10000xi32, #tpu.memory_space<vmem>>, vector<16xi32>,
      %get3A_700 = vector.shape_cast %get3A_699 : vector<16xi32> to vector<16xi32>
      %swap3A_701 = arith.constant 64 : index
      %swap3A_702 = tpu.vector_load %arg9[%swap3A_701] {strides = array<i32>} : memref<80xi32, #tpu.memory_space<vmem>>, vector<16xi32>,
      %swap3A_703 = vector.shape_cast %swap3A_702 : vector<16xi32> to vector<16xi32>
      %swap3A_704 = vector.shape_cast %get3A_700 : vector<16xi32> to vector<16xi32>
      tpu.vector_store %arg9[%swap3A_701], %swap3A_704 {strides = array<i32>} : memref<80xi32, #tpu.memory_space<vmem>>, vector<16xi32>,
      %mul3A_705 = arith.constant 80 : i32
      %mul3A_706 = arith.muli %add3A_517, %mul3A_705 : i32
      %add3A_707 = arith.constant 64 : i32
      %add3A_708 = arith.addi %mul3A_706, %add3A_707 : i32
      %mul3A_709 = arith.constant 2 : i32
      %mul3A_710 = arith.muli %mul3A_709, %add3A_708 : i32
      %add3A_711 = arith.addi %add3A_33, %mul3A_710 : i32
      %add3A_712 = vector.broadcast %add3A_711 : i32 to vector<16xi32>
      %add3A_713 = arith.addi %add3A_712, %mul3A_36 : vector<16xi32>
      %swap3A_714 = arith.constant 64 : index
      %swap3A_715 = tpu.vector_load %arg10[%swap3A_714] {strides = array<i32>} : memref<80xi32, #tpu.memory_space<vmem>>, vector<16xi32>,
      %swap3A_716 = vector.shape_cast %swap3A_715 : vector<16xi32> to vector<16xi32>
      %swap3A_717 = vector.shape_cast %add3A_713 : vector<16xi32> to vector<16xi32>
      tpu.vector_store %arg10[%swap3A_714], %swap3A_717 {strides = array<i32>} : memref<80xi32, #tpu.memory_space<vmem>>, vector<16xi32>,
      %dma_start3A_718 = arith.constant 0 : i32
      %dma_start3A_719 = arith.constant 0 : i32
      %dma_start3A_720 = tpu.memref_slice %arg2[%dma_start3A_718, %dma_start3A_719] : memref<20000x64xf32, #tpu.memory_space<hbm>> -> memref<20000x64xf32, #tpu.memory_space<hbm>>
      tpu.enqueue_indirect_dma source(%dma_start3A_720 : memref<20000x64xf32, #tpu.memory_space<hbm>>) target(%arg11 : memref<80x64xf32, #tpu.memory_space<vmem>>) offsets(%arg8 : memref<80xi32, #tpu.memory_space<vmem>>) semaphore(%arg19 : memref<!tpu.dma_semaphore, #tpu.memory_space<semaphore_mem>>)
      %dma_start3A_721 = arith.constant 0 : i32
      %dma_start3A_722 = arith.constant 0 : i32
      %dma_start3A_723 = tpu.memref_slice %arg4[%dma_start3A_721, %dma_start3A_722] : memref<320000x64xf32, #tpu.memory_space<hbm>> -> memref<320000x64xf32, #tpu.memory_space<hbm>>
      tpu.enqueue_indirect_dma source(%dma_start3A_723 : memref<320000x64xf32, #tpu.memory_space<hbm>>) target(%arg12 : memref<80x64xf32, #tpu.memory_space<vmem>>) offsets(%arg10 : memref<80xi32, #tpu.memory_space<vmem>>) semaphore(%arg20 : memref<!tpu.dma_semaphore, #tpu.memory_space<semaphore_mem>>)
      %dma_wait3A_724 = arith.constant 0 : i32
      %dma_wait3A_725 = arith.constant 0 : i32
      %dma_wait3A_726 = tpu.memref_slice %arg2[%dma_wait3A_724, %dma_wait3A_725] : memref<20000x64xf32, #tpu.memory_space<hbm>> -> memref<20000x64xf32, #tpu.memory_space<hbm>>
      tpu.wait_indirect_dma semaphore(%arg21 : memref<!tpu.dma_semaphore, #tpu.memory_space<semaphore_mem>>) src(%dma_wait3A_726 : memref<20000x64xf32, #tpu.memory_space<hbm>>) dst(%arg16 : memref<80x64xf32, #tpu.memory_space<vmem>>)
      %dma_wait3A_727 = arith.constant 0 : i32
      %dma_wait3A_728 = arith.constant 0 : i32
      %dma_wait3A_729 = tpu.memref_slice %arg4[%dma_wait3A_727, %dma_wait3A_728] : memref<320000x64xf32, #tpu.memory_space<hbm>> -> memref<320000x64xf32, #tpu.memory_space<hbm>>
      tpu.wait_indirect_dma semaphore(%arg22 : memref<!tpu.dma_semaphore, #tpu.memory_space<semaphore_mem>>) src(%dma_wait3A_729 : memref<320000x64xf32, #tpu.memory_space<hbm>>) dst(%arg17 : memref<80x64xf32, #tpu.memory_space<vmem>>)
      %scan3A_730 = arith.constant 0 : i32
      %scan3A_731 = arith.constant 0 : i32
      %scan3A_732 = arith.constant 40 : i32
      %scan3A_733 = arith.addi %scan3A_731, %scan3A_732 : i32
      %scan3A_734 = arith.constant 1 : i32
      scf.for %scan3A_946 = %scan3A_731 to %scan3A_733 step %scan3A_734  : i32 {
        %mul3A_947 = arith.constant 2 : i32
        %mul3A_948 = arith.muli %mul3A_947, %scan3A_946 : i32
        %add3A_949 = arith.constant 0 : i32
        %add3A_950 = arith.addi %mul3A_948, %add3A_949 : i32
        %get3A_951 = arith.index_cast %add3A_950 : i32 to index
        %get3A_952 = arith.constant 0 : index
        %get3A_953 = tpu.vector_load %arg16[%get3A_951, %get3A_952] {strides = array<i32>} : memref<80x64xf32, #tpu.memory_space<vmem>>, vector<1x16xf32>,
        %get3A_954 = vector.shape_cast %get3A_953 : vector<1x16xf32> to vector<16xf32>
        %get3A_955 = arith.index_cast %add3A_950 : i32 to index
        %get3A_956 = arith.constant 0 : index
        %get3A_957 = tpu.vector_load %arg17[%get3A_955, %get3A_956] {strides = array<i32>} : memref<80x64xf32, #tpu.memory_space<vmem>>, vector<1x16xf32>,
        %get3A_958 = vector.shape_cast %get3A_957 : vector<1x16xf32> to vector<16xf32>
        %add3A_959 = arith.addf %get3A_954, %get3A_958 : vector<16xf32>
        %max3A = arith.constant 0.000000e+00 : f32
        %max3A_960 = vector.broadcast %max3A : f32 to vector<16xf32>
        %max3A_961 = arith.maximumf %add3A_959, %max3A_960 : vector<16xf32>
        %swap3A_962 = arith.index_cast %add3A_950 : i32 to index
        %swap3A_963 = arith.constant 0 : index
        %swap3A_964 = tpu.vector_load %arg17[%swap3A_962, %swap3A_963] {strides = array<i32>} : memref<80x64xf32, #tpu.memory_space<vmem>>, vector<1x16xf32>,
        %swap3A_965 = vector.shape_cast %swap3A_964 : vector<1x16xf32> to vector<16xf32>
        %swap3A_966 = vector.shape_cast %max3A_961 : vector<16xf32> to vector<1x16xf32>
        tpu.vector_store %arg17[%swap3A_962, %swap3A_963], %swap3A_966 {strides = array<i32>} : memref<80x64xf32, #tpu.memory_space<vmem>>, vector<1x16xf32>,
        %mul3A_967 = arith.constant 2 : i32
        %mul3A_968 = arith.muli %mul3A_967, %scan3A_946 : i32
        %add3A_969 = arith.constant 0 : i32
        %add3A_970 = arith.addi %mul3A_968, %add3A_969 : i32
        %get3A_971 = arith.index_cast %add3A_970 : i32 to index
        %get3A_972 = arith.constant 16 : index
        %get3A_973 = tpu.vector_load %arg16[%get3A_971, %get3A_972] {strides = array<i32>} : memref<80x64xf32, #tpu.memory_space<vmem>>, vector<1x16xf32>,
        %get3A_974 = vector.shape_cast %get3A_973 : vector<1x16xf32> to vector<16xf32>
        %get3A_975 = arith.index_cast %add3A_970 : i32 to index
        %get3A_976 = arith.constant 16 : index
        %get3A_977 = tpu.vector_load %arg17[%get3A_975, %get3A_976] {strides = array<i32>} : memref<80x64xf32, #tpu.memory_space<vmem>>, vector<1x16xf32>,
        %get3A_978 = vector.shape_cast %get3A_977 : vector<1x16xf32> to vector<16xf32>
        %add3A_979 = arith.addf %get3A_974, %get3A_978 : vector<16xf32>
        %max3A_980 = arith.constant 0.000000e+00 : f32
        %max3A_981 = vector.broadcast %max3A_980 : f32 to vector<16xf32>
        %max3A_982 = arith.maximumf %add3A_979, %max3A_981 : vector<16xf32>
        %swap3A_983 = arith.index_cast %add3A_970 : i32 to index
        %swap3A_984 = arith.constant 16 : index
        %swap3A_985 = tpu.vector_load %arg17[%swap3A_983, %swap3A_984] {strides = array<i32>} : memref<80x64xf32, #tpu.memory_space<vmem>>, vector<1x16xf32>,
        %swap3A_986 = vector.shape_cast %swap3A_985 : vector<1x16xf32> to vector<16xf32>
        %swap3A_987 = vector.shape_cast %max3A_982 : vector<16xf32> to vector<1x16xf32>
        tpu.vector_store %arg17[%swap3A_983, %swap3A_984], %swap3A_987 {strides = array<i32>} : memref<80x64xf32, #tpu.memory_space<vmem>>, vector<1x16xf32>,
        %mul3A_988 = arith.constant 2 : i32
        %mul3A_989 = arith.muli %mul3A_988, %scan3A_946 : i32
        %add3A_990 = arith.constant 0 : i32
        %add3A_991 = arith.addi %mul3A_989, %add3A_990 : i32
        %get3A_992 = arith.index_cast %add3A_991 : i32 to index
        %get3A_993 = arith.constant 32 : index
        %get3A_994 = tpu.vector_load %arg16[%get3A_992, %get3A_993] {strides = array<i32>} : memref<80x64xf32, #tpu.memory_space<vmem>>, vector<1x16xf32>,
        %get3A_995 = vector.shape_cast %get3A_994 : vector<1x16xf32> to vector<16xf32>
        %get3A_996 = arith.index_cast %add3A_991 : i32 to index
        %get3A_997 = arith.constant 32 : index
        %get3A_998 = tpu.vector_load %arg17[%get3A_996, %get3A_997] {strides = array<i32>} : memref<80x64xf32, #tpu.memory_space<vmem>>, vector<1x16xf32>,
        %get3A_999 = vector.shape_cast %get3A_998 : vector<1x16xf32> to vector<16xf32>
        %add3A_1000 = arith.addf %get3A_995, %get3A_999 : vector<16xf32>
        %max3A_1001 = arith.constant 0.000000e+00 : f32
        %max3A_1002 = vector.broadcast %max3A_1001 : f32 to vector<16xf32>
        %max3A_1003 = arith.maximumf %add3A_1000, %max3A_1002 : vector<16xf32>
        %swap3A_1004 = arith.index_cast %add3A_991 : i32 to index
        %swap3A_1005 = arith.constant 32 : index
        %swap3A_1006 = tpu.vector_load %arg17[%swap3A_1004, %swap3A_1005] {strides = array<i32>} : memref<80x64xf32, #tpu.memory_space<vmem>>, vector<1x16xf32>,
        %swap3A_1007 = vector.shape_cast %swap3A_1006 : vector<1x16xf32> to vector<16xf32>
        %swap3A_1008 = vector.shape_cast %max3A_1003 : vector<16xf32> to vector<1x16xf32>
        tpu.vector_store %arg17[%swap3A_1004, %swap3A_1005], %swap3A_1008 {strides = array<i32>} : memref<80x64xf32, #tpu.memory_space<vmem>>, vector<1x16xf32>,
        %mul3A_1009 = arith.constant 2 : i32
        %mul3A_1010 = arith.muli %mul3A_1009, %scan3A_946 : i32
        %add3A_1011 = arith.constant 0 : i32
        %add3A_1012 = arith.addi %mul3A_1010, %add3A_1011 : i32
        %get3A_1013 = arith.index_cast %add3A_1012 : i32 to index
        %get3A_1014 = arith.constant 48 : index
        %get3A_1015 = tpu.vector_load %arg16[%get3A_1013, %get3A_1014] {strides = array<i32>} : memref<80x64xf32, #tpu.memory_space<vmem>>, vector<1x16xf32>,
        %get3A_1016 = vector.shape_cast %get3A_1015 : vector<1x16xf32> to vector<16xf32>
        %get3A_1017 = arith.index_cast %add3A_1012 : i32 to index
        %get3A_1018 = arith.constant 48 : index
        %get3A_1019 = tpu.vector_load %arg17[%get3A_1017, %get3A_1018] {strides = array<i32>} : memref<80x64xf32, #tpu.memory_space<vmem>>, vector<1x16xf32>,
        %get3A_1020 = vector.shape_cast %get3A_1019 : vector<1x16xf32> to vector<16xf32>
        %add3A_1021 = arith.addf %get3A_1016, %get3A_1020 : vector<16xf32>
        %max3A_1022 = arith.constant 0.000000e+00 : f32
        %max3A_1023 = vector.broadcast %max3A_1022 : f32 to vector<16xf32>
        %max3A_1024 = arith.maximumf %add3A_1021, %max3A_1023 : vector<16xf32>
        %swap3A_1025 = arith.index_cast %add3A_1012 : i32 to index
        %swap3A_1026 = arith.constant 48 : index
        %swap3A_1027 = tpu.vector_load %arg17[%swap3A_1025, %swap3A_1026] {strides = array<i32>} : memref<80x64xf32, #tpu.memory_space<vmem>>, vector<1x16xf32>,
        %swap3A_1028 = vector.shape_cast %swap3A_1027 : vector<1x16xf32> to vector<16xf32>
        %swap3A_1029 = vector.shape_cast %max3A_1024 : vector<16xf32> to vector<1x16xf32>
        tpu.vector_store %arg17[%swap3A_1025, %swap3A_1026], %swap3A_1029 {strides = array<i32>} : memref<80x64xf32, #tpu.memory_space<vmem>>, vector<1x16xf32>,
        %mul3A_1030 = arith.constant 2 : i32
        %mul3A_1031 = arith.muli %mul3A_1030, %scan3A_946 : i32
        %add3A_1032 = arith.constant 1 : i32
        %add3A_1033 = arith.addi %mul3A_1031, %add3A_1032 : i32
        %get3A_1034 = arith.index_cast %add3A_1033 : i32 to index
        %get3A_1035 = arith.constant 0 : index
        %get3A_1036 = tpu.vector_load %arg16[%get3A_1034, %get3A_1035] {strides = array<i32>} : memref<80x64xf32, #tpu.memory_space<vmem>>, vector<1x16xf32>,
        %get3A_1037 = vector.shape_cast %get3A_1036 : vector<1x16xf32> to vector<16xf32>
        %get3A_1038 = arith.index_cast %add3A_1033 : i32 to index
        %get3A_1039 = arith.constant 0 : index
        %get3A_1040 = tpu.vector_load %arg17[%get3A_1038, %get3A_1039] {strides = array<i32>} : memref<80x64xf32, #tpu.memory_space<vmem>>, vector<1x16xf32>,
        %get3A_1041 = vector.shape_cast %get3A_1040 : vector<1x16xf32> to vector<16xf32>
        %add3A_1042 = arith.addf %get3A_1037, %get3A_1041 : vector<16xf32>
        %max3A_1043 = arith.constant 0.000000e+00 : f32
        %max3A_1044 = vector.broadcast %max3A_1043 : f32 to vector<16xf32>
        %max3A_1045 = arith.maximumf %add3A_1042, %max3A_1044 : vector<16xf32>
        %swap3A_1046 = arith.index_cast %add3A_1033 : i32 to index
        %swap3A_1047 = arith.constant 0 : index
        %swap3A_1048 = tpu.vector_load %arg17[%swap3A_1046, %swap3A_1047] {strides = array<i32>} : memref<80x64xf32, #tpu.memory_space<vmem>>, vector<1x16xf32>,
        %swap3A_1049 = vector.shape_cast %swap3A_1048 : vector<1x16xf32> to vector<16xf32>
        %swap3A_1050 = vector.shape_cast %max3A_1045 : vector<16xf32> to vector<1x16xf32>
        tpu.vector_store %arg17[%swap3A_1046, %swap3A_1047], %swap3A_1050 {strides = array<i32>} : memref<80x64xf32, #tpu.memory_space<vmem>>, vector<1x16xf32>,
        %mul3A_1051 = arith.constant 2 : i32
        %mul3A_1052 = arith.muli %mul3A_1051, %scan3A_946 : i32
        %add3A_1053 = arith.constant 1 : i32
        %add3A_1054 = arith.addi %mul3A_1052, %add3A_1053 : i32
        %get3A_1055 = arith.index_cast %add3A_1054 : i32 to index
        %get3A_1056 = arith.constant 16 : index
        %get3A_1057 = tpu.vector_load %arg16[%get3A_1055, %get3A_1056] {strides = array<i32>} : memref<80x64xf32, #tpu.memory_space<vmem>>, vector<1x16xf32>,
        %get3A_1058 = vector.shape_cast %get3A_1057 : vector<1x16xf32> to vector<16xf32>
        %get3A_1059 = arith.index_cast %add3A_1054 : i32 to index
        %get3A_1060 = arith.constant 16 : index
        %get3A_1061 = tpu.vector_load %arg17[%get3A_1059, %get3A_1060] {strides = array<i32>} : memref<80x64xf32, #tpu.memory_space<vmem>>, vector<1x16xf32>,
        %get3A_1062 = vector.shape_cast %get3A_1061 : vector<1x16xf32> to vector<16xf32>
        %add3A_1063 = arith.addf %get3A_1058, %get3A_1062 : vector<16xf32>
        %max3A_1064 = arith.constant 0.000000e+00 : f32
        %max3A_1065 = vector.broadcast %max3A_1064 : f32 to vector<16xf32>
        %max3A_1066 = arith.maximumf %add3A_1063, %max3A_1065 : vector<16xf32>
        %swap3A_1067 = arith.index_cast %add3A_1054 : i32 to index
        %swap3A_1068 = arith.constant 16 : index
        %swap3A_1069 = tpu.vector_load %arg17[%swap3A_1067, %swap3A_1068] {strides = array<i32>} : memref<80x64xf32, #tpu.memory_space<vmem>>, vector<1x16xf32>,
        %swap3A_1070 = vector.shape_cast %swap3A_1069 : vector<1x16xf32> to vector<16xf32>
        %swap3A_1071 = vector.shape_cast %max3A_1066 : vector<16xf32> to vector<1x16xf32>
        tpu.vector_store %arg17[%swap3A_1067, %swap3A_1068], %swap3A_1071 {strides = array<i32>} : memref<80x64xf32, #tpu.memory_space<vmem>>, vector<1x16xf32>,
        %mul3A_1072 = arith.constant 2 : i32
        %mul3A_1073 = arith.muli %mul3A_1072, %scan3A_946 : i32
        %add3A_1074 = arith.constant 1 : i32
        %add3A_1075 = arith.addi %mul3A_1073, %add3A_1074 : i32
        %get3A_1076 = arith.index_cast %add3A_1075 : i32 to index
        %get3A_1077 = arith.constant 32 : index
        %get3A_1078 = tpu.vector_load %arg16[%get3A_1076, %get3A_1077] {strides = array<i32>} : memref<80x64xf32, #tpu.memory_space<vmem>>, vector<1x16xf32>,
        %get3A_1079 = vector.shape_cast %get3A_1078 : vector<1x16xf32> to vector<16xf32>
        %get3A_1080 = arith.index_cast %add3A_1075 : i32 to index
        %get3A_1081 = arith.constant 32 : index
        %get3A_1082 = tpu.vector_load %arg17[%get3A_1080, %get3A_1081] {strides = array<i32>} : memref<80x64xf32, #tpu.memory_space<vmem>>, vector<1x16xf32>,
        %get3A_1083 = vector.shape_cast %get3A_1082 : vector<1x16xf32> to vector<16xf32>
        %add3A_1084 = arith.addf %get3A_1079, %get3A_1083 : vector<16xf32>
        %max3A_1085 = arith.constant 0.000000e+00 : f32
        %max3A_1086 = vector.broadcast %max3A_1085 : f32 to vector<16xf32>
        %max3A_1087 = arith.maximumf %add3A_1084, %max3A_1086 : vector<16xf32>
        %swap3A_1088 = arith.index_cast %add3A_1075 : i32 to index
        %swap3A_1089 = arith.constant 32 : index
        %swap3A_1090 = tpu.vector_load %arg17[%swap3A_1088, %swap3A_1089] {strides = array<i32>} : memref<80x64xf32, #tpu.memory_space<vmem>>, vector<1x16xf32>,
        %swap3A_1091 = vector.shape_cast %swap3A_1090 : vector<1x16xf32> to vector<16xf32>
        %swap3A_1092 = vector.shape_cast %max3A_1087 : vector<16xf32> to vector<1x16xf32>
        tpu.vector_store %arg17[%swap3A_1088, %swap3A_1089], %swap3A_1092 {strides = array<i32>} : memref<80x64xf32, #tpu.memory_space<vmem>>, vector<1x16xf32>,
        %mul3A_1093 = arith.constant 2 : i32
        %mul3A_1094 = arith.muli %mul3A_1093, %scan3A_946 : i32
        %add3A_1095 = arith.constant 1 : i32
        %add3A_1096 = arith.addi %mul3A_1094, %add3A_1095 : i32
        %get3A_1097 = arith.index_cast %add3A_1096 : i32 to index
        %get3A_1098 = arith.constant 48 : index
        %get3A_1099 = tpu.vector_load %arg16[%get3A_1097, %get3A_1098] {strides = array<i32>} : memref<80x64xf32, #tpu.memory_space<vmem>>, vector<1x16xf32>,
        %get3A_1100 = vector.shape_cast %get3A_1099 : vector<1x16xf32> to vector<16xf32>
        %get3A_1101 = arith.index_cast %add3A_1096 : i32 to index
        %get3A_1102 = arith.constant 48 : index
        %get3A_1103 = tpu.vector_load %arg17[%get3A_1101, %get3A_1102] {strides = array<i32>} : memref<80x64xf32, #tpu.memory_space<vmem>>, vector<1x16xf32>,
        %get3A_1104 = vector.shape_cast %get3A_1103 : vector<1x16xf32> to vector<16xf32>
        %add3A_1105 = arith.addf %get3A_1100, %get3A_1104 : vector<16xf32>
        %max3A_1106 = arith.constant 0.000000e+00 : f32
        %max3A_1107 = vector.broadcast %max3A_1106 : f32 to vector<16xf32>
        %max3A_1108 = arith.maximumf %add3A_1105, %max3A_1107 : vector<16xf32>
        %swap3A_1109 = arith.index_cast %add3A_1096 : i32 to index
        %swap3A_1110 = arith.constant 48 : index
        %swap3A_1111 = tpu.vector_load %arg17[%swap3A_1109, %swap3A_1110] {strides = array<i32>} : memref<80x64xf32, #tpu.memory_space<vmem>>, vector<1x16xf32>,
        %swap3A_1112 = vector.shape_cast %swap3A_1111 : vector<1x16xf32> to vector<16xf32>
        %swap3A_1113 = vector.shape_cast %max3A_1108 : vector<16xf32> to vector<1x16xf32>
        tpu.vector_store %arg17[%swap3A_1109, %swap3A_1110], %swap3A_1113 {strides = array<i32>} : memref<80x64xf32, #tpu.memory_space<vmem>>, vector<1x16xf32>,
      }
      %scan3A_735 = arith.constant 40 : i32
      "tpu.region"() ({
        %run_scoped3A = tpu.sem_alloc : memref<!tpu.dma_semaphore, #tpu.memory_space<semaphore_mem>>
        %dma_start3A_946 = arith.constant 0 : i32
        %dma_start3A_947 = arith.constant 0 : i32
        %dma_start3A_948 = tpu.memref_slice %arg18[%dma_start3A_946, %dma_start3A_947] : memref<10240x64xf32, #tpu.memory_space<vmem_shared>> -> memref<10240x64xf32, #tpu.memory_space<vmem_shared>>
        tpu.enqueue_indirect_dma source(%arg17 : memref<80x64xf32, #tpu.memory_space<vmem>>) target(%dma_start3A_948 : memref<10240x64xf32, #tpu.memory_space<vmem_shared>>) offsets(%arg14 : memref<80xi32, #tpu.memory_space<vmem>>) semaphore(%run_scoped3A : memref<!tpu.dma_semaphore, #tpu.memory_space<semaphore_mem>>) {add = true}
        %dma_wait3A_949 = arith.constant 0 : i32
        %dma_wait3A_950 = arith.constant 0 : i32
        %dma_wait3A_951 = tpu.memref_slice %arg18[%dma_wait3A_949, %dma_wait3A_950] : memref<10240x64xf32, #tpu.memory_space<vmem_shared>> -> memref<10240x64xf32, #tpu.memory_space<vmem_shared>>
        tpu.wait_indirect_dma semaphore(%run_scoped3A : memref<!tpu.dma_semaphore, #tpu.memory_space<semaphore_mem>>) src(%arg17 : memref<80x64xf32, #tpu.memory_space<vmem>>) dst(%dma_wait3A_951 : memref<10240x64xf32, #tpu.memory_space<vmem_shared>>)
        tpu.yield
      }) : () -> ()
      %mul3A_736 = arith.constant 2 : i32
      %mul3A_737 = arith.muli %mul3A_736, %scan3A_501 : i32
      %add3A_738 = arith.constant 3 : i32
      %add3A_739 = arith.addi %mul3A_737, %add3A_738 : i32
      %mul3A_740 = arith.constant 80 : i32
      %mul3A_741 = arith.muli %add3A_739, %mul3A_740 : i32
      %add3A_742 = arith.constant 0 : i32
      %add3A_743 = arith.addi %mul3A_741, %add3A_742 : i32
      %get3A_744 = arith.index_cast %add3A_743 : i32 to index
      %get3A_745 = tpu.vector_load %arg6[%get3A_744] {strides = array<i32>} : memref<10000xi32, #tpu.memory_space<vmem>>, vector<16xi32>,
      %get3A_746 = vector.shape_cast %get3A_745 : vector<16xi32> to vector<16xi32>
      %mul3A_747 = arith.constant 2 : i32
      %mul3A_748 = vector.broadcast %mul3A_747 : i32 to vector<16xi32>
      %mul3A_749 = arith.muli %get3A_746, %mul3A_748 : vector<16xi32>
      %add3A_750 = vector.broadcast %arg0 : i32 to vector<16xi32>
      %add3A_751 = arith.addi %mul3A_749, %add3A_750 : vector<16xi32>
      %swap3A_752 = arith.constant 0 : index
      %swap3A_753 = tpu.vector_load %arg13[%swap3A_752] {strides = array<i32>} : memref<80xi32, #tpu.memory_space<vmem>>, vector<16xi32>,
      %swap3A_754 = vector.shape_cast %swap3A_753 : vector<16xi32> to vector<16xi32>
      %swap3A_755 = vector.shape_cast %add3A_751 : vector<16xi32> to vector<16xi32>
      tpu.vector_store %arg13[%swap3A_752], %swap3A_755 {strides = array<i32>} : memref<80xi32, #tpu.memory_space<vmem>>, vector<16xi32>,
      %mul3A_756 = arith.constant 80 : i32
      %mul3A_757 = arith.muli %add3A_739, %mul3A_756 : i32
      %add3A_758 = arith.constant 0 : i32
      %add3A_759 = arith.addi %mul3A_757, %add3A_758 : i32
      %get3A_760 = arith.index_cast %add3A_759 : i32 to index
      %get3A_761 = tpu.vector_load %arg7[%get3A_760] {strides = array<i32>} : memref<10000xi32, #tpu.memory_space<vmem>>, vector<16xi32>,
      %get3A_762 = vector.shape_cast %get3A_761 : vector<16xi32> to vector<16xi32>
      %swap3A_763 = arith.constant 0 : index
      %swap3A_764 = tpu.vector_load %arg14[%swap3A_763] {strides = array<i32>} : memref<80xi32, #tpu.memory_space<vmem>>, vector<16xi32>,
      %swap3A_765 = vector.shape_cast %swap3A_764 : vector<16xi32> to vector<16xi32>
      %swap3A_766 = vector.shape_cast %get3A_762 : vector<16xi32> to vector<16xi32>
      tpu.vector_store %arg14[%swap3A_763], %swap3A_766 {strides = array<i32>} : memref<80xi32, #tpu.memory_space<vmem>>, vector<16xi32>,
      %mul3A_767 = arith.constant 80 : i32
      %mul3A_768 = arith.muli %add3A_739, %mul3A_767 : i32
      %add3A_769 = arith.constant 0 : i32
      %add3A_770 = arith.addi %mul3A_768, %add3A_769 : i32
      %mul3A_771 = arith.constant 2 : i32
      %mul3A_772 = arith.muli %mul3A_771, %add3A_770 : i32
      %add3A_773 = arith.addi %add3A_33, %mul3A_772 : i32
      %add3A_774 = vector.broadcast %add3A_773 : i32 to vector<16xi32>
      %add3A_775 = arith.addi %add3A_774, %mul3A_36 : vector<16xi32>
      %swap3A_776 = arith.constant 0 : index
      %swap3A_777 = tpu.vector_load %arg15[%swap3A_776] {strides = array<i32>} : memref<80xi32, #tpu.memory_space<vmem>>, vector<16xi32>,
      %swap3A_778 = vector.shape_cast %swap3A_777 : vector<16xi32> to vector<16xi32>
      %swap3A_779 = vector.shape_cast %add3A_775 : vector<16xi32> to vector<16xi32>
      tpu.vector_store %arg15[%swap3A_776], %swap3A_779 {strides = array<i32>} : memref<80xi32, #tpu.memory_space<vmem>>, vector<16xi32>,
      %mul3A_780 = arith.constant 80 : i32
      %mul3A_781 = arith.muli %add3A_739, %mul3A_780 : i32
      %add3A_782 = arith.constant 16 : i32
      %add3A_783 = arith.addi %mul3A_781, %add3A_782 : i32
      %get3A_784 = arith.index_cast %add3A_783 : i32 to index
      %get3A_785 = tpu.vector_load %arg6[%get3A_784] {strides = array<i32>} : memref<10000xi32, #tpu.memory_space<vmem>>, vector<16xi32>,
      %get3A_786 = vector.shape_cast %get3A_785 : vector<16xi32> to vector<16xi32>
      %mul3A_787 = arith.constant 2 : i32
      %mul3A_788 = vector.broadcast %mul3A_787 : i32 to vector<16xi32>
      %mul3A_789 = arith.muli %get3A_786, %mul3A_788 : vector<16xi32>
      %add3A_790 = vector.broadcast %arg0 : i32 to vector<16xi32>
      %add3A_791 = arith.addi %mul3A_789, %add3A_790 : vector<16xi32>
      %swap3A_792 = arith.constant 16 : index
      %swap3A_793 = tpu.vector_load %arg13[%swap3A_792] {strides = array<i32>} : memref<80xi32, #tpu.memory_space<vmem>>, vector<16xi32>,
      %swap3A_794 = vector.shape_cast %swap3A_793 : vector<16xi32> to vector<16xi32>
      %swap3A_795 = vector.shape_cast %add3A_791 : vector<16xi32> to vector<16xi32>
      tpu.vector_store %arg13[%swap3A_792], %swap3A_795 {strides = array<i32>} : memref<80xi32, #tpu.memory_space<vmem>>, vector<16xi32>,
      %mul3A_796 = arith.constant 80 : i32
      %mul3A_797 = arith.muli %add3A_739, %mul3A_796 : i32
      %add3A_798 = arith.constant 16 : i32
      %add3A_799 = arith.addi %mul3A_797, %add3A_798 : i32
      %get3A_800 = arith.index_cast %add3A_799 : i32 to index
      %get3A_801 = tpu.vector_load %arg7[%get3A_800] {strides = array<i32>} : memref<10000xi32, #tpu.memory_space<vmem>>, vector<16xi32>,
      %get3A_802 = vector.shape_cast %get3A_801 : vector<16xi32> to vector<16xi32>
      %swap3A_803 = arith.constant 16 : index
      %swap3A_804 = tpu.vector_load %arg14[%swap3A_803] {strides = array<i32>} : memref<80xi32, #tpu.memory_space<vmem>>, vector<16xi32>,
      %swap3A_805 = vector.shape_cast %swap3A_804 : vector<16xi32> to vector<16xi32>
      %swap3A_806 = vector.shape_cast %get3A_802 : vector<16xi32> to vector<16xi32>
      tpu.vector_store %arg14[%swap3A_803], %swap3A_806 {strides = array<i32>} : memref<80xi32, #tpu.memory_space<vmem>>, vector<16xi32>,
      %mul3A_807 = arith.constant 80 : i32
      %mul3A_808 = arith.muli %add3A_739, %mul3A_807 : i32
      %add3A_809 = arith.constant 16 : i32
      %add3A_810 = arith.addi %mul3A_808, %add3A_809 : i32
      %mul3A_811 = arith.constant 2 : i32
      %mul3A_812 = arith.muli %mul3A_811, %add3A_810 : i32
      %add3A_813 = arith.addi %add3A_33, %mul3A_812 : i32
      %add3A_814 = vector.broadcast %add3A_813 : i32 to vector<16xi32>
      %add3A_815 = arith.addi %add3A_814, %mul3A_36 : vector<16xi32>
      %swap3A_816 = arith.constant 16 : index
      %swap3A_817 = tpu.vector_load %arg15[%swap3A_816] {strides = array<i32>} : memref<80xi32, #tpu.memory_space<vmem>>, vector<16xi32>,
      %swap3A_818 = vector.shape_cast %swap3A_817 : vector<16xi32> to vector<16xi32>
      %swap3A_819 = vector.shape_cast %add3A_815 : vector<16xi32> to vector<16xi32>
      tpu.vector_store %arg15[%swap3A_816], %swap3A_819 {strides = array<i32>} : memref<80xi32, #tpu.memory_space<vmem>>, vector<16xi32>,
      %mul3A_820 = arith.constant 80 : i32
      %mul3A_821 = arith.muli %add3A_739, %mul3A_820 : i32
      %add3A_822 = arith.constant 32 : i32
      %add3A_823 = arith.addi %mul3A_821, %add3A_822 : i32
      %get3A_824 = arith.index_cast %add3A_823 : i32 to index
      %get3A_825 = tpu.vector_load %arg6[%get3A_824] {strides = array<i32>} : memref<10000xi32, #tpu.memory_space<vmem>>, vector<16xi32>,
      %get3A_826 = vector.shape_cast %get3A_825 : vector<16xi32> to vector<16xi32>
      %mul3A_827 = arith.constant 2 : i32
      %mul3A_828 = vector.broadcast %mul3A_827 : i32 to vector<16xi32>
      %mul3A_829 = arith.muli %get3A_826, %mul3A_828 : vector<16xi32>
      %add3A_830 = vector.broadcast %arg0 : i32 to vector<16xi32>
      %add3A_831 = arith.addi %mul3A_829, %add3A_830 : vector<16xi32>
      %swap3A_832 = arith.constant 32 : index
      %swap3A_833 = tpu.vector_load %arg13[%swap3A_832] {strides = array<i32>} : memref<80xi32, #tpu.memory_space<vmem>>, vector<16xi32>,
      %swap3A_834 = vector.shape_cast %swap3A_833 : vector<16xi32> to vector<16xi32>
      %swap3A_835 = vector.shape_cast %add3A_831 : vector<16xi32> to vector<16xi32>
      tpu.vector_store %arg13[%swap3A_832], %swap3A_835 {strides = array<i32>} : memref<80xi32, #tpu.memory_space<vmem>>, vector<16xi32>,
      %mul3A_836 = arith.constant 80 : i32
      %mul3A_837 = arith.muli %add3A_739, %mul3A_836 : i32
      %add3A_838 = arith.constant 32 : i32
      %add3A_839 = arith.addi %mul3A_837, %add3A_838 : i32
      %get3A_840 = arith.index_cast %add3A_839 : i32 to index
      %get3A_841 = tpu.vector_load %arg7[%get3A_840] {strides = array<i32>} : memref<10000xi32, #tpu.memory_space<vmem>>, vector<16xi32>,
      %get3A_842 = vector.shape_cast %get3A_841 : vector<16xi32> to vector<16xi32>
      %swap3A_843 = arith.constant 32 : index
      %swap3A_844 = tpu.vector_load %arg14[%swap3A_843] {strides = array<i32>} : memref<80xi32, #tpu.memory_space<vmem>>, vector<16xi32>,
      %swap3A_845 = vector.shape_cast %swap3A_844 : vector<16xi32> to vector<16xi32>
      %swap3A_846 = vector.shape_cast %get3A_842 : vector<16xi32> to vector<16xi32>
      tpu.vector_store %arg14[%swap3A_843], %swap3A_846 {strides = array<i32>} : memref<80xi32, #tpu.memory_space<vmem>>, vector<16xi32>,
      %mul3A_847 = arith.constant 80 : i32
      %mul3A_848 = arith.muli %add3A_739, %mul3A_847 : i32
      %add3A_849 = arith.constant 32 : i32
      %add3A_850 = arith.addi %mul3A_848, %add3A_849 : i32
      %mul3A_851 = arith.constant 2 : i32
      %mul3A_852 = arith.muli %mul3A_851, %add3A_850 : i32
      %add3A_853 = arith.addi %add3A_33, %mul3A_852 : i32
      %add3A_854 = vector.broadcast %add3A_853 : i32 to vector<16xi32>
      %add3A_855 = arith.addi %add3A_854, %mul3A_36 : vector<16xi32>
      %swap3A_856 = arith.constant 32 : index
      %swap3A_857 = tpu.vector_load %arg15[%swap3A_856] {strides = array<i32>} : memref<80xi32, #tpu.memory_space<vmem>>, vector<16xi32>,
      %swap3A_858 = vector.shape_cast %swap3A_857 : vector<16xi32> to vector<16xi32>
      %swap3A_859 = vector.shape_cast %add3A_855 : vector<16xi32> to vector<16xi32>
      tpu.vector_store %arg15[%swap3A_856], %swap3A_859 {strides = array<i32>} : memref<80xi32, #tpu.memory_space<vmem>>, vector<16xi32>,
      %mul3A_860 = arith.constant 80 : i32
      %mul3A_861 = arith.muli %add3A_739, %mul3A_860 : i32
      %add3A_862 = arith.constant 48 : i32
      %add3A_863 = arith.addi %mul3A_861, %add3A_862 : i32
      %get3A_864 = arith.index_cast %add3A_863 : i32 to index
      %get3A_865 = tpu.vector_load %arg6[%get3A_864] {strides = array<i32>} : memref<10000xi32, #tpu.memory_space<vmem>>, vector<16xi32>,
      %get3A_866 = vector.shape_cast %get3A_865 : vector<16xi32> to vector<16xi32>
      %mul3A_867 = arith.constant 2 : i32
      %mul3A_868 = vector.broadcast %mul3A_867 : i32 to vector<16xi32>
      %mul3A_869 = arith.muli %get3A_866, %mul3A_868 : vector<16xi32>
      %add3A_870 = vector.broadcast %arg0 : i32 to vector<16xi32>
      %add3A_871 = arith.addi %mul3A_869, %add3A_870 : vector<16xi32>
      %swap3A_872 = arith.constant 48 : index
      %swap3A_873 = tpu.vector_load %arg13[%swap3A_872] {strides = array<i32>} : memref<80xi32, #tpu.memory_space<vmem>>, vector<16xi32>,
      %swap3A_874 = vector.shape_cast %swap3A_873 : vector<16xi32> to vector<16xi32>
      %swap3A_875 = vector.shape_cast %add3A_871 : vector<16xi32> to vector<16xi32>
      tpu.vector_store %arg13[%swap3A_872], %swap3A_875 {strides = array<i32>} : memref<80xi32, #tpu.memory_space<vmem>>, vector<16xi32>,
      %mul3A_876 = arith.constant 80 : i32
      %mul3A_877 = arith.muli %add3A_739, %mul3A_876 : i32
      %add3A_878 = arith.constant 48 : i32
      %add3A_879 = arith.addi %mul3A_877, %add3A_878 : i32
      %get3A_880 = arith.index_cast %add3A_879 : i32 to index
      %get3A_881 = tpu.vector_load %arg7[%get3A_880] {strides = array<i32>} : memref<10000xi32, #tpu.memory_space<vmem>>, vector<16xi32>,
      %get3A_882 = vector.shape_cast %get3A_881 : vector<16xi32> to vector<16xi32>
      %swap3A_883 = arith.constant 48 : index
      %swap3A_884 = tpu.vector_load %arg14[%swap3A_883] {strides = array<i32>} : memref<80xi32, #tpu.memory_space<vmem>>, vector<16xi32>,
      %swap3A_885 = vector.shape_cast %swap3A_884 : vector<16xi32> to vector<16xi32>
      %swap3A_886 = vector.shape_cast %get3A_882 : vector<16xi32> to vector<16xi32>
      tpu.vector_store %arg14[%swap3A_883], %swap3A_886 {strides = array<i32>} : memref<80xi32, #tpu.memory_space<vmem>>, vector<16xi32>,
      %mul3A_887 = arith.constant 80 : i32
      %mul3A_888 = arith.muli %add3A_739, %mul3A_887 : i32
      %add3A_889 = arith.constant 48 : i32
      %add3A_890 = arith.addi %mul3A_888, %add3A_889 : i32
      %mul3A_891 = arith.constant 2 : i32
      %mul3A_892 = arith.muli %mul3A_891, %add3A_890 : i32
      %add3A_893 = arith.addi %add3A_33, %mul3A_892 : i32
      %add3A_894 = vector.broadcast %add3A_893 : i32 to vector<16xi32>
      %add3A_895 = arith.addi %add3A_894, %mul3A_36 : vector<16xi32>
      %swap3A_896 = arith.constant 48 : index
      %swap3A_897 = tpu.vector_load %arg15[%swap3A_896] {strides = array<i32>} : memref<80xi32, #tpu.memory_space<vmem>>, vector<16xi32>,
      %swap3A_898 = vector.shape_cast %swap3A_897 : vector<16xi32> to vector<16xi32>
      %swap3A_899 = vector.shape_cast %add3A_895 : vector<16xi32> to vector<16xi32>
      tpu.vector_store %arg15[%swap3A_896], %swap3A_899 {strides = array<i32>} : memref<80xi32, #tpu.memory_space<vmem>>, vector<16xi32>,
      %mul3A_900 = arith.constant 80 : i32
      %mul3A_901 = arith.muli %add3A_739, %mul3A_900 : i32
      %add3A_902 = arith.constant 64 : i32
      %add3A_903 = arith.addi %mul3A_901, %add3A_902 : i32
      %get3A_904 = arith.index_cast %add3A_903 : i32 to index
      %get3A_905 = tpu.vector_load %arg6[%get3A_904] {strides = array<i32>} : memref<10000xi32, #tpu.memory_space<vmem>>, vector<16xi32>,
      %get3A_906 = vector.shape_cast %get3A_905 : vector<16xi32> to vector<16xi32>
      %mul3A_907 = arith.constant 2 : i32
      %mul3A_908 = vector.broadcast %mul3A_907 : i32 to vector<16xi32>
      %mul3A_909 = arith.muli %get3A_906, %mul3A_908 : vector<16xi32>
      %add3A_910 = vector.broadcast %arg0 : i32 to vector<16xi32>
      %add3A_911 = arith.addi %mul3A_909, %add3A_910 : vector<16xi32>
      %swap3A_912 = arith.constant 64 : index
      %swap3A_913 = tpu.vector_load %arg13[%swap3A_912] {strides = array<i32>} : memref<80xi32, #tpu.memory_space<vmem>>, vector<16xi32>,
      %swap3A_914 = vector.shape_cast %swap3A_913 : vector<16xi32> to vector<16xi32>
      %swap3A_915 = vector.shape_cast %add3A_911 : vector<16xi32> to vector<16xi32>
      tpu.vector_store %arg13[%swap3A_912], %swap3A_915 {strides = array<i32>} : memref<80xi32, #tpu.memory_space<vmem>>, vector<16xi32>,
      %mul3A_916 = arith.constant 80 : i32
      %mul3A_917 = arith.muli %add3A_739, %mul3A_916 : i32
      %add3A_918 = arith.constant 64 : i32
      %add3A_919 = arith.addi %mul3A_917, %add3A_918 : i32
      %get3A_920 = arith.index_cast %add3A_919 : i32 to index
      %get3A_921 = tpu.vector_load %arg7[%get3A_920] {strides = array<i32>} : memref<10000xi32, #tpu.memory_space<vmem>>, vector<16xi32>,
      %get3A_922 = vector.shape_cast %get3A_921 : vector<16xi32> to vector<16xi32>
      %swap3A_923 = arith.constant 64 : index
      %swap3A_924 = tpu.vector_load %arg14[%swap3A_923] {strides = array<i32>} : memref<80xi32, #tpu.memory_space<vmem>>, vector<16xi32>,
      %swap3A_925 = vector.shape_cast %swap3A_924 : vector<16xi32> to vector<16xi32>
      %swap3A_926 = vector.shape_cast %get3A_922 : vector<16xi32> to vector<16xi32>
      tpu.vector_store %arg14[%swap3A_923], %swap3A_926 {strides = array<i32>} : memref<80xi32, #tpu.memory_space<vmem>>, vector<16xi32>,
      %mul3A_927 = arith.constant 80 : i32
      %mul3A_928 = arith.muli %add3A_739, %mul3A_927 : i32
      %add3A_929 = arith.constant 64 : i32
      %add3A_930 = arith.addi %mul3A_928, %add3A_929 : i32
      %mul3A_931 = arith.constant 2 : i32
      %mul3A_932 = arith.muli %mul3A_931, %add3A_930 : i32
      %add3A_933 = arith.addi %add3A_33, %mul3A_932 : i32
      %add3A_934 = vector.broadcast %add3A_933 : i32 to vector<16xi32>
      %add3A_935 = arith.addi %add3A_934, %mul3A_36 : vector<16xi32>
      %swap3A_936 = arith.constant 64 : index
      %swap3A_937 = tpu.vector_load %arg15[%swap3A_936] {strides = array<i32>} : memref<80xi32, #tpu.memory_space<vmem>>, vector<16xi32>,
      %swap3A_938 = vector.shape_cast %swap3A_937 : vector<16xi32> to vector<16xi32>
      %swap3A_939 = vector.shape_cast %add3A_935 : vector<16xi32> to vector<16xi32>
      tpu.vector_store %arg15[%swap3A_936], %swap3A_939 {strides = array<i32>} : memref<80xi32, #tpu.memory_space<vmem>>, vector<16xi32>,
      %dma_start3A_940 = arith.constant 0 : i32
      %dma_start3A_941 = arith.constant 0 : i32
      %dma_start3A_942 = tpu.memref_slice %arg2[%dma_start3A_940, %dma_start3A_941] : memref<20000x64xf32, #tpu.memory_space<hbm>> -> memref<20000x64xf32, #tpu.memory_space<hbm>>
      tpu.enqueue_indirect_dma source(%dma_start3A_942 : memref<20000x64xf32, #tpu.memory_space<hbm>>) target(%arg16 : memref<80x64xf32, #tpu.memory_space<vmem>>) offsets(%arg13 : memref<80xi32, #tpu.memory_space<vmem>>) semaphore(%arg21 : memref<!tpu.dma_semaphore, #tpu.memory_space<semaphore_mem>>)
      %dma_start3A_943 = arith.constant 0 : i32
      %dma_start3A_944 = arith.constant 0 : i32
      %dma_start3A_945 = tpu.memref_slice %arg4[%dma_start3A_943, %dma_start3A_944] : memref<320000x64xf32, #tpu.memory_space<hbm>> -> memref<320000x64xf32, #tpu.memory_space<hbm>>
      tpu.enqueue_indirect_dma source(%dma_start3A_945 : memref<320000x64xf32, #tpu.memory_space<hbm>>) target(%arg17 : memref<80x64xf32, #tpu.memory_space<vmem>>) offsets(%arg15 : memref<80xi32, #tpu.memory_space<vmem>>) semaphore(%arg22 : memref<!tpu.dma_semaphore, #tpu.memory_space<semaphore_mem>>)
    }
    %scan3A_321 = arith.constant 61 : i32
    %dma_wait3A = arith.constant 0 : i32
    %dma_wait3A_322 = arith.constant 0 : i32
    %dma_wait3A_323 = tpu.memref_slice %arg2[%dma_wait3A, %dma_wait3A_322] : memref<20000x64xf32, #tpu.memory_space<hbm>> -> memref<20000x64xf32, #tpu.memory_space<hbm>>
    tpu.wait_indirect_dma semaphore(%arg19 : memref<!tpu.dma_semaphore, #tpu.memory_space<semaphore_mem>>) src(%dma_wait3A_323 : memref<20000x64xf32, #tpu.memory_space<hbm>>) dst(%arg11 : memref<80x64xf32, #tpu.memory_space<vmem>>)
    %dma_wait3A_324 = arith.constant 0 : i32
    %dma_wait3A_325 = arith.constant 0 : i32
    %dma_wait3A_326 = tpu.memref_slice %arg4[%dma_wait3A_324, %dma_wait3A_325] : memref<320000x64xf32, #tpu.memory_space<hbm>> -> memref<320000x64xf32, #tpu.memory_space<hbm>>
    tpu.wait_indirect_dma semaphore(%arg20 : memref<!tpu.dma_semaphore, #tpu.memory_space<semaphore_mem>>) src(%dma_wait3A_326 : memref<320000x64xf32, #tpu.memory_space<hbm>>) dst(%arg12 : memref<80x64xf32, #tpu.memory_space<vmem>>)
    %scan3A_327 = arith.constant 0 : i32
    %scan3A_328 = arith.constant 0 : i32
    %scan3A_329 = arith.constant 40 : i32
    %scan3A_330 = arith.addi %scan3A_328, %scan3A_329 : i32
    %scan3A_331 = arith.constant 1 : i32
    scf.for %scan3A_501 = %scan3A_328 to %scan3A_330 step %scan3A_331  : i32 {
      %mul3A_502 = arith.constant 2 : i32
      %mul3A_503 = arith.muli %mul3A_502, %scan3A_501 : i32
      %add3A_504 = arith.constant 0 : i32
      %add3A_505 = arith.addi %mul3A_503, %add3A_504 : i32
      %get3A_506 = arith.index_cast %add3A_505 : i32 to index
      %get3A_507 = arith.constant 0 : index
      %get3A_508 = tpu.vector_load %arg11[%get3A_506, %get3A_507] {strides = array<i32>} : memref<80x64xf32, #tpu.memory_space<vmem>>, vector<1x16xf32>,
      %get3A_509 = vector.shape_cast %get3A_508 : vector<1x16xf32> to vector<16xf32>
      %get3A_510 = arith.index_cast %add3A_505 : i32 to index
      %get3A_511 = arith.constant 0 : index
      %get3A_512 = tpu.vector_load %arg12[%get3A_510, %get3A_511] {strides = array<i32>} : memref<80x64xf32, #tpu.memory_space<vmem>>, vector<1x16xf32>,
      %get3A_513 = vector.shape_cast %get3A_512 : vector<1x16xf32> to vector<16xf32>
      %add3A_514 = arith.addf %get3A_509, %get3A_513 : vector<16xf32>
      %max3A = arith.constant 0.000000e+00 : f32
      %max3A_515 = vector.broadcast %max3A : f32 to vector<16xf32>
      %max3A_516 = arith.maximumf %add3A_514, %max3A_515 : vector<16xf32>
      %swap3A_517 = arith.index_cast %add3A_505 : i32 to index
      %swap3A_518 = arith.constant 0 : index
      %swap3A_519 = tpu.vector_load %arg12[%swap3A_517, %swap3A_518] {strides = array<i32>} : memref<80x64xf32, #tpu.memory_space<vmem>>, vector<1x16xf32>,
      %swap3A_520 = vector.shape_cast %swap3A_519 : vector<1x16xf32> to vector<16xf32>
      %swap3A_521 = vector.shape_cast %max3A_516 : vector<16xf32> to vector<1x16xf32>
      tpu.vector_store %arg12[%swap3A_517, %swap3A_518], %swap3A_521 {strides = array<i32>} : memref<80x64xf32, #tpu.memory_space<vmem>>, vector<1x16xf32>,
      %mul3A_522 = arith.constant 2 : i32
      %mul3A_523 = arith.muli %mul3A_522, %scan3A_501 : i32
      %add3A_524 = arith.constant 0 : i32
      %add3A_525 = arith.addi %mul3A_523, %add3A_524 : i32
      %get3A_526 = arith.index_cast %add3A_525 : i32 to index
      %get3A_527 = arith.constant 16 : index
      %get3A_528 = tpu.vector_load %arg11[%get3A_526, %get3A_527] {strides = array<i32>} : memref<80x64xf32, #tpu.memory_space<vmem>>, vector<1x16xf32>,
      %get3A_529 = vector.shape_cast %get3A_528 : vector<1x16xf32> to vector<16xf32>
      %get3A_530 = arith.index_cast %add3A_525 : i32 to index
      %get3A_531 = arith.constant 16 : index
      %get3A_532 = tpu.vector_load %arg12[%get3A_530, %get3A_531] {strides = array<i32>} : memref<80x64xf32, #tpu.memory_space<vmem>>, vector<1x16xf32>,
      %get3A_533 = vector.shape_cast %get3A_532 : vector<1x16xf32> to vector<16xf32>
      %add3A_534 = arith.addf %get3A_529, %get3A_533 : vector<16xf32>
      %max3A_535 = arith.constant 0.000000e+00 : f32
      %max3A_536 = vector.broadcast %max3A_535 : f32 to vector<16xf32>
      %max3A_537 = arith.maximumf %add3A_534, %max3A_536 : vector<16xf32>
      %swap3A_538 = arith.index_cast %add3A_525 : i32 to index
      %swap3A_539 = arith.constant 16 : index
      %swap3A_540 = tpu.vector_load %arg12[%swap3A_538, %swap3A_539] {strides = array<i32>} : memref<80x64xf32, #tpu.memory_space<vmem>>, vector<1x16xf32>,
      %swap3A_541 = vector.shape_cast %swap3A_540 : vector<1x16xf32> to vector<16xf32>
      %swap3A_542 = vector.shape_cast %max3A_537 : vector<16xf32> to vector<1x16xf32>
      tpu.vector_store %arg12[%swap3A_538, %swap3A_539], %swap3A_542 {strides = array<i32>} : memref<80x64xf32, #tpu.memory_space<vmem>>, vector<1x16xf32>,
      %mul3A_543 = arith.constant 2 : i32
      %mul3A_544 = arith.muli %mul3A_543, %scan3A_501 : i32
      %add3A_545 = arith.constant 0 : i32
      %add3A_546 = arith.addi %mul3A_544, %add3A_545 : i32
      %get3A_547 = arith.index_cast %add3A_546 : i32 to index
      %get3A_548 = arith.constant 32 : index
      %get3A_549 = tpu.vector_load %arg11[%get3A_547, %get3A_548] {strides = array<i32>} : memref<80x64xf32, #tpu.memory_space<vmem>>, vector<1x16xf32>,
      %get3A_550 = vector.shape_cast %get3A_549 : vector<1x16xf32> to vector<16xf32>
      %get3A_551 = arith.index_cast %add3A_546 : i32 to index
      %get3A_552 = arith.constant 32 : index
      %get3A_553 = tpu.vector_load %arg12[%get3A_551, %get3A_552] {strides = array<i32>} : memref<80x64xf32, #tpu.memory_space<vmem>>, vector<1x16xf32>,
      %get3A_554 = vector.shape_cast %get3A_553 : vector<1x16xf32> to vector<16xf32>
      %add3A_555 = arith.addf %get3A_550, %get3A_554 : vector<16xf32>
      %max3A_556 = arith.constant 0.000000e+00 : f32
      %max3A_557 = vector.broadcast %max3A_556 : f32 to vector<16xf32>
      %max3A_558 = arith.maximumf %add3A_555, %max3A_557 : vector<16xf32>
      %swap3A_559 = arith.index_cast %add3A_546 : i32 to index
      %swap3A_560 = arith.constant 32 : index
      %swap3A_561 = tpu.vector_load %arg12[%swap3A_559, %swap3A_560] {strides = array<i32>} : memref<80x64xf32, #tpu.memory_space<vmem>>, vector<1x16xf32>,
      %swap3A_562 = vector.shape_cast %swap3A_561 : vector<1x16xf32> to vector<16xf32>
      %swap3A_563 = vector.shape_cast %max3A_558 : vector<16xf32> to vector<1x16xf32>
      tpu.vector_store %arg12[%swap3A_559, %swap3A_560], %swap3A_563 {strides = array<i32>} : memref<80x64xf32, #tpu.memory_space<vmem>>, vector<1x16xf32>,
      %mul3A_564 = arith.constant 2 : i32
      %mul3A_565 = arith.muli %mul3A_564, %scan3A_501 : i32
      %add3A_566 = arith.constant 0 : i32
      %add3A_567 = arith.addi %mul3A_565, %add3A_566 : i32
      %get3A_568 = arith.index_cast %add3A_567 : i32 to index
      %get3A_569 = arith.constant 48 : index
      %get3A_570 = tpu.vector_load %arg11[%get3A_568, %get3A_569] {strides = array<i32>} : memref<80x64xf32, #tpu.memory_space<vmem>>, vector<1x16xf32>,
      %get3A_571 = vector.shape_cast %get3A_570 : vector<1x16xf32> to vector<16xf32>
      %get3A_572 = arith.index_cast %add3A_567 : i32 to index
      %get3A_573 = arith.constant 48 : index
      %get3A_574 = tpu.vector_load %arg12[%get3A_572, %get3A_573] {strides = array<i32>} : memref<80x64xf32, #tpu.memory_space<vmem>>, vector<1x16xf32>,
      %get3A_575 = vector.shape_cast %get3A_574 : vector<1x16xf32> to vector<16xf32>
      %add3A_576 = arith.addf %get3A_571, %get3A_575 : vector<16xf32>
      %max3A_577 = arith.constant 0.000000e+00 : f32
      %max3A_578 = vector.broadcast %max3A_577 : f32 to vector<16xf32>
      %max3A_579 = arith.maximumf %add3A_576, %max3A_578 : vector<16xf32>
      %swap3A_580 = arith.index_cast %add3A_567 : i32 to index
      %swap3A_581 = arith.constant 48 : index
      %swap3A_582 = tpu.vector_load %arg12[%swap3A_580, %swap3A_581] {strides = array<i32>} : memref<80x64xf32, #tpu.memory_space<vmem>>, vector<1x16xf32>,
      %swap3A_583 = vector.shape_cast %swap3A_582 : vector<1x16xf32> to vector<16xf32>
      %swap3A_584 = vector.shape_cast %max3A_579 : vector<16xf32> to vector<1x16xf32>
      tpu.vector_store %arg12[%swap3A_580, %swap3A_581], %swap3A_584 {strides = array<i32>} : memref<80x64xf32, #tpu.memory_space<vmem>>, vector<1x16xf32>,
      %mul3A_585 = arith.constant 2 : i32
      %mul3A_586 = arith.muli %mul3A_585, %scan3A_501 : i32
      %add3A_587 = arith.constant 1 : i32
      %add3A_588 = arith.addi %mul3A_586, %add3A_587 : i32
      %get3A_589 = arith.index_cast %add3A_588 : i32 to index
      %get3A_590 = arith.constant 0 : index
      %get3A_591 = tpu.vector_load %arg11[%get3A_589, %get3A_590] {strides = array<i32>} : memref<80x64xf32, #tpu.memory_space<vmem>>, vector<1x16xf32>,
      %get3A_592 = vector.shape_cast %get3A_591 : vector<1x16xf32> to vector<16xf32>
      %get3A_593 = arith.index_cast %add3A_588 : i32 to index
      %get3A_594 = arith.constant 0 : index
      %get3A_595 = tpu.vector_load %arg12[%get3A_593, %get3A_594] {strides = array<i32>} : memref<80x64xf32, #tpu.memory_space<vmem>>, vector<1x16xf32>,
      %get3A_596 = vector.shape_cast %get3A_595 : vector<1x16xf32> to vector<16xf32>
      %add3A_597 = arith.addf %get3A_592, %get3A_596 : vector<16xf32>
      %max3A_598 = arith.constant 0.000000e+00 : f32
      %max3A_599 = vector.broadcast %max3A_598 : f32 to vector<16xf32>
      %max3A_600 = arith.maximumf %add3A_597, %max3A_599 : vector<16xf32>
      %swap3A_601 = arith.index_cast %add3A_588 : i32 to index
      %swap3A_602 = arith.constant 0 : index
      %swap3A_603 = tpu.vector_load %arg12[%swap3A_601, %swap3A_602] {strides = array<i32>} : memref<80x64xf32, #tpu.memory_space<vmem>>, vector<1x16xf32>,
      %swap3A_604 = vector.shape_cast %swap3A_603 : vector<1x16xf32> to vector<16xf32>
      %swap3A_605 = vector.shape_cast %max3A_600 : vector<16xf32> to vector<1x16xf32>
      tpu.vector_store %arg12[%swap3A_601, %swap3A_602], %swap3A_605 {strides = array<i32>} : memref<80x64xf32, #tpu.memory_space<vmem>>, vector<1x16xf32>,
      %mul3A_606 = arith.constant 2 : i32
      %mul3A_607 = arith.muli %mul3A_606, %scan3A_501 : i32
      %add3A_608 = arith.constant 1 : i32
      %add3A_609 = arith.addi %mul3A_607, %add3A_608 : i32
      %get3A_610 = arith.index_cast %add3A_609 : i32 to index
      %get3A_611 = arith.constant 16 : index
      %get3A_612 = tpu.vector_load %arg11[%get3A_610, %get3A_611] {strides = array<i32>} : memref<80x64xf32, #tpu.memory_space<vmem>>, vector<1x16xf32>,
      %get3A_613 = vector.shape_cast %get3A_612 : vector<1x16xf32> to vector<16xf32>
      %get3A_614 = arith.index_cast %add3A_609 : i32 to index
      %get3A_615 = arith.constant 16 : index
      %get3A_616 = tpu.vector_load %arg12[%get3A_614, %get3A_615] {strides = array<i32>} : memref<80x64xf32, #tpu.memory_space<vmem>>, vector<1x16xf32>,
      %get3A_617 = vector.shape_cast %get3A_616 : vector<1x16xf32> to vector<16xf32>
      %add3A_618 = arith.addf %get3A_613, %get3A_617 : vector<16xf32>
      %max3A_619 = arith.constant 0.000000e+00 : f32
      %max3A_620 = vector.broadcast %max3A_619 : f32 to vector<16xf32>
      %max3A_621 = arith.maximumf %add3A_618, %max3A_620 : vector<16xf32>
      %swap3A_622 = arith.index_cast %add3A_609 : i32 to index
      %swap3A_623 = arith.constant 16 : index
      %swap3A_624 = tpu.vector_load %arg12[%swap3A_622, %swap3A_623] {strides = array<i32>} : memref<80x64xf32, #tpu.memory_space<vmem>>, vector<1x16xf32>,
      %swap3A_625 = vector.shape_cast %swap3A_624 : vector<1x16xf32> to vector<16xf32>
      %swap3A_626 = vector.shape_cast %max3A_621 : vector<16xf32> to vector<1x16xf32>
      tpu.vector_store %arg12[%swap3A_622, %swap3A_623], %swap3A_626 {strides = array<i32>} : memref<80x64xf32, #tpu.memory_space<vmem>>, vector<1x16xf32>,
      %mul3A_627 = arith.constant 2 : i32
      %mul3A_628 = arith.muli %mul3A_627, %scan3A_501 : i32
      %add3A_629 = arith.constant 1 : i32
      %add3A_630 = arith.addi %mul3A_628, %add3A_629 : i32
      %get3A_631 = arith.index_cast %add3A_630 : i32 to index
      %get3A_632 = arith.constant 32 : index
      %get3A_633 = tpu.vector_load %arg11[%get3A_631, %get3A_632] {strides = array<i32>} : memref<80x64xf32, #tpu.memory_space<vmem>>, vector<1x16xf32>,
      %get3A_634 = vector.shape_cast %get3A_633 : vector<1x16xf32> to vector<16xf32>
      %get3A_635 = arith.index_cast %add3A_630 : i32 to index
      %get3A_636 = arith.constant 32 : index
      %get3A_637 = tpu.vector_load %arg12[%get3A_635, %get3A_636] {strides = array<i32>} : memref<80x64xf32, #tpu.memory_space<vmem>>, vector<1x16xf32>,
      %get3A_638 = vector.shape_cast %get3A_637 : vector<1x16xf32> to vector<16xf32>
      %add3A_639 = arith.addf %get3A_634, %get3A_638 : vector<16xf32>
      %max3A_640 = arith.constant 0.000000e+00 : f32
      %max3A_641 = vector.broadcast %max3A_640 : f32 to vector<16xf32>
      %max3A_642 = arith.maximumf %add3A_639, %max3A_641 : vector<16xf32>
      %swap3A_643 = arith.index_cast %add3A_630 : i32 to index
      %swap3A_644 = arith.constant 32 : index
      %swap3A_645 = tpu.vector_load %arg12[%swap3A_643, %swap3A_644] {strides = array<i32>} : memref<80x64xf32, #tpu.memory_space<vmem>>, vector<1x16xf32>,
      %swap3A_646 = vector.shape_cast %swap3A_645 : vector<1x16xf32> to vector<16xf32>
      %swap3A_647 = vector.shape_cast %max3A_642 : vector<16xf32> to vector<1x16xf32>
      tpu.vector_store %arg12[%swap3A_643, %swap3A_644], %swap3A_647 {strides = array<i32>} : memref<80x64xf32, #tpu.memory_space<vmem>>, vector<1x16xf32>,
      %mul3A_648 = arith.constant 2 : i32
      %mul3A_649 = arith.muli %mul3A_648, %scan3A_501 : i32
      %add3A_650 = arith.constant 1 : i32
      %add3A_651 = arith.addi %mul3A_649, %add3A_650 : i32
      %get3A_652 = arith.index_cast %add3A_651 : i32 to index
      %get3A_653 = arith.constant 48 : index
      %get3A_654 = tpu.vector_load %arg11[%get3A_652, %get3A_653] {strides = array<i32>} : memref<80x64xf32, #tpu.memory_space<vmem>>, vector<1x16xf32>,
      %get3A_655 = vector.shape_cast %get3A_654 : vector<1x16xf32> to vector<16xf32>
      %get3A_656 = arith.index_cast %add3A_651 : i32 to index
      %get3A_657 = arith.constant 48 : index
      %get3A_658 = tpu.vector_load %arg12[%get3A_656, %get3A_657] {strides = array<i32>} : memref<80x64xf32, #tpu.memory_space<vmem>>, vector<1x16xf32>,
      %get3A_659 = vector.shape_cast %get3A_658 : vector<1x16xf32> to vector<16xf32>
      %add3A_660 = arith.addf %get3A_655, %get3A_659 : vector<16xf32>
      %max3A_661 = arith.constant 0.000000e+00 : f32
      %max3A_662 = vector.broadcast %max3A_661 : f32 to vector<16xf32>
      %max3A_663 = arith.maximumf %add3A_660, %max3A_662 : vector<16xf32>
      %swap3A_664 = arith.index_cast %add3A_651 : i32 to index
      %swap3A_665 = arith.constant 48 : index
      %swap3A_666 = tpu.vector_load %arg12[%swap3A_664, %swap3A_665] {strides = array<i32>} : memref<80x64xf32, #tpu.memory_space<vmem>>, vector<1x16xf32>,
      %swap3A_667 = vector.shape_cast %swap3A_666 : vector<1x16xf32> to vector<16xf32>
      %swap3A_668 = vector.shape_cast %max3A_663 : vector<16xf32> to vector<1x16xf32>
      tpu.vector_store %arg12[%swap3A_664, %swap3A_665], %swap3A_668 {strides = array<i32>} : memref<80x64xf32, #tpu.memory_space<vmem>>, vector<1x16xf32>,
    }
    %scan3A_332 = arith.constant 40 : i32
    "tpu.region"() ({
      %run_scoped3A = tpu.sem_alloc : memref<!tpu.dma_semaphore, #tpu.memory_space<semaphore_mem>>
      %dma_start3A_501 = arith.constant 0 : i32
      %dma_start3A_502 = arith.constant 0 : i32
      %dma_start3A_503 = tpu.memref_slice %arg18[%dma_start3A_501, %dma_start3A_502] : memref<10240x64xf32, #tpu.memory_space<vmem_shared>> -> memref<10240x64xf32, #tpu.memory_space<vmem_shared>>
      tpu.enqueue_indirect_dma source(%arg12 : memref<80x64xf32, #tpu.memory_space<vmem>>) target(%dma_start3A_503 : memref<10240x64xf32, #tpu.memory_space<vmem_shared>>) offsets(%arg9 : memref<80xi32, #tpu.memory_space<vmem>>) semaphore(%run_scoped3A : memref<!tpu.dma_semaphore, #tpu.memory_space<semaphore_mem>>) {add = true}
      %dma_wait3A_504 = arith.constant 0 : i32
      %dma_wait3A_505 = arith.constant 0 : i32
      %dma_wait3A_506 = tpu.memref_slice %arg18[%dma_wait3A_504, %dma_wait3A_505] : memref<10240x64xf32, #tpu.memory_space<vmem_shared>> -> memref<10240x64xf32, #tpu.memory_space<vmem_shared>>
      tpu.wait_indirect_dma semaphore(%run_scoped3A : memref<!tpu.dma_semaphore, #tpu.memory_space<semaphore_mem>>) src(%arg12 : memref<80x64xf32, #tpu.memory_space<vmem>>) dst(%dma_wait3A_506 : memref<10240x64xf32, #tpu.memory_space<vmem_shared>>)
      tpu.yield
    }) : () -> ()
    %get3A_333 = arith.constant 9920 : index
    %get3A_334 = tpu.vector_load %arg6[%get3A_333] {strides = array<i32>} : memref<10000xi32, #tpu.memory_space<vmem>>, vector<16xi32>,
    %get3A_335 = vector.shape_cast %get3A_334 : vector<16xi32> to vector<16xi32>
    %mul3A_336 = arith.constant 2 : i32
    %mul3A_337 = vector.broadcast %mul3A_336 : i32 to vector<16xi32>
    %mul3A_338 = arith.muli %get3A_335, %mul3A_337 : vector<16xi32>
    %add3A_339 = vector.broadcast %arg0 : i32 to vector<16xi32>
    %add3A_340 = arith.addi %mul3A_338, %add3A_339 : vector<16xi32>
    %swap3A_341 = arith.constant 0 : index
    %swap3A_342 = tpu.vector_load %arg8[%swap3A_341] {strides = array<i32>} : memref<80xi32, #tpu.memory_space<vmem>>, vector<16xi32>,
    %swap3A_343 = vector.shape_cast %swap3A_342 : vector<16xi32> to vector<16xi32>
    %swap3A_344 = vector.shape_cast %add3A_340 : vector<16xi32> to vector<16xi32>
    tpu.vector_store %arg8[%swap3A_341], %swap3A_344 {strides = array<i32>} : memref<80xi32, #tpu.memory_space<vmem>>, vector<16xi32>,
    %get3A_345 = arith.constant 9920 : index
    %get3A_346 = tpu.vector_load %arg7[%get3A_345] {strides = array<i32>} : memref<10000xi32, #tpu.memory_space<vmem>>, vector<16xi32>,
    %get3A_347 = vector.shape_cast %get3A_346 : vector<16xi32> to vector<16xi32>
    %swap3A_348 = arith.constant 0 : index
    %swap3A_349 = tpu.vector_load %arg9[%swap3A_348] {strides = array<i32>} : memref<80xi32, #tpu.memory_space<vmem>>, vector<16xi32>,
    %swap3A_350 = vector.shape_cast %swap3A_349 : vector<16xi32> to vector<16xi32>
    %swap3A_351 = vector.shape_cast %get3A_347 : vector<16xi32> to vector<16xi32>
    tpu.vector_store %arg9[%swap3A_348], %swap3A_351 {strides = array<i32>} : memref<80xi32, #tpu.memory_space<vmem>>, vector<16xi32>,
    %add3A_352 = arith.constant 19840 : i32
    %add3A_353 = arith.addi %add3A_33, %add3A_352 : i32
    %add3A_354 = vector.broadcast %add3A_353 : i32 to vector<16xi32>
    %add3A_355 = arith.addi %add3A_354, %mul3A_36 : vector<16xi32>
    %swap3A_356 = arith.constant 0 : index
    %swap3A_357 = tpu.vector_load %arg10[%swap3A_356] {strides = array<i32>} : memref<80xi32, #tpu.memory_space<vmem>>, vector<16xi32>,
    %swap3A_358 = vector.shape_cast %swap3A_357 : vector<16xi32> to vector<16xi32>
    %swap3A_359 = vector.shape_cast %add3A_355 : vector<16xi32> to vector<16xi32>
    tpu.vector_store %arg10[%swap3A_356], %swap3A_359 {strides = array<i32>} : memref<80xi32, #tpu.memory_space<vmem>>, vector<16xi32>,
    %get3A_360 = arith.constant 9936 : index
    %get3A_361 = tpu.vector_load %arg6[%get3A_360] {strides = array<i32>} : memref<10000xi32, #tpu.memory_space<vmem>>, vector<16xi32>,
    %get3A_362 = vector.shape_cast %get3A_361 : vector<16xi32> to vector<16xi32>
    %mul3A_363 = arith.constant 2 : i32
    %mul3A_364 = vector.broadcast %mul3A_363 : i32 to vector<16xi32>
    %mul3A_365 = arith.muli %get3A_362, %mul3A_364 : vector<16xi32>
    %add3A_366 = vector.broadcast %arg0 : i32 to vector<16xi32>
    %add3A_367 = arith.addi %mul3A_365, %add3A_366 : vector<16xi32>
    %swap3A_368 = arith.constant 16 : index
    %swap3A_369 = tpu.vector_load %arg8[%swap3A_368] {strides = array<i32>} : memref<80xi32, #tpu.memory_space<vmem>>, vector<16xi32>,
    %swap3A_370 = vector.shape_cast %swap3A_369 : vector<16xi32> to vector<16xi32>
    %swap3A_371 = vector.shape_cast %add3A_367 : vector<16xi32> to vector<16xi32>
    tpu.vector_store %arg8[%swap3A_368], %swap3A_371 {strides = array<i32>} : memref<80xi32, #tpu.memory_space<vmem>>, vector<16xi32>,
    %get3A_372 = arith.constant 9936 : index
    %get3A_373 = tpu.vector_load %arg7[%get3A_372] {strides = array<i32>} : memref<10000xi32, #tpu.memory_space<vmem>>, vector<16xi32>,
    %get3A_374 = vector.shape_cast %get3A_373 : vector<16xi32> to vector<16xi32>
    %swap3A_375 = arith.constant 16 : index
    %swap3A_376 = tpu.vector_load %arg9[%swap3A_375] {strides = array<i32>} : memref<80xi32, #tpu.memory_space<vmem>>, vector<16xi32>,
    %swap3A_377 = vector.shape_cast %swap3A_376 : vector<16xi32> to vector<16xi32>
    %swap3A_378 = vector.shape_cast %get3A_374 : vector<16xi32> to vector<16xi32>
    tpu.vector_store %arg9[%swap3A_375], %swap3A_378 {strides = array<i32>} : memref<80xi32, #tpu.memory_space<vmem>>, vector<16xi32>,
    %add3A_379 = arith.constant 19872 : i32
    %add3A_380 = arith.addi %add3A_33, %add3A_379 : i32
    %add3A_381 = vector.broadcast %add3A_380 : i32 to vector<16xi32>
    %add3A_382 = arith.addi %add3A_381, %mul3A_36 : vector<16xi32>
    %swap3A_383 = arith.constant 16 : index
    %swap3A_384 = tpu.vector_load %arg10[%swap3A_383] {strides = array<i32>} : memref<80xi32, #tpu.memory_space<vmem>>, vector<16xi32>,
    %swap3A_385 = vector.shape_cast %swap3A_384 : vector<16xi32> to vector<16xi32>
    %swap3A_386 = vector.shape_cast %add3A_382 : vector<16xi32> to vector<16xi32>
    tpu.vector_store %arg10[%swap3A_383], %swap3A_386 {strides = array<i32>} : memref<80xi32, #tpu.memory_space<vmem>>, vector<16xi32>,
    %get3A_387 = arith.constant 9952 : index
    %get3A_388 = tpu.vector_load %arg6[%get3A_387] {strides = array<i32>} : memref<10000xi32, #tpu.memory_space<vmem>>, vector<16xi32>,
    %get3A_389 = vector.shape_cast %get3A_388 : vector<16xi32> to vector<16xi32>
    %mul3A_390 = arith.constant 2 : i32
    %mul3A_391 = vector.broadcast %mul3A_390 : i32 to vector<16xi32>
    %mul3A_392 = arith.muli %get3A_389, %mul3A_391 : vector<16xi32>
    %add3A_393 = vector.broadcast %arg0 : i32 to vector<16xi32>
    %add3A_394 = arith.addi %mul3A_392, %add3A_393 : vector<16xi32>
    %swap3A_395 = arith.constant 32 : index
    %swap3A_396 = tpu.vector_load %arg8[%swap3A_395] {strides = array<i32>} : memref<80xi32, #tpu.memory_space<vmem>>, vector<16xi32>,
    %swap3A_397 = vector.shape_cast %swap3A_396 : vector<16xi32> to vector<16xi32>
    %swap3A_398 = vector.shape_cast %add3A_394 : vector<16xi32> to vector<16xi32>
    tpu.vector_store %arg8[%swap3A_395], %swap3A_398 {strides = array<i32>} : memref<80xi32, #tpu.memory_space<vmem>>, vector<16xi32>,
    %get3A_399 = arith.constant 9952 : index
    %get3A_400 = tpu.vector_load %arg7[%get3A_399] {strides = array<i32>} : memref<10000xi32, #tpu.memory_space<vmem>>, vector<16xi32>,
    %get3A_401 = vector.shape_cast %get3A_400 : vector<16xi32> to vector<16xi32>
    %swap3A_402 = arith.constant 32 : index
    %swap3A_403 = tpu.vector_load %arg9[%swap3A_402] {strides = array<i32>} : memref<80xi32, #tpu.memory_space<vmem>>, vector<16xi32>,
    %swap3A_404 = vector.shape_cast %swap3A_403 : vector<16xi32> to vector<16xi32>
    %swap3A_405 = vector.shape_cast %get3A_401 : vector<16xi32> to vector<16xi32>
    tpu.vector_store %arg9[%swap3A_402], %swap3A_405 {strides = array<i32>} : memref<80xi32, #tpu.memory_space<vmem>>, vector<16xi32>,
    %add3A_406 = arith.constant 19904 : i32
    %add3A_407 = arith.addi %add3A_33, %add3A_406 : i32
    %add3A_408 = vector.broadcast %add3A_407 : i32 to vector<16xi32>
    %add3A_409 = arith.addi %add3A_408, %mul3A_36 : vector<16xi32>
    %swap3A_410 = arith.constant 32 : index
    %swap3A_411 = tpu.vector_load %arg10[%swap3A_410] {strides = array<i32>} : memref<80xi32, #tpu.memory_space<vmem>>, vector<16xi32>,
    %swap3A_412 = vector.shape_cast %swap3A_411 : vector<16xi32> to vector<16xi32>
    %swap3A_413 = vector.shape_cast %add3A_409 : vector<16xi32> to vector<16xi32>
    tpu.vector_store %arg10[%swap3A_410], %swap3A_413 {strides = array<i32>} : memref<80xi32, #tpu.memory_space<vmem>>, vector<16xi32>,
    %get3A_414 = arith.constant 9968 : index
    %get3A_415 = tpu.vector_load %arg6[%get3A_414] {strides = array<i32>} : memref<10000xi32, #tpu.memory_space<vmem>>, vector<16xi32>,
    %get3A_416 = vector.shape_cast %get3A_415 : vector<16xi32> to vector<16xi32>
    %mul3A_417 = arith.constant 2 : i32
    %mul3A_418 = vector.broadcast %mul3A_417 : i32 to vector<16xi32>
    %mul3A_419 = arith.muli %get3A_416, %mul3A_418 : vector<16xi32>
    %add3A_420 = vector.broadcast %arg0 : i32 to vector<16xi32>
    %add3A_421 = arith.addi %mul3A_419, %add3A_420 : vector<16xi32>
    %swap3A_422 = arith.constant 48 : index
    %swap3A_423 = tpu.vector_load %arg8[%swap3A_422] {strides = array<i32>} : memref<80xi32, #tpu.memory_space<vmem>>, vector<16xi32>,
    %swap3A_424 = vector.shape_cast %swap3A_423 : vector<16xi32> to vector<16xi32>
    %swap3A_425 = vector.shape_cast %add3A_421 : vector<16xi32> to vector<16xi32>
    tpu.vector_store %arg8[%swap3A_422], %swap3A_425 {strides = array<i32>} : memref<80xi32, #tpu.memory_space<vmem>>, vector<16xi32>,
    %get3A_426 = arith.constant 9968 : index
    %get3A_427 = tpu.vector_load %arg7[%get3A_426] {strides = array<i32>} : memref<10000xi32, #tpu.memory_space<vmem>>, vector<16xi32>,
    %get3A_428 = vector.shape_cast %get3A_427 : vector<16xi32> to vector<16xi32>
    %swap3A_429 = arith.constant 48 : index
    %swap3A_430 = tpu.vector_load %arg9[%swap3A_429] {strides = array<i32>} : memref<80xi32, #tpu.memory_space<vmem>>, vector<16xi32>,
    %swap3A_431 = vector.shape_cast %swap3A_430 : vector<16xi32> to vector<16xi32>
    %swap3A_432 = vector.shape_cast %get3A_428 : vector<16xi32> to vector<16xi32>
    tpu.vector_store %arg9[%swap3A_429], %swap3A_432 {strides = array<i32>} : memref<80xi32, #tpu.memory_space<vmem>>, vector<16xi32>,
    %add3A_433 = arith.constant 19936 : i32
    %add3A_434 = arith.addi %add3A_33, %add3A_433 : i32
    %add3A_435 = vector.broadcast %add3A_434 : i32 to vector<16xi32>
    %add3A_436 = arith.addi %add3A_435, %mul3A_36 : vector<16xi32>
    %swap3A_437 = arith.constant 48 : index
    %swap3A_438 = tpu.vector_load %arg10[%swap3A_437] {strides = array<i32>} : memref<80xi32, #tpu.memory_space<vmem>>, vector<16xi32>,
    %swap3A_439 = vector.shape_cast %swap3A_438 : vector<16xi32> to vector<16xi32>
    %swap3A_440 = vector.shape_cast %add3A_436 : vector<16xi32> to vector<16xi32>
    tpu.vector_store %arg10[%swap3A_437], %swap3A_440 {strides = array<i32>} : memref<80xi32, #tpu.memory_space<vmem>>, vector<16xi32>,
    %get3A_441 = arith.constant 9984 : index
    %get3A_442 = tpu.vector_load %arg6[%get3A_441] {strides = array<i32>} : memref<10000xi32, #tpu.memory_space<vmem>>, vector<16xi32>,
    %get3A_443 = vector.shape_cast %get3A_442 : vector<16xi32> to vector<16xi32>
    %mul3A_444 = arith.constant 2 : i32
    %mul3A_445 = vector.broadcast %mul3A_444 : i32 to vector<16xi32>
    %mul3A_446 = arith.muli %get3A_443, %mul3A_445 : vector<16xi32>
    %add3A_447 = vector.broadcast %arg0 : i32 to vector<16xi32>
    %add3A_448 = arith.addi %mul3A_446, %add3A_447 : vector<16xi32>
    %swap3A_449 = arith.constant 64 : index
    %swap3A_450 = tpu.vector_load %arg8[%swap3A_449] {strides = array<i32>} : memref<80xi32, #tpu.memory_space<vmem>>, vector<16xi32>,
    %swap3A_451 = vector.shape_cast %swap3A_450 : vector<16xi32> to vector<16xi32>
    %swap3A_452 = vector.shape_cast %add3A_448 : vector<16xi32> to vector<16xi32>
    tpu.vector_store %arg8[%swap3A_449], %swap3A_452 {strides = array<i32>} : memref<80xi32, #tpu.memory_space<vmem>>, vector<16xi32>,
    %get3A_453 = arith.constant 9984 : index
    %get3A_454 = tpu.vector_load %arg7[%get3A_453] {strides = array<i32>} : memref<10000xi32, #tpu.memory_space<vmem>>, vector<16xi32>,
    %get3A_455 = vector.shape_cast %get3A_454 : vector<16xi32> to vector<16xi32>
    %swap3A_456 = arith.constant 64 : index
    %swap3A_457 = tpu.vector_load %arg9[%swap3A_456] {strides = array<i32>} : memref<80xi32, #tpu.memory_space<vmem>>, vector<16xi32>,
    %swap3A_458 = vector.shape_cast %swap3A_457 : vector<16xi32> to vector<16xi32>
    %swap3A_459 = vector.shape_cast %get3A_455 : vector<16xi32> to vector<16xi32>
    tpu.vector_store %arg9[%swap3A_456], %swap3A_459 {strides = array<i32>} : memref<80xi32, #tpu.memory_space<vmem>>, vector<16xi32>,
    %add3A_460 = arith.constant 19968 : i32
    %add3A_461 = arith.addi %add3A_33, %add3A_460 : i32
    %add3A_462 = vector.broadcast %add3A_461 : i32 to vector<16xi32>
    %add3A_463 = arith.addi %add3A_462, %mul3A_36 : vector<16xi32>
    %swap3A_464 = arith.constant 64 : index
    %swap3A_465 = tpu.vector_load %arg10[%swap3A_464] {strides = array<i32>} : memref<80xi32, #tpu.memory_space<vmem>>, vector<16xi32>,
    %swap3A_466 = vector.shape_cast %swap3A_465 : vector<16xi32> to vector<16xi32>
    %swap3A_467 = vector.shape_cast %add3A_463 : vector<16xi32> to vector<16xi32>
    tpu.vector_store %arg10[%swap3A_464], %swap3A_467 {strides = array<i32>} : memref<80xi32, #tpu.memory_space<vmem>>, vector<16xi32>,
    %dma_start3A_468 = arith.constant 0 : i32
    %dma_start3A_469 = arith.constant 0 : i32
    %dma_start3A_470 = tpu.memref_slice %arg2[%dma_start3A_468, %dma_start3A_469] : memref<20000x64xf32, #tpu.memory_space<hbm>> -> memref<20000x64xf32, #tpu.memory_space<hbm>>
    tpu.enqueue_indirect_dma source(%dma_start3A_470 : memref<20000x64xf32, #tpu.memory_space<hbm>>) target(%arg11 : memref<80x64xf32, #tpu.memory_space<vmem>>) offsets(%arg8 : memref<80xi32, #tpu.memory_space<vmem>>) semaphore(%arg19 : memref<!tpu.dma_semaphore, #tpu.memory_space<semaphore_mem>>)
    %dma_start3A_471 = arith.constant 0 : i32
    %dma_start3A_472 = arith.constant 0 : i32
    %dma_start3A_473 = tpu.memref_slice %arg4[%dma_start3A_471, %dma_start3A_472] : memref<320000x64xf32, #tpu.memory_space<hbm>> -> memref<320000x64xf32, #tpu.memory_space<hbm>>
    tpu.enqueue_indirect_dma source(%dma_start3A_473 : memref<320000x64xf32, #tpu.memory_space<hbm>>) target(%arg12 : memref<80x64xf32, #tpu.memory_space<vmem>>) offsets(%arg10 : memref<80xi32, #tpu.memory_space<vmem>>) semaphore(%arg20 : memref<!tpu.dma_semaphore, #tpu.memory_space<semaphore_mem>>)
    %dma_wait3A_474 = arith.constant 0 : i32
    %dma_wait3A_475 = arith.constant 0 : i32
    %dma_wait3A_476 = tpu.memref_slice %arg2[%dma_wait3A_474, %dma_wait3A_475] : memref<20000x64xf32, #tpu.memory_space<hbm>> -> memref<20000x64xf32, #tpu.memory_space<hbm>>
    tpu.wait_indirect_dma semaphore(%arg21 : memref<!tpu.dma_semaphore, #tpu.memory_space<semaphore_mem>>) src(%dma_wait3A_476 : memref<20000x64xf32, #tpu.memory_space<hbm>>) dst(%arg16 : memref<80x64xf32, #tpu.memory_space<vmem>>)
    %dma_wait3A_477 = arith.constant 0 : i32
    %dma_wait3A_478 = arith.constant 0 : i32
    %dma_wait3A_479 = tpu.memref_slice %arg4[%dma_wait3A_477, %dma_wait3A_478] : memref<320000x64xf32, #tpu.memory_space<hbm>> -> memref<320000x64xf32, #tpu.memory_space<hbm>>
    tpu.wait_indirect_dma semaphore(%arg22 : memref<!tpu.dma_semaphore, #tpu.memory_space<semaphore_mem>>) src(%dma_wait3A_479 : memref<320000x64xf32, #tpu.memory_space<hbm>>) dst(%arg17 : memref<80x64xf32, #tpu.memory_space<vmem>>)
    %scan3A_480 = arith.constant 0 : i32
    %scan3A_481 = arith.constant 0 : i32
    %scan3A_482 = arith.constant 40 : i32
    %scan3A_483 = arith.addi %scan3A_481, %scan3A_482 : i32
    %scan3A_484 = arith.constant 1 : i32
    scf.for %scan3A_501 = %scan3A_481 to %scan3A_483 step %scan3A_484  : i32 {
      %mul3A_502 = arith.constant 2 : i32
      %mul3A_503 = arith.muli %mul3A_502, %scan3A_501 : i32
      %add3A_504 = arith.constant 0 : i32
      %add3A_505 = arith.addi %mul3A_503, %add3A_504 : i32
      %get3A_506 = arith.index_cast %add3A_505 : i32 to index
      %get3A_507 = arith.constant 0 : index
      %get3A_508 = tpu.vector_load %arg16[%get3A_506, %get3A_507] {strides = array<i32>} : memref<80x64xf32, #tpu.memory_space<vmem>>, vector<1x16xf32>,
      %get3A_509 = vector.shape_cast %get3A_508 : vector<1x16xf32> to vector<16xf32>
      %get3A_510 = arith.index_cast %add3A_505 : i32 to index
      %get3A_511 = arith.constant 0 : index
      %get3A_512 = tpu.vector_load %arg17[%get3A_510, %get3A_511] {strides = array<i32>} : memref<80x64xf32, #tpu.memory_space<vmem>>, vector<1x16xf32>,
      %get3A_513 = vector.shape_cast %get3A_512 : vector<1x16xf32> to vector<16xf32>
      %add3A_514 = arith.addf %get3A_509, %get3A_513 : vector<16xf32>
      %max3A = arith.constant 0.000000e+00 : f32
      %max3A_515 = vector.broadcast %max3A : f32 to vector<16xf32>
      %max3A_516 = arith.maximumf %add3A_514, %max3A_515 : vector<16xf32>
      %swap3A_517 = arith.index_cast %add3A_505 : i32 to index
      %swap3A_518 = arith.constant 0 : index
      %swap3A_519 = tpu.vector_load %arg17[%swap3A_517, %swap3A_518] {strides = array<i32>} : memref<80x64xf32, #tpu.memory_space<vmem>>, vector<1x16xf32>,
      %swap3A_520 = vector.shape_cast %swap3A_519 : vector<1x16xf32> to vector<16xf32>
      %swap3A_521 = vector.shape_cast %max3A_516 : vector<16xf32> to vector<1x16xf32>
      tpu.vector_store %arg17[%swap3A_517, %swap3A_518], %swap3A_521 {strides = array<i32>} : memref<80x64xf32, #tpu.memory_space<vmem>>, vector<1x16xf32>,
      %mul3A_522 = arith.constant 2 : i32
      %mul3A_523 = arith.muli %mul3A_522, %scan3A_501 : i32
      %add3A_524 = arith.constant 0 : i32
      %add3A_525 = arith.addi %mul3A_523, %add3A_524 : i32
      %get3A_526 = arith.index_cast %add3A_525 : i32 to index
      %get3A_527 = arith.constant 16 : index
      %get3A_528 = tpu.vector_load %arg16[%get3A_526, %get3A_527] {strides = array<i32>} : memref<80x64xf32, #tpu.memory_space<vmem>>, vector<1x16xf32>,
      %get3A_529 = vector.shape_cast %get3A_528 : vector<1x16xf32> to vector<16xf32>
      %get3A_530 = arith.index_cast %add3A_525 : i32 to index
      %get3A_531 = arith.constant 16 : index
      %get3A_532 = tpu.vector_load %arg17[%get3A_530, %get3A_531] {strides = array<i32>} : memref<80x64xf32, #tpu.memory_space<vmem>>, vector<1x16xf32>,
      %get3A_533 = vector.shape_cast %get3A_532 : vector<1x16xf32> to vector<16xf32>
      %add3A_534 = arith.addf %get3A_529, %get3A_533 : vector<16xf32>
      %max3A_535 = arith.constant 0.000000e+00 : f32
      %max3A_536 = vector.broadcast %max3A_535 : f32 to vector<16xf32>
      %max3A_537 = arith.maximumf %add3A_534, %max3A_536 : vector<16xf32>
      %swap3A_538 = arith.index_cast %add3A_525 : i32 to index
      %swap3A_539 = arith.constant 16 : index
      %swap3A_540 = tpu.vector_load %arg17[%swap3A_538, %swap3A_539] {strides = array<i32>} : memref<80x64xf32, #tpu.memory_space<vmem>>, vector<1x16xf32>,
      %swap3A_541 = vector.shape_cast %swap3A_540 : vector<1x16xf32> to vector<16xf32>
      %swap3A_542 = vector.shape_cast %max3A_537 : vector<16xf32> to vector<1x16xf32>
      tpu.vector_store %arg17[%swap3A_538, %swap3A_539], %swap3A_542 {strides = array<i32>} : memref<80x64xf32, #tpu.memory_space<vmem>>, vector<1x16xf32>,
      %mul3A_543 = arith.constant 2 : i32
      %mul3A_544 = arith.muli %mul3A_543, %scan3A_501 : i32
      %add3A_545 = arith.constant 0 : i32
      %add3A_546 = arith.addi %mul3A_544, %add3A_545 : i32
      %get3A_547 = arith.index_cast %add3A_546 : i32 to index
      %get3A_548 = arith.constant 32 : index
      %get3A_549 = tpu.vector_load %arg16[%get3A_547, %get3A_548] {strides = array<i32>} : memref<80x64xf32, #tpu.memory_space<vmem>>, vector<1x16xf32>,
      %get3A_550 = vector.shape_cast %get3A_549 : vector<1x16xf32> to vector<16xf32>
      %get3A_551 = arith.index_cast %add3A_546 : i32 to index
      %get3A_552 = arith.constant 32 : index
      %get3A_553 = tpu.vector_load %arg17[%get3A_551, %get3A_552] {strides = array<i32>} : memref<80x64xf32, #tpu.memory_space<vmem>>, vector<1x16xf32>,
      %get3A_554 = vector.shape_cast %get3A_553 : vector<1x16xf32> to vector<16xf32>
      %add3A_555 = arith.addf %get3A_550, %get3A_554 : vector<16xf32>
      %max3A_556 = arith.constant 0.000000e+00 : f32
      %max3A_557 = vector.broadcast %max3A_556 : f32 to vector<16xf32>
      %max3A_558 = arith.maximumf %add3A_555, %max3A_557 : vector<16xf32>
      %swap3A_559 = arith.index_cast %add3A_546 : i32 to index
      %swap3A_560 = arith.constant 32 : index
      %swap3A_561 = tpu.vector_load %arg17[%swap3A_559, %swap3A_560] {strides = array<i32>} : memref<80x64xf32, #tpu.memory_space<vmem>>, vector<1x16xf32>,
      %swap3A_562 = vector.shape_cast %swap3A_561 : vector<1x16xf32> to vector<16xf32>
      %swap3A_563 = vector.shape_cast %max3A_558 : vector<16xf32> to vector<1x16xf32>
      tpu.vector_store %arg17[%swap3A_559, %swap3A_560], %swap3A_563 {strides = array<i32>} : memref<80x64xf32, #tpu.memory_space<vmem>>, vector<1x16xf32>,
      %mul3A_564 = arith.constant 2 : i32
      %mul3A_565 = arith.muli %mul3A_564, %scan3A_501 : i32
      %add3A_566 = arith.constant 0 : i32
      %add3A_567 = arith.addi %mul3A_565, %add3A_566 : i32
      %get3A_568 = arith.index_cast %add3A_567 : i32 to index
      %get3A_569 = arith.constant 48 : index
      %get3A_570 = tpu.vector_load %arg16[%get3A_568, %get3A_569] {strides = array<i32>} : memref<80x64xf32, #tpu.memory_space<vmem>>, vector<1x16xf32>,
      %get3A_571 = vector.shape_cast %get3A_570 : vector<1x16xf32> to vector<16xf32>
      %get3A_572 = arith.index_cast %add3A_567 : i32 to index
      %get3A_573 = arith.constant 48 : index
      %get3A_574 = tpu.vector_load %arg17[%get3A_572, %get3A_573] {strides = array<i32>} : memref<80x64xf32, #tpu.memory_space<vmem>>, vector<1x16xf32>,
      %get3A_575 = vector.shape_cast %get3A_574 : vector<1x16xf32> to vector<16xf32>
      %add3A_576 = arith.addf %get3A_571, %get3A_575 : vector<16xf32>
      %max3A_577 = arith.constant 0.000000e+00 : f32
      %max3A_578 = vector.broadcast %max3A_577 : f32 to vector<16xf32>
      %max3A_579 = arith.maximumf %add3A_576, %max3A_578 : vector<16xf32>
      %swap3A_580 = arith.index_cast %add3A_567 : i32 to index
      %swap3A_581 = arith.constant 48 : index
      %swap3A_582 = tpu.vector_load %arg17[%swap3A_580, %swap3A_581] {strides = array<i32>} : memref<80x64xf32, #tpu.memory_space<vmem>>, vector<1x16xf32>,
      %swap3A_583 = vector.shape_cast %swap3A_582 : vector<1x16xf32> to vector<16xf32>
      %swap3A_584 = vector.shape_cast %max3A_579 : vector<16xf32> to vector<1x16xf32>
      tpu.vector_store %arg17[%swap3A_580, %swap3A_581], %swap3A_584 {strides = array<i32>} : memref<80x64xf32, #tpu.memory_space<vmem>>, vector<1x16xf32>,
      %mul3A_585 = arith.constant 2 : i32
      %mul3A_586 = arith.muli %mul3A_585, %scan3A_501 : i32
      %add3A_587 = arith.constant 1 : i32
      %add3A_588 = arith.addi %mul3A_586, %add3A_587 : i32
      %get3A_589 = arith.index_cast %add3A_588 : i32 to index
      %get3A_590 = arith.constant 0 : index
      %get3A_591 = tpu.vector_load %arg16[%get3A_589, %get3A_590] {strides = array<i32>} : memref<80x64xf32, #tpu.memory_space<vmem>>, vector<1x16xf32>,
      %get3A_592 = vector.shape_cast %get3A_591 : vector<1x16xf32> to vector<16xf32>
      %get3A_593 = arith.index_cast %add3A_588 : i32 to index
      %get3A_594 = arith.constant 0 : index
      %get3A_595 = tpu.vector_load %arg17[%get3A_593, %get3A_594] {strides = array<i32>} : memref<80x64xf32, #tpu.memory_space<vmem>>, vector<1x16xf32>,
      %get3A_596 = vector.shape_cast %get3A_595 : vector<1x16xf32> to vector<16xf32>
      %add3A_597 = arith.addf %get3A_592, %get3A_596 : vector<16xf32>
      %max3A_598 = arith.constant 0.000000e+00 : f32
      %max3A_599 = vector.broadcast %max3A_598 : f32 to vector<16xf32>
      %max3A_600 = arith.maximumf %add3A_597, %max3A_599 : vector<16xf32>
      %swap3A_601 = arith.index_cast %add3A_588 : i32 to index
      %swap3A_602 = arith.constant 0 : index
      %swap3A_603 = tpu.vector_load %arg17[%swap3A_601, %swap3A_602] {strides = array<i32>} : memref<80x64xf32, #tpu.memory_space<vmem>>, vector<1x16xf32>,
      %swap3A_604 = vector.shape_cast %swap3A_603 : vector<1x16xf32> to vector<16xf32>
      %swap3A_605 = vector.shape_cast %max3A_600 : vector<16xf32> to vector<1x16xf32>
      tpu.vector_store %arg17[%swap3A_601, %swap3A_602], %swap3A_605 {strides = array<i32>} : memref<80x64xf32, #tpu.memory_space<vmem>>, vector<1x16xf32>,
      %mul3A_606 = arith.constant 2 : i32
      %mul3A_607 = arith.muli %mul3A_606, %scan3A_501 : i32
      %add3A_608 = arith.constant 1 : i32
      %add3A_609 = arith.addi %mul3A_607, %add3A_608 : i32
      %get3A_610 = arith.index_cast %add3A_609 : i32 to index
      %get3A_611 = arith.constant 16 : index
      %get3A_612 = tpu.vector_load %arg16[%get3A_610, %get3A_611] {strides = array<i32>} : memref<80x64xf32, #tpu.memory_space<vmem>>, vector<1x16xf32>,
      %get3A_613 = vector.shape_cast %get3A_612 : vector<1x16xf32> to vector<16xf32>
      %get3A_614 = arith.index_cast %add3A_609 : i32 to index
      %get3A_615 = arith.constant 16 : index
      %get3A_616 = tpu.vector_load %arg17[%get3A_614, %get3A_615] {strides = array<i32>} : memref<80x64xf32, #tpu.memory_space<vmem>>, vector<1x16xf32>,
      %get3A_617 = vector.shape_cast %get3A_616 : vector<1x16xf32> to vector<16xf32>
      %add3A_618 = arith.addf %get3A_613, %get3A_617 : vector<16xf32>
      %max3A_619 = arith.constant 0.000000e+00 : f32
      %max3A_620 = vector.broadcast %max3A_619 : f32 to vector<16xf32>
      %max3A_621 = arith.maximumf %add3A_618, %max3A_620 : vector<16xf32>
      %swap3A_622 = arith.index_cast %add3A_609 : i32 to index
      %swap3A_623 = arith.constant 16 : index
      %swap3A_624 = tpu.vector_load %arg17[%swap3A_622, %swap3A_623] {strides = array<i32>} : memref<80x64xf32, #tpu.memory_space<vmem>>, vector<1x16xf32>,
      %swap3A_625 = vector.shape_cast %swap3A_624 : vector<1x16xf32> to vector<16xf32>
      %swap3A_626 = vector.shape_cast %max3A_621 : vector<16xf32> to vector<1x16xf32>
      tpu.vector_store %arg17[%swap3A_622, %swap3A_623], %swap3A_626 {strides = array<i32>} : memref<80x64xf32, #tpu.memory_space<vmem>>, vector<1x16xf32>,
      %mul3A_627 = arith.constant 2 : i32
      %mul3A_628 = arith.muli %mul3A_627, %scan3A_501 : i32
      %add3A_629 = arith.constant 1 : i32
      %add3A_630 = arith.addi %mul3A_628, %add3A_629 : i32
      %get3A_631 = arith.index_cast %add3A_630 : i32 to index
      %get3A_632 = arith.constant 32 : index
      %get3A_633 = tpu.vector_load %arg16[%get3A_631, %get3A_632] {strides = array<i32>} : memref<80x64xf32, #tpu.memory_space<vmem>>, vector<1x16xf32>,
      %get3A_634 = vector.shape_cast %get3A_633 : vector<1x16xf32> to vector<16xf32>
      %get3A_635 = arith.index_cast %add3A_630 : i32 to index
      %get3A_636 = arith.constant 32 : index
      %get3A_637 = tpu.vector_load %arg17[%get3A_635, %get3A_636] {strides = array<i32>} : memref<80x64xf32, #tpu.memory_space<vmem>>, vector<1x16xf32>,
      %get3A_638 = vector.shape_cast %get3A_637 : vector<1x16xf32> to vector<16xf32>
      %add3A_639 = arith.addf %get3A_634, %get3A_638 : vector<16xf32>
      %max3A_640 = arith.constant 0.000000e+00 : f32
      %max3A_641 = vector.broadcast %max3A_640 : f32 to vector<16xf32>
      %max3A_642 = arith.maximumf %add3A_639, %max3A_641 : vector<16xf32>
      %swap3A_643 = arith.index_cast %add3A_630 : i32 to index
      %swap3A_644 = arith.constant 32 : index
      %swap3A_645 = tpu.vector_load %arg17[%swap3A_643, %swap3A_644] {strides = array<i32>} : memref<80x64xf32, #tpu.memory_space<vmem>>, vector<1x16xf32>,
      %swap3A_646 = vector.shape_cast %swap3A_645 : vector<1x16xf32> to vector<16xf32>
      %swap3A_647 = vector.shape_cast %max3A_642 : vector<16xf32> to vector<1x16xf32>
      tpu.vector_store %arg17[%swap3A_643, %swap3A_644], %swap3A_647 {strides = array<i32>} : memref<80x64xf32, #tpu.memory_space<vmem>>, vector<1x16xf32>,
      %mul3A_648 = arith.constant 2 : i32
      %mul3A_649 = arith.muli %mul3A_648, %scan3A_501 : i32
      %add3A_650 = arith.constant 1 : i32
      %add3A_651 = arith.addi %mul3A_649, %add3A_650 : i32
      %get3A_652 = arith.index_cast %add3A_651 : i32 to index
      %get3A_653 = arith.constant 48 : index
      %get3A_654 = tpu.vector_load %arg16[%get3A_652, %get3A_653] {strides = array<i32>} : memref<80x64xf32, #tpu.memory_space<vmem>>, vector<1x16xf32>,
      %get3A_655 = vector.shape_cast %get3A_654 : vector<1x16xf32> to vector<16xf32>
      %get3A_656 = arith.index_cast %add3A_651 : i32 to index
      %get3A_657 = arith.constant 48 : index
      %get3A_658 = tpu.vector_load %arg17[%get3A_656, %get3A_657] {strides = array<i32>} : memref<80x64xf32, #tpu.memory_space<vmem>>, vector<1x16xf32>,
      %get3A_659 = vector.shape_cast %get3A_658 : vector<1x16xf32> to vector<16xf32>
      %add3A_660 = arith.addf %get3A_655, %get3A_659 : vector<16xf32>
      %max3A_661 = arith.constant 0.000000e+00 : f32
      %max3A_662 = vector.broadcast %max3A_661 : f32 to vector<16xf32>
      %max3A_663 = arith.maximumf %add3A_660, %max3A_662 : vector<16xf32>
      %swap3A_664 = arith.index_cast %add3A_651 : i32 to index
      %swap3A_665 = arith.constant 48 : index
      %swap3A_666 = tpu.vector_load %arg17[%swap3A_664, %swap3A_665] {strides = array<i32>} : memref<80x64xf32, #tpu.memory_space<vmem>>, vector<1x16xf32>,
      %swap3A_667 = vector.shape_cast %swap3A_666 : vector<1x16xf32> to vector<16xf32>
      %swap3A_668 = vector.shape_cast %max3A_663 : vector<16xf32> to vector<1x16xf32>
      tpu.vector_store %arg17[%swap3A_664, %swap3A_665], %swap3A_668 {strides = array<i32>} : memref<80x64xf32, #tpu.memory_space<vmem>>, vector<1x16xf32>,
    }
    %scan3A_485 = arith.constant 40 : i32
    "tpu.region"() ({
      %run_scoped3A = tpu.sem_alloc : memref<!tpu.dma_semaphore, #tpu.memory_space<semaphore_mem>>
      %dma_start3A_501 = arith.constant 0 : i32
      %dma_start3A_502 = arith.constant 0 : i32
      %dma_start3A_503 = tpu.memref_slice %arg18[%dma_start3A_501, %dma_start3A_502] : memref<10240x64xf32, #tpu.memory_space<vmem_shared>> -> memref<10240x64xf32, #tpu.memory_space<vmem_shared>>
      tpu.enqueue_indirect_dma source(%arg17 : memref<80x64xf32, #tpu.memory_space<vmem>>) target(%dma_start3A_503 : memref<10240x64xf32, #tpu.memory_space<vmem_shared>>) offsets(%arg14 : memref<80xi32, #tpu.memory_space<vmem>>) semaphore(%run_scoped3A : memref<!tpu.dma_semaphore, #tpu.memory_space<semaphore_mem>>) {add = true}
      %dma_wait3A_504 = arith.constant 0 : i32
      %dma_wait3A_505 = arith.constant 0 : i32
      %dma_wait3A_506 = tpu.memref_slice %arg18[%dma_wait3A_504, %dma_wait3A_505] : memref<10240x64xf32, #tpu.memory_space<vmem_shared>> -> memref<10240x64xf32, #tpu.memory_space<vmem_shared>>
      tpu.wait_indirect_dma semaphore(%run_scoped3A : memref<!tpu.dma_semaphore, #tpu.memory_space<semaphore_mem>>) src(%arg17 : memref<80x64xf32, #tpu.memory_space<vmem>>) dst(%dma_wait3A_506 : memref<10240x64xf32, #tpu.memory_space<vmem_shared>>)
      tpu.yield
    }) : () -> ()
    %dma_wait3A_486 = arith.constant 0 : i32
    %dma_wait3A_487 = arith.constant 0 : i32
    %dma_wait3A_488 = tpu.memref_slice %arg2[%dma_wait3A_486, %dma_wait3A_487] : memref<20000x64xf32, #tpu.memory_space<hbm>> -> memref<20000x64xf32, #tpu.memory_space<hbm>>
    tpu.wait_indirect_dma semaphore(%arg19 : memref<!tpu.dma_semaphore, #tpu.memory_space<semaphore_mem>>) src(%dma_wait3A_488 : memref<20000x64xf32, #tpu.memory_space<hbm>>) dst(%arg11 : memref<80x64xf32, #tpu.memory_space<vmem>>)
    %dma_wait3A_489 = arith.constant 0 : i32
    %dma_wait3A_490 = arith.constant 0 : i32
    %dma_wait3A_491 = tpu.memref_slice %arg4[%dma_wait3A_489, %dma_wait3A_490] : memref<320000x64xf32, #tpu.memory_space<hbm>> -> memref<320000x64xf32, #tpu.memory_space<hbm>>
    tpu.wait_indirect_dma semaphore(%arg20 : memref<!tpu.dma_semaphore, #tpu.memory_space<semaphore_mem>>) src(%dma_wait3A_491 : memref<320000x64xf32, #tpu.memory_space<hbm>>) dst(%arg12 : memref<80x64xf32, #tpu.memory_space<vmem>>)
    %scan3A_492 = arith.constant 0 : i32
    %scan3A_493 = arith.constant 0 : i32
    %scan3A_494 = arith.constant 40 : i32
    %scan3A_495 = arith.addi %scan3A_493, %scan3A_494 : i32
    %scan3A_496 = arith.constant 1 : i32
    scf.for %scan3A_501 = %scan3A_493 to %scan3A_495 step %scan3A_496  : i32 {
      %mul3A_502 = arith.constant 2 : i32
      %mul3A_503 = arith.muli %mul3A_502, %scan3A_501 : i32
      %add3A_504 = arith.constant 0 : i32
      %add3A_505 = arith.addi %mul3A_503, %add3A_504 : i32
      %get3A_506 = arith.index_cast %add3A_505 : i32 to index
      %get3A_507 = arith.constant 0 : index
      %get3A_508 = tpu.vector_load %arg11[%get3A_506, %get3A_507] {strides = array<i32>} : memref<80x64xf32, #tpu.memory_space<vmem>>, vector<1x16xf32>,
      %get3A_509 = vector.shape_cast %get3A_508 : vector<1x16xf32> to vector<16xf32>
      %get3A_510 = arith.index_cast %add3A_505 : i32 to index
      %get3A_511 = arith.constant 0 : index
      %get3A_512 = tpu.vector_load %arg12[%get3A_510, %get3A_511] {strides = array<i32>} : memref<80x64xf32, #tpu.memory_space<vmem>>, vector<1x16xf32>,
      %get3A_513 = vector.shape_cast %get3A_512 : vector<1x16xf32> to vector<16xf32>
      %add3A_514 = arith.addf %get3A_509, %get3A_513 : vector<16xf32>
      %max3A = arith.constant 0.000000e+00 : f32
      %max3A_515 = vector.broadcast %max3A : f32 to vector<16xf32>
      %max3A_516 = arith.maximumf %add3A_514, %max3A_515 : vector<16xf32>
      %swap3A_517 = arith.index_cast %add3A_505 : i32 to index
      %swap3A_518 = arith.constant 0 : index
      %swap3A_519 = tpu.vector_load %arg12[%swap3A_517, %swap3A_518] {strides = array<i32>} : memref<80x64xf32, #tpu.memory_space<vmem>>, vector<1x16xf32>,
      %swap3A_520 = vector.shape_cast %swap3A_519 : vector<1x16xf32> to vector<16xf32>
      %swap3A_521 = vector.shape_cast %max3A_516 : vector<16xf32> to vector<1x16xf32>
      tpu.vector_store %arg12[%swap3A_517, %swap3A_518], %swap3A_521 {strides = array<i32>} : memref<80x64xf32, #tpu.memory_space<vmem>>, vector<1x16xf32>,
      %mul3A_522 = arith.constant 2 : i32
      %mul3A_523 = arith.muli %mul3A_522, %scan3A_501 : i32
      %add3A_524 = arith.constant 0 : i32
      %add3A_525 = arith.addi %mul3A_523, %add3A_524 : i32
      %get3A_526 = arith.index_cast %add3A_525 : i32 to index
      %get3A_527 = arith.constant 16 : index
      %get3A_528 = tpu.vector_load %arg11[%get3A_526, %get3A_527] {strides = array<i32>} : memref<80x64xf32, #tpu.memory_space<vmem>>, vector<1x16xf32>,
      %get3A_529 = vector.shape_cast %get3A_528 : vector<1x16xf32> to vector<16xf32>
      %get3A_530 = arith.index_cast %add3A_525 : i32 to index
      %get3A_531 = arith.constant 16 : index
      %get3A_532 = tpu.vector_load %arg12[%get3A_530, %get3A_531] {strides = array<i32>} : memref<80x64xf32, #tpu.memory_space<vmem>>, vector<1x16xf32>,
      %get3A_533 = vector.shape_cast %get3A_532 : vector<1x16xf32> to vector<16xf32>
      %add3A_534 = arith.addf %get3A_529, %get3A_533 : vector<16xf32>
      %max3A_535 = arith.constant 0.000000e+00 : f32
      %max3A_536 = vector.broadcast %max3A_535 : f32 to vector<16xf32>
      %max3A_537 = arith.maximumf %add3A_534, %max3A_536 : vector<16xf32>
      %swap3A_538 = arith.index_cast %add3A_525 : i32 to index
      %swap3A_539 = arith.constant 16 : index
      %swap3A_540 = tpu.vector_load %arg12[%swap3A_538, %swap3A_539] {strides = array<i32>} : memref<80x64xf32, #tpu.memory_space<vmem>>, vector<1x16xf32>,
      %swap3A_541 = vector.shape_cast %swap3A_540 : vector<1x16xf32> to vector<16xf32>
      %swap3A_542 = vector.shape_cast %max3A_537 : vector<16xf32> to vector<1x16xf32>
      tpu.vector_store %arg12[%swap3A_538, %swap3A_539], %swap3A_542 {strides = array<i32>} : memref<80x64xf32, #tpu.memory_space<vmem>>, vector<1x16xf32>,
      %mul3A_543 = arith.constant 2 : i32
      %mul3A_544 = arith.muli %mul3A_543, %scan3A_501 : i32
      %add3A_545 = arith.constant 0 : i32
      %add3A_546 = arith.addi %mul3A_544, %add3A_545 : i32
      %get3A_547 = arith.index_cast %add3A_546 : i32 to index
      %get3A_548 = arith.constant 32 : index
      %get3A_549 = tpu.vector_load %arg11[%get3A_547, %get3A_548] {strides = array<i32>} : memref<80x64xf32, #tpu.memory_space<vmem>>, vector<1x16xf32>,
      %get3A_550 = vector.shape_cast %get3A_549 : vector<1x16xf32> to vector<16xf32>
      %get3A_551 = arith.index_cast %add3A_546 : i32 to index
      %get3A_552 = arith.constant 32 : index
      %get3A_553 = tpu.vector_load %arg12[%get3A_551, %get3A_552] {strides = array<i32>} : memref<80x64xf32, #tpu.memory_space<vmem>>, vector<1x16xf32>,
      %get3A_554 = vector.shape_cast %get3A_553 : vector<1x16xf32> to vector<16xf32>
      %add3A_555 = arith.addf %get3A_550, %get3A_554 : vector<16xf32>
      %max3A_556 = arith.constant 0.000000e+00 : f32
      %max3A_557 = vector.broadcast %max3A_556 : f32 to vector<16xf32>
      %max3A_558 = arith.maximumf %add3A_555, %max3A_557 : vector<16xf32>
      %swap3A_559 = arith.index_cast %add3A_546 : i32 to index
      %swap3A_560 = arith.constant 32 : index
      %swap3A_561 = tpu.vector_load %arg12[%swap3A_559, %swap3A_560] {strides = array<i32>} : memref<80x64xf32, #tpu.memory_space<vmem>>, vector<1x16xf32>,
      %swap3A_562 = vector.shape_cast %swap3A_561 : vector<1x16xf32> to vector<16xf32>
      %swap3A_563 = vector.shape_cast %max3A_558 : vector<16xf32> to vector<1x16xf32>
      tpu.vector_store %arg12[%swap3A_559, %swap3A_560], %swap3A_563 {strides = array<i32>} : memref<80x64xf32, #tpu.memory_space<vmem>>, vector<1x16xf32>,
      %mul3A_564 = arith.constant 2 : i32
      %mul3A_565 = arith.muli %mul3A_564, %scan3A_501 : i32
      %add3A_566 = arith.constant 0 : i32
      %add3A_567 = arith.addi %mul3A_565, %add3A_566 : i32
      %get3A_568 = arith.index_cast %add3A_567 : i32 to index
      %get3A_569 = arith.constant 48 : index
      %get3A_570 = tpu.vector_load %arg11[%get3A_568, %get3A_569] {strides = array<i32>} : memref<80x64xf32, #tpu.memory_space<vmem>>, vector<1x16xf32>,
      %get3A_571 = vector.shape_cast %get3A_570 : vector<1x16xf32> to vector<16xf32>
      %get3A_572 = arith.index_cast %add3A_567 : i32 to index
      %get3A_573 = arith.constant 48 : index
      %get3A_574 = tpu.vector_load %arg12[%get3A_572, %get3A_573] {strides = array<i32>} : memref<80x64xf32, #tpu.memory_space<vmem>>, vector<1x16xf32>,
      %get3A_575 = vector.shape_cast %get3A_574 : vector<1x16xf32> to vector<16xf32>
      %add3A_576 = arith.addf %get3A_571, %get3A_575 : vector<16xf32>
      %max3A_577 = arith.constant 0.000000e+00 : f32
      %max3A_578 = vector.broadcast %max3A_577 : f32 to vector<16xf32>
      %max3A_579 = arith.maximumf %add3A_576, %max3A_578 : vector<16xf32>
      %swap3A_580 = arith.index_cast %add3A_567 : i32 to index
      %swap3A_581 = arith.constant 48 : index
      %swap3A_582 = tpu.vector_load %arg12[%swap3A_580, %swap3A_581] {strides = array<i32>} : memref<80x64xf32, #tpu.memory_space<vmem>>, vector<1x16xf32>,
      %swap3A_583 = vector.shape_cast %swap3A_582 : vector<1x16xf32> to vector<16xf32>
      %swap3A_584 = vector.shape_cast %max3A_579 : vector<16xf32> to vector<1x16xf32>
      tpu.vector_store %arg12[%swap3A_580, %swap3A_581], %swap3A_584 {strides = array<i32>} : memref<80x64xf32, #tpu.memory_space<vmem>>, vector<1x16xf32>,
      %mul3A_585 = arith.constant 2 : i32
      %mul3A_586 = arith.muli %mul3A_585, %scan3A_501 : i32
      %add3A_587 = arith.constant 1 : i32
      %add3A_588 = arith.addi %mul3A_586, %add3A_587 : i32
      %get3A_589 = arith.index_cast %add3A_588 : i32 to index
      %get3A_590 = arith.constant 0 : index
      %get3A_591 = tpu.vector_load %arg11[%get3A_589, %get3A_590] {strides = array<i32>} : memref<80x64xf32, #tpu.memory_space<vmem>>, vector<1x16xf32>,
      %get3A_592 = vector.shape_cast %get3A_591 : vector<1x16xf32> to vector<16xf32>
      %get3A_593 = arith.index_cast %add3A_588 : i32 to index
      %get3A_594 = arith.constant 0 : index
      %get3A_595 = tpu.vector_load %arg12[%get3A_593, %get3A_594] {strides = array<i32>} : memref<80x64xf32, #tpu.memory_space<vmem>>, vector<1x16xf32>,
      %get3A_596 = vector.shape_cast %get3A_595 : vector<1x16xf32> to vector<16xf32>
      %add3A_597 = arith.addf %get3A_592, %get3A_596 : vector<16xf32>
      %max3A_598 = arith.constant 0.000000e+00 : f32
      %max3A_599 = vector.broadcast %max3A_598 : f32 to vector<16xf32>
      %max3A_600 = arith.maximumf %add3A_597, %max3A_599 : vector<16xf32>
      %swap3A_601 = arith.index_cast %add3A_588 : i32 to index
      %swap3A_602 = arith.constant 0 : index
      %swap3A_603 = tpu.vector_load %arg12[%swap3A_601, %swap3A_602] {strides = array<i32>} : memref<80x64xf32, #tpu.memory_space<vmem>>, vector<1x16xf32>,
      %swap3A_604 = vector.shape_cast %swap3A_603 : vector<1x16xf32> to vector<16xf32>
      %swap3A_605 = vector.shape_cast %max3A_600 : vector<16xf32> to vector<1x16xf32>
      tpu.vector_store %arg12[%swap3A_601, %swap3A_602], %swap3A_605 {strides = array<i32>} : memref<80x64xf32, #tpu.memory_space<vmem>>, vector<1x16xf32>,
      %mul3A_606 = arith.constant 2 : i32
      %mul3A_607 = arith.muli %mul3A_606, %scan3A_501 : i32
      %add3A_608 = arith.constant 1 : i32
      %add3A_609 = arith.addi %mul3A_607, %add3A_608 : i32
      %get3A_610 = arith.index_cast %add3A_609 : i32 to index
      %get3A_611 = arith.constant 16 : index
      %get3A_612 = tpu.vector_load %arg11[%get3A_610, %get3A_611] {strides = array<i32>} : memref<80x64xf32, #tpu.memory_space<vmem>>, vector<1x16xf32>,
      %get3A_613 = vector.shape_cast %get3A_612 : vector<1x16xf32> to vector<16xf32>
      %get3A_614 = arith.index_cast %add3A_609 : i32 to index
      %get3A_615 = arith.constant 16 : index
      %get3A_616 = tpu.vector_load %arg12[%get3A_614, %get3A_615] {strides = array<i32>} : memref<80x64xf32, #tpu.memory_space<vmem>>, vector<1x16xf32>,
      %get3A_617 = vector.shape_cast %get3A_616 : vector<1x16xf32> to vector<16xf32>
      %add3A_618 = arith.addf %get3A_613, %get3A_617 : vector<16xf32>
      %max3A_619 = arith.constant 0.000000e+00 : f32
      %max3A_620 = vector.broadcast %max3A_619 : f32 to vector<16xf32>
      %max3A_621 = arith.maximumf %add3A_618, %max3A_620 : vector<16xf32>
      %swap3A_622 = arith.index_cast %add3A_609 : i32 to index
      %swap3A_623 = arith.constant 16 : index
      %swap3A_624 = tpu.vector_load %arg12[%swap3A_622, %swap3A_623] {strides = array<i32>} : memref<80x64xf32, #tpu.memory_space<vmem>>, vector<1x16xf32>,
      %swap3A_625 = vector.shape_cast %swap3A_624 : vector<1x16xf32> to vector<16xf32>
      %swap3A_626 = vector.shape_cast %max3A_621 : vector<16xf32> to vector<1x16xf32>
      tpu.vector_store %arg12[%swap3A_622, %swap3A_623], %swap3A_626 {strides = array<i32>} : memref<80x64xf32, #tpu.memory_space<vmem>>, vector<1x16xf32>,
      %mul3A_627 = arith.constant 2 : i32
      %mul3A_628 = arith.muli %mul3A_627, %scan3A_501 : i32
      %add3A_629 = arith.constant 1 : i32
      %add3A_630 = arith.addi %mul3A_628, %add3A_629 : i32
      %get3A_631 = arith.index_cast %add3A_630 : i32 to index
      %get3A_632 = arith.constant 32 : index
      %get3A_633 = tpu.vector_load %arg11[%get3A_631, %get3A_632] {strides = array<i32>} : memref<80x64xf32, #tpu.memory_space<vmem>>, vector<1x16xf32>,
      %get3A_634 = vector.shape_cast %get3A_633 : vector<1x16xf32> to vector<16xf32>
      %get3A_635 = arith.index_cast %add3A_630 : i32 to index
      %get3A_636 = arith.constant 32 : index
      %get3A_637 = tpu.vector_load %arg12[%get3A_635, %get3A_636] {strides = array<i32>} : memref<80x64xf32, #tpu.memory_space<vmem>>, vector<1x16xf32>,
      %get3A_638 = vector.shape_cast %get3A_637 : vector<1x16xf32> to vector<16xf32>
      %add3A_639 = arith.addf %get3A_634, %get3A_638 : vector<16xf32>
      %max3A_640 = arith.constant 0.000000e+00 : f32
      %max3A_641 = vector.broadcast %max3A_640 : f32 to vector<16xf32>
      %max3A_642 = arith.maximumf %add3A_639, %max3A_641 : vector<16xf32>
      %swap3A_643 = arith.index_cast %add3A_630 : i32 to index
      %swap3A_644 = arith.constant 32 : index
      %swap3A_645 = tpu.vector_load %arg12[%swap3A_643, %swap3A_644] {strides = array<i32>} : memref<80x64xf32, #tpu.memory_space<vmem>>, vector<1x16xf32>,
      %swap3A_646 = vector.shape_cast %swap3A_645 : vector<1x16xf32> to vector<16xf32>
      %swap3A_647 = vector.shape_cast %max3A_642 : vector<16xf32> to vector<1x16xf32>
      tpu.vector_store %arg12[%swap3A_643, %swap3A_644], %swap3A_647 {strides = array<i32>} : memref<80x64xf32, #tpu.memory_space<vmem>>, vector<1x16xf32>,
      %mul3A_648 = arith.constant 2 : i32
      %mul3A_649 = arith.muli %mul3A_648, %scan3A_501 : i32
      %add3A_650 = arith.constant 1 : i32
      %add3A_651 = arith.addi %mul3A_649, %add3A_650 : i32
      %get3A_652 = arith.index_cast %add3A_651 : i32 to index
      %get3A_653 = arith.constant 48 : index
      %get3A_654 = tpu.vector_load %arg11[%get3A_652, %get3A_653] {strides = array<i32>} : memref<80x64xf32, #tpu.memory_space<vmem>>, vector<1x16xf32>,
      %get3A_655 = vector.shape_cast %get3A_654 : vector<1x16xf32> to vector<16xf32>
      %get3A_656 = arith.index_cast %add3A_651 : i32 to index
      %get3A_657 = arith.constant 48 : index
      %get3A_658 = tpu.vector_load %arg12[%get3A_656, %get3A_657] {strides = array<i32>} : memref<80x64xf32, #tpu.memory_space<vmem>>, vector<1x16xf32>,
      %get3A_659 = vector.shape_cast %get3A_658 : vector<1x16xf32> to vector<16xf32>
      %add3A_660 = arith.addf %get3A_655, %get3A_659 : vector<16xf32>
      %max3A_661 = arith.constant 0.000000e+00 : f32
      %max3A_662 = vector.broadcast %max3A_661 : f32 to vector<16xf32>
      %max3A_663 = arith.maximumf %add3A_660, %max3A_662 : vector<16xf32>
      %swap3A_664 = arith.index_cast %add3A_651 : i32 to index
      %swap3A_665 = arith.constant 48 : index
      %swap3A_666 = tpu.vector_load %arg12[%swap3A_664, %swap3A_665] {strides = array<i32>} : memref<80x64xf32, #tpu.memory_space<vmem>>, vector<1x16xf32>,
      %swap3A_667 = vector.shape_cast %swap3A_666 : vector<1x16xf32> to vector<16xf32>
      %swap3A_668 = vector.shape_cast %max3A_663 : vector<16xf32> to vector<1x16xf32>
      tpu.vector_store %arg12[%swap3A_664, %swap3A_665], %swap3A_668 {strides = array<i32>} : memref<80x64xf32, #tpu.memory_space<vmem>>, vector<1x16xf32>,
    }
    %scan3A_497 = arith.constant 40 : i32
    "tpu.region"() ({
      %run_scoped3A = tpu.sem_alloc : memref<!tpu.dma_semaphore, #tpu.memory_space<semaphore_mem>>
      %dma_start3A_501 = arith.constant 0 : i32
      %dma_start3A_502 = arith.constant 0 : i32
      %dma_start3A_503 = tpu.memref_slice %arg18[%dma_start3A_501, %dma_start3A_502] : memref<10240x64xf32, #tpu.memory_space<vmem_shared>> -> memref<10240x64xf32, #tpu.memory_space<vmem_shared>>
      tpu.enqueue_indirect_dma source(%arg12 : memref<80x64xf32, #tpu.memory_space<vmem>>) target(%dma_start3A_503 : memref<10240x64xf32, #tpu.memory_space<vmem_shared>>) offsets(%arg9 : memref<80xi32, #tpu.memory_space<vmem>>) semaphore(%run_scoped3A : memref<!tpu.dma_semaphore, #tpu.memory_space<semaphore_mem>>) {add = true}
      %dma_wait3A_504 = arith.constant 0 : i32
      %dma_wait3A_505 = arith.constant 0 : i32
      %dma_wait3A_506 = tpu.memref_slice %arg18[%dma_wait3A_504, %dma_wait3A_505] : memref<10240x64xf32, #tpu.memory_space<vmem_shared>> -> memref<10240x64xf32, #tpu.memory_space<vmem_shared>>
      tpu.wait_indirect_dma semaphore(%run_scoped3A : memref<!tpu.dma_semaphore, #tpu.memory_space<semaphore_mem>>) src(%arg12 : memref<80x64xf32, #tpu.memory_space<vmem>>) dst(%dma_wait3A_506 : memref<10240x64xf32, #tpu.memory_space<vmem_shared>>)
      tpu.yield
    }) : () -> ()
    %barrier3A_498 = arith.constant 0 : index
    tpu.barrier barrier_id(%barrier3A_498)
    %mul3A_499 = arith.constant 64 : i32
    %mul3A_500 = arith.muli %arg0, %mul3A_499 : i32
    "tpu.region"() ({
      %run_scoped3A = tpu.sem_alloc : memref<!tpu.dma_semaphore, #tpu.memory_space<semaphore_mem>>
      %dma_start3A_501 = tpu.memref_slice %arg5[%mul3A_5, %mul3A_500] : memref<10240x128xf32, #tpu.memory_space<hbm>> -> memref<640x64xf32, #tpu.memory_space<hbm>>
      %dma_start3A_502 = arith.constant 0 : i32
      %dma_start3A_503 = tpu.memref_slice %arg18[%mul3A_5, %dma_start3A_502] : memref<10240x64xf32, #tpu.memory_space<vmem_shared>> -> memref<640x64xf32, #tpu.memory_space<vmem_shared>>
      tpu.enqueue_dma source(%dma_start3A_503 : memref<640x64xf32, #tpu.memory_space<vmem_shared>>) target(%dma_start3A_501 : memref<640x64xf32, #tpu.memory_space<hbm>>) target_semaphore(%run_scoped3A : memref<!tpu.dma_semaphore, #tpu.memory_space<semaphore_mem>>)
      %dma_wait3A_504 = tpu.memref_slice %arg5[%mul3A_5, %mul3A_500] : memref<10240x128xf32, #tpu.memory_space<hbm>> -> memref<640x64xf32, #tpu.memory_space<hbm>>
      %dma_wait3A_505 = arith.constant 0 : i32
      %dma_wait3A_506 = tpu.memref_slice %arg18[%mul3A_5, %dma_wait3A_505] : memref<10240x64xf32, #tpu.memory_space<vmem_shared>> -> memref<640x64xf32, #tpu.memory_space<vmem_shared>>
      tpu.wait_dma2 semaphore(%run_scoped3A : memref<!tpu.dma_semaphore, #tpu.memory_space<semaphore_mem>>) src(%dma_wait3A_506 : memref<640x64xf32, #tpu.memory_space<vmem_shared>>) dst(%dma_wait3A_504 : memref<640x64xf32, #tpu.memory_space<hbm>>)
      tpu.yield
    }) : () -> ()
    return
  }
}

#map = affine_map<(d0, d1) -> (0, 0)>
#map1 = affine_map<(d0, d1) -> (0)>
module attributes {stable_mosaic.version = 14 : i64} {
  func.func @_sc_body(%arg0: i32, %arg1: i32, %arg2: memref<20000x64xf32, #tpu.memory_space<hbm>>, %arg3: memref<640000xi32, #tpu.memory_space<hbm>>, %arg4: memref<320000x64xf32, #tpu.memory_space<hbm>>, %arg5: memref<10240x128xf32, #tpu.memory_space<hbm>>, %arg6: memref<10000xi32, #tpu.memory_space<vmem>>, %arg7: memref<10000xi32, #tpu.memory_space<vmem>>, %arg8: memref<80xi32, #tpu.memory_space<vmem>>, %arg9: memref<80xi32, #tpu.memory_space<vmem>>, %arg10: memref<80xi32, #tpu.memory_space<vmem>>, %arg11: memref<80x64xf32, #tpu.memory_space<vmem>>, %arg12: memref<80x64xf32, #tpu.memory_space<vmem>>, %arg13: memref<80xi32, #tpu.memory_space<vmem>>, %arg14: memref<80xi32, #tpu.memory_space<vmem>>, %arg15: memref<80xi32, #tpu.memory_space<vmem>>, %arg16: memref<80x64xf32, #tpu.memory_space<vmem>>, %arg17: memref<80x64xf32, #tpu.memory_space<vmem>>, %arg18: memref<10240x64xf32, #tpu.memory_space<vmem_shared>>, %arg19: memref<!tpu.dma_semaphore, #tpu.memory_space<semaphore_mem>>, %arg20: memref<!tpu.dma_semaphore, #tpu.memory_space<semaphore_mem>>, %arg21: memref<!tpu.dma_semaphore, #tpu.memory_space<semaphore_mem>>, %arg22: memref<!tpu.dma_semaphore, #tpu.memory_space<semaphore_mem>>) attributes {dimension_semantics = [#tpu.dimension_semantics<core_parallel>, #tpu.dimension_semantics<subcore_parallel>], iteration_bounds = array<i64: 2, 16>, scalar_prefetch = 0 : i64, scratch_operands = 17 : i64, tpu.core_type = #tpu.core_type<sc_vector_subcore>, window_params = [{transform_indices = #map}, {transform_indices = #map1}, {transform_indices = #map}, {transform_indices = #map}]} {
    %scan3A = arith.constant 0 : i32
    %scan3A_0 = arith.constant 0 : i32
    %scan3A_1 = arith.constant 80 : i32
    %scan3A_2 = arith.addi %scan3A_0, %scan3A_1 : i32
    %scan3A_3 = arith.constant 1 : i32
    scf.for %scan3A_501 = %scan3A_0 to %scan3A_2 step %scan3A_3  : i32 {
      %broadcast_in_dim3A = arith.constant 0.000000e+00 : f32
      %broadcast_in_dim3A_502 = vector.broadcast %broadcast_in_dim3A : f32 to vector<16xf32>
      %swap3A_503 = arith.index_cast %scan3A_501 : i32 to index
      %swap3A_504 = arith.constant 0 : index
      %swap3A_505 = tpu.vector_load %arg11[%swap3A_503, %swap3A_504] {strides = array<i32>} : memref<80x64xf32, #tpu.memory_space<vmem>>, vector<1x16xf32>,
      %swap3A_506 = vector.shape_cast %swap3A_505 : vector<1x16xf32> to vector<16xf32>
      %swap3A_507 = vector.shape_cast %broadcast_in_dim3A_502 : vector<16xf32> to vector<1x16xf32>
      tpu.vector_store %arg11[%swap3A_503, %swap3A_504], %swap3A_507 {strides = array<i32>} : memref<80x64xf32, #tpu.memory_space<vmem>>, vector<1x16xf32>,
      %broadcast_in_dim3A_508 = arith.constant 0.000000e+00 : f32
      %broadcast_in_dim3A_509 = vector.broadcast %broadcast_in_dim3A_508 : f32 to vector<16xf32>
      %swap3A_510 = arith.index_cast %scan3A_501 : i32 to index
      %swap3A_511 = arith.constant 16 : index
      %swap3A_512 = tpu.vector_load %arg11[%swap3A_510, %swap3A_511] {strides = array<i32>} : memref<80x64xf32, #tpu.memory_space<vmem>>, vector<1x16xf32>,
      %swap3A_513 = vector.shape_cast %swap3A_512 : vector<1x16xf32> to vector<16xf32>
      %swap3A_514 = vector.shape_cast %broadcast_in_dim3A_509 : vector<16xf32> to vector<1x16xf32>
      tpu.vector_store %arg11[%swap3A_510, %swap3A_511], %swap3A_514 {strides = array<i32>} : memref<80x64xf32, #tpu.memory_space<vmem>>, vector<1x16xf32>,
      %broadcast_in_dim3A_515 = arith.constant 0.000000e+00 : f32
      %broadcast_in_dim3A_516 = vector.broadcast %broadcast_in_dim3A_515 : f32 to vector<16xf32>
      %swap3A_517 = arith.index_cast %scan3A_501 : i32 to index
      %swap3A_518 = arith.constant 32 : index
      %swap3A_519 = tpu.vector_load %arg11[%swap3A_517, %swap3A_518] {strides = array<i32>} : memref<80x64xf32, #tpu.memory_space<vmem>>, vector<1x16xf32>,
      %swap3A_520 = vector.shape_cast %swap3A_519 : vector<1x16xf32> to vector<16xf32>
      %swap3A_521 = vector.shape_cast %broadcast_in_dim3A_516 : vector<16xf32> to vector<1x16xf32>
      tpu.vector_store %arg11[%swap3A_517, %swap3A_518], %swap3A_521 {strides = array<i32>} : memref<80x64xf32, #tpu.memory_space<vmem>>, vector<1x16xf32>,
      %broadcast_in_dim3A_522 = arith.constant 0.000000e+00 : f32
      %broadcast_in_dim3A_523 = vector.broadcast %broadcast_in_dim3A_522 : f32 to vector<16xf32>
      %swap3A_524 = arith.index_cast %scan3A_501 : i32 to index
      %swap3A_525 = arith.constant 48 : index
      %swap3A_526 = tpu.vector_load %arg11[%swap3A_524, %swap3A_525] {strides = array<i32>} : memref<80x64xf32, #tpu.memory_space<vmem>>, vector<1x16xf32>,
      %swap3A_527 = vector.shape_cast %swap3A_526 : vector<1x16xf32> to vector<16xf32>
      %swap3A_528 = vector.shape_cast %broadcast_in_dim3A_523 : vector<16xf32> to vector<1x16xf32>
      tpu.vector_store %arg11[%swap3A_524, %swap3A_525], %swap3A_528 {strides = array<i32>} : memref<80x64xf32, #tpu.memory_space<vmem>>, vector<1x16xf32>,
    }
    %scan3A_4 = arith.constant 80 : i32
    %mul3A = arith.constant 640 : i32
    %mul3A_5 = arith.muli %arg1, %mul3A : i32
    %add3A = arith.constant 0 : i32
    %add3A_6 = arith.addi %mul3A_5, %add3A : i32
    "tpu.region"() ({
      %run_scoped3A = tpu.sem_alloc : memref<!tpu.dma_semaphore, #tpu.memory_space<semaphore_mem>>
      %dma_start3A_501 = arith.constant 0 : i32
      %dma_start3A_502 = tpu.memref_slice %arg18[%add3A_6, %dma_start3A_501] : memref<10240x64xf32, #tpu.memory_space<vmem_shared>> -> memref<80x64xf32, #tpu.memory_space<vmem_shared>>
      %dma_start3A_503 = arith.constant 0 : i32
      %dma_start3A_504 = tpu.memref_slice %arg18[%add3A_6, %dma_start3A_503] : memref<10240x64xf32, #tpu.memory_space<vmem_shared>> -> memref<80x64xf32, #tpu.memory_space<vmem_shared>>
      tpu.enqueue_dma source(%arg11 : memref<80x64xf32, #tpu.memory_space<vmem>>) target(%dma_start3A_504 : memref<80x64xf32, #tpu.memory_space<vmem_shared>>) target_semaphore(%run_scoped3A : memref<!tpu.dma_semaphore, #tpu.memory_space<semaphore_mem>>)
      %dma_wait3A_505 = arith.constant 0 : i32
      %dma_wait3A_506 = tpu.memref_slice %arg18[%add3A_6, %dma_wait3A_505] : memref<10240x64xf32, #tpu.memory_space<vmem_shared>> -> memref<80x64xf32, #tpu.memory_space<vmem_shared>>
      %dma_wait3A_507 = arith.constant 0 : i32
      %dma_wait3A_508 = tpu.memref_slice %arg18[%add3A_6, %dma_wait3A_507] : memref<10240x64xf32, #tpu.memory_space<vmem_shared>> -> memref<80x64xf32, #tpu.memory_space<vmem_shared>>
      tpu.wait_dma2 semaphore(%run_scoped3A : memref<!tpu.dma_semaphore, #tpu.memory_space<semaphore_mem>>) src(%arg11 : memref<80x64xf32, #tpu.memory_space<vmem>>) dst(%dma_wait3A_508 : memref<80x64xf32, #tpu.memory_space<vmem_shared>>)
      tpu.yield
    }) : () -> ()
    %add3A_7 = arith.constant 80 : i32
    %add3A_8 = arith.addi %mul3A_5, %add3A_7 : i32
    "tpu.region"() ({
      %run_scoped3A = tpu.sem_alloc : memref<!tpu.dma_semaphore, #tpu.memory_space<semaphore_mem>>
      %dma_start3A_501 = arith.constant 0 : i32
      %dma_start3A_502 = tpu.memref_slice %arg18[%add3A_8, %dma_start3A_501] : memref<10240x64xf32, #tpu.memory_space<vmem_shared>> -> memref<80x64xf32, #tpu.memory_space<vmem_shared>>
      %dma_start3A_503 = arith.constant 0 : i32
      %dma_start3A_504 = tpu.memref_slice %arg18[%add3A_8, %dma_start3A_503] : memref<10240x64xf32, #tpu.memory_space<vmem_shared>> -> memref<80x64xf32, #tpu.memory_space<vmem_shared>>
      tpu.enqueue_dma source(%arg11 : memref<80x64xf32, #tpu.memory_space<vmem>>) target(%dma_start3A_504 : memref<80x64xf32, #tpu.memory_space<vmem_shared>>) target_semaphore(%run_scoped3A : memref<!tpu.dma_semaphore, #tpu.memory_space<semaphore_mem>>)
      %dma_wait3A_505 = arith.constant 0 : i32
      %dma_wait3A_506 = tpu.memref_slice %arg18[%add3A_8, %dma_wait3A_505] : memref<10240x64xf32, #tpu.memory_space<vmem_shared>> -> memref<80x64xf32, #tpu.memory_space<vmem_shared>>
      %dma_wait3A_507 = arith.constant 0 : i32
      %dma_wait3A_508 = tpu.memref_slice %arg18[%add3A_8, %dma_wait3A_507] : memref<10240x64xf32, #tpu.memory_space<vmem_shared>> -> memref<80x64xf32, #tpu.memory_space<vmem_shared>>
      tpu.wait_dma2 semaphore(%run_scoped3A : memref<!tpu.dma_semaphore, #tpu.memory_space<semaphore_mem>>) src(%arg11 : memref<80x64xf32, #tpu.memory_space<vmem>>) dst(%dma_wait3A_508 : memref<80x64xf32, #tpu.memory_space<vmem_shared>>)
      tpu.yield
    }) : () -> ()
    %add3A_9 = arith.constant 160 : i32
    %add3A_10 = arith.addi %mul3A_5, %add3A_9 : i32
    "tpu.region"() ({
      %run_scoped3A = tpu.sem_alloc : memref<!tpu.dma_semaphore, #tpu.memory_space<semaphore_mem>>
      %dma_start3A_501 = arith.constant 0 : i32
      %dma_start3A_502 = tpu.memref_slice %arg18[%add3A_10, %dma_start3A_501] : memref<10240x64xf32, #tpu.memory_space<vmem_shared>> -> memref<80x64xf32, #tpu.memory_space<vmem_shared>>
      %dma_start3A_503 = arith.constant 0 : i32
      %dma_start3A_504 = tpu.memref_slice %arg18[%add3A_10, %dma_start3A_503] : memref<10240x64xf32, #tpu.memory_space<vmem_shared>> -> memref<80x64xf32, #tpu.memory_space<vmem_shared>>
      tpu.enqueue_dma source(%arg11 : memref<80x64xf32, #tpu.memory_space<vmem>>) target(%dma_start3A_504 : memref<80x64xf32, #tpu.memory_space<vmem_shared>>) target_semaphore(%run_scoped3A : memref<!tpu.dma_semaphore, #tpu.memory_space<semaphore_mem>>)
      %dma_wait3A_505 = arith.constant 0 : i32
      %dma_wait3A_506 = tpu.memref_slice %arg18[%add3A_10, %dma_wait3A_505] : memref<10240x64xf32, #tpu.memory_space<vmem_shared>> -> memref<80x64xf32, #tpu.memory_space<vmem_shared>>
      %dma_wait3A_507 = arith.constant 0 : i32
      %dma_wait3A_508 = tpu.memref_slice %arg18[%add3A_10, %dma_wait3A_507] : memref<10240x64xf32, #tpu.memory_space<vmem_shared>> -> memref<80x64xf32, #tpu.memory_space<vmem_shared>>
      tpu.wait_dma2 semaphore(%run_scoped3A : memref<!tpu.dma_semaphore, #tpu.memory_space<semaphore_mem>>) src(%arg11 : memref<80x64xf32, #tpu.memory_space<vmem>>) dst(%dma_wait3A_508 : memref<80x64xf32, #tpu.memory_space<vmem_shared>>)
      tpu.yield
    }) : () -> ()
    %add3A_11 = arith.constant 240 : i32
    %add3A_12 = arith.addi %mul3A_5, %add3A_11 : i32
    "tpu.region"() ({
      %run_scoped3A = tpu.sem_alloc : memref<!tpu.dma_semaphore, #tpu.memory_space<semaphore_mem>>
      %dma_start3A_501 = arith.constant 0 : i32
      %dma_start3A_502 = tpu.memref_slice %arg18[%add3A_12, %dma_start3A_501] : memref<10240x64xf32, #tpu.memory_space<vmem_shared>> -> memref<80x64xf32, #tpu.memory_space<vmem_shared>>
      %dma_start3A_503 = arith.constant 0 : i32
      %dma_start3A_504 = tpu.memref_slice %arg18[%add3A_12, %dma_start3A_503] : memref<10240x64xf32, #tpu.memory_space<vmem_shared>> -> memref<80x64xf32, #tpu.memory_space<vmem_shared>>
      tpu.enqueue_dma source(%arg11 : memref<80x64xf32, #tpu.memory_space<vmem>>) target(%dma_start3A_504 : memref<80x64xf32, #tpu.memory_space<vmem_shared>>) target_semaphore(%run_scoped3A : memref<!tpu.dma_semaphore, #tpu.memory_space<semaphore_mem>>)
      %dma_wait3A_505 = arith.constant 0 : i32
      %dma_wait3A_506 = tpu.memref_slice %arg18[%add3A_12, %dma_wait3A_505] : memref<10240x64xf32, #tpu.memory_space<vmem_shared>> -> memref<80x64xf32, #tpu.memory_space<vmem_shared>>
      %dma_wait3A_507 = arith.constant 0 : i32
      %dma_wait3A_508 = tpu.memref_slice %arg18[%add3A_12, %dma_wait3A_507] : memref<10240x64xf32, #tpu.memory_space<vmem_shared>> -> memref<80x64xf32, #tpu.memory_space<vmem_shared>>
      tpu.wait_dma2 semaphore(%run_scoped3A : memref<!tpu.dma_semaphore, #tpu.memory_space<semaphore_mem>>) src(%arg11 : memref<80x64xf32, #tpu.memory_space<vmem>>) dst(%dma_wait3A_508 : memref<80x64xf32, #tpu.memory_space<vmem_shared>>)
      tpu.yield
    }) : () -> ()
    %add3A_13 = arith.constant 320 : i32
    %add3A_14 = arith.addi %mul3A_5, %add3A_13 : i32
    "tpu.region"() ({
      %run_scoped3A = tpu.sem_alloc : memref<!tpu.dma_semaphore, #tpu.memory_space<semaphore_mem>>
      %dma_start3A_501 = arith.constant 0 : i32
      %dma_start3A_502 = tpu.memref_slice %arg18[%add3A_14, %dma_start3A_501] : memref<10240x64xf32, #tpu.memory_space<vmem_shared>> -> memref<80x64xf32, #tpu.memory_space<vmem_shared>>
      %dma_start3A_503 = arith.constant 0 : i32
      %dma_start3A_504 = tpu.memref_slice %arg18[%add3A_14, %dma_start3A_503] : memref<10240x64xf32, #tpu.memory_space<vmem_shared>> -> memref<80x64xf32, #tpu.memory_space<vmem_shared>>
      tpu.enqueue_dma source(%arg11 : memref<80x64xf32, #tpu.memory_space<vmem>>) target(%dma_start3A_504 : memref<80x64xf32, #tpu.memory_space<vmem_shared>>) target_semaphore(%run_scoped3A : memref<!tpu.dma_semaphore, #tpu.memory_space<semaphore_mem>>)
      %dma_wait3A_505 = arith.constant 0 : i32
      %dma_wait3A_506 = tpu.memref_slice %arg18[%add3A_14, %dma_wait3A_505] : memref<10240x64xf32, #tpu.memory_space<vmem_shared>> -> memref<80x64xf32, #tpu.memory_space<vmem_shared>>
      %dma_wait3A_507 = arith.constant 0 : i32
      %dma_wait3A_508 = tpu.memref_slice %arg18[%add3A_14, %dma_wait3A_507] : memref<10240x64xf32, #tpu.memory_space<vmem_shared>> -> memref<80x64xf32, #tpu.memory_space<vmem_shared>>
      tpu.wait_dma2 semaphore(%run_scoped3A : memref<!tpu.dma_semaphore, #tpu.memory_space<semaphore_mem>>) src(%arg11 : memref<80x64xf32, #tpu.memory_space<vmem>>) dst(%dma_wait3A_508 : memref<80x64xf32, #tpu.memory_space<vmem_shared>>)
      tpu.yield
    }) : () -> ()
    %add3A_15 = arith.constant 400 : i32
    %add3A_16 = arith.addi %mul3A_5, %add3A_15 : i32
    "tpu.region"() ({
      %run_scoped3A = tpu.sem_alloc : memref<!tpu.dma_semaphore, #tpu.memory_space<semaphore_mem>>
      %dma_start3A_501 = arith.constant 0 : i32
      %dma_start3A_502 = tpu.memref_slice %arg18[%add3A_16, %dma_start3A_501] : memref<10240x64xf32, #tpu.memory_space<vmem_shared>> -> memref<80x64xf32, #tpu.memory_space<vmem_shared>>
      %dma_start3A_503 = arith.constant 0 : i32
      %dma_start3A_504 = tpu.memref_slice %arg18[%add3A_16, %dma_start3A_503] : memref<10240x64xf32, #tpu.memory_space<vmem_shared>> -> memref<80x64xf32, #tpu.memory_space<vmem_shared>>
      tpu.enqueue_dma source(%arg11 : memref<80x64xf32, #tpu.memory_space<vmem>>) target(%dma_start3A_504 : memref<80x64xf32, #tpu.memory_space<vmem_shared>>) target_semaphore(%run_scoped3A : memref<!tpu.dma_semaphore, #tpu.memory_space<semaphore_mem>>)
      %dma_wait3A_505 = arith.constant 0 : i32
      %dma_wait3A_506 = tpu.memref_slice %arg18[%add3A_16, %dma_wait3A_505] : memref<10240x64xf32, #tpu.memory_space<vmem_shared>> -> memref<80x64xf32, #tpu.memory_space<vmem_shared>>
      %dma_wait3A_507 = arith.constant 0 : i32
      %dma_wait3A_508 = tpu.memref_slice %arg18[%add3A_16, %dma_wait3A_507] : memref<10240x64xf32, #tpu.memory_space<vmem_shared>> -> memref<80x64xf32, #tpu.memory_space<vmem_shared>>
      tpu.wait_dma2 semaphore(%run_scoped3A : memref<!tpu.dma_semaphore, #tpu.memory_space<semaphore_mem>>) src(%arg11 : memref<80x64xf32, #tpu.memory_space<vmem>>) dst(%dma_wait3A_508 : memref<80x64xf32, #tpu.memory_space<vmem_shared>>)
      tpu.yield
    }) : () -> ()
    %add3A_17 = arith.constant 480 : i32
    %add3A_18 = arith.addi %mul3A_5, %add3A_17 : i32
    "tpu.region"() ({
      %run_scoped3A = tpu.sem_alloc : memref<!tpu.dma_semaphore, #tpu.memory_space<semaphore_mem>>
      %dma_start3A_501 = arith.constant 0 : i32
      %dma_start3A_502 = tpu.memref_slice %arg18[%add3A_18, %dma_start3A_501] : memref<10240x64xf32, #tpu.memory_space<vmem_shared>> -> memref<80x64xf32, #tpu.memory_space<vmem_shared>>
      %dma_start3A_503 = arith.constant 0 : i32
      %dma_start3A_504 = tpu.memref_slice %arg18[%add3A_18, %dma_start3A_503] : memref<10240x64xf32, #tpu.memory_space<vmem_shared>> -> memref<80x64xf32, #tpu.memory_space<vmem_shared>>
      tpu.enqueue_dma source(%arg11 : memref<80x64xf32, #tpu.memory_space<vmem>>) target(%dma_start3A_504 : memref<80x64xf32, #tpu.memory_space<vmem_shared>>) target_semaphore(%run_scoped3A : memref<!tpu.dma_semaphore, #tpu.memory_space<semaphore_mem>>)
      %dma_wait3A_505 = arith.constant 0 : i32
      %dma_wait3A_506 = tpu.memref_slice %arg18[%add3A_18, %dma_wait3A_505] : memref<10240x64xf32, #tpu.memory_space<vmem_shared>> -> memref<80x64xf32, #tpu.memory_space<vmem_shared>>
      %dma_wait3A_507 = arith.constant 0 : i32
      %dma_wait3A_508 = tpu.memref_slice %arg18[%add3A_18, %dma_wait3A_507] : memref<10240x64xf32, #tpu.memory_space<vmem_shared>> -> memref<80x64xf32, #tpu.memory_space<vmem_shared>>
      tpu.wait_dma2 semaphore(%run_scoped3A : memref<!tpu.dma_semaphore, #tpu.memory_space<semaphore_mem>>) src(%arg11 : memref<80x64xf32, #tpu.memory_space<vmem>>) dst(%dma_wait3A_508 : memref<80x64xf32, #tpu.memory_space<vmem_shared>>)
      tpu.yield
    }) : () -> ()
    %add3A_19 = arith.constant 560 : i32
    %add3A_20 = arith.addi %mul3A_5, %add3A_19 : i32
    "tpu.region"() ({
      %run_scoped3A = tpu.sem_alloc : memref<!tpu.dma_semaphore, #tpu.memory_space<semaphore_mem>>
      %dma_start3A_501 = arith.constant 0 : i32
      %dma_start3A_502 = tpu.memref_slice %arg18[%add3A_20, %dma_start3A_501] : memref<10240x64xf32, #tpu.memory_space<vmem_shared>> -> memref<80x64xf32, #tpu.memory_space<vmem_shared>>
      %dma_start3A_503 = arith.constant 0 : i32
      %dma_start3A_504 = tpu.memref_slice %arg18[%add3A_20, %dma_start3A_503] : memref<10240x64xf32, #tpu.memory_space<vmem_shared>> -> memref<80x64xf32, #tpu.memory_space<vmem_shared>>
      tpu.enqueue_dma source(%arg11 : memref<80x64xf32, #tpu.memory_space<vmem>>) target(%dma_start3A_504 : memref<80x64xf32, #tpu.memory_space<vmem_shared>>) target_semaphore(%run_scoped3A : memref<!tpu.dma_semaphore, #tpu.memory_space<semaphore_mem>>)
      %dma_wait3A_505 = arith.constant 0 : i32
      %dma_wait3A_506 = tpu.memref_slice %arg18[%add3A_20, %dma_wait3A_505] : memref<10240x64xf32, #tpu.memory_space<vmem_shared>> -> memref<80x64xf32, #tpu.memory_space<vmem_shared>>
      %dma_wait3A_507 = arith.constant 0 : i32
      %dma_wait3A_508 = tpu.memref_slice %arg18[%add3A_20, %dma_wait3A_507] : memref<10240x64xf32, #tpu.memory_space<vmem_shared>> -> memref<80x64xf32, #tpu.memory_space<vmem_shared>>
      tpu.wait_dma2 semaphore(%run_scoped3A : memref<!tpu.dma_semaphore, #tpu.memory_space<semaphore_mem>>) src(%arg11 : memref<80x64xf32, #tpu.memory_space<vmem>>) dst(%dma_wait3A_508 : memref<80x64xf32, #tpu.memory_space<vmem_shared>>)
      tpu.yield
    }) : () -> ()
    %barrier3A = arith.constant 0 : index
    tpu.barrier barrier_id(%barrier3A)
    %mul3A_21 = arith.constant 10000 : i32
    %mul3A_22 = arith.muli %arg1, %mul3A_21 : i32
    %add3A_23 = arith.constant 160000 : i32
    %add3A_24 = arith.addi %add3A_23, %mul3A_22 : i32
    "tpu.region"() ({
      %run_scoped3A = tpu.sem_alloc : memref<!tpu.dma_semaphore, #tpu.memory_space<semaphore_mem>>
      %dma_start3A_501 = tpu.memref_slice %arg3[%add3A_24] : memref<640000xi32, #tpu.memory_space<hbm>> -> memref<10000xi32, #tpu.memory_space<hbm>>
      %dma_start3A_502 = tpu.memref_slice %arg3[%add3A_24] : memref<640000xi32, #tpu.memory_space<hbm>> -> memref<10000xi32, #tpu.memory_space<hbm>>
      tpu.enqueue_dma source(%dma_start3A_502 : memref<10000xi32, #tpu.memory_space<hbm>>) target(%arg6 : memref<10000xi32, #tpu.memory_space<vmem>>) target_semaphore(%run_scoped3A : memref<!tpu.dma_semaphore, #tpu.memory_space<semaphore_mem>>)
      %dma_wait3A_503 = tpu.memref_slice %arg3[%add3A_24] : memref<640000xi32, #tpu.memory_space<hbm>> -> memref<10000xi32, #tpu.memory_space<hbm>>
      %dma_wait3A_504 = tpu.memref_slice %arg3[%add3A_24] : memref<640000xi32, #tpu.memory_space<hbm>> -> memref<10000xi32, #tpu.memory_space<hbm>>
      tpu.wait_dma2 semaphore(%run_scoped3A : memref<!tpu.dma_semaphore, #tpu.memory_space<semaphore_mem>>) src(%dma_wait3A_504 : memref<10000xi32, #tpu.memory_space<hbm>>) dst(%arg6 : memref<10000xi32, #tpu.memory_space<vmem>>)
      tpu.yield
    }) : () -> ()
    %mul3A_25 = arith.constant 10000 : i32
    %mul3A_26 = arith.muli %arg1, %mul3A_25 : i32
    %add3A_27 = arith.constant 480000 : i32
    %add3A_28 = arith.addi %add3A_27, %mul3A_26 : i32
    "tpu.region"() ({
      %run_scoped3A = tpu.sem_alloc : memref<!tpu.dma_semaphore, #tpu.memory_space<semaphore_mem>>
      %dma_start3A_501 = tpu.memref_slice %arg3[%add3A_28] : memref<640000xi32, #tpu.memory_space<hbm>> -> memref<10000xi32, #tpu.memory_space<hbm>>
      %dma_start3A_502 = tpu.memref_slice %arg3[%add3A_28] : memref<640000xi32, #tpu.memory_space<hbm>> -> memref<10000xi32, #tpu.memory_space<hbm>>
      tpu.enqueue_dma source(%dma_start3A_502 : memref<10000xi32, #tpu.memory_space<hbm>>) target(%arg7 : memref<10000xi32, #tpu.memory_space<vmem>>) target_semaphore(%run_scoped3A : memref<!tpu.dma_semaphore, #tpu.memory_space<semaphore_mem>>)
      %dma_wait3A_503 = tpu.memref_slice %arg3[%add3A_28] : memref<640000xi32, #tpu.memory_space<hbm>> -> memref<10000xi32, #tpu.memory_space<hbm>>
      %dma_wait3A_504 = tpu.memref_slice %arg3[%add3A_28] : memref<640000xi32, #tpu.memory_space<hbm>> -> memref<10000xi32, #tpu.memory_space<hbm>>
      tpu.wait_dma2 semaphore(%run_scoped3A : memref<!tpu.dma_semaphore, #tpu.memory_space<semaphore_mem>>) src(%dma_wait3A_504 : memref<10000xi32, #tpu.memory_space<hbm>>) dst(%arg7 : memref<10000xi32, #tpu.memory_space<vmem>>)
      tpu.yield
    }) : () -> ()
    %mul3A_29 = arith.constant 2 : i32
    %mul3A_30 = arith.muli %mul3A_29, %arg1 : i32
    %mul3A_31 = arith.constant 10000 : i32
    %mul3A_32 = arith.muli %mul3A_30, %mul3A_31 : i32
    %add3A_33 = arith.addi %mul3A_32, %arg0 : i32
    %iota3A = tpu.iota {dimensions = array<i32: 0>} : vector<16xi32>
    %mul3A_34 = arith.constant 2 : i32
    %mul3A_35 = vector.broadcast %mul3A_34 : i32 to vector<16xi32>
    %mul3A_36 = arith.muli %mul3A_35, %iota3A : vector<16xi32>
    %get3A = arith.constant 0 : index
    %get3A_37 = tpu.vector_load %arg6[%get3A] {strides = array<i32>} : memref<10000xi32, #tpu.memory_space<vmem>>, vector<16xi32>,
    %get3A_38 = vector.shape_cast %get3A_37 : vector<16xi32> to vector<16xi32>
    %mul3A_39 = arith.constant 2 : i32
    %mul3A_40 = vector.broadcast %mul3A_39 : i32 to vector<16xi32>
    %mul3A_41 = arith.muli %get3A_38, %mul3A_40 : vector<16xi32>
    %add3A_42 = vector.broadcast %arg0 : i32 to vector<16xi32>
    %add3A_43 = arith.addi %mul3A_41, %add3A_42 : vector<16xi32>
    %swap3A = arith.constant 0 : index
    %swap3A_44 = tpu.vector_load %arg8[%swap3A] {strides = array<i32>} : memref<80xi32, #tpu.memory_space<vmem>>, vector<16xi32>,
    %swap3A_45 = vector.shape_cast %swap3A_44 : vector<16xi32> to vector<16xi32>
    %swap3A_46 = vector.shape_cast %add3A_43 : vector<16xi32> to vector<16xi32>
    tpu.vector_store %arg8[%swap3A], %swap3A_46 {strides = array<i32>} : memref<80xi32, #tpu.memory_space<vmem>>, vector<16xi32>,
    %get3A_47 = arith.constant 0 : index
    %get3A_48 = tpu.vector_load %arg7[%get3A_47] {strides = array<i32>} : memref<10000xi32, #tpu.memory_space<vmem>>, vector<16xi32>,
    %get3A_49 = vector.shape_cast %get3A_48 : vector<16xi32> to vector<16xi32>
    %swap3A_50 = arith.constant 0 : index
    %swap3A_51 = tpu.vector_load %arg9[%swap3A_50] {strides = array<i32>} : memref<80xi32, #tpu.memory_space<vmem>>, vector<16xi32>,
    %swap3A_52 = vector.shape_cast %swap3A_51 : vector<16xi32> to vector<16xi32>
    %swap3A_53 = vector.shape_cast %get3A_49 : vector<16xi32> to vector<16xi32>
    tpu.vector_store %arg9[%swap3A_50], %swap3A_53 {strides = array<i32>} : memref<80xi32, #tpu.memory_space<vmem>>, vector<16xi32>,
    %add3A_54 = arith.constant 0 : i32
    %add3A_55 = arith.addi %add3A_33, %add3A_54 : i32
    %add3A_56 = vector.broadcast %add3A_55 : i32 to vector<16xi32>
    %add3A_57 = arith.addi %add3A_56, %mul3A_36 : vector<16xi32>
    %swap3A_58 = arith.constant 0 : index
    %swap3A_59 = tpu.vector_load %arg10[%swap3A_58] {strides = array<i32>} : memref<80xi32, #tpu.memory_space<vmem>>, vector<16xi32>,
    %swap3A_60 = vector.shape_cast %swap3A_59 : vector<16xi32> to vector<16xi32>
    %swap3A_61 = vector.shape_cast %add3A_57 : vector<16xi32> to vector<16xi32>
    tpu.vector_store %arg10[%swap3A_58], %swap3A_61 {strides = array<i32>} : memref<80xi32, #tpu.memory_space<vmem>>, vector<16xi32>,
    %get3A_62 = arith.constant 16 : index
    %get3A_63 = tpu.vector_load %arg6[%get3A_62] {strides = array<i32>} : memref<10000xi32, #tpu.memory_space<vmem>>, vector<16xi32>,
    %get3A_64 = vector.shape_cast %get3A_63 : vector<16xi32> to vector<16xi32>
    %mul3A_65 = arith.constant 2 : i32
    %mul3A_66 = vector.broadcast %mul3A_65 : i32 to vector<16xi32>
    %mul3A_67 = arith.muli %get3A_64, %mul3A_66 : vector<16xi32>
    %add3A_68 = vector.broadcast %arg0 : i32 to vector<16xi32>
    %add3A_69 = arith.addi %mul3A_67, %add3A_68 : vector<16xi32>
    %swap3A_70 = arith.constant 16 : index
    %swap3A_71 = tpu.vector_load %arg8[%swap3A_70] {strides = array<i32>} : memref<80xi32, #tpu.memory_space<vmem>>, vector<16xi32>,
    %swap3A_72 = vector.shape_cast %swap3A_71 : vector<16xi32> to vector<16xi32>
    %swap3A_73 = vector.shape_cast %add3A_69 : vector<16xi32> to vector<16xi32>
    tpu.vector_store %arg8[%swap3A_70], %swap3A_73 {strides = array<i32>} : memref<80xi32, #tpu.memory_space<vmem>>, vector<16xi32>,
    %get3A_74 = arith.constant 16 : index
    %get3A_75 = tpu.vector_load %arg7[%get3A_74] {strides = array<i32>} : memref<10000xi32, #tpu.memory_space<vmem>>, vector<16xi32>,
    %get3A_76 = vector.shape_cast %get3A_75 : vector<16xi32> to vector<16xi32>
    %swap3A_77 = arith.constant 16 : index
    %swap3A_78 = tpu.vector_load %arg9[%swap3A_77] {strides = array<i32>} : memref<80xi32, #tpu.memory_space<vmem>>, vector<16xi32>,
    %swap3A_79 = vector.shape_cast %swap3A_78 : vector<16xi32> to vector<16xi32>
    %swap3A_80 = vector.shape_cast %get3A_76 : vector<16xi32> to vector<16xi32>
    tpu.vector_store %arg9[%swap3A_77], %swap3A_80 {strides = array<i32>} : memref<80xi32, #tpu.memory_space<vmem>>, vector<16xi32>,
    %add3A_81 = arith.constant 32 : i32
    %add3A_82 = arith.addi %add3A_33, %add3A_81 : i32
    %add3A_83 = vector.broadcast %add3A_82 : i32 to vector<16xi32>
    %add3A_84 = arith.addi %add3A_83, %mul3A_36 : vector<16xi32>
    %swap3A_85 = arith.constant 16 : index
    %swap3A_86 = tpu.vector_load %arg10[%swap3A_85] {strides = array<i32>} : memref<80xi32, #tpu.memory_space<vmem>>, vector<16xi32>,
    %swap3A_87 = vector.shape_cast %swap3A_86 : vector<16xi32> to vector<16xi32>
    %swap3A_88 = vector.shape_cast %add3A_84 : vector<16xi32> to vector<16xi32>
    tpu.vector_store %arg10[%swap3A_85], %swap3A_88 {strides = array<i32>} : memref<80xi32, #tpu.memory_space<vmem>>, vector<16xi32>,
    %get3A_89 = arith.constant 32 : index
    %get3A_90 = tpu.vector_load %arg6[%get3A_89] {strides = array<i32>} : memref<10000xi32, #tpu.memory_space<vmem>>, vector<16xi32>,
    %get3A_91 = vector.shape_cast %get3A_90 : vector<16xi32> to vector<16xi32>
    %mul3A_92 = arith.constant 2 : i32
    %mul3A_93 = vector.broadcast %mul3A_92 : i32 to vector<16xi32>
    %mul3A_94 = arith.muli %get3A_91, %mul3A_93 : vector<16xi32>
    %add3A_95 = vector.broadcast %arg0 : i32 to vector<16xi32>
    %add3A_96 = arith.addi %mul3A_94, %add3A_95 : vector<16xi32>
    %swap3A_97 = arith.constant 32 : index
    %swap3A_98 = tpu.vector_load %arg8[%swap3A_97] {strides = array<i32>} : memref<80xi32, #tpu.memory_space<vmem>>, vector<16xi32>,
    %swap3A_99 = vector.shape_cast %swap3A_98 : vector<16xi32> to vector<16xi32>
    %swap3A_100 = vector.shape_cast %add3A_96 : vector<16xi32> to vector<16xi32>
    tpu.vector_store %arg8[%swap3A_97], %swap3A_100 {strides = array<i32>} : memref<80xi32, #tpu.memory_space<vmem>>, vector<16xi32>,
    %get3A_101 = arith.constant 32 : index
    %get3A_102 = tpu.vector_load %arg7[%get3A_101] {strides = array<i32>} : memref<10000xi32, #tpu.memory_space<vmem>>, vector<16xi32>,
    %get3A_103 = vector.shape_cast %get3A_102 : vector<16xi32> to vector<16xi32>
    %swap3A_104 = arith.constant 32 : index
    %swap3A_105 = tpu.vector_load %arg9[%swap3A_104] {strides = array<i32>} : memref<80xi32, #tpu.memory_space<vmem>>, vector<16xi32>,
    %swap3A_106 = vector.shape_cast %swap3A_105 : vector<16xi32> to vector<16xi32>
    %swap3A_107 = vector.shape_cast %get3A_103 : vector<16xi32> to vector<16xi32>
    tpu.vector_store %arg9[%swap3A_104], %swap3A_107 {strides = array<i32>} : memref<80xi32, #tpu.memory_space<vmem>>, vector<16xi32>,
    %add3A_108 = arith.constant 64 : i32
    %add3A_109 = arith.addi %add3A_33, %add3A_108 : i32
    %add3A_110 = vector.broadcast %add3A_109 : i32 to vector<16xi32>
    %add3A_111 = arith.addi %add3A_110, %mul3A_36 : vector<16xi32>
    %swap3A_112 = arith.constant 32 : index
    %swap3A_113 = tpu.vector_load %arg10[%swap3A_112] {strides = array<i32>} : memref<80xi32, #tpu.memory_space<vmem>>, vector<16xi32>,
    %swap3A_114 = vector.shape_cast %swap3A_113 : vector<16xi32> to vector<16xi32>
    %swap3A_115 = vector.shape_cast %add3A_111 : vector<16xi32> to vector<16xi32>
    tpu.vector_store %arg10[%swap3A_112], %swap3A_115 {strides = array<i32>} : memref<80xi32, #tpu.memory_space<vmem>>, vector<16xi32>,
    %get3A_116 = arith.constant 48 : index
    %get3A_117 = tpu.vector_load %arg6[%get3A_116] {strides = array<i32>} : memref<10000xi32, #tpu.memory_space<vmem>>, vector<16xi32>,
    %get3A_118 = vector.shape_cast %get3A_117 : vector<16xi32> to vector<16xi32>
    %mul3A_119 = arith.constant 2 : i32
    %mul3A_120 = vector.broadcast %mul3A_119 : i32 to vector<16xi32>
    %mul3A_121 = arith.muli %get3A_118, %mul3A_120 : vector<16xi32>
    %add3A_122 = vector.broadcast %arg0 : i32 to vector<16xi32>
    %add3A_123 = arith.addi %mul3A_121, %add3A_122 : vector<16xi32>
    %swap3A_124 = arith.constant 48 : index
    %swap3A_125 = tpu.vector_load %arg8[%swap3A_124] {strides = array<i32>} : memref<80xi32, #tpu.memory_space<vmem>>, vector<16xi32>,
    %swap3A_126 = vector.shape_cast %swap3A_125 : vector<16xi32> to vector<16xi32>
    %swap3A_127 = vector.shape_cast %add3A_123 : vector<16xi32> to vector<16xi32>
    tpu.vector_store %arg8[%swap3A_124], %swap3A_127 {strides = array<i32>} : memref<80xi32, #tpu.memory_space<vmem>>, vector<16xi32>,
    %get3A_128 = arith.constant 48 : index
    %get3A_129 = tpu.vector_load %arg7[%get3A_128] {strides = array<i32>} : memref<10000xi32, #tpu.memory_space<vmem>>, vector<16xi32>,
    %get3A_130 = vector.shape_cast %get3A_129 : vector<16xi32> to vector<16xi32>
    %swap3A_131 = arith.constant 48 : index
    %swap3A_132 = tpu.vector_load %arg9[%swap3A_131] {strides = array<i32>} : memref<80xi32, #tpu.memory_space<vmem>>, vector<16xi32>,
    %swap3A_133 = vector.shape_cast %swap3A_132 : vector<16xi32> to vector<16xi32>
    %swap3A_134 = vector.shape_cast %get3A_130 : vector<16xi32> to vector<16xi32>
    tpu.vector_store %arg9[%swap3A_131], %swap3A_134 {strides = array<i32>} : memref<80xi32, #tpu.memory_space<vmem>>, vector<16xi32>,
    %add3A_135 = arith.constant 96 : i32
    %add3A_136 = arith.addi %add3A_33, %add3A_135 : i32
    %add3A_137 = vector.broadcast %add3A_136 : i32 to vector<16xi32>
    %add3A_138 = arith.addi %add3A_137, %mul3A_36 : vector<16xi32>
    %swap3A_139 = arith.constant 48 : index
    %swap3A_140 = tpu.vector_load %arg10[%swap3A_139] {strides = array<i32>} : memref<80xi32, #tpu.memory_space<vmem>>, vector<16xi32>,
    %swap3A_141 = vector.shape_cast %swap3A_140 : vector<16xi32> to vector<16xi32>
    %swap3A_142 = vector.shape_cast %add3A_138 : vector<16xi32> to vector<16xi32>
    tpu.vector_store %arg10[%swap3A_139], %swap3A_142 {strides = array<i32>} : memref<80xi32, #tpu.memory_space<vmem>>, vector<16xi32>,
    %get3A_143 = arith.constant 64 : index
    %get3A_144 = tpu.vector_load %arg6[%get3A_143] {strides = array<i32>} : memref<10000xi32, #tpu.memory_space<vmem>>, vector<16xi32>,
    %get3A_145 = vector.shape_cast %get3A_144 : vector<16xi32> to vector<16xi32>
    %mul3A_146 = arith.constant 2 : i32
    %mul3A_147 = vector.broadcast %mul3A_146 : i32 to vector<16xi32>
    %mul3A_148 = arith.muli %get3A_145, %mul3A_147 : vector<16xi32>
    %add3A_149 = vector.broadcast %arg0 : i32 to vector<16xi32>
    %add3A_150 = arith.addi %mul3A_148, %add3A_149 : vector<16xi32>
    %swap3A_151 = arith.constant 64 : index
    %swap3A_152 = tpu.vector_load %arg8[%swap3A_151] {strides = array<i32>} : memref<80xi32, #tpu.memory_space<vmem>>, vector<16xi32>,
    %swap3A_153 = vector.shape_cast %swap3A_152 : vector<16xi32> to vector<16xi32>
    %swap3A_154 = vector.shape_cast %add3A_150 : vector<16xi32> to vector<16xi32>
    tpu.vector_store %arg8[%swap3A_151], %swap3A_154 {strides = array<i32>} : memref<80xi32, #tpu.memory_space<vmem>>, vector<16xi32>,
    %get3A_155 = arith.constant 64 : index
    %get3A_156 = tpu.vector_load %arg7[%get3A_155] {strides = array<i32>} : memref<10000xi32, #tpu.memory_space<vmem>>, vector<16xi32>,
    %get3A_157 = vector.shape_cast %get3A_156 : vector<16xi32> to vector<16xi32>
    %swap3A_158 = arith.constant 64 : index
    %swap3A_159 = tpu.vector_load %arg9[%swap3A_158] {strides = array<i32>} : memref<80xi32, #tpu.memory_space<vmem>>, vector<16xi32>,
    %swap3A_160 = vector.shape_cast %swap3A_159 : vector<16xi32> to vector<16xi32>
    %swap3A_161 = vector.shape_cast %get3A_157 : vector<16xi32> to vector<16xi32>
    tpu.vector_store %arg9[%swap3A_158], %swap3A_161 {strides = array<i32>} : memref<80xi32, #tpu.memory_space<vmem>>, vector<16xi32>,
    %add3A_162 = arith.constant 128 : i32
    %add3A_163 = arith.addi %add3A_33, %add3A_162 : i32
    %add3A_164 = vector.broadcast %add3A_163 : i32 to vector<16xi32>
    %add3A_165 = arith.addi %add3A_164, %mul3A_36 : vector<16xi32>
    %swap3A_166 = arith.constant 64 : index
    %swap3A_167 = tpu.vector_load %arg10[%swap3A_166] {strides = array<i32>} : memref<80xi32, #tpu.memory_space<vmem>>, vector<16xi32>,
    %swap3A_168 = vector.shape_cast %swap3A_167 : vector<16xi32> to vector<16xi32>
    %swap3A_169 = vector.shape_cast %add3A_165 : vector<16xi32> to vector<16xi32>
    tpu.vector_store %arg10[%swap3A_166], %swap3A_169 {strides = array<i32>} : memref<80xi32, #tpu.memory_space<vmem>>, vector<16xi32>,
    %dma_start3A = arith.constant 0 : i32
    %dma_start3A_170 = arith.constant 0 : i32
    %dma_start3A_171 = tpu.memref_slice %arg2[%dma_start3A, %dma_start3A_170] : memref<20000x64xf32, #tpu.memory_space<hbm>> -> memref<20000x64xf32, #tpu.memory_space<hbm>>
    tpu.enqueue_indirect_dma source(%dma_start3A_171 : memref<20000x64xf32, #tpu.memory_space<hbm>>) target(%arg11 : memref<80x64xf32, #tpu.memory_space<vmem>>) offsets(%arg8 : memref<80xi32, #tpu.memory_space<vmem>>) semaphore(%arg19 : memref<!tpu.dma_semaphore, #tpu.memory_space<semaphore_mem>>)
    %dma_start3A_172 = arith.constant 0 : i32
    %dma_start3A_173 = arith.constant 0 : i32
    %dma_start3A_174 = tpu.memref_slice %arg4[%dma_start3A_172, %dma_start3A_173] : memref<320000x64xf32, #tpu.memory_space<hbm>> -> memref<320000x64xf32, #tpu.memory_space<hbm>>
    tpu.enqueue_indirect_dma source(%dma_start3A_174 : memref<320000x64xf32, #tpu.memory_space<hbm>>) target(%arg12 : memref<80x64xf32, #tpu.memory_space<vmem>>) offsets(%arg10 : memref<80xi32, #tpu.memory_space<vmem>>) semaphore(%arg20 : memref<!tpu.dma_semaphore, #tpu.memory_space<semaphore_mem>>)
    %get3A_175 = arith.constant 80 : index
    %get3A_176 = tpu.vector_load %arg6[%get3A_175] {strides = array<i32>} : memref<10000xi32, #tpu.memory_space<vmem>>, vector<16xi32>,
    %get3A_177 = vector.shape_cast %get3A_176 : vector<16xi32> to vector<16xi32>
    %mul3A_178 = arith.constant 2 : i32
    %mul3A_179 = vector.broadcast %mul3A_178 : i32 to vector<16xi32>
    %mul3A_180 = arith.muli %get3A_177, %mul3A_179 : vector<16xi32>
    %add3A_181 = vector.broadcast %arg0 : i32 to vector<16xi32>
    %add3A_182 = arith.addi %mul3A_180, %add3A_181 : vector<16xi32>
    %swap3A_183 = arith.constant 0 : index
    %swap3A_184 = tpu.vector_load %arg13[%swap3A_183] {strides = array<i32>} : memref<80xi32, #tpu.memory_space<vmem>>, vector<16xi32>,
    %swap3A_185 = vector.shape_cast %swap3A_184 : vector<16xi32> to vector<16xi32>
    %swap3A_186 = vector.shape_cast %add3A_182 : vector<16xi32> to vector<16xi32>
    tpu.vector_store %arg13[%swap3A_183], %swap3A_186 {strides = array<i32>} : memref<80xi32, #tpu.memory_space<vmem>>, vector<16xi32>,
    %get3A_187 = arith.constant 80 : index
    %get3A_188 = tpu.vector_load %arg7[%get3A_187] {strides = array<i32>} : memref<10000xi32, #tpu.memory_space<vmem>>, vector<16xi32>,
    %get3A_189 = vector.shape_cast %get3A_188 : vector<16xi32> to vector<16xi32>
    %swap3A_190 = arith.constant 0 : index
    %swap3A_191 = tpu.vector_load %arg14[%swap3A_190] {strides = array<i32>} : memref<80xi32, #tpu.memory_space<vmem>>, vector<16xi32>,
    %swap3A_192 = vector.shape_cast %swap3A_191 : vector<16xi32> to vector<16xi32>
    %swap3A_193 = vector.shape_cast %get3A_189 : vector<16xi32> to vector<16xi32>
    tpu.vector_store %arg14[%swap3A_190], %swap3A_193 {strides = array<i32>} : memref<80xi32, #tpu.memory_space<vmem>>, vector<16xi32>,
    %add3A_194 = arith.constant 160 : i32
    %add3A_195 = arith.addi %add3A_33, %add3A_194 : i32
    %add3A_196 = vector.broadcast %add3A_195 : i32 to vector<16xi32>
    %add3A_197 = arith.addi %add3A_196, %mul3A_36 : vector<16xi32>
    %swap3A_198 = arith.constant 0 : index
    %swap3A_199 = tpu.vector_load %arg15[%swap3A_198] {strides = array<i32>} : memref<80xi32, #tpu.memory_space<vmem>>, vector<16xi32>,
    %swap3A_200 = vector.shape_cast %swap3A_199 : vector<16xi32> to vector<16xi32>
    %swap3A_201 = vector.shape_cast %add3A_197 : vector<16xi32> to vector<16xi32>
    tpu.vector_store %arg15[%swap3A_198], %swap3A_201 {strides = array<i32>} : memref<80xi32, #tpu.memory_space<vmem>>, vector<16xi32>,
    %get3A_202 = arith.constant 96 : index
    %get3A_203 = tpu.vector_load %arg6[%get3A_202] {strides = array<i32>} : memref<10000xi32, #tpu.memory_space<vmem>>, vector<16xi32>,
    %get3A_204 = vector.shape_cast %get3A_203 : vector<16xi32> to vector<16xi32>
    %mul3A_205 = arith.constant 2 : i32
    %mul3A_206 = vector.broadcast %mul3A_205 : i32 to vector<16xi32>
    %mul3A_207 = arith.muli %get3A_204, %mul3A_206 : vector<16xi32>
    %add3A_208 = vector.broadcast %arg0 : i32 to vector<16xi32>
    %add3A_209 = arith.addi %mul3A_207, %add3A_208 : vector<16xi32>
    %swap3A_210 = arith.constant 16 : index
    %swap3A_211 = tpu.vector_load %arg13[%swap3A_210] {strides = array<i32>} : memref<80xi32, #tpu.memory_space<vmem>>, vector<16xi32>,
    %swap3A_212 = vector.shape_cast %swap3A_211 : vector<16xi32> to vector<16xi32>
    %swap3A_213 = vector.shape_cast %add3A_209 : vector<16xi32> to vector<16xi32>
    tpu.vector_store %arg13[%swap3A_210], %swap3A_213 {strides = array<i32>} : memref<80xi32, #tpu.memory_space<vmem>>, vector<16xi32>,
    %get3A_214 = arith.constant 96 : index
    %get3A_215 = tpu.vector_load %arg7[%get3A_214] {strides = array<i32>} : memref<10000xi32, #tpu.memory_space<vmem>>, vector<16xi32>,
    %get3A_216 = vector.shape_cast %get3A_215 : vector<16xi32> to vector<16xi32>
    %swap3A_217 = arith.constant 16 : index
    %swap3A_218 = tpu.vector_load %arg14[%swap3A_217] {strides = array<i32>} : memref<80xi32, #tpu.memory_space<vmem>>, vector<16xi32>,
    %swap3A_219 = vector.shape_cast %swap3A_218 : vector<16xi32> to vector<16xi32>
    %swap3A_220 = vector.shape_cast %get3A_216 : vector<16xi32> to vector<16xi32>
    tpu.vector_store %arg14[%swap3A_217], %swap3A_220 {strides = array<i32>} : memref<80xi32, #tpu.memory_space<vmem>>, vector<16xi32>,
    %add3A_221 = arith.constant 192 : i32
    %add3A_222 = arith.addi %add3A_33, %add3A_221 : i32
    %add3A_223 = vector.broadcast %add3A_222 : i32 to vector<16xi32>
    %add3A_224 = arith.addi %add3A_223, %mul3A_36 : vector<16xi32>
    %swap3A_225 = arith.constant 16 : index
    %swap3A_226 = tpu.vector_load %arg15[%swap3A_225] {strides = array<i32>} : memref<80xi32, #tpu.memory_space<vmem>>, vector<16xi32>,
    %swap3A_227 = vector.shape_cast %swap3A_226 : vector<16xi32> to vector<16xi32>
    %swap3A_228 = vector.shape_cast %add3A_224 : vector<16xi32> to vector<16xi32>
    tpu.vector_store %arg15[%swap3A_225], %swap3A_228 {strides = array<i32>} : memref<80xi32, #tpu.memory_space<vmem>>, vector<16xi32>,
    %get3A_229 = arith.constant 112 : index
    %get3A_230 = tpu.vector_load %arg6[%get3A_229] {strides = array<i32>} : memref<10000xi32, #tpu.memory_space<vmem>>, vector<16xi32>,
    %get3A_231 = vector.shape_cast %get3A_230 : vector<16xi32> to vector<16xi32>
    %mul3A_232 = arith.constant 2 : i32
    %mul3A_233 = vector.broadcast %mul3A_232 : i32 to vector<16xi32>
    %mul3A_234 = arith.muli %get3A_231, %mul3A_233 : vector<16xi32>
    %add3A_235 = vector.broadcast %arg0 : i32 to vector<16xi32>
    %add3A_236 = arith.addi %mul3A_234, %add3A_235 : vector<16xi32>
    %swap3A_237 = arith.constant 32 : index
    %swap3A_238 = tpu.vector_load %arg13[%swap3A_237] {strides = array<i32>} : memref<80xi32, #tpu.memory_space<vmem>>, vector<16xi32>,
    %swap3A_239 = vector.shape_cast %swap3A_238 : vector<16xi32> to vector<16xi32>
    %swap3A_240 = vector.shape_cast %add3A_236 : vector<16xi32> to vector<16xi32>
    tpu.vector_store %arg13[%swap3A_237], %swap3A_240 {strides = array<i32>} : memref<80xi32, #tpu.memory_space<vmem>>, vector<16xi32>,
    %get3A_241 = arith.constant 112 : index
    %get3A_242 = tpu.vector_load %arg7[%get3A_241] {strides = array<i32>} : memref<10000xi32, #tpu.memory_space<vmem>>, vector<16xi32>,
    %get3A_243 = vector.shape_cast %get3A_242 : vector<16xi32> to vector<16xi32>
    %swap3A_244 = arith.constant 32 : index
    %swap3A_245 = tpu.vector_load %arg14[%swap3A_244] {strides = array<i32>} : memref<80xi32, #tpu.memory_space<vmem>>, vector<16xi32>,
    %swap3A_246 = vector.shape_cast %swap3A_245 : vector<16xi32> to vector<16xi32>
    %swap3A_247 = vector.shape_cast %get3A_243 : vector<16xi32> to vector<16xi32>
    tpu.vector_store %arg14[%swap3A_244], %swap3A_247 {strides = array<i32>} : memref<80xi32, #tpu.memory_space<vmem>>, vector<16xi32>,
    %add3A_248 = arith.constant 224 : i32
    %add3A_249 = arith.addi %add3A_33, %add3A_248 : i32
    %add3A_250 = vector.broadcast %add3A_249 : i32 to vector<16xi32>
    %add3A_251 = arith.addi %add3A_250, %mul3A_36 : vector<16xi32>
    %swap3A_252 = arith.constant 32 : index
    %swap3A_253 = tpu.vector_load %arg15[%swap3A_252] {strides = array<i32>} : memref<80xi32, #tpu.memory_space<vmem>>, vector<16xi32>,
    %swap3A_254 = vector.shape_cast %swap3A_253 : vector<16xi32> to vector<16xi32>
    %swap3A_255 = vector.shape_cast %add3A_251 : vector<16xi32> to vector<16xi32>
    tpu.vector_store %arg15[%swap3A_252], %swap3A_255 {strides = array<i32>} : memref<80xi32, #tpu.memory_space<vmem>>, vector<16xi32>,
    %get3A_256 = arith.constant 128 : index
    %get3A_257 = tpu.vector_load %arg6[%get3A_256] {strides = array<i32>} : memref<10000xi32, #tpu.memory_space<vmem>>, vector<16xi32>,
    %get3A_258 = vector.shape_cast %get3A_257 : vector<16xi32> to vector<16xi32>
    %mul3A_259 = arith.constant 2 : i32
    %mul3A_260 = vector.broadcast %mul3A_259 : i32 to vector<16xi32>
    %mul3A_261 = arith.muli %get3A_258, %mul3A_260 : vector<16xi32>
    %add3A_262 = vector.broadcast %arg0 : i32 to vector<16xi32>
    %add3A_263 = arith.addi %mul3A_261, %add3A_262 : vector<16xi32>
    %swap3A_264 = arith.constant 48 : index
    %swap3A_265 = tpu.vector_load %arg13[%swap3A_264] {strides = array<i32>} : memref<80xi32, #tpu.memory_space<vmem>>, vector<16xi32>,
    %swap3A_266 = vector.shape_cast %swap3A_265 : vector<16xi32> to vector<16xi32>
    %swap3A_267 = vector.shape_cast %add3A_263 : vector<16xi32> to vector<16xi32>
    tpu.vector_store %arg13[%swap3A_264], %swap3A_267 {strides = array<i32>} : memref<80xi32, #tpu.memory_space<vmem>>, vector<16xi32>,
    %get3A_268 = arith.constant 128 : index
    %get3A_269 = tpu.vector_load %arg7[%get3A_268] {strides = array<i32>} : memref<10000xi32, #tpu.memory_space<vmem>>, vector<16xi32>,
    %get3A_270 = vector.shape_cast %get3A_269 : vector<16xi32> to vector<16xi32>
    %swap3A_271 = arith.constant 48 : index
    %swap3A_272 = tpu.vector_load %arg14[%swap3A_271] {strides = array<i32>} : memref<80xi32, #tpu.memory_space<vmem>>, vector<16xi32>,
    %swap3A_273 = vector.shape_cast %swap3A_272 : vector<16xi32> to vector<16xi32>
    %swap3A_274 = vector.shape_cast %get3A_270 : vector<16xi32> to vector<16xi32>
    tpu.vector_store %arg14[%swap3A_271], %swap3A_274 {strides = array<i32>} : memref<80xi32, #tpu.memory_space<vmem>>, vector<16xi32>,
    %add3A_275 = arith.constant 256 : i32
    %add3A_276 = arith.addi %add3A_33, %add3A_275 : i32
    %add3A_277 = vector.broadcast %add3A_276 : i32 to vector<16xi32>
    %add3A_278 = arith.addi %add3A_277, %mul3A_36 : vector<16xi32>
    %swap3A_279 = arith.constant 48 : index
    %swap3A_280 = tpu.vector_load %arg15[%swap3A_279] {strides = array<i32>} : memref<80xi32, #tpu.memory_space<vmem>>, vector<16xi32>,
    %swap3A_281 = vector.shape_cast %swap3A_280 : vector<16xi32> to vector<16xi32>
    %swap3A_282 = vector.shape_cast %add3A_278 : vector<16xi32> to vector<16xi32>
    tpu.vector_store %arg15[%swap3A_279], %swap3A_282 {strides = array<i32>} : memref<80xi32, #tpu.memory_space<vmem>>, vector<16xi32>,
    %get3A_283 = arith.constant 144 : index
    %get3A_284 = tpu.vector_load %arg6[%get3A_283] {strides = array<i32>} : memref<10000xi32, #tpu.memory_space<vmem>>, vector<16xi32>,
    %get3A_285 = vector.shape_cast %get3A_284 : vector<16xi32> to vector<16xi32>
    %mul3A_286 = arith.constant 2 : i32
    %mul3A_287 = vector.broadcast %mul3A_286 : i32 to vector<16xi32>
    %mul3A_288 = arith.muli %get3A_285, %mul3A_287 : vector<16xi32>
    %add3A_289 = vector.broadcast %arg0 : i32 to vector<16xi32>
    %add3A_290 = arith.addi %mul3A_288, %add3A_289 : vector<16xi32>
    %swap3A_291 = arith.constant 64 : index
    %swap3A_292 = tpu.vector_load %arg13[%swap3A_291] {strides = array<i32>} : memref<80xi32, #tpu.memory_space<vmem>>, vector<16xi32>,
    %swap3A_293 = vector.shape_cast %swap3A_292 : vector<16xi32> to vector<16xi32>
    %swap3A_294 = vector.shape_cast %add3A_290 : vector<16xi32> to vector<16xi32>
    tpu.vector_store %arg13[%swap3A_291], %swap3A_294 {strides = array<i32>} : memref<80xi32, #tpu.memory_space<vmem>>, vector<16xi32>,
    %get3A_295 = arith.constant 144 : index
    %get3A_296 = tpu.vector_load %arg7[%get3A_295] {strides = array<i32>} : memref<10000xi32, #tpu.memory_space<vmem>>, vector<16xi32>,
    %get3A_297 = vector.shape_cast %get3A_296 : vector<16xi32> to vector<16xi32>
    %swap3A_298 = arith.constant 64 : index
    %swap3A_299 = tpu.vector_load %arg14[%swap3A_298] {strides = array<i32>} : memref<80xi32, #tpu.memory_space<vmem>>, vector<16xi32>,
    %swap3A_300 = vector.shape_cast %swap3A_299 : vector<16xi32> to vector<16xi32>
    %swap3A_301 = vector.shape_cast %get3A_297 : vector<16xi32> to vector<16xi32>
    tpu.vector_store %arg14[%swap3A_298], %swap3A_301 {strides = array<i32>} : memref<80xi32, #tpu.memory_space<vmem>>, vector<16xi32>,
    %add3A_302 = arith.constant 288 : i32
    %add3A_303 = arith.addi %add3A_33, %add3A_302 : i32
    %add3A_304 = vector.broadcast %add3A_303 : i32 to vector<16xi32>
    %add3A_305 = arith.addi %add3A_304, %mul3A_36 : vector<16xi32>
    %swap3A_306 = arith.constant 64 : index
    %swap3A_307 = tpu.vector_load %arg15[%swap3A_306] {strides = array<i32>} : memref<80xi32, #tpu.memory_space<vmem>>, vector<16xi32>,
    %swap3A_308 = vector.shape_cast %swap3A_307 : vector<16xi32> to vector<16xi32>
    %swap3A_309 = vector.shape_cast %add3A_305 : vector<16xi32> to vector<16xi32>
    tpu.vector_store %arg15[%swap3A_306], %swap3A_309 {strides = array<i32>} : memref<80xi32, #tpu.memory_space<vmem>>, vector<16xi32>,
    %dma_start3A_310 = arith.constant 0 : i32
    %dma_start3A_311 = arith.constant 0 : i32
    %dma_start3A_312 = tpu.memref_slice %arg2[%dma_start3A_310, %dma_start3A_311] : memref<20000x64xf32, #tpu.memory_space<hbm>> -> memref<20000x64xf32, #tpu.memory_space<hbm>>
    tpu.enqueue_indirect_dma source(%dma_start3A_312 : memref<20000x64xf32, #tpu.memory_space<hbm>>) target(%arg16 : memref<80x64xf32, #tpu.memory_space<vmem>>) offsets(%arg13 : memref<80xi32, #tpu.memory_space<vmem>>) semaphore(%arg21 : memref<!tpu.dma_semaphore, #tpu.memory_space<semaphore_mem>>)
    %dma_start3A_313 = arith.constant 0 : i32
    %dma_start3A_314 = arith.constant 0 : i32
    %dma_start3A_315 = tpu.memref_slice %arg4[%dma_start3A_313, %dma_start3A_314] : memref<320000x64xf32, #tpu.memory_space<hbm>> -> memref<320000x64xf32, #tpu.memory_space<hbm>>
    tpu.enqueue_indirect_dma source(%dma_start3A_315 : memref<320000x64xf32, #tpu.memory_space<hbm>>) target(%arg17 : memref<80x64xf32, #tpu.memory_space<vmem>>) offsets(%arg15 : memref<80xi32, #tpu.memory_space<vmem>>) semaphore(%arg22 : memref<!tpu.dma_semaphore, #tpu.memory_space<semaphore_mem>>)
    %scan3A_316 = arith.constant 0 : i32
    %scan3A_317 = arith.constant 0 : i32
    %scan3A_318 = arith.constant 61 : i32
    %scan3A_319 = arith.addi %scan3A_317, %scan3A_318 : i32
    %scan3A_320 = arith.constant 1 : i32
    scf.for %scan3A_501 = %scan3A_317 to %scan3A_319 step %scan3A_320  : i32 {
      %dma_wait3A_502 = arith.constant 0 : i32
      %dma_wait3A_503 = arith.constant 0 : i32
      %dma_wait3A_504 = tpu.memref_slice %arg2[%dma_wait3A_502, %dma_wait3A_503] : memref<20000x64xf32, #tpu.memory_space<hbm>> -> memref<20000x64xf32, #tpu.memory_space<hbm>>
      tpu.wait_indirect_dma semaphore(%arg19 : memref<!tpu.dma_semaphore, #tpu.memory_space<semaphore_mem>>) src(%dma_wait3A_504 : memref<20000x64xf32, #tpu.memory_space<hbm>>) dst(%arg11 : memref<80x64xf32, #tpu.memory_space<vmem>>)
      %dma_wait3A_505 = arith.constant 0 : i32
      %dma_wait3A_506 = arith.constant 0 : i32
      %dma_wait3A_507 = tpu.memref_slice %arg4[%dma_wait3A_505, %dma_wait3A_506] : memref<320000x64xf32, #tpu.memory_space<hbm>> -> memref<320000x64xf32, #tpu.memory_space<hbm>>
      tpu.wait_indirect_dma semaphore(%arg20 : memref<!tpu.dma_semaphore, #tpu.memory_space<semaphore_mem>>) src(%dma_wait3A_507 : memref<320000x64xf32, #tpu.memory_space<hbm>>) dst(%arg12 : memref<80x64xf32, #tpu.memory_space<vmem>>)
      %scan3A_508 = arith.constant 0 : i32
      %scan3A_509 = arith.constant 0 : i32
      %scan3A_510 = arith.constant 40 : i32
      %scan3A_511 = arith.addi %scan3A_509, %scan3A_510 : i32
      %scan3A_512 = arith.constant 1 : i32
      scf.for %scan3A_946 = %scan3A_509 to %scan3A_511 step %scan3A_512  : i32 {
        %mul3A_947 = arith.constant 2 : i32
        %mul3A_948 = arith.muli %mul3A_947, %scan3A_946 : i32
        %add3A_949 = arith.constant 0 : i32
        %add3A_950 = arith.addi %mul3A_948, %add3A_949 : i32
        %get3A_951 = arith.index_cast %add3A_950 : i32 to index
        %get3A_952 = arith.constant 0 : index
        %get3A_953 = tpu.vector_load %arg11[%get3A_951, %get3A_952] {strides = array<i32>} : memref<80x64xf32, #tpu.memory_space<vmem>>, vector<1x16xf32>,
        %get3A_954 = vector.shape_cast %get3A_953 : vector<1x16xf32> to vector<16xf32>
        %get3A_955 = arith.index_cast %add3A_950 : i32 to index
        %get3A_956 = arith.constant 0 : index
        %get3A_957 = tpu.vector_load %arg12[%get3A_955, %get3A_956] {strides = array<i32>} : memref<80x64xf32, #tpu.memory_space<vmem>>, vector<1x16xf32>,
        %get3A_958 = vector.shape_cast %get3A_957 : vector<1x16xf32> to vector<16xf32>
        %add3A_959 = arith.addf %get3A_954, %get3A_958 : vector<16xf32>
        %max3A = arith.constant 0.000000e+00 : f32
        %max3A_960 = vector.broadcast %max3A : f32 to vector<16xf32>
        %max3A_961 = arith.maximumf %add3A_959, %max3A_960 : vector<16xf32>
        %swap3A_962 = arith.index_cast %add3A_950 : i32 to index
        %swap3A_963 = arith.constant 0 : index
        %swap3A_964 = tpu.vector_load %arg12[%swap3A_962, %swap3A_963] {strides = array<i32>} : memref<80x64xf32, #tpu.memory_space<vmem>>, vector<1x16xf32>,
        %swap3A_965 = vector.shape_cast %swap3A_964 : vector<1x16xf32> to vector<16xf32>
        %swap3A_966 = vector.shape_cast %max3A_961 : vector<16xf32> to vector<1x16xf32>
        tpu.vector_store %arg12[%swap3A_962, %swap3A_963], %swap3A_966 {strides = array<i32>} : memref<80x64xf32, #tpu.memory_space<vmem>>, vector<1x16xf32>,
        %mul3A_967 = arith.constant 2 : i32
        %mul3A_968 = arith.muli %mul3A_967, %scan3A_946 : i32
        %add3A_969 = arith.constant 0 : i32
        %add3A_970 = arith.addi %mul3A_968, %add3A_969 : i32
        %get3A_971 = arith.index_cast %add3A_970 : i32 to index
        %get3A_972 = arith.constant 16 : index
        %get3A_973 = tpu.vector_load %arg11[%get3A_971, %get3A_972] {strides = array<i32>} : memref<80x64xf32, #tpu.memory_space<vmem>>, vector<1x16xf32>,
        %get3A_974 = vector.shape_cast %get3A_973 : vector<1x16xf32> to vector<16xf32>
        %get3A_975 = arith.index_cast %add3A_970 : i32 to index
        %get3A_976 = arith.constant 16 : index
        %get3A_977 = tpu.vector_load %arg12[%get3A_975, %get3A_976] {strides = array<i32>} : memref<80x64xf32, #tpu.memory_space<vmem>>, vector<1x16xf32>,
        %get3A_978 = vector.shape_cast %get3A_977 : vector<1x16xf32> to vector<16xf32>
        %add3A_979 = arith.addf %get3A_974, %get3A_978 : vector<16xf32>
        %max3A_980 = arith.constant 0.000000e+00 : f32
        %max3A_981 = vector.broadcast %max3A_980 : f32 to vector<16xf32>
        %max3A_982 = arith.maximumf %add3A_979, %max3A_981 : vector<16xf32>
        %swap3A_983 = arith.index_cast %add3A_970 : i32 to index
        %swap3A_984 = arith.constant 16 : index
        %swap3A_985 = tpu.vector_load %arg12[%swap3A_983, %swap3A_984] {strides = array<i32>} : memref<80x64xf32, #tpu.memory_space<vmem>>, vector<1x16xf32>,
        %swap3A_986 = vector.shape_cast %swap3A_985 : vector<1x16xf32> to vector<16xf32>
        %swap3A_987 = vector.shape_cast %max3A_982 : vector<16xf32> to vector<1x16xf32>
        tpu.vector_store %arg12[%swap3A_983, %swap3A_984], %swap3A_987 {strides = array<i32>} : memref<80x64xf32, #tpu.memory_space<vmem>>, vector<1x16xf32>,
        %mul3A_988 = arith.constant 2 : i32
        %mul3A_989 = arith.muli %mul3A_988, %scan3A_946 : i32
        %add3A_990 = arith.constant 0 : i32
        %add3A_991 = arith.addi %mul3A_989, %add3A_990 : i32
        %get3A_992 = arith.index_cast %add3A_991 : i32 to index
        %get3A_993 = arith.constant 32 : index
        %get3A_994 = tpu.vector_load %arg11[%get3A_992, %get3A_993] {strides = array<i32>} : memref<80x64xf32, #tpu.memory_space<vmem>>, vector<1x16xf32>,
        %get3A_995 = vector.shape_cast %get3A_994 : vector<1x16xf32> to vector<16xf32>
        %get3A_996 = arith.index_cast %add3A_991 : i32 to index
        %get3A_997 = arith.constant 32 : index
        %get3A_998 = tpu.vector_load %arg12[%get3A_996, %get3A_997] {strides = array<i32>} : memref<80x64xf32, #tpu.memory_space<vmem>>, vector<1x16xf32>,
        %get3A_999 = vector.shape_cast %get3A_998 : vector<1x16xf32> to vector<16xf32>
        %add3A_1000 = arith.addf %get3A_995, %get3A_999 : vector<16xf32>
        %max3A_1001 = arith.constant 0.000000e+00 : f32
        %max3A_1002 = vector.broadcast %max3A_1001 : f32 to vector<16xf32>
        %max3A_1003 = arith.maximumf %add3A_1000, %max3A_1002 : vector<16xf32>
        %swap3A_1004 = arith.index_cast %add3A_991 : i32 to index
        %swap3A_1005 = arith.constant 32 : index
        %swap3A_1006 = tpu.vector_load %arg12[%swap3A_1004, %swap3A_1005] {strides = array<i32>} : memref<80x64xf32, #tpu.memory_space<vmem>>, vector<1x16xf32>,
        %swap3A_1007 = vector.shape_cast %swap3A_1006 : vector<1x16xf32> to vector<16xf32>
        %swap3A_1008 = vector.shape_cast %max3A_1003 : vector<16xf32> to vector<1x16xf32>
        tpu.vector_store %arg12[%swap3A_1004, %swap3A_1005], %swap3A_1008 {strides = array<i32>} : memref<80x64xf32, #tpu.memory_space<vmem>>, vector<1x16xf32>,
        %mul3A_1009 = arith.constant 2 : i32
        %mul3A_1010 = arith.muli %mul3A_1009, %scan3A_946 : i32
        %add3A_1011 = arith.constant 0 : i32
        %add3A_1012 = arith.addi %mul3A_1010, %add3A_1011 : i32
        %get3A_1013 = arith.index_cast %add3A_1012 : i32 to index
        %get3A_1014 = arith.constant 48 : index
        %get3A_1015 = tpu.vector_load %arg11[%get3A_1013, %get3A_1014] {strides = array<i32>} : memref<80x64xf32, #tpu.memory_space<vmem>>, vector<1x16xf32>,
        %get3A_1016 = vector.shape_cast %get3A_1015 : vector<1x16xf32> to vector<16xf32>
        %get3A_1017 = arith.index_cast %add3A_1012 : i32 to index
        %get3A_1018 = arith.constant 48 : index
        %get3A_1019 = tpu.vector_load %arg12[%get3A_1017, %get3A_1018] {strides = array<i32>} : memref<80x64xf32, #tpu.memory_space<vmem>>, vector<1x16xf32>,
        %get3A_1020 = vector.shape_cast %get3A_1019 : vector<1x16xf32> to vector<16xf32>
        %add3A_1021 = arith.addf %get3A_1016, %get3A_1020 : vector<16xf32>
        %max3A_1022 = arith.constant 0.000000e+00 : f32
        %max3A_1023 = vector.broadcast %max3A_1022 : f32 to vector<16xf32>
        %max3A_1024 = arith.maximumf %add3A_1021, %max3A_1023 : vector<16xf32>
        %swap3A_1025 = arith.index_cast %add3A_1012 : i32 to index
        %swap3A_1026 = arith.constant 48 : index
        %swap3A_1027 = tpu.vector_load %arg12[%swap3A_1025, %swap3A_1026] {strides = array<i32>} : memref<80x64xf32, #tpu.memory_space<vmem>>, vector<1x16xf32>,
        %swap3A_1028 = vector.shape_cast %swap3A_1027 : vector<1x16xf32> to vector<16xf32>
        %swap3A_1029 = vector.shape_cast %max3A_1024 : vector<16xf32> to vector<1x16xf32>
        tpu.vector_store %arg12[%swap3A_1025, %swap3A_1026], %swap3A_1029 {strides = array<i32>} : memref<80x64xf32, #tpu.memory_space<vmem>>, vector<1x16xf32>,
        %mul3A_1030 = arith.constant 2 : i32
        %mul3A_1031 = arith.muli %mul3A_1030, %scan3A_946 : i32
        %add3A_1032 = arith.constant 1 : i32
        %add3A_1033 = arith.addi %mul3A_1031, %add3A_1032 : i32
        %get3A_1034 = arith.index_cast %add3A_1033 : i32 to index
        %get3A_1035 = arith.constant 0 : index
        %get3A_1036 = tpu.vector_load %arg11[%get3A_1034, %get3A_1035] {strides = array<i32>} : memref<80x64xf32, #tpu.memory_space<vmem>>, vector<1x16xf32>,
        %get3A_1037 = vector.shape_cast %get3A_1036 : vector<1x16xf32> to vector<16xf32>
        %get3A_1038 = arith.index_cast %add3A_1033 : i32 to index
        %get3A_1039 = arith.constant 0 : index
        %get3A_1040 = tpu.vector_load %arg12[%get3A_1038, %get3A_1039] {strides = array<i32>} : memref<80x64xf32, #tpu.memory_space<vmem>>, vector<1x16xf32>,
        %get3A_1041 = vector.shape_cast %get3A_1040 : vector<1x16xf32> to vector<16xf32>
        %add3A_1042 = arith.addf %get3A_1037, %get3A_1041 : vector<16xf32>
        %max3A_1043 = arith.constant 0.000000e+00 : f32
        %max3A_1044 = vector.broadcast %max3A_1043 : f32 to vector<16xf32>
        %max3A_1045 = arith.maximumf %add3A_1042, %max3A_1044 : vector<16xf32>
        %swap3A_1046 = arith.index_cast %add3A_1033 : i32 to index
        %swap3A_1047 = arith.constant 0 : index
        %swap3A_1048 = tpu.vector_load %arg12[%swap3A_1046, %swap3A_1047] {strides = array<i32>} : memref<80x64xf32, #tpu.memory_space<vmem>>, vector<1x16xf32>,
        %swap3A_1049 = vector.shape_cast %swap3A_1048 : vector<1x16xf32> to vector<16xf32>
        %swap3A_1050 = vector.shape_cast %max3A_1045 : vector<16xf32> to vector<1x16xf32>
        tpu.vector_store %arg12[%swap3A_1046, %swap3A_1047], %swap3A_1050 {strides = array<i32>} : memref<80x64xf32, #tpu.memory_space<vmem>>, vector<1x16xf32>,
        %mul3A_1051 = arith.constant 2 : i32
        %mul3A_1052 = arith.muli %mul3A_1051, %scan3A_946 : i32
        %add3A_1053 = arith.constant 1 : i32
        %add3A_1054 = arith.addi %mul3A_1052, %add3A_1053 : i32
        %get3A_1055 = arith.index_cast %add3A_1054 : i32 to index
        %get3A_1056 = arith.constant 16 : index
        %get3A_1057 = tpu.vector_load %arg11[%get3A_1055, %get3A_1056] {strides = array<i32>} : memref<80x64xf32, #tpu.memory_space<vmem>>, vector<1x16xf32>,
        %get3A_1058 = vector.shape_cast %get3A_1057 : vector<1x16xf32> to vector<16xf32>
        %get3A_1059 = arith.index_cast %add3A_1054 : i32 to index
        %get3A_1060 = arith.constant 16 : index
        %get3A_1061 = tpu.vector_load %arg12[%get3A_1059, %get3A_1060] {strides = array<i32>} : memref<80x64xf32, #tpu.memory_space<vmem>>, vector<1x16xf32>,
        %get3A_1062 = vector.shape_cast %get3A_1061 : vector<1x16xf32> to vector<16xf32>
        %add3A_1063 = arith.addf %get3A_1058, %get3A_1062 : vector<16xf32>
        %max3A_1064 = arith.constant 0.000000e+00 : f32
        %max3A_1065 = vector.broadcast %max3A_1064 : f32 to vector<16xf32>
        %max3A_1066 = arith.maximumf %add3A_1063, %max3A_1065 : vector<16xf32>
        %swap3A_1067 = arith.index_cast %add3A_1054 : i32 to index
        %swap3A_1068 = arith.constant 16 : index
        %swap3A_1069 = tpu.vector_load %arg12[%swap3A_1067, %swap3A_1068] {strides = array<i32>} : memref<80x64xf32, #tpu.memory_space<vmem>>, vector<1x16xf32>,
        %swap3A_1070 = vector.shape_cast %swap3A_1069 : vector<1x16xf32> to vector<16xf32>
        %swap3A_1071 = vector.shape_cast %max3A_1066 : vector<16xf32> to vector<1x16xf32>
        tpu.vector_store %arg12[%swap3A_1067, %swap3A_1068], %swap3A_1071 {strides = array<i32>} : memref<80x64xf32, #tpu.memory_space<vmem>>, vector<1x16xf32>,
        %mul3A_1072 = arith.constant 2 : i32
        %mul3A_1073 = arith.muli %mul3A_1072, %scan3A_946 : i32
        %add3A_1074 = arith.constant 1 : i32
        %add3A_1075 = arith.addi %mul3A_1073, %add3A_1074 : i32
        %get3A_1076 = arith.index_cast %add3A_1075 : i32 to index
        %get3A_1077 = arith.constant 32 : index
        %get3A_1078 = tpu.vector_load %arg11[%get3A_1076, %get3A_1077] {strides = array<i32>} : memref<80x64xf32, #tpu.memory_space<vmem>>, vector<1x16xf32>,
        %get3A_1079 = vector.shape_cast %get3A_1078 : vector<1x16xf32> to vector<16xf32>
        %get3A_1080 = arith.index_cast %add3A_1075 : i32 to index
        %get3A_1081 = arith.constant 32 : index
        %get3A_1082 = tpu.vector_load %arg12[%get3A_1080, %get3A_1081] {strides = array<i32>} : memref<80x64xf32, #tpu.memory_space<vmem>>, vector<1x16xf32>,
        %get3A_1083 = vector.shape_cast %get3A_1082 : vector<1x16xf32> to vector<16xf32>
        %add3A_1084 = arith.addf %get3A_1079, %get3A_1083 : vector<16xf32>
        %max3A_1085 = arith.constant 0.000000e+00 : f32
        %max3A_1086 = vector.broadcast %max3A_1085 : f32 to vector<16xf32>
        %max3A_1087 = arith.maximumf %add3A_1084, %max3A_1086 : vector<16xf32>
        %swap3A_1088 = arith.index_cast %add3A_1075 : i32 to index
        %swap3A_1089 = arith.constant 32 : index
        %swap3A_1090 = tpu.vector_load %arg12[%swap3A_1088, %swap3A_1089] {strides = array<i32>} : memref<80x64xf32, #tpu.memory_space<vmem>>, vector<1x16xf32>,
        %swap3A_1091 = vector.shape_cast %swap3A_1090 : vector<1x16xf32> to vector<16xf32>
        %swap3A_1092 = vector.shape_cast %max3A_1087 : vector<16xf32> to vector<1x16xf32>
        tpu.vector_store %arg12[%swap3A_1088, %swap3A_1089], %swap3A_1092 {strides = array<i32>} : memref<80x64xf32, #tpu.memory_space<vmem>>, vector<1x16xf32>,
        %mul3A_1093 = arith.constant 2 : i32
        %mul3A_1094 = arith.muli %mul3A_1093, %scan3A_946 : i32
        %add3A_1095 = arith.constant 1 : i32
        %add3A_1096 = arith.addi %mul3A_1094, %add3A_1095 : i32
        %get3A_1097 = arith.index_cast %add3A_1096 : i32 to index
        %get3A_1098 = arith.constant 48 : index
        %get3A_1099 = tpu.vector_load %arg11[%get3A_1097, %get3A_1098] {strides = array<i32>} : memref<80x64xf32, #tpu.memory_space<vmem>>, vector<1x16xf32>,
        %get3A_1100 = vector.shape_cast %get3A_1099 : vector<1x16xf32> to vector<16xf32>
        %get3A_1101 = arith.index_cast %add3A_1096 : i32 to index
        %get3A_1102 = arith.constant 48 : index
        %get3A_1103 = tpu.vector_load %arg12[%get3A_1101, %get3A_1102] {strides = array<i32>} : memref<80x64xf32, #tpu.memory_space<vmem>>, vector<1x16xf32>,
        %get3A_1104 = vector.shape_cast %get3A_1103 : vector<1x16xf32> to vector<16xf32>
        %add3A_1105 = arith.addf %get3A_1100, %get3A_1104 : vector<16xf32>
        %max3A_1106 = arith.constant 0.000000e+00 : f32
        %max3A_1107 = vector.broadcast %max3A_1106 : f32 to vector<16xf32>
        %max3A_1108 = arith.maximumf %add3A_1105, %max3A_1107 : vector<16xf32>
        %swap3A_1109 = arith.index_cast %add3A_1096 : i32 to index
        %swap3A_1110 = arith.constant 48 : index
        %swap3A_1111 = tpu.vector_load %arg12[%swap3A_1109, %swap3A_1110] {strides = array<i32>} : memref<80x64xf32, #tpu.memory_space<vmem>>, vector<1x16xf32>,
        %swap3A_1112 = vector.shape_cast %swap3A_1111 : vector<1x16xf32> to vector<16xf32>
        %swap3A_1113 = vector.shape_cast %max3A_1108 : vector<16xf32> to vector<1x16xf32>
        tpu.vector_store %arg12[%swap3A_1109, %swap3A_1110], %swap3A_1113 {strides = array<i32>} : memref<80x64xf32, #tpu.memory_space<vmem>>, vector<1x16xf32>,
      }
      %scan3A_513 = arith.constant 40 : i32
      "tpu.region"() ({
        %run_scoped3A = tpu.sem_alloc : memref<!tpu.dma_semaphore, #tpu.memory_space<semaphore_mem>>
        %dma_start3A_946 = arith.constant 0 : i32
        %dma_start3A_947 = arith.constant 0 : i32
        %dma_start3A_948 = tpu.memref_slice %arg18[%dma_start3A_946, %dma_start3A_947] : memref<10240x64xf32, #tpu.memory_space<vmem_shared>> -> memref<10240x64xf32, #tpu.memory_space<vmem_shared>>
        tpu.enqueue_indirect_dma source(%arg12 : memref<80x64xf32, #tpu.memory_space<vmem>>) target(%dma_start3A_948 : memref<10240x64xf32, #tpu.memory_space<vmem_shared>>) offsets(%arg9 : memref<80xi32, #tpu.memory_space<vmem>>) semaphore(%run_scoped3A : memref<!tpu.dma_semaphore, #tpu.memory_space<semaphore_mem>>) {add = true}
        %dma_wait3A_949 = arith.constant 0 : i32
        %dma_wait3A_950 = arith.constant 0 : i32
        %dma_wait3A_951 = tpu.memref_slice %arg18[%dma_wait3A_949, %dma_wait3A_950] : memref<10240x64xf32, #tpu.memory_space<vmem_shared>> -> memref<10240x64xf32, #tpu.memory_space<vmem_shared>>
        tpu.wait_indirect_dma semaphore(%run_scoped3A : memref<!tpu.dma_semaphore, #tpu.memory_space<semaphore_mem>>) src(%arg12 : memref<80x64xf32, #tpu.memory_space<vmem>>) dst(%dma_wait3A_951 : memref<10240x64xf32, #tpu.memory_space<vmem_shared>>)
        tpu.yield
      }) : () -> ()
      %mul3A_514 = arith.constant 2 : i32
      %mul3A_515 = arith.muli %mul3A_514, %scan3A_501 : i32
      %add3A_516 = arith.constant 2 : i32
      %add3A_517 = arith.addi %mul3A_515, %add3A_516 : i32
      %mul3A_518 = arith.constant 80 : i32
      %mul3A_519 = arith.muli %add3A_517, %mul3A_518 : i32
      %add3A_520 = arith.constant 0 : i32
      %add3A_521 = arith.addi %mul3A_519, %add3A_520 : i32
      %get3A_522 = arith.index_cast %add3A_521 : i32 to index
      %get3A_523 = tpu.vector_load %arg6[%get3A_522] {strides = array<i32>} : memref<10000xi32, #tpu.memory_space<vmem>>, vector<16xi32>,
      %get3A_524 = vector.shape_cast %get3A_523 : vector<16xi32> to vector<16xi32>
      %mul3A_525 = arith.constant 2 : i32
      %mul3A_526 = vector.broadcast %mul3A_525 : i32 to vector<16xi32>
      %mul3A_527 = arith.muli %get3A_524, %mul3A_526 : vector<16xi32>
      %add3A_528 = vector.broadcast %arg0 : i32 to vector<16xi32>
      %add3A_529 = arith.addi %mul3A_527, %add3A_528 : vector<16xi32>
      %swap3A_530 = arith.constant 0 : index
      %swap3A_531 = tpu.vector_load %arg8[%swap3A_530] {strides = array<i32>} : memref<80xi32, #tpu.memory_space<vmem>>, vector<16xi32>,
      %swap3A_532 = vector.shape_cast %swap3A_531 : vector<16xi32> to vector<16xi32>
      %swap3A_533 = vector.shape_cast %add3A_529 : vector<16xi32> to vector<16xi32>
      tpu.vector_store %arg8[%swap3A_530], %swap3A_533 {strides = array<i32>} : memref<80xi32, #tpu.memory_space<vmem>>, vector<16xi32>,
      %mul3A_534 = arith.constant 80 : i32
      %mul3A_535 = arith.muli %add3A_517, %mul3A_534 : i32
      %add3A_536 = arith.constant 0 : i32
      %add3A_537 = arith.addi %mul3A_535, %add3A_536 : i32
      %get3A_538 = arith.index_cast %add3A_537 : i32 to index
      %get3A_539 = tpu.vector_load %arg7[%get3A_538] {strides = array<i32>} : memref<10000xi32, #tpu.memory_space<vmem>>, vector<16xi32>,
      %get3A_540 = vector.shape_cast %get3A_539 : vector<16xi32> to vector<16xi32>
      %swap3A_541 = arith.constant 0 : index
      %swap3A_542 = tpu.vector_load %arg9[%swap3A_541] {strides = array<i32>} : memref<80xi32, #tpu.memory_space<vmem>>, vector<16xi32>,
      %swap3A_543 = vector.shape_cast %swap3A_542 : vector<16xi32> to vector<16xi32>
      %swap3A_544 = vector.shape_cast %get3A_540 : vector<16xi32> to vector<16xi32>
      tpu.vector_store %arg9[%swap3A_541], %swap3A_544 {strides = array<i32>} : memref<80xi32, #tpu.memory_space<vmem>>, vector<16xi32>,
      %mul3A_545 = arith.constant 80 : i32
      %mul3A_546 = arith.muli %add3A_517, %mul3A_545 : i32
      %add3A_547 = arith.constant 0 : i32
      %add3A_548 = arith.addi %mul3A_546, %add3A_547 : i32
      %mul3A_549 = arith.constant 2 : i32
      %mul3A_550 = arith.muli %mul3A_549, %add3A_548 : i32
      %add3A_551 = arith.addi %add3A_33, %mul3A_550 : i32
      %add3A_552 = vector.broadcast %add3A_551 : i32 to vector<16xi32>
      %add3A_553 = arith.addi %add3A_552, %mul3A_36 : vector<16xi32>
      %swap3A_554 = arith.constant 0 : index
      %swap3A_555 = tpu.vector_load %arg10[%swap3A_554] {strides = array<i32>} : memref<80xi32, #tpu.memory_space<vmem>>, vector<16xi32>,
      %swap3A_556 = vector.shape_cast %swap3A_555 : vector<16xi32> to vector<16xi32>
      %swap3A_557 = vector.shape_cast %add3A_553 : vector<16xi32> to vector<16xi32>
      tpu.vector_store %arg10[%swap3A_554], %swap3A_557 {strides = array<i32>} : memref<80xi32, #tpu.memory_space<vmem>>, vector<16xi32>,
      %mul3A_558 = arith.constant 80 : i32
      %mul3A_559 = arith.muli %add3A_517, %mul3A_558 : i32
      %add3A_560 = arith.constant 16 : i32
      %add3A_561 = arith.addi %mul3A_559, %add3A_560 : i32
      %get3A_562 = arith.index_cast %add3A_561 : i32 to index
      %get3A_563 = tpu.vector_load %arg6[%get3A_562] {strides = array<i32>} : memref<10000xi32, #tpu.memory_space<vmem>>, vector<16xi32>,
      %get3A_564 = vector.shape_cast %get3A_563 : vector<16xi32> to vector<16xi32>
      %mul3A_565 = arith.constant 2 : i32
      %mul3A_566 = vector.broadcast %mul3A_565 : i32 to vector<16xi32>
      %mul3A_567 = arith.muli %get3A_564, %mul3A_566 : vector<16xi32>
      %add3A_568 = vector.broadcast %arg0 : i32 to vector<16xi32>
      %add3A_569 = arith.addi %mul3A_567, %add3A_568 : vector<16xi32>
      %swap3A_570 = arith.constant 16 : index
      %swap3A_571 = tpu.vector_load %arg8[%swap3A_570] {strides = array<i32>} : memref<80xi32, #tpu.memory_space<vmem>>, vector<16xi32>,
      %swap3A_572 = vector.shape_cast %swap3A_571 : vector<16xi32> to vector<16xi32>
      %swap3A_573 = vector.shape_cast %add3A_569 : vector<16xi32> to vector<16xi32>
      tpu.vector_store %arg8[%swap3A_570], %swap3A_573 {strides = array<i32>} : memref<80xi32, #tpu.memory_space<vmem>>, vector<16xi32>,
      %mul3A_574 = arith.constant 80 : i32
      %mul3A_575 = arith.muli %add3A_517, %mul3A_574 : i32
      %add3A_576 = arith.constant 16 : i32
      %add3A_577 = arith.addi %mul3A_575, %add3A_576 : i32
      %get3A_578 = arith.index_cast %add3A_577 : i32 to index
      %get3A_579 = tpu.vector_load %arg7[%get3A_578] {strides = array<i32>} : memref<10000xi32, #tpu.memory_space<vmem>>, vector<16xi32>,
      %get3A_580 = vector.shape_cast %get3A_579 : vector<16xi32> to vector<16xi32>
      %swap3A_581 = arith.constant 16 : index
      %swap3A_582 = tpu.vector_load %arg9[%swap3A_581] {strides = array<i32>} : memref<80xi32, #tpu.memory_space<vmem>>, vector<16xi32>,
      %swap3A_583 = vector.shape_cast %swap3A_582 : vector<16xi32> to vector<16xi32>
      %swap3A_584 = vector.shape_cast %get3A_580 : vector<16xi32> to vector<16xi32>
      tpu.vector_store %arg9[%swap3A_581], %swap3A_584 {strides = array<i32>} : memref<80xi32, #tpu.memory_space<vmem>>, vector<16xi32>,
      %mul3A_585 = arith.constant 80 : i32
      %mul3A_586 = arith.muli %add3A_517, %mul3A_585 : i32
      %add3A_587 = arith.constant 16 : i32
      %add3A_588 = arith.addi %mul3A_586, %add3A_587 : i32
      %mul3A_589 = arith.constant 2 : i32
      %mul3A_590 = arith.muli %mul3A_589, %add3A_588 : i32
      %add3A_591 = arith.addi %add3A_33, %mul3A_590 : i32
      %add3A_592 = vector.broadcast %add3A_591 : i32 to vector<16xi32>
      %add3A_593 = arith.addi %add3A_592, %mul3A_36 : vector<16xi32>
      %swap3A_594 = arith.constant 16 : index
      %swap3A_595 = tpu.vector_load %arg10[%swap3A_594] {strides = array<i32>} : memref<80xi32, #tpu.memory_space<vmem>>, vector<16xi32>,
      %swap3A_596 = vector.shape_cast %swap3A_595 : vector<16xi32> to vector<16xi32>
      %swap3A_597 = vector.shape_cast %add3A_593 : vector<16xi32> to vector<16xi32>
      tpu.vector_store %arg10[%swap3A_594], %swap3A_597 {strides = array<i32>} : memref<80xi32, #tpu.memory_space<vmem>>, vector<16xi32>,
      %mul3A_598 = arith.constant 80 : i32
      %mul3A_599 = arith.muli %add3A_517, %mul3A_598 : i32
      %add3A_600 = arith.constant 32 : i32
      %add3A_601 = arith.addi %mul3A_599, %add3A_600 : i32
      %get3A_602 = arith.index_cast %add3A_601 : i32 to index
      %get3A_603 = tpu.vector_load %arg6[%get3A_602] {strides = array<i32>} : memref<10000xi32, #tpu.memory_space<vmem>>, vector<16xi32>,
      %get3A_604 = vector.shape_cast %get3A_603 : vector<16xi32> to vector<16xi32>
      %mul3A_605 = arith.constant 2 : i32
      %mul3A_606 = vector.broadcast %mul3A_605 : i32 to vector<16xi32>
      %mul3A_607 = arith.muli %get3A_604, %mul3A_606 : vector<16xi32>
      %add3A_608 = vector.broadcast %arg0 : i32 to vector<16xi32>
      %add3A_609 = arith.addi %mul3A_607, %add3A_608 : vector<16xi32>
      %swap3A_610 = arith.constant 32 : index
      %swap3A_611 = tpu.vector_load %arg8[%swap3A_610] {strides = array<i32>} : memref<80xi32, #tpu.memory_space<vmem>>, vector<16xi32>,
      %swap3A_612 = vector.shape_cast %swap3A_611 : vector<16xi32> to vector<16xi32>
      %swap3A_613 = vector.shape_cast %add3A_609 : vector<16xi32> to vector<16xi32>
      tpu.vector_store %arg8[%swap3A_610], %swap3A_613 {strides = array<i32>} : memref<80xi32, #tpu.memory_space<vmem>>, vector<16xi32>,
      %mul3A_614 = arith.constant 80 : i32
      %mul3A_615 = arith.muli %add3A_517, %mul3A_614 : i32
      %add3A_616 = arith.constant 32 : i32
      %add3A_617 = arith.addi %mul3A_615, %add3A_616 : i32
      %get3A_618 = arith.index_cast %add3A_617 : i32 to index
      %get3A_619 = tpu.vector_load %arg7[%get3A_618] {strides = array<i32>} : memref<10000xi32, #tpu.memory_space<vmem>>, vector<16xi32>,
      %get3A_620 = vector.shape_cast %get3A_619 : vector<16xi32> to vector<16xi32>
      %swap3A_621 = arith.constant 32 : index
      %swap3A_622 = tpu.vector_load %arg9[%swap3A_621] {strides = array<i32>} : memref<80xi32, #tpu.memory_space<vmem>>, vector<16xi32>,
      %swap3A_623 = vector.shape_cast %swap3A_622 : vector<16xi32> to vector<16xi32>
      %swap3A_624 = vector.shape_cast %get3A_620 : vector<16xi32> to vector<16xi32>
      tpu.vector_store %arg9[%swap3A_621], %swap3A_624 {strides = array<i32>} : memref<80xi32, #tpu.memory_space<vmem>>, vector<16xi32>,
      %mul3A_625 = arith.constant 80 : i32
      %mul3A_626 = arith.muli %add3A_517, %mul3A_625 : i32
      %add3A_627 = arith.constant 32 : i32
      %add3A_628 = arith.addi %mul3A_626, %add3A_627 : i32
      %mul3A_629 = arith.constant 2 : i32
      %mul3A_630 = arith.muli %mul3A_629, %add3A_628 : i32
      %add3A_631 = arith.addi %add3A_33, %mul3A_630 : i32
      %add3A_632 = vector.broadcast %add3A_631 : i32 to vector<16xi32>
      %add3A_633 = arith.addi %add3A_632, %mul3A_36 : vector<16xi32>
      %swap3A_634 = arith.constant 32 : index
      %swap3A_635 = tpu.vector_load %arg10[%swap3A_634] {strides = array<i32>} : memref<80xi32, #tpu.memory_space<vmem>>, vector<16xi32>,
      %swap3A_636 = vector.shape_cast %swap3A_635 : vector<16xi32> to vector<16xi32>
      %swap3A_637 = vector.shape_cast %add3A_633 : vector<16xi32> to vector<16xi32>
      tpu.vector_store %arg10[%swap3A_634], %swap3A_637 {strides = array<i32>} : memref<80xi32, #tpu.memory_space<vmem>>, vector<16xi32>,
      %mul3A_638 = arith.constant 80 : i32
      %mul3A_639 = arith.muli %add3A_517, %mul3A_638 : i32
      %add3A_640 = arith.constant 48 : i32
      %add3A_641 = arith.addi %mul3A_639, %add3A_640 : i32
      %get3A_642 = arith.index_cast %add3A_641 : i32 to index
      %get3A_643 = tpu.vector_load %arg6[%get3A_642] {strides = array<i32>} : memref<10000xi32, #tpu.memory_space<vmem>>, vector<16xi32>,
      %get3A_644 = vector.shape_cast %get3A_643 : vector<16xi32> to vector<16xi32>
      %mul3A_645 = arith.constant 2 : i32
      %mul3A_646 = vector.broadcast %mul3A_645 : i32 to vector<16xi32>
      %mul3A_647 = arith.muli %get3A_644, %mul3A_646 : vector<16xi32>
      %add3A_648 = vector.broadcast %arg0 : i32 to vector<16xi32>
      %add3A_649 = arith.addi %mul3A_647, %add3A_648 : vector<16xi32>
      %swap3A_650 = arith.constant 48 : index
      %swap3A_651 = tpu.vector_load %arg8[%swap3A_650] {strides = array<i32>} : memref<80xi32, #tpu.memory_space<vmem>>, vector<16xi32>,
      %swap3A_652 = vector.shape_cast %swap3A_651 : vector<16xi32> to vector<16xi32>
      %swap3A_653 = vector.shape_cast %add3A_649 : vector<16xi32> to vector<16xi32>
      tpu.vector_store %arg8[%swap3A_650], %swap3A_653 {strides = array<i32>} : memref<80xi32, #tpu.memory_space<vmem>>, vector<16xi32>,
      %mul3A_654 = arith.constant 80 : i32
      %mul3A_655 = arith.muli %add3A_517, %mul3A_654 : i32
      %add3A_656 = arith.constant 48 : i32
      %add3A_657 = arith.addi %mul3A_655, %add3A_656 : i32
      %get3A_658 = arith.index_cast %add3A_657 : i32 to index
      %get3A_659 = tpu.vector_load %arg7[%get3A_658] {strides = array<i32>} : memref<10000xi32, #tpu.memory_space<vmem>>, vector<16xi32>,
      %get3A_660 = vector.shape_cast %get3A_659 : vector<16xi32> to vector<16xi32>
      %swap3A_661 = arith.constant 48 : index
      %swap3A_662 = tpu.vector_load %arg9[%swap3A_661] {strides = array<i32>} : memref<80xi32, #tpu.memory_space<vmem>>, vector<16xi32>,
      %swap3A_663 = vector.shape_cast %swap3A_662 : vector<16xi32> to vector<16xi32>
      %swap3A_664 = vector.shape_cast %get3A_660 : vector<16xi32> to vector<16xi32>
      tpu.vector_store %arg9[%swap3A_661], %swap3A_664 {strides = array<i32>} : memref<80xi32, #tpu.memory_space<vmem>>, vector<16xi32>,
      %mul3A_665 = arith.constant 80 : i32
      %mul3A_666 = arith.muli %add3A_517, %mul3A_665 : i32
      %add3A_667 = arith.constant 48 : i32
      %add3A_668 = arith.addi %mul3A_666, %add3A_667 : i32
      %mul3A_669 = arith.constant 2 : i32
      %mul3A_670 = arith.muli %mul3A_669, %add3A_668 : i32
      %add3A_671 = arith.addi %add3A_33, %mul3A_670 : i32
      %add3A_672 = vector.broadcast %add3A_671 : i32 to vector<16xi32>
      %add3A_673 = arith.addi %add3A_672, %mul3A_36 : vector<16xi32>
      %swap3A_674 = arith.constant 48 : index
      %swap3A_675 = tpu.vector_load %arg10[%swap3A_674] {strides = array<i32>} : memref<80xi32, #tpu.memory_space<vmem>>, vector<16xi32>,
      %swap3A_676 = vector.shape_cast %swap3A_675 : vector<16xi32> to vector<16xi32>
      %swap3A_677 = vector.shape_cast %add3A_673 : vector<16xi32> to vector<16xi32>
      tpu.vector_store %arg10[%swap3A_674], %swap3A_677 {strides = array<i32>} : memref<80xi32, #tpu.memory_space<vmem>>, vector<16xi32>,
      %mul3A_678 = arith.constant 80 : i32
      %mul3A_679 = arith.muli %add3A_517, %mul3A_678 : i32
      %add3A_680 = arith.constant 64 : i32
      %add3A_681 = arith.addi %mul3A_679, %add3A_680 : i32
      %get3A_682 = arith.index_cast %add3A_681 : i32 to index
      %get3A_683 = tpu.vector_load %arg6[%get3A_682] {strides = array<i32>} : memref<10000xi32, #tpu.memory_space<vmem>>, vector<16xi32>,
      %get3A_684 = vector.shape_cast %get3A_683 : vector<16xi32> to vector<16xi32>
      %mul3A_685 = arith.constant 2 : i32
      %mul3A_686 = vector.broadcast %mul3A_685 : i32 to vector<16xi32>
      %mul3A_687 = arith.muli %get3A_684, %mul3A_686 : vector<16xi32>
      %add3A_688 = vector.broadcast %arg0 : i32 to vector<16xi32>
      %add3A_689 = arith.addi %mul3A_687, %add3A_688 : vector<16xi32>
      %swap3A_690 = arith.constant 64 : index
      %swap3A_691 = tpu.vector_load %arg8[%swap3A_690] {strides = array<i32>} : memref<80xi32, #tpu.memory_space<vmem>>, vector<16xi32>,
      %swap3A_692 = vector.shape_cast %swap3A_691 : vector<16xi32> to vector<16xi32>
      %swap3A_693 = vector.shape_cast %add3A_689 : vector<16xi32> to vector<16xi32>
      tpu.vector_store %arg8[%swap3A_690], %swap3A_693 {strides = array<i32>} : memref<80xi32, #tpu.memory_space<vmem>>, vector<16xi32>,
      %mul3A_694 = arith.constant 80 : i32
      %mul3A_695 = arith.muli %add3A_517, %mul3A_694 : i32
      %add3A_696 = arith.constant 64 : i32
      %add3A_697 = arith.addi %mul3A_695, %add3A_696 : i32
      %get3A_698 = arith.index_cast %add3A_697 : i32 to index
      %get3A_699 = tpu.vector_load %arg7[%get3A_698] {strides = array<i32>} : memref<10000xi32, #tpu.memory_space<vmem>>, vector<16xi32>,
      %get3A_700 = vector.shape_cast %get3A_699 : vector<16xi32> to vector<16xi32>
      %swap3A_701 = arith.constant 64 : index
      %swap3A_702 = tpu.vector_load %arg9[%swap3A_701] {strides = array<i32>} : memref<80xi32, #tpu.memory_space<vmem>>, vector<16xi32>,
      %swap3A_703 = vector.shape_cast %swap3A_702 : vector<16xi32> to vector<16xi32>
      %swap3A_704 = vector.shape_cast %get3A_700 : vector<16xi32> to vector<16xi32>
      tpu.vector_store %arg9[%swap3A_701], %swap3A_704 {strides = array<i32>} : memref<80xi32, #tpu.memory_space<vmem>>, vector<16xi32>,
      %mul3A_705 = arith.constant 80 : i32
      %mul3A_706 = arith.muli %add3A_517, %mul3A_705 : i32
      %add3A_707 = arith.constant 64 : i32
      %add3A_708 = arith.addi %mul3A_706, %add3A_707 : i32
      %mul3A_709 = arith.constant 2 : i32
      %mul3A_710 = arith.muli %mul3A_709, %add3A_708 : i32
      %add3A_711 = arith.addi %add3A_33, %mul3A_710 : i32
      %add3A_712 = vector.broadcast %add3A_711 : i32 to vector<16xi32>
      %add3A_713 = arith.addi %add3A_712, %mul3A_36 : vector<16xi32>
      %swap3A_714 = arith.constant 64 : index
      %swap3A_715 = tpu.vector_load %arg10[%swap3A_714] {strides = array<i32>} : memref<80xi32, #tpu.memory_space<vmem>>, vector<16xi32>,
      %swap3A_716 = vector.shape_cast %swap3A_715 : vector<16xi32> to vector<16xi32>
      %swap3A_717 = vector.shape_cast %add3A_713 : vector<16xi32> to vector<16xi32>
      tpu.vector_store %arg10[%swap3A_714], %swap3A_717 {strides = array<i32>} : memref<80xi32, #tpu.memory_space<vmem>>, vector<16xi32>,
      %dma_start3A_718 = arith.constant 0 : i32
      %dma_start3A_719 = arith.constant 0 : i32
      %dma_start3A_720 = tpu.memref_slice %arg2[%dma_start3A_718, %dma_start3A_719] : memref<20000x64xf32, #tpu.memory_space<hbm>> -> memref<20000x64xf32, #tpu.memory_space<hbm>>
      tpu.enqueue_indirect_dma source(%dma_start3A_720 : memref<20000x64xf32, #tpu.memory_space<hbm>>) target(%arg11 : memref<80x64xf32, #tpu.memory_space<vmem>>) offsets(%arg8 : memref<80xi32, #tpu.memory_space<vmem>>) semaphore(%arg19 : memref<!tpu.dma_semaphore, #tpu.memory_space<semaphore_mem>>)
      %dma_start3A_721 = arith.constant 0 : i32
      %dma_start3A_722 = arith.constant 0 : i32
      %dma_start3A_723 = tpu.memref_slice %arg4[%dma_start3A_721, %dma_start3A_722] : memref<320000x64xf32, #tpu.memory_space<hbm>> -> memref<320000x64xf32, #tpu.memory_space<hbm>>
      tpu.enqueue_indirect_dma source(%dma_start3A_723 : memref<320000x64xf32, #tpu.memory_space<hbm>>) target(%arg12 : memref<80x64xf32, #tpu.memory_space<vmem>>) offsets(%arg10 : memref<80xi32, #tpu.memory_space<vmem>>) semaphore(%arg20 : memref<!tpu.dma_semaphore, #tpu.memory_space<semaphore_mem>>)
      %dma_wait3A_724 = arith.constant 0 : i32
      %dma_wait3A_725 = arith.constant 0 : i32
      %dma_wait3A_726 = tpu.memref_slice %arg2[%dma_wait3A_724, %dma_wait3A_725] : memref<20000x64xf32, #tpu.memory_space<hbm>> -> memref<20000x64xf32, #tpu.memory_space<hbm>>
      tpu.wait_indirect_dma semaphore(%arg21 : memref<!tpu.dma_semaphore, #tpu.memory_space<semaphore_mem>>) src(%dma_wait3A_726 : memref<20000x64xf32, #tpu.memory_space<hbm>>) dst(%arg16 : memref<80x64xf32, #tpu.memory_space<vmem>>)
      %dma_wait3A_727 = arith.constant 0 : i32
      %dma_wait3A_728 = arith.constant 0 : i32
      %dma_wait3A_729 = tpu.memref_slice %arg4[%dma_wait3A_727, %dma_wait3A_728] : memref<320000x64xf32, #tpu.memory_space<hbm>> -> memref<320000x64xf32, #tpu.memory_space<hbm>>
      tpu.wait_indirect_dma semaphore(%arg22 : memref<!tpu.dma_semaphore, #tpu.memory_space<semaphore_mem>>) src(%dma_wait3A_729 : memref<320000x64xf32, #tpu.memory_space<hbm>>) dst(%arg17 : memref<80x64xf32, #tpu.memory_space<vmem>>)
      %scan3A_730 = arith.constant 0 : i32
      %scan3A_731 = arith.constant 0 : i32
      %scan3A_732 = arith.constant 40 : i32
      %scan3A_733 = arith.addi %scan3A_731, %scan3A_732 : i32
      %scan3A_734 = arith.constant 1 : i32
      scf.for %scan3A_946 = %scan3A_731 to %scan3A_733 step %scan3A_734  : i32 {
        %mul3A_947 = arith.constant 2 : i32
        %mul3A_948 = arith.muli %mul3A_947, %scan3A_946 : i32
        %add3A_949 = arith.constant 0 : i32
        %add3A_950 = arith.addi %mul3A_948, %add3A_949 : i32
        %get3A_951 = arith.index_cast %add3A_950 : i32 to index
        %get3A_952 = arith.constant 0 : index
        %get3A_953 = tpu.vector_load %arg16[%get3A_951, %get3A_952] {strides = array<i32>} : memref<80x64xf32, #tpu.memory_space<vmem>>, vector<1x16xf32>,
        %get3A_954 = vector.shape_cast %get3A_953 : vector<1x16xf32> to vector<16xf32>
        %get3A_955 = arith.index_cast %add3A_950 : i32 to index
        %get3A_956 = arith.constant 0 : index
        %get3A_957 = tpu.vector_load %arg17[%get3A_955, %get3A_956] {strides = array<i32>} : memref<80x64xf32, #tpu.memory_space<vmem>>, vector<1x16xf32>,
        %get3A_958 = vector.shape_cast %get3A_957 : vector<1x16xf32> to vector<16xf32>
        %add3A_959 = arith.addf %get3A_954, %get3A_958 : vector<16xf32>
        %max3A = arith.constant 0.000000e+00 : f32
        %max3A_960 = vector.broadcast %max3A : f32 to vector<16xf32>
        %max3A_961 = arith.maximumf %add3A_959, %max3A_960 : vector<16xf32>
        %swap3A_962 = arith.index_cast %add3A_950 : i32 to index
        %swap3A_963 = arith.constant 0 : index
        %swap3A_964 = tpu.vector_load %arg17[%swap3A_962, %swap3A_963] {strides = array<i32>} : memref<80x64xf32, #tpu.memory_space<vmem>>, vector<1x16xf32>,
        %swap3A_965 = vector.shape_cast %swap3A_964 : vector<1x16xf32> to vector<16xf32>
        %swap3A_966 = vector.shape_cast %max3A_961 : vector<16xf32> to vector<1x16xf32>
        tpu.vector_store %arg17[%swap3A_962, %swap3A_963], %swap3A_966 {strides = array<i32>} : memref<80x64xf32, #tpu.memory_space<vmem>>, vector<1x16xf32>,
        %mul3A_967 = arith.constant 2 : i32
        %mul3A_968 = arith.muli %mul3A_967, %scan3A_946 : i32
        %add3A_969 = arith.constant 0 : i32
        %add3A_970 = arith.addi %mul3A_968, %add3A_969 : i32
        %get3A_971 = arith.index_cast %add3A_970 : i32 to index
        %get3A_972 = arith.constant 16 : index
        %get3A_973 = tpu.vector_load %arg16[%get3A_971, %get3A_972] {strides = array<i32>} : memref<80x64xf32, #tpu.memory_space<vmem>>, vector<1x16xf32>,
        %get3A_974 = vector.shape_cast %get3A_973 : vector<1x16xf32> to vector<16xf32>
        %get3A_975 = arith.index_cast %add3A_970 : i32 to index
        %get3A_976 = arith.constant 16 : index
        %get3A_977 = tpu.vector_load %arg17[%get3A_975, %get3A_976] {strides = array<i32>} : memref<80x64xf32, #tpu.memory_space<vmem>>, vector<1x16xf32>,
        %get3A_978 = vector.shape_cast %get3A_977 : vector<1x16xf32> to vector<16xf32>
        %add3A_979 = arith.addf %get3A_974, %get3A_978 : vector<16xf32>
        %max3A_980 = arith.constant 0.000000e+00 : f32
        %max3A_981 = vector.broadcast %max3A_980 : f32 to vector<16xf32>
        %max3A_982 = arith.maximumf %add3A_979, %max3A_981 : vector<16xf32>
        %swap3A_983 = arith.index_cast %add3A_970 : i32 to index
        %swap3A_984 = arith.constant 16 : index
        %swap3A_985 = tpu.vector_load %arg17[%swap3A_983, %swap3A_984] {strides = array<i32>} : memref<80x64xf32, #tpu.memory_space<vmem>>, vector<1x16xf32>,
        %swap3A_986 = vector.shape_cast %swap3A_985 : vector<1x16xf32> to vector<16xf32>
        %swap3A_987 = vector.shape_cast %max3A_982 : vector<16xf32> to vector<1x16xf32>
        tpu.vector_store %arg17[%swap3A_983, %swap3A_984], %swap3A_987 {strides = array<i32>} : memref<80x64xf32, #tpu.memory_space<vmem>>, vector<1x16xf32>,
        %mul3A_988 = arith.constant 2 : i32
        %mul3A_989 = arith.muli %mul3A_988, %scan3A_946 : i32
        %add3A_990 = arith.constant 0 : i32
        %add3A_991 = arith.addi %mul3A_989, %add3A_990 : i32
        %get3A_992 = arith.index_cast %add3A_991 : i32 to index
        %get3A_993 = arith.constant 32 : index
        %get3A_994 = tpu.vector_load %arg16[%get3A_992, %get3A_993] {strides = array<i32>} : memref<80x64xf32, #tpu.memory_space<vmem>>, vector<1x16xf32>,
        %get3A_995 = vector.shape_cast %get3A_994 : vector<1x16xf32> to vector<16xf32>
        %get3A_996 = arith.index_cast %add3A_991 : i32 to index
        %get3A_997 = arith.constant 32 : index
        %get3A_998 = tpu.vector_load %arg17[%get3A_996, %get3A_997] {strides = array<i32>} : memref<80x64xf32, #tpu.memory_space<vmem>>, vector<1x16xf32>,
        %get3A_999 = vector.shape_cast %get3A_998 : vector<1x16xf32> to vector<16xf32>
        %add3A_1000 = arith.addf %get3A_995, %get3A_999 : vector<16xf32>
        %max3A_1001 = arith.constant 0.000000e+00 : f32
        %max3A_1002 = vector.broadcast %max3A_1001 : f32 to vector<16xf32>
        %max3A_1003 = arith.maximumf %add3A_1000, %max3A_1002 : vector<16xf32>
        %swap3A_1004 = arith.index_cast %add3A_991 : i32 to index
        %swap3A_1005 = arith.constant 32 : index
        %swap3A_1006 = tpu.vector_load %arg17[%swap3A_1004, %swap3A_1005] {strides = array<i32>} : memref<80x64xf32, #tpu.memory_space<vmem>>, vector<1x16xf32>,
        %swap3A_1007 = vector.shape_cast %swap3A_1006 : vector<1x16xf32> to vector<16xf32>
        %swap3A_1008 = vector.shape_cast %max3A_1003 : vector<16xf32> to vector<1x16xf32>
        tpu.vector_store %arg17[%swap3A_1004, %swap3A_1005], %swap3A_1008 {strides = array<i32>} : memref<80x64xf32, #tpu.memory_space<vmem>>, vector<1x16xf32>,
        %mul3A_1009 = arith.constant 2 : i32
        %mul3A_1010 = arith.muli %mul3A_1009, %scan3A_946 : i32
        %add3A_1011 = arith.constant 0 : i32
        %add3A_1012 = arith.addi %mul3A_1010, %add3A_1011 : i32
        %get3A_1013 = arith.index_cast %add3A_1012 : i32 to index
        %get3A_1014 = arith.constant 48 : index
        %get3A_1015 = tpu.vector_load %arg16[%get3A_1013, %get3A_1014] {strides = array<i32>} : memref<80x64xf32, #tpu.memory_space<vmem>>, vector<1x16xf32>,
        %get3A_1016 = vector.shape_cast %get3A_1015 : vector<1x16xf32> to vector<16xf32>
        %get3A_1017 = arith.index_cast %add3A_1012 : i32 to index
        %get3A_1018 = arith.constant 48 : index
        %get3A_1019 = tpu.vector_load %arg17[%get3A_1017, %get3A_1018] {strides = array<i32>} : memref<80x64xf32, #tpu.memory_space<vmem>>, vector<1x16xf32>,
        %get3A_1020 = vector.shape_cast %get3A_1019 : vector<1x16xf32> to vector<16xf32>
        %add3A_1021 = arith.addf %get3A_1016, %get3A_1020 : vector<16xf32>
        %max3A_1022 = arith.constant 0.000000e+00 : f32
        %max3A_1023 = vector.broadcast %max3A_1022 : f32 to vector<16xf32>
        %max3A_1024 = arith.maximumf %add3A_1021, %max3A_1023 : vector<16xf32>
        %swap3A_1025 = arith.index_cast %add3A_1012 : i32 to index
        %swap3A_1026 = arith.constant 48 : index
        %swap3A_1027 = tpu.vector_load %arg17[%swap3A_1025, %swap3A_1026] {strides = array<i32>} : memref<80x64xf32, #tpu.memory_space<vmem>>, vector<1x16xf32>,
        %swap3A_1028 = vector.shape_cast %swap3A_1027 : vector<1x16xf32> to vector<16xf32>
        %swap3A_1029 = vector.shape_cast %max3A_1024 : vector<16xf32> to vector<1x16xf32>
        tpu.vector_store %arg17[%swap3A_1025, %swap3A_1026], %swap3A_1029 {strides = array<i32>} : memref<80x64xf32, #tpu.memory_space<vmem>>, vector<1x16xf32>,
        %mul3A_1030 = arith.constant 2 : i32
        %mul3A_1031 = arith.muli %mul3A_1030, %scan3A_946 : i32
        %add3A_1032 = arith.constant 1 : i32
        %add3A_1033 = arith.addi %mul3A_1031, %add3A_1032 : i32
        %get3A_1034 = arith.index_cast %add3A_1033 : i32 to index
        %get3A_1035 = arith.constant 0 : index
        %get3A_1036 = tpu.vector_load %arg16[%get3A_1034, %get3A_1035] {strides = array<i32>} : memref<80x64xf32, #tpu.memory_space<vmem>>, vector<1x16xf32>,
        %get3A_1037 = vector.shape_cast %get3A_1036 : vector<1x16xf32> to vector<16xf32>
        %get3A_1038 = arith.index_cast %add3A_1033 : i32 to index
        %get3A_1039 = arith.constant 0 : index
        %get3A_1040 = tpu.vector_load %arg17[%get3A_1038, %get3A_1039] {strides = array<i32>} : memref<80x64xf32, #tpu.memory_space<vmem>>, vector<1x16xf32>,
        %get3A_1041 = vector.shape_cast %get3A_1040 : vector<1x16xf32> to vector<16xf32>
        %add3A_1042 = arith.addf %get3A_1037, %get3A_1041 : vector<16xf32>
        %max3A_1043 = arith.constant 0.000000e+00 : f32
        %max3A_1044 = vector.broadcast %max3A_1043 : f32 to vector<16xf32>
        %max3A_1045 = arith.maximumf %add3A_1042, %max3A_1044 : vector<16xf32>
        %swap3A_1046 = arith.index_cast %add3A_1033 : i32 to index
        %swap3A_1047 = arith.constant 0 : index
        %swap3A_1048 = tpu.vector_load %arg17[%swap3A_1046, %swap3A_1047] {strides = array<i32>} : memref<80x64xf32, #tpu.memory_space<vmem>>, vector<1x16xf32>,
        %swap3A_1049 = vector.shape_cast %swap3A_1048 : vector<1x16xf32> to vector<16xf32>
        %swap3A_1050 = vector.shape_cast %max3A_1045 : vector<16xf32> to vector<1x16xf32>
        tpu.vector_store %arg17[%swap3A_1046, %swap3A_1047], %swap3A_1050 {strides = array<i32>} : memref<80x64xf32, #tpu.memory_space<vmem>>, vector<1x16xf32>,
        %mul3A_1051 = arith.constant 2 : i32
        %mul3A_1052 = arith.muli %mul3A_1051, %scan3A_946 : i32
        %add3A_1053 = arith.constant 1 : i32
        %add3A_1054 = arith.addi %mul3A_1052, %add3A_1053 : i32
        %get3A_1055 = arith.index_cast %add3A_1054 : i32 to index
        %get3A_1056 = arith.constant 16 : index
        %get3A_1057 = tpu.vector_load %arg16[%get3A_1055, %get3A_1056] {strides = array<i32>} : memref<80x64xf32, #tpu.memory_space<vmem>>, vector<1x16xf32>,
        %get3A_1058 = vector.shape_cast %get3A_1057 : vector<1x16xf32> to vector<16xf32>
        %get3A_1059 = arith.index_cast %add3A_1054 : i32 to index
        %get3A_1060 = arith.constant 16 : index
        %get3A_1061 = tpu.vector_load %arg17[%get3A_1059, %get3A_1060] {strides = array<i32>} : memref<80x64xf32, #tpu.memory_space<vmem>>, vector<1x16xf32>,
        %get3A_1062 = vector.shape_cast %get3A_1061 : vector<1x16xf32> to vector<16xf32>
        %add3A_1063 = arith.addf %get3A_1058, %get3A_1062 : vector<16xf32>
        %max3A_1064 = arith.constant 0.000000e+00 : f32
        %max3A_1065 = vector.broadcast %max3A_1064 : f32 to vector<16xf32>
        %max3A_1066 = arith.maximumf %add3A_1063, %max3A_1065 : vector<16xf32>
        %swap3A_1067 = arith.index_cast %add3A_1054 : i32 to index
        %swap3A_1068 = arith.constant 16 : index
        %swap3A_1069 = tpu.vector_load %arg17[%swap3A_1067, %swap3A_1068] {strides = array<i32>} : memref<80x64xf32, #tpu.memory_space<vmem>>, vector<1x16xf32>,
        %swap3A_1070 = vector.shape_cast %swap3A_1069 : vector<1x16xf32> to vector<16xf32>
        %swap3A_1071 = vector.shape_cast %max3A_1066 : vector<16xf32> to vector<1x16xf32>
        tpu.vector_store %arg17[%swap3A_1067, %swap3A_1068], %swap3A_1071 {strides = array<i32>} : memref<80x64xf32, #tpu.memory_space<vmem>>, vector<1x16xf32>,
        %mul3A_1072 = arith.constant 2 : i32
        %mul3A_1073 = arith.muli %mul3A_1072, %scan3A_946 : i32
        %add3A_1074 = arith.constant 1 : i32
        %add3A_1075 = arith.addi %mul3A_1073, %add3A_1074 : i32
        %get3A_1076 = arith.index_cast %add3A_1075 : i32 to index
        %get3A_1077 = arith.constant 32 : index
        %get3A_1078 = tpu.vector_load %arg16[%get3A_1076, %get3A_1077] {strides = array<i32>} : memref<80x64xf32, #tpu.memory_space<vmem>>, vector<1x16xf32>,
        %get3A_1079 = vector.shape_cast %get3A_1078 : vector<1x16xf32> to vector<16xf32>
        %get3A_1080 = arith.index_cast %add3A_1075 : i32 to index
        %get3A_1081 = arith.constant 32 : index
        %get3A_1082 = tpu.vector_load %arg17[%get3A_1080, %get3A_1081] {strides = array<i32>} : memref<80x64xf32, #tpu.memory_space<vmem>>, vector<1x16xf32>,
        %get3A_1083 = vector.shape_cast %get3A_1082 : vector<1x16xf32> to vector<16xf32>
        %add3A_1084 = arith.addf %get3A_1079, %get3A_1083 : vector<16xf32>
        %max3A_1085 = arith.constant 0.000000e+00 : f32
        %max3A_1086 = vector.broadcast %max3A_1085 : f32 to vector<16xf32>
        %max3A_1087 = arith.maximumf %add3A_1084, %max3A_1086 : vector<16xf32>
        %swap3A_1088 = arith.index_cast %add3A_1075 : i32 to index
        %swap3A_1089 = arith.constant 32 : index
        %swap3A_1090 = tpu.vector_load %arg17[%swap3A_1088, %swap3A_1089] {strides = array<i32>} : memref<80x64xf32, #tpu.memory_space<vmem>>, vector<1x16xf32>,
        %swap3A_1091 = vector.shape_cast %swap3A_1090 : vector<1x16xf32> to vector<16xf32>
        %swap3A_1092 = vector.shape_cast %max3A_1087 : vector<16xf32> to vector<1x16xf32>
        tpu.vector_store %arg17[%swap3A_1088, %swap3A_1089], %swap3A_1092 {strides = array<i32>} : memref<80x64xf32, #tpu.memory_space<vmem>>, vector<1x16xf32>,
        %mul3A_1093 = arith.constant 2 : i32
        %mul3A_1094 = arith.muli %mul3A_1093, %scan3A_946 : i32
        %add3A_1095 = arith.constant 1 : i32
        %add3A_1096 = arith.addi %mul3A_1094, %add3A_1095 : i32
        %get3A_1097 = arith.index_cast %add3A_1096 : i32 to index
        %get3A_1098 = arith.constant 48 : index
        %get3A_1099 = tpu.vector_load %arg16[%get3A_1097, %get3A_1098] {strides = array<i32>} : memref<80x64xf32, #tpu.memory_space<vmem>>, vector<1x16xf32>,
        %get3A_1100 = vector.shape_cast %get3A_1099 : vector<1x16xf32> to vector<16xf32>
        %get3A_1101 = arith.index_cast %add3A_1096 : i32 to index
        %get3A_1102 = arith.constant 48 : index
        %get3A_1103 = tpu.vector_load %arg17[%get3A_1101, %get3A_1102] {strides = array<i32>} : memref<80x64xf32, #tpu.memory_space<vmem>>, vector<1x16xf32>,
        %get3A_1104 = vector.shape_cast %get3A_1103 : vector<1x16xf32> to vector<16xf32>
        %add3A_1105 = arith.addf %get3A_1100, %get3A_1104 : vector<16xf32>
        %max3A_1106 = arith.constant 0.000000e+00 : f32
        %max3A_1107 = vector.broadcast %max3A_1106 : f32 to vector<16xf32>
        %max3A_1108 = arith.maximumf %add3A_1105, %max3A_1107 : vector<16xf32>
        %swap3A_1109 = arith.index_cast %add3A_1096 : i32 to index
        %swap3A_1110 = arith.constant 48 : index
        %swap3A_1111 = tpu.vector_load %arg17[%swap3A_1109, %swap3A_1110] {strides = array<i32>} : memref<80x64xf32, #tpu.memory_space<vmem>>, vector<1x16xf32>,
        %swap3A_1112 = vector.shape_cast %swap3A_1111 : vector<1x16xf32> to vector<16xf32>
        %swap3A_1113 = vector.shape_cast %max3A_1108 : vector<16xf32> to vector<1x16xf32>
        tpu.vector_store %arg17[%swap3A_1109, %swap3A_1110], %swap3A_1113 {strides = array<i32>} : memref<80x64xf32, #tpu.memory_space<vmem>>, vector<1x16xf32>,
      }
      %scan3A_735 = arith.constant 40 : i32
      "tpu.region"() ({
        %run_scoped3A = tpu.sem_alloc : memref<!tpu.dma_semaphore, #tpu.memory_space<semaphore_mem>>
        %dma_start3A_946 = arith.constant 0 : i32
        %dma_start3A_947 = arith.constant 0 : i32
        %dma_start3A_948 = tpu.memref_slice %arg18[%dma_start3A_946, %dma_start3A_947] : memref<10240x64xf32, #tpu.memory_space<vmem_shared>> -> memref<10240x64xf32, #tpu.memory_space<vmem_shared>>
        tpu.enqueue_indirect_dma source(%arg17 : memref<80x64xf32, #tpu.memory_space<vmem>>) target(%dma_start3A_948 : memref<10240x64xf32, #tpu.memory_space<vmem_shared>>) offsets(%arg14 : memref<80xi32, #tpu.memory_space<vmem>>) semaphore(%run_scoped3A : memref<!tpu.dma_semaphore, #tpu.memory_space<semaphore_mem>>) {add = true}
        %dma_wait3A_949 = arith.constant 0 : i32
        %dma_wait3A_950 = arith.constant 0 : i32
        %dma_wait3A_951 = tpu.memref_slice %arg18[%dma_wait3A_949, %dma_wait3A_950] : memref<10240x64xf32, #tpu.memory_space<vmem_shared>> -> memref<10240x64xf32, #tpu.memory_space<vmem_shared>>
        tpu.wait_indirect_dma semaphore(%run_scoped3A : memref<!tpu.dma_semaphore, #tpu.memory_space<semaphore_mem>>) src(%arg17 : memref<80x64xf32, #tpu.memory_space<vmem>>) dst(%dma_wait3A_951 : memref<10240x64xf32, #tpu.memory_space<vmem_shared>>)
        tpu.yield
      }) : () -> ()
      %mul3A_736 = arith.constant 2 : i32
      %mul3A_737 = arith.muli %mul3A_736, %scan3A_501 : i32
      %add3A_738 = arith.constant 3 : i32
      %add3A_739 = arith.addi %mul3A_737, %add3A_738 : i32
      %mul3A_740 = arith.constant 80 : i32
      %mul3A_741 = arith.muli %add3A_739, %mul3A_740 : i32
      %add3A_742 = arith.constant 0 : i32
      %add3A_743 = arith.addi %mul3A_741, %add3A_742 : i32
      %get3A_744 = arith.index_cast %add3A_743 : i32 to index
      %get3A_745 = tpu.vector_load %arg6[%get3A_744] {strides = array<i32>} : memref<10000xi32, #tpu.memory_space<vmem>>, vector<16xi32>,
      %get3A_746 = vector.shape_cast %get3A_745 : vector<16xi32> to vector<16xi32>
      %mul3A_747 = arith.constant 2 : i32
      %mul3A_748 = vector.broadcast %mul3A_747 : i32 to vector<16xi32>
      %mul3A_749 = arith.muli %get3A_746, %mul3A_748 : vector<16xi32>
      %add3A_750 = vector.broadcast %arg0 : i32 to vector<16xi32>
      %add3A_751 = arith.addi %mul3A_749, %add3A_750 : vector<16xi32>
      %swap3A_752 = arith.constant 0 : index
      %swap3A_753 = tpu.vector_load %arg13[%swap3A_752] {strides = array<i32>} : memref<80xi32, #tpu.memory_space<vmem>>, vector<16xi32>,
      %swap3A_754 = vector.shape_cast %swap3A_753 : vector<16xi32> to vector<16xi32>
      %swap3A_755 = vector.shape_cast %add3A_751 : vector<16xi32> to vector<16xi32>
      tpu.vector_store %arg13[%swap3A_752], %swap3A_755 {strides = array<i32>} : memref<80xi32, #tpu.memory_space<vmem>>, vector<16xi32>,
      %mul3A_756 = arith.constant 80 : i32
      %mul3A_757 = arith.muli %add3A_739, %mul3A_756 : i32
      %add3A_758 = arith.constant 0 : i32
      %add3A_759 = arith.addi %mul3A_757, %add3A_758 : i32
      %get3A_760 = arith.index_cast %add3A_759 : i32 to index
      %get3A_761 = tpu.vector_load %arg7[%get3A_760] {strides = array<i32>} : memref<10000xi32, #tpu.memory_space<vmem>>, vector<16xi32>,
      %get3A_762 = vector.shape_cast %get3A_761 : vector<16xi32> to vector<16xi32>
      %swap3A_763 = arith.constant 0 : index
      %swap3A_764 = tpu.vector_load %arg14[%swap3A_763] {strides = array<i32>} : memref<80xi32, #tpu.memory_space<vmem>>, vector<16xi32>,
      %swap3A_765 = vector.shape_cast %swap3A_764 : vector<16xi32> to vector<16xi32>
      %swap3A_766 = vector.shape_cast %get3A_762 : vector<16xi32> to vector<16xi32>
      tpu.vector_store %arg14[%swap3A_763], %swap3A_766 {strides = array<i32>} : memref<80xi32, #tpu.memory_space<vmem>>, vector<16xi32>,
      %mul3A_767 = arith.constant 80 : i32
      %mul3A_768 = arith.muli %add3A_739, %mul3A_767 : i32
      %add3A_769 = arith.constant 0 : i32
      %add3A_770 = arith.addi %mul3A_768, %add3A_769 : i32
      %mul3A_771 = arith.constant 2 : i32
      %mul3A_772 = arith.muli %mul3A_771, %add3A_770 : i32
      %add3A_773 = arith.addi %add3A_33, %mul3A_772 : i32
      %add3A_774 = vector.broadcast %add3A_773 : i32 to vector<16xi32>
      %add3A_775 = arith.addi %add3A_774, %mul3A_36 : vector<16xi32>
      %swap3A_776 = arith.constant 0 : index
      %swap3A_777 = tpu.vector_load %arg15[%swap3A_776] {strides = array<i32>} : memref<80xi32, #tpu.memory_space<vmem>>, vector<16xi32>,
      %swap3A_778 = vector.shape_cast %swap3A_777 : vector<16xi32> to vector<16xi32>
      %swap3A_779 = vector.shape_cast %add3A_775 : vector<16xi32> to vector<16xi32>
      tpu.vector_store %arg15[%swap3A_776], %swap3A_779 {strides = array<i32>} : memref<80xi32, #tpu.memory_space<vmem>>, vector<16xi32>,
      %mul3A_780 = arith.constant 80 : i32
      %mul3A_781 = arith.muli %add3A_739, %mul3A_780 : i32
      %add3A_782 = arith.constant 16 : i32
      %add3A_783 = arith.addi %mul3A_781, %add3A_782 : i32
      %get3A_784 = arith.index_cast %add3A_783 : i32 to index
      %get3A_785 = tpu.vector_load %arg6[%get3A_784] {strides = array<i32>} : memref<10000xi32, #tpu.memory_space<vmem>>, vector<16xi32>,
      %get3A_786 = vector.shape_cast %get3A_785 : vector<16xi32> to vector<16xi32>
      %mul3A_787 = arith.constant 2 : i32
      %mul3A_788 = vector.broadcast %mul3A_787 : i32 to vector<16xi32>
      %mul3A_789 = arith.muli %get3A_786, %mul3A_788 : vector<16xi32>
      %add3A_790 = vector.broadcast %arg0 : i32 to vector<16xi32>
      %add3A_791 = arith.addi %mul3A_789, %add3A_790 : vector<16xi32>
      %swap3A_792 = arith.constant 16 : index
      %swap3A_793 = tpu.vector_load %arg13[%swap3A_792] {strides = array<i32>} : memref<80xi32, #tpu.memory_space<vmem>>, vector<16xi32>,
      %swap3A_794 = vector.shape_cast %swap3A_793 : vector<16xi32> to vector<16xi32>
      %swap3A_795 = vector.shape_cast %add3A_791 : vector<16xi32> to vector<16xi32>
      tpu.vector_store %arg13[%swap3A_792], %swap3A_795 {strides = array<i32>} : memref<80xi32, #tpu.memory_space<vmem>>, vector<16xi32>,
      %mul3A_796 = arith.constant 80 : i32
      %mul3A_797 = arith.muli %add3A_739, %mul3A_796 : i32
      %add3A_798 = arith.constant 16 : i32
      %add3A_799 = arith.addi %mul3A_797, %add3A_798 : i32
      %get3A_800 = arith.index_cast %add3A_799 : i32 to index
      %get3A_801 = tpu.vector_load %arg7[%get3A_800] {strides = array<i32>} : memref<10000xi32, #tpu.memory_space<vmem>>, vector<16xi32>,
      %get3A_802 = vector.shape_cast %get3A_801 : vector<16xi32> to vector<16xi32>
      %swap3A_803 = arith.constant 16 : index
      %swap3A_804 = tpu.vector_load %arg14[%swap3A_803] {strides = array<i32>} : memref<80xi32, #tpu.memory_space<vmem>>, vector<16xi32>,
      %swap3A_805 = vector.shape_cast %swap3A_804 : vector<16xi32> to vector<16xi32>
      %swap3A_806 = vector.shape_cast %get3A_802 : vector<16xi32> to vector<16xi32>
      tpu.vector_store %arg14[%swap3A_803], %swap3A_806 {strides = array<i32>} : memref<80xi32, #tpu.memory_space<vmem>>, vector<16xi32>,
      %mul3A_807 = arith.constant 80 : i32
      %mul3A_808 = arith.muli %add3A_739, %mul3A_807 : i32
      %add3A_809 = arith.constant 16 : i32
      %add3A_810 = arith.addi %mul3A_808, %add3A_809 : i32
      %mul3A_811 = arith.constant 2 : i32
      %mul3A_812 = arith.muli %mul3A_811, %add3A_810 : i32
      %add3A_813 = arith.addi %add3A_33, %mul3A_812 : i32
      %add3A_814 = vector.broadcast %add3A_813 : i32 to vector<16xi32>
      %add3A_815 = arith.addi %add3A_814, %mul3A_36 : vector<16xi32>
      %swap3A_816 = arith.constant 16 : index
      %swap3A_817 = tpu.vector_load %arg15[%swap3A_816] {strides = array<i32>} : memref<80xi32, #tpu.memory_space<vmem>>, vector<16xi32>,
      %swap3A_818 = vector.shape_cast %swap3A_817 : vector<16xi32> to vector<16xi32>
      %swap3A_819 = vector.shape_cast %add3A_815 : vector<16xi32> to vector<16xi32>
      tpu.vector_store %arg15[%swap3A_816], %swap3A_819 {strides = array<i32>} : memref<80xi32, #tpu.memory_space<vmem>>, vector<16xi32>,
      %mul3A_820 = arith.constant 80 : i32
      %mul3A_821 = arith.muli %add3A_739, %mul3A_820 : i32
      %add3A_822 = arith.constant 32 : i32
      %add3A_823 = arith.addi %mul3A_821, %add3A_822 : i32
      %get3A_824 = arith.index_cast %add3A_823 : i32 to index
      %get3A_825 = tpu.vector_load %arg6[%get3A_824] {strides = array<i32>} : memref<10000xi32, #tpu.memory_space<vmem>>, vector<16xi32>,
      %get3A_826 = vector.shape_cast %get3A_825 : vector<16xi32> to vector<16xi32>
      %mul3A_827 = arith.constant 2 : i32
      %mul3A_828 = vector.broadcast %mul3A_827 : i32 to vector<16xi32>
      %mul3A_829 = arith.muli %get3A_826, %mul3A_828 : vector<16xi32>
      %add3A_830 = vector.broadcast %arg0 : i32 to vector<16xi32>
      %add3A_831 = arith.addi %mul3A_829, %add3A_830 : vector<16xi32>
      %swap3A_832 = arith.constant 32 : index
      %swap3A_833 = tpu.vector_load %arg13[%swap3A_832] {strides = array<i32>} : memref<80xi32, #tpu.memory_space<vmem>>, vector<16xi32>,
      %swap3A_834 = vector.shape_cast %swap3A_833 : vector<16xi32> to vector<16xi32>
      %swap3A_835 = vector.shape_cast %add3A_831 : vector<16xi32> to vector<16xi32>
      tpu.vector_store %arg13[%swap3A_832], %swap3A_835 {strides = array<i32>} : memref<80xi32, #tpu.memory_space<vmem>>, vector<16xi32>,
      %mul3A_836 = arith.constant 80 : i32
      %mul3A_837 = arith.muli %add3A_739, %mul3A_836 : i32
      %add3A_838 = arith.constant 32 : i32
      %add3A_839 = arith.addi %mul3A_837, %add3A_838 : i32
      %get3A_840 = arith.index_cast %add3A_839 : i32 to index
      %get3A_841 = tpu.vector_load %arg7[%get3A_840] {strides = array<i32>} : memref<10000xi32, #tpu.memory_space<vmem>>, vector<16xi32>,
      %get3A_842 = vector.shape_cast %get3A_841 : vector<16xi32> to vector<16xi32>
      %swap3A_843 = arith.constant 32 : index
      %swap3A_844 = tpu.vector_load %arg14[%swap3A_843] {strides = array<i32>} : memref<80xi32, #tpu.memory_space<vmem>>, vector<16xi32>,
      %swap3A_845 = vector.shape_cast %swap3A_844 : vector<16xi32> to vector<16xi32>
      %swap3A_846 = vector.shape_cast %get3A_842 : vector<16xi32> to vector<16xi32>
      tpu.vector_store %arg14[%swap3A_843], %swap3A_846 {strides = array<i32>} : memref<80xi32, #tpu.memory_space<vmem>>, vector<16xi32>,
      %mul3A_847 = arith.constant 80 : i32
      %mul3A_848 = arith.muli %add3A_739, %mul3A_847 : i32
      %add3A_849 = arith.constant 32 : i32
      %add3A_850 = arith.addi %mul3A_848, %add3A_849 : i32
      %mul3A_851 = arith.constant 2 : i32
      %mul3A_852 = arith.muli %mul3A_851, %add3A_850 : i32
      %add3A_853 = arith.addi %add3A_33, %mul3A_852 : i32
      %add3A_854 = vector.broadcast %add3A_853 : i32 to vector<16xi32>
      %add3A_855 = arith.addi %add3A_854, %mul3A_36 : vector<16xi32>
      %swap3A_856 = arith.constant 32 : index
      %swap3A_857 = tpu.vector_load %arg15[%swap3A_856] {strides = array<i32>} : memref<80xi32, #tpu.memory_space<vmem>>, vector<16xi32>,
      %swap3A_858 = vector.shape_cast %swap3A_857 : vector<16xi32> to vector<16xi32>
      %swap3A_859 = vector.shape_cast %add3A_855 : vector<16xi32> to vector<16xi32>
      tpu.vector_store %arg15[%swap3A_856], %swap3A_859 {strides = array<i32>} : memref<80xi32, #tpu.memory_space<vmem>>, vector<16xi32>,
      %mul3A_860 = arith.constant 80 : i32
      %mul3A_861 = arith.muli %add3A_739, %mul3A_860 : i32
      %add3A_862 = arith.constant 48 : i32
      %add3A_863 = arith.addi %mul3A_861, %add3A_862 : i32
      %get3A_864 = arith.index_cast %add3A_863 : i32 to index
      %get3A_865 = tpu.vector_load %arg6[%get3A_864] {strides = array<i32>} : memref<10000xi32, #tpu.memory_space<vmem>>, vector<16xi32>,
      %get3A_866 = vector.shape_cast %get3A_865 : vector<16xi32> to vector<16xi32>
      %mul3A_867 = arith.constant 2 : i32
      %mul3A_868 = vector.broadcast %mul3A_867 : i32 to vector<16xi32>
      %mul3A_869 = arith.muli %get3A_866, %mul3A_868 : vector<16xi32>
      %add3A_870 = vector.broadcast %arg0 : i32 to vector<16xi32>
      %add3A_871 = arith.addi %mul3A_869, %add3A_870 : vector<16xi32>
      %swap3A_872 = arith.constant 48 : index
      %swap3A_873 = tpu.vector_load %arg13[%swap3A_872] {strides = array<i32>} : memref<80xi32, #tpu.memory_space<vmem>>, vector<16xi32>,
      %swap3A_874 = vector.shape_cast %swap3A_873 : vector<16xi32> to vector<16xi32>
      %swap3A_875 = vector.shape_cast %add3A_871 : vector<16xi32> to vector<16xi32>
      tpu.vector_store %arg13[%swap3A_872], %swap3A_875 {strides = array<i32>} : memref<80xi32, #tpu.memory_space<vmem>>, vector<16xi32>,
      %mul3A_876 = arith.constant 80 : i32
      %mul3A_877 = arith.muli %add3A_739, %mul3A_876 : i32
      %add3A_878 = arith.constant 48 : i32
      %add3A_879 = arith.addi %mul3A_877, %add3A_878 : i32
      %get3A_880 = arith.index_cast %add3A_879 : i32 to index
      %get3A_881 = tpu.vector_load %arg7[%get3A_880] {strides = array<i32>} : memref<10000xi32, #tpu.memory_space<vmem>>, vector<16xi32>,
      %get3A_882 = vector.shape_cast %get3A_881 : vector<16xi32> to vector<16xi32>
      %swap3A_883 = arith.constant 48 : index
      %swap3A_884 = tpu.vector_load %arg14[%swap3A_883] {strides = array<i32>} : memref<80xi32, #tpu.memory_space<vmem>>, vector<16xi32>,
      %swap3A_885 = vector.shape_cast %swap3A_884 : vector<16xi32> to vector<16xi32>
      %swap3A_886 = vector.shape_cast %get3A_882 : vector<16xi32> to vector<16xi32>
      tpu.vector_store %arg14[%swap3A_883], %swap3A_886 {strides = array<i32>} : memref<80xi32, #tpu.memory_space<vmem>>, vector<16xi32>,
      %mul3A_887 = arith.constant 80 : i32
      %mul3A_888 = arith.muli %add3A_739, %mul3A_887 : i32
      %add3A_889 = arith.constant 48 : i32
      %add3A_890 = arith.addi %mul3A_888, %add3A_889 : i32
      %mul3A_891 = arith.constant 2 : i32
      %mul3A_892 = arith.muli %mul3A_891, %add3A_890 : i32
      %add3A_893 = arith.addi %add3A_33, %mul3A_892 : i32
      %add3A_894 = vector.broadcast %add3A_893 : i32 to vector<16xi32>
      %add3A_895 = arith.addi %add3A_894, %mul3A_36 : vector<16xi32>
      %swap3A_896 = arith.constant 48 : index
      %swap3A_897 = tpu.vector_load %arg15[%swap3A_896] {strides = array<i32>} : memref<80xi32, #tpu.memory_space<vmem>>, vector<16xi32>,
      %swap3A_898 = vector.shape_cast %swap3A_897 : vector<16xi32> to vector<16xi32>
      %swap3A_899 = vector.shape_cast %add3A_895 : vector<16xi32> to vector<16xi32>
      tpu.vector_store %arg15[%swap3A_896], %swap3A_899 {strides = array<i32>} : memref<80xi32, #tpu.memory_space<vmem>>, vector<16xi32>,
      %mul3A_900 = arith.constant 80 : i32
      %mul3A_901 = arith.muli %add3A_739, %mul3A_900 : i32
      %add3A_902 = arith.constant 64 : i32
      %add3A_903 = arith.addi %mul3A_901, %add3A_902 : i32
      %get3A_904 = arith.index_cast %add3A_903 : i32 to index
      %get3A_905 = tpu.vector_load %arg6[%get3A_904] {strides = array<i32>} : memref<10000xi32, #tpu.memory_space<vmem>>, vector<16xi32>,
      %get3A_906 = vector.shape_cast %get3A_905 : vector<16xi32> to vector<16xi32>
      %mul3A_907 = arith.constant 2 : i32
      %mul3A_908 = vector.broadcast %mul3A_907 : i32 to vector<16xi32>
      %mul3A_909 = arith.muli %get3A_906, %mul3A_908 : vector<16xi32>
      %add3A_910 = vector.broadcast %arg0 : i32 to vector<16xi32>
      %add3A_911 = arith.addi %mul3A_909, %add3A_910 : vector<16xi32>
      %swap3A_912 = arith.constant 64 : index
      %swap3A_913 = tpu.vector_load %arg13[%swap3A_912] {strides = array<i32>} : memref<80xi32, #tpu.memory_space<vmem>>, vector<16xi32>,
      %swap3A_914 = vector.shape_cast %swap3A_913 : vector<16xi32> to vector<16xi32>
      %swap3A_915 = vector.shape_cast %add3A_911 : vector<16xi32> to vector<16xi32>
      tpu.vector_store %arg13[%swap3A_912], %swap3A_915 {strides = array<i32>} : memref<80xi32, #tpu.memory_space<vmem>>, vector<16xi32>,
      %mul3A_916 = arith.constant 80 : i32
      %mul3A_917 = arith.muli %add3A_739, %mul3A_916 : i32
      %add3A_918 = arith.constant 64 : i32
      %add3A_919 = arith.addi %mul3A_917, %add3A_918 : i32
      %get3A_920 = arith.index_cast %add3A_919 : i32 to index
      %get3A_921 = tpu.vector_load %arg7[%get3A_920] {strides = array<i32>} : memref<10000xi32, #tpu.memory_space<vmem>>, vector<16xi32>,
      %get3A_922 = vector.shape_cast %get3A_921 : vector<16xi32> to vector<16xi32>
      %swap3A_923 = arith.constant 64 : index
      %swap3A_924 = tpu.vector_load %arg14[%swap3A_923] {strides = array<i32>} : memref<80xi32, #tpu.memory_space<vmem>>, vector<16xi32>,
      %swap3A_925 = vector.shape_cast %swap3A_924 : vector<16xi32> to vector<16xi32>
      %swap3A_926 = vector.shape_cast %get3A_922 : vector<16xi32> to vector<16xi32>
      tpu.vector_store %arg14[%swap3A_923], %swap3A_926 {strides = array<i32>} : memref<80xi32, #tpu.memory_space<vmem>>, vector<16xi32>,
      %mul3A_927 = arith.constant 80 : i32
      %mul3A_928 = arith.muli %add3A_739, %mul3A_927 : i32
      %add3A_929 = arith.constant 64 : i32
      %add3A_930 = arith.addi %mul3A_928, %add3A_929 : i32
      %mul3A_931 = arith.constant 2 : i32
      %mul3A_932 = arith.muli %mul3A_931, %add3A_930 : i32
      %add3A_933 = arith.addi %add3A_33, %mul3A_932 : i32
      %add3A_934 = vector.broadcast %add3A_933 : i32 to vector<16xi32>
      %add3A_935 = arith.addi %add3A_934, %mul3A_36 : vector<16xi32>
      %swap3A_936 = arith.constant 64 : index
      %swap3A_937 = tpu.vector_load %arg15[%swap3A_936] {strides = array<i32>} : memref<80xi32, #tpu.memory_space<vmem>>, vector<16xi32>,
      %swap3A_938 = vector.shape_cast %swap3A_937 : vector<16xi32> to vector<16xi32>
      %swap3A_939 = vector.shape_cast %add3A_935 : vector<16xi32> to vector<16xi32>
      tpu.vector_store %arg15[%swap3A_936], %swap3A_939 {strides = array<i32>} : memref<80xi32, #tpu.memory_space<vmem>>, vector<16xi32>,
      %dma_start3A_940 = arith.constant 0 : i32
      %dma_start3A_941 = arith.constant 0 : i32
      %dma_start3A_942 = tpu.memref_slice %arg2[%dma_start3A_940, %dma_start3A_941] : memref<20000x64xf32, #tpu.memory_space<hbm>> -> memref<20000x64xf32, #tpu.memory_space<hbm>>
      tpu.enqueue_indirect_dma source(%dma_start3A_942 : memref<20000x64xf32, #tpu.memory_space<hbm>>) target(%arg16 : memref<80x64xf32, #tpu.memory_space<vmem>>) offsets(%arg13 : memref<80xi32, #tpu.memory_space<vmem>>) semaphore(%arg21 : memref<!tpu.dma_semaphore, #tpu.memory_space<semaphore_mem>>)
      %dma_start3A_943 = arith.constant 0 : i32
      %dma_start3A_944 = arith.constant 0 : i32
      %dma_start3A_945 = tpu.memref_slice %arg4[%dma_start3A_943, %dma_start3A_944] : memref<320000x64xf32, #tpu.memory_space<hbm>> -> memref<320000x64xf32, #tpu.memory_space<hbm>>
      tpu.enqueue_indirect_dma source(%dma_start3A_945 : memref<320000x64xf32, #tpu.memory_space<hbm>>) target(%arg17 : memref<80x64xf32, #tpu.memory_space<vmem>>) offsets(%arg15 : memref<80xi32, #tpu.memory_space<vmem>>) semaphore(%arg22 : memref<!tpu.dma_semaphore, #tpu.memory_space<semaphore_mem>>)
    }
    %scan3A_321 = arith.constant 61 : i32
    %dma_wait3A = arith.constant 0 : i32
    %dma_wait3A_322 = arith.constant 0 : i32
    %dma_wait3A_323 = tpu.memref_slice %arg2[%dma_wait3A, %dma_wait3A_322] : memref<20000x64xf32, #tpu.memory_space<hbm>> -> memref<20000x64xf32, #tpu.memory_space<hbm>>
    tpu.wait_indirect_dma semaphore(%arg19 : memref<!tpu.dma_semaphore, #tpu.memory_space<semaphore_mem>>) src(%dma_wait3A_323 : memref<20000x64xf32, #tpu.memory_space<hbm>>) dst(%arg11 : memref<80x64xf32, #tpu.memory_space<vmem>>)
    %dma_wait3A_324 = arith.constant 0 : i32
    %dma_wait3A_325 = arith.constant 0 : i32
    %dma_wait3A_326 = tpu.memref_slice %arg4[%dma_wait3A_324, %dma_wait3A_325] : memref<320000x64xf32, #tpu.memory_space<hbm>> -> memref<320000x64xf32, #tpu.memory_space<hbm>>
    tpu.wait_indirect_dma semaphore(%arg20 : memref<!tpu.dma_semaphore, #tpu.memory_space<semaphore_mem>>) src(%dma_wait3A_326 : memref<320000x64xf32, #tpu.memory_space<hbm>>) dst(%arg12 : memref<80x64xf32, #tpu.memory_space<vmem>>)
    %scan3A_327 = arith.constant 0 : i32
    %scan3A_328 = arith.constant 0 : i32
    %scan3A_329 = arith.constant 40 : i32
    %scan3A_330 = arith.addi %scan3A_328, %scan3A_329 : i32
    %scan3A_331 = arith.constant 1 : i32
    scf.for %scan3A_501 = %scan3A_328 to %scan3A_330 step %scan3A_331  : i32 {
      %mul3A_502 = arith.constant 2 : i32
      %mul3A_503 = arith.muli %mul3A_502, %scan3A_501 : i32
      %add3A_504 = arith.constant 0 : i32
      %add3A_505 = arith.addi %mul3A_503, %add3A_504 : i32
      %get3A_506 = arith.index_cast %add3A_505 : i32 to index
      %get3A_507 = arith.constant 0 : index
      %get3A_508 = tpu.vector_load %arg11[%get3A_506, %get3A_507] {strides = array<i32>} : memref<80x64xf32, #tpu.memory_space<vmem>>, vector<1x16xf32>,
      %get3A_509 = vector.shape_cast %get3A_508 : vector<1x16xf32> to vector<16xf32>
      %get3A_510 = arith.index_cast %add3A_505 : i32 to index
      %get3A_511 = arith.constant 0 : index
      %get3A_512 = tpu.vector_load %arg12[%get3A_510, %get3A_511] {strides = array<i32>} : memref<80x64xf32, #tpu.memory_space<vmem>>, vector<1x16xf32>,
      %get3A_513 = vector.shape_cast %get3A_512 : vector<1x16xf32> to vector<16xf32>
      %add3A_514 = arith.addf %get3A_509, %get3A_513 : vector<16xf32>
      %max3A = arith.constant 0.000000e+00 : f32
      %max3A_515 = vector.broadcast %max3A : f32 to vector<16xf32>
      %max3A_516 = arith.maximumf %add3A_514, %max3A_515 : vector<16xf32>
      %swap3A_517 = arith.index_cast %add3A_505 : i32 to index
      %swap3A_518 = arith.constant 0 : index
      %swap3A_519 = tpu.vector_load %arg12[%swap3A_517, %swap3A_518] {strides = array<i32>} : memref<80x64xf32, #tpu.memory_space<vmem>>, vector<1x16xf32>,
      %swap3A_520 = vector.shape_cast %swap3A_519 : vector<1x16xf32> to vector<16xf32>
      %swap3A_521 = vector.shape_cast %max3A_516 : vector<16xf32> to vector<1x16xf32>
      tpu.vector_store %arg12[%swap3A_517, %swap3A_518], %swap3A_521 {strides = array<i32>} : memref<80x64xf32, #tpu.memory_space<vmem>>, vector<1x16xf32>,
      %mul3A_522 = arith.constant 2 : i32
      %mul3A_523 = arith.muli %mul3A_522, %scan3A_501 : i32
      %add3A_524 = arith.constant 0 : i32
      %add3A_525 = arith.addi %mul3A_523, %add3A_524 : i32
      %get3A_526 = arith.index_cast %add3A_525 : i32 to index
      %get3A_527 = arith.constant 16 : index
      %get3A_528 = tpu.vector_load %arg11[%get3A_526, %get3A_527] {strides = array<i32>} : memref<80x64xf32, #tpu.memory_space<vmem>>, vector<1x16xf32>,
      %get3A_529 = vector.shape_cast %get3A_528 : vector<1x16xf32> to vector<16xf32>
      %get3A_530 = arith.index_cast %add3A_525 : i32 to index
      %get3A_531 = arith.constant 16 : index
      %get3A_532 = tpu.vector_load %arg12[%get3A_530, %get3A_531] {strides = array<i32>} : memref<80x64xf32, #tpu.memory_space<vmem>>, vector<1x16xf32>,
      %get3A_533 = vector.shape_cast %get3A_532 : vector<1x16xf32> to vector<16xf32>
      %add3A_534 = arith.addf %get3A_529, %get3A_533 : vector<16xf32>
      %max3A_535 = arith.constant 0.000000e+00 : f32
      %max3A_536 = vector.broadcast %max3A_535 : f32 to vector<16xf32>
      %max3A_537 = arith.maximumf %add3A_534, %max3A_536 : vector<16xf32>
      %swap3A_538 = arith.index_cast %add3A_525 : i32 to index
      %swap3A_539 = arith.constant 16 : index
      %swap3A_540 = tpu.vector_load %arg12[%swap3A_538, %swap3A_539] {strides = array<i32>} : memref<80x64xf32, #tpu.memory_space<vmem>>, vector<1x16xf32>,
      %swap3A_541 = vector.shape_cast %swap3A_540 : vector<1x16xf32> to vector<16xf32>
      %swap3A_542 = vector.shape_cast %max3A_537 : vector<16xf32> to vector<1x16xf32>
      tpu.vector_store %arg12[%swap3A_538, %swap3A_539], %swap3A_542 {strides = array<i32>} : memref<80x64xf32, #tpu.memory_space<vmem>>, vector<1x16xf32>,
      %mul3A_543 = arith.constant 2 : i32
      %mul3A_544 = arith.muli %mul3A_543, %scan3A_501 : i32
      %add3A_545 = arith.constant 0 : i32
      %add3A_546 = arith.addi %mul3A_544, %add3A_545 : i32
      %get3A_547 = arith.index_cast %add3A_546 : i32 to index
      %get3A_548 = arith.constant 32 : index
      %get3A_549 = tpu.vector_load %arg11[%get3A_547, %get3A_548] {strides = array<i32>} : memref<80x64xf32, #tpu.memory_space<vmem>>, vector<1x16xf32>,
      %get3A_550 = vector.shape_cast %get3A_549 : vector<1x16xf32> to vector<16xf32>
      %get3A_551 = arith.index_cast %add3A_546 : i32 to index
      %get3A_552 = arith.constant 32 : index
      %get3A_553 = tpu.vector_load %arg12[%get3A_551, %get3A_552] {strides = array<i32>} : memref<80x64xf32, #tpu.memory_space<vmem>>, vector<1x16xf32>,
      %get3A_554 = vector.shape_cast %get3A_553 : vector<1x16xf32> to vector<16xf32>
      %add3A_555 = arith.addf %get3A_550, %get3A_554 : vector<16xf32>
      %max3A_556 = arith.constant 0.000000e+00 : f32
      %max3A_557 = vector.broadcast %max3A_556 : f32 to vector<16xf32>
      %max3A_558 = arith.maximumf %add3A_555, %max3A_557 : vector<16xf32>
      %swap3A_559 = arith.index_cast %add3A_546 : i32 to index
      %swap3A_560 = arith.constant 32 : index
      %swap3A_561 = tpu.vector_load %arg12[%swap3A_559, %swap3A_560] {strides = array<i32>} : memref<80x64xf32, #tpu.memory_space<vmem>>, vector<1x16xf32>,
      %swap3A_562 = vector.shape_cast %swap3A_561 : vector<1x16xf32> to vector<16xf32>
      %swap3A_563 = vector.shape_cast %max3A_558 : vector<16xf32> to vector<1x16xf32>
      tpu.vector_store %arg12[%swap3A_559, %swap3A_560], %swap3A_563 {strides = array<i32>} : memref<80x64xf32, #tpu.memory_space<vmem>>, vector<1x16xf32>,
      %mul3A_564 = arith.constant 2 : i32
      %mul3A_565 = arith.muli %mul3A_564, %scan3A_501 : i32
      %add3A_566 = arith.constant 0 : i32
      %add3A_567 = arith.addi %mul3A_565, %add3A_566 : i32
      %get3A_568 = arith.index_cast %add3A_567 : i32 to index
      %get3A_569 = arith.constant 48 : index
      %get3A_570 = tpu.vector_load %arg11[%get3A_568, %get3A_569] {strides = array<i32>} : memref<80x64xf32, #tpu.memory_space<vmem>>, vector<1x16xf32>,
      %get3A_571 = vector.shape_cast %get3A_570 : vector<1x16xf32> to vector<16xf32>
      %get3A_572 = arith.index_cast %add3A_567 : i32 to index
      %get3A_573 = arith.constant 48 : index
      %get3A_574 = tpu.vector_load %arg12[%get3A_572, %get3A_573] {strides = array<i32>} : memref<80x64xf32, #tpu.memory_space<vmem>>, vector<1x16xf32>,
      %get3A_575 = vector.shape_cast %get3A_574 : vector<1x16xf32> to vector<16xf32>
      %add3A_576 = arith.addf %get3A_571, %get3A_575 : vector<16xf32>
      %max3A_577 = arith.constant 0.000000e+00 : f32
      %max3A_578 = vector.broadcast %max3A_577 : f32 to vector<16xf32>
      %max3A_579 = arith.maximumf %add3A_576, %max3A_578 : vector<16xf32>
      %swap3A_580 = arith.index_cast %add3A_567 : i32 to index
      %swap3A_581 = arith.constant 48 : index
      %swap3A_582 = tpu.vector_load %arg12[%swap3A_580, %swap3A_581] {strides = array<i32>} : memref<80x64xf32, #tpu.memory_space<vmem>>, vector<1x16xf32>,
      %swap3A_583 = vector.shape_cast %swap3A_582 : vector<1x16xf32> to vector<16xf32>
      %swap3A_584 = vector.shape_cast %max3A_579 : vector<16xf32> to vector<1x16xf32>
      tpu.vector_store %arg12[%swap3A_580, %swap3A_581], %swap3A_584 {strides = array<i32>} : memref<80x64xf32, #tpu.memory_space<vmem>>, vector<1x16xf32>,
      %mul3A_585 = arith.constant 2 : i32
      %mul3A_586 = arith.muli %mul3A_585, %scan3A_501 : i32
      %add3A_587 = arith.constant 1 : i32
      %add3A_588 = arith.addi %mul3A_586, %add3A_587 : i32
      %get3A_589 = arith.index_cast %add3A_588 : i32 to index
      %get3A_590 = arith.constant 0 : index
      %get3A_591 = tpu.vector_load %arg11[%get3A_589, %get3A_590] {strides = array<i32>} : memref<80x64xf32, #tpu.memory_space<vmem>>, vector<1x16xf32>,
      %get3A_592 = vector.shape_cast %get3A_591 : vector<1x16xf32> to vector<16xf32>
      %get3A_593 = arith.index_cast %add3A_588 : i32 to index
      %get3A_594 = arith.constant 0 : index
      %get3A_595 = tpu.vector_load %arg12[%get3A_593, %get3A_594] {strides = array<i32>} : memref<80x64xf32, #tpu.memory_space<vmem>>, vector<1x16xf32>,
      %get3A_596 = vector.shape_cast %get3A_595 : vector<1x16xf32> to vector<16xf32>
      %add3A_597 = arith.addf %get3A_592, %get3A_596 : vector<16xf32>
      %max3A_598 = arith.constant 0.000000e+00 : f32
      %max3A_599 = vector.broadcast %max3A_598 : f32 to vector<16xf32>
      %max3A_600 = arith.maximumf %add3A_597, %max3A_599 : vector<16xf32>
      %swap3A_601 = arith.index_cast %add3A_588 : i32 to index
      %swap3A_602 = arith.constant 0 : index
      %swap3A_603 = tpu.vector_load %arg12[%swap3A_601, %swap3A_602] {strides = array<i32>} : memref<80x64xf32, #tpu.memory_space<vmem>>, vector<1x16xf32>,
      %swap3A_604 = vector.shape_cast %swap3A_603 : vector<1x16xf32> to vector<16xf32>
      %swap3A_605 = vector.shape_cast %max3A_600 : vector<16xf32> to vector<1x16xf32>
      tpu.vector_store %arg12[%swap3A_601, %swap3A_602], %swap3A_605 {strides = array<i32>} : memref<80x64xf32, #tpu.memory_space<vmem>>, vector<1x16xf32>,
      %mul3A_606 = arith.constant 2 : i32
      %mul3A_607 = arith.muli %mul3A_606, %scan3A_501 : i32
      %add3A_608 = arith.constant 1 : i32
      %add3A_609 = arith.addi %mul3A_607, %add3A_608 : i32
      %get3A_610 = arith.index_cast %add3A_609 : i32 to index
      %get3A_611 = arith.constant 16 : index
      %get3A_612 = tpu.vector_load %arg11[%get3A_610, %get3A_611] {strides = array<i32>} : memref<80x64xf32, #tpu.memory_space<vmem>>, vector<1x16xf32>,
      %get3A_613 = vector.shape_cast %get3A_612 : vector<1x16xf32> to vector<16xf32>
      %get3A_614 = arith.index_cast %add3A_609 : i32 to index
      %get3A_615 = arith.constant 16 : index
      %get3A_616 = tpu.vector_load %arg12[%get3A_614, %get3A_615] {strides = array<i32>} : memref<80x64xf32, #tpu.memory_space<vmem>>, vector<1x16xf32>,
      %get3A_617 = vector.shape_cast %get3A_616 : vector<1x16xf32> to vector<16xf32>
      %add3A_618 = arith.addf %get3A_613, %get3A_617 : vector<16xf32>
      %max3A_619 = arith.constant 0.000000e+00 : f32
      %max3A_620 = vector.broadcast %max3A_619 : f32 to vector<16xf32>
      %max3A_621 = arith.maximumf %add3A_618, %max3A_620 : vector<16xf32>
      %swap3A_622 = arith.index_cast %add3A_609 : i32 to index
      %swap3A_623 = arith.constant 16 : index
      %swap3A_624 = tpu.vector_load %arg12[%swap3A_622, %swap3A_623] {strides = array<i32>} : memref<80x64xf32, #tpu.memory_space<vmem>>, vector<1x16xf32>,
      %swap3A_625 = vector.shape_cast %swap3A_624 : vector<1x16xf32> to vector<16xf32>
      %swap3A_626 = vector.shape_cast %max3A_621 : vector<16xf32> to vector<1x16xf32>
      tpu.vector_store %arg12[%swap3A_622, %swap3A_623], %swap3A_626 {strides = array<i32>} : memref<80x64xf32, #tpu.memory_space<vmem>>, vector<1x16xf32>,
      %mul3A_627 = arith.constant 2 : i32
      %mul3A_628 = arith.muli %mul3A_627, %scan3A_501 : i32
      %add3A_629 = arith.constant 1 : i32
      %add3A_630 = arith.addi %mul3A_628, %add3A_629 : i32
      %get3A_631 = arith.index_cast %add3A_630 : i32 to index
      %get3A_632 = arith.constant 32 : index
      %get3A_633 = tpu.vector_load %arg11[%get3A_631, %get3A_632] {strides = array<i32>} : memref<80x64xf32, #tpu.memory_space<vmem>>, vector<1x16xf32>,
      %get3A_634 = vector.shape_cast %get3A_633 : vector<1x16xf32> to vector<16xf32>
      %get3A_635 = arith.index_cast %add3A_630 : i32 to index
      %get3A_636 = arith.constant 32 : index
      %get3A_637 = tpu.vector_load %arg12[%get3A_635, %get3A_636] {strides = array<i32>} : memref<80x64xf32, #tpu.memory_space<vmem>>, vector<1x16xf32>,
      %get3A_638 = vector.shape_cast %get3A_637 : vector<1x16xf32> to vector<16xf32>
      %add3A_639 = arith.addf %get3A_634, %get3A_638 : vector<16xf32>
      %max3A_640 = arith.constant 0.000000e+00 : f32
      %max3A_641 = vector.broadcast %max3A_640 : f32 to vector<16xf32>
      %max3A_642 = arith.maximumf %add3A_639, %max3A_641 : vector<16xf32>
      %swap3A_643 = arith.index_cast %add3A_630 : i32 to index
      %swap3A_644 = arith.constant 32 : index
      %swap3A_645 = tpu.vector_load %arg12[%swap3A_643, %swap3A_644] {strides = array<i32>} : memref<80x64xf32, #tpu.memory_space<vmem>>, vector<1x16xf32>,
      %swap3A_646 = vector.shape_cast %swap3A_645 : vector<1x16xf32> to vector<16xf32>
      %swap3A_647 = vector.shape_cast %max3A_642 : vector<16xf32> to vector<1x16xf32>
      tpu.vector_store %arg12[%swap3A_643, %swap3A_644], %swap3A_647 {strides = array<i32>} : memref<80x64xf32, #tpu.memory_space<vmem>>, vector<1x16xf32>,
      %mul3A_648 = arith.constant 2 : i32
      %mul3A_649 = arith.muli %mul3A_648, %scan3A_501 : i32
      %add3A_650 = arith.constant 1 : i32
      %add3A_651 = arith.addi %mul3A_649, %add3A_650 : i32
      %get3A_652 = arith.index_cast %add3A_651 : i32 to index
      %get3A_653 = arith.constant 48 : index
      %get3A_654 = tpu.vector_load %arg11[%get3A_652, %get3A_653] {strides = array<i32>} : memref<80x64xf32, #tpu.memory_space<vmem>>, vector<1x16xf32>,
      %get3A_655 = vector.shape_cast %get3A_654 : vector<1x16xf32> to vector<16xf32>
      %get3A_656 = arith.index_cast %add3A_651 : i32 to index
      %get3A_657 = arith.constant 48 : index
      %get3A_658 = tpu.vector_load %arg12[%get3A_656, %get3A_657] {strides = array<i32>} : memref<80x64xf32, #tpu.memory_space<vmem>>, vector<1x16xf32>,
      %get3A_659 = vector.shape_cast %get3A_658 : vector<1x16xf32> to vector<16xf32>
      %add3A_660 = arith.addf %get3A_655, %get3A_659 : vector<16xf32>
      %max3A_661 = arith.constant 0.000000e+00 : f32
      %max3A_662 = vector.broadcast %max3A_661 : f32 to vector<16xf32>
      %max3A_663 = arith.maximumf %add3A_660, %max3A_662 : vector<16xf32>
      %swap3A_664 = arith.index_cast %add3A_651 : i32 to index
      %swap3A_665 = arith.constant 48 : index
      %swap3A_666 = tpu.vector_load %arg12[%swap3A_664, %swap3A_665] {strides = array<i32>} : memref<80x64xf32, #tpu.memory_space<vmem>>, vector<1x16xf32>,
      %swap3A_667 = vector.shape_cast %swap3A_666 : vector<1x16xf32> to vector<16xf32>
      %swap3A_668 = vector.shape_cast %max3A_663 : vector<16xf32> to vector<1x16xf32>
      tpu.vector_store %arg12[%swap3A_664, %swap3A_665], %swap3A_668 {strides = array<i32>} : memref<80x64xf32, #tpu.memory_space<vmem>>, vector<1x16xf32>,
    }
    %scan3A_332 = arith.constant 40 : i32
    "tpu.region"() ({
      %run_scoped3A = tpu.sem_alloc : memref<!tpu.dma_semaphore, #tpu.memory_space<semaphore_mem>>
      %dma_start3A_501 = arith.constant 0 : i32
      %dma_start3A_502 = arith.constant 0 : i32
      %dma_start3A_503 = tpu.memref_slice %arg18[%dma_start3A_501, %dma_start3A_502] : memref<10240x64xf32, #tpu.memory_space<vmem_shared>> -> memref<10240x64xf32, #tpu.memory_space<vmem_shared>>
      tpu.enqueue_indirect_dma source(%arg12 : memref<80x64xf32, #tpu.memory_space<vmem>>) target(%dma_start3A_503 : memref<10240x64xf32, #tpu.memory_space<vmem_shared>>) offsets(%arg9 : memref<80xi32, #tpu.memory_space<vmem>>) semaphore(%run_scoped3A : memref<!tpu.dma_semaphore, #tpu.memory_space<semaphore_mem>>) {add = true}
      %dma_wait3A_504 = arith.constant 0 : i32
      %dma_wait3A_505 = arith.constant 0 : i32
      %dma_wait3A_506 = tpu.memref_slice %arg18[%dma_wait3A_504, %dma_wait3A_505] : memref<10240x64xf32, #tpu.memory_space<vmem_shared>> -> memref<10240x64xf32, #tpu.memory_space<vmem_shared>>
      tpu.wait_indirect_dma semaphore(%run_scoped3A : memref<!tpu.dma_semaphore, #tpu.memory_space<semaphore_mem>>) src(%arg12 : memref<80x64xf32, #tpu.memory_space<vmem>>) dst(%dma_wait3A_506 : memref<10240x64xf32, #tpu.memory_space<vmem_shared>>)
      tpu.yield
    }) : () -> ()
    %get3A_333 = arith.constant 9920 : index
    %get3A_334 = tpu.vector_load %arg6[%get3A_333] {strides = array<i32>} : memref<10000xi32, #tpu.memory_space<vmem>>, vector<16xi32>,
    %get3A_335 = vector.shape_cast %get3A_334 : vector<16xi32> to vector<16xi32>
    %mul3A_336 = arith.constant 2 : i32
    %mul3A_337 = vector.broadcast %mul3A_336 : i32 to vector<16xi32>
    %mul3A_338 = arith.muli %get3A_335, %mul3A_337 : vector<16xi32>
    %add3A_339 = vector.broadcast %arg0 : i32 to vector<16xi32>
    %add3A_340 = arith.addi %mul3A_338, %add3A_339 : vector<16xi32>
    %swap3A_341 = arith.constant 0 : index
    %swap3A_342 = tpu.vector_load %arg8[%swap3A_341] {strides = array<i32>} : memref<80xi32, #tpu.memory_space<vmem>>, vector<16xi32>,
    %swap3A_343 = vector.shape_cast %swap3A_342 : vector<16xi32> to vector<16xi32>
    %swap3A_344 = vector.shape_cast %add3A_340 : vector<16xi32> to vector<16xi32>
    tpu.vector_store %arg8[%swap3A_341], %swap3A_344 {strides = array<i32>} : memref<80xi32, #tpu.memory_space<vmem>>, vector<16xi32>,
    %get3A_345 = arith.constant 9920 : index
    %get3A_346 = tpu.vector_load %arg7[%get3A_345] {strides = array<i32>} : memref<10000xi32, #tpu.memory_space<vmem>>, vector<16xi32>,
    %get3A_347 = vector.shape_cast %get3A_346 : vector<16xi32> to vector<16xi32>
    %swap3A_348 = arith.constant 0 : index
    %swap3A_349 = tpu.vector_load %arg9[%swap3A_348] {strides = array<i32>} : memref<80xi32, #tpu.memory_space<vmem>>, vector<16xi32>,
    %swap3A_350 = vector.shape_cast %swap3A_349 : vector<16xi32> to vector<16xi32>
    %swap3A_351 = vector.shape_cast %get3A_347 : vector<16xi32> to vector<16xi32>
    tpu.vector_store %arg9[%swap3A_348], %swap3A_351 {strides = array<i32>} : memref<80xi32, #tpu.memory_space<vmem>>, vector<16xi32>,
    %add3A_352 = arith.constant 19840 : i32
    %add3A_353 = arith.addi %add3A_33, %add3A_352 : i32
    %add3A_354 = vector.broadcast %add3A_353 : i32 to vector<16xi32>
    %add3A_355 = arith.addi %add3A_354, %mul3A_36 : vector<16xi32>
    %swap3A_356 = arith.constant 0 : index
    %swap3A_357 = tpu.vector_load %arg10[%swap3A_356] {strides = array<i32>} : memref<80xi32, #tpu.memory_space<vmem>>, vector<16xi32>,
    %swap3A_358 = vector.shape_cast %swap3A_357 : vector<16xi32> to vector<16xi32>
    %swap3A_359 = vector.shape_cast %add3A_355 : vector<16xi32> to vector<16xi32>
    tpu.vector_store %arg10[%swap3A_356], %swap3A_359 {strides = array<i32>} : memref<80xi32, #tpu.memory_space<vmem>>, vector<16xi32>,
    %get3A_360 = arith.constant 9936 : index
    %get3A_361 = tpu.vector_load %arg6[%get3A_360] {strides = array<i32>} : memref<10000xi32, #tpu.memory_space<vmem>>, vector<16xi32>,
    %get3A_362 = vector.shape_cast %get3A_361 : vector<16xi32> to vector<16xi32>
    %mul3A_363 = arith.constant 2 : i32
    %mul3A_364 = vector.broadcast %mul3A_363 : i32 to vector<16xi32>
    %mul3A_365 = arith.muli %get3A_362, %mul3A_364 : vector<16xi32>
    %add3A_366 = vector.broadcast %arg0 : i32 to vector<16xi32>
    %add3A_367 = arith.addi %mul3A_365, %add3A_366 : vector<16xi32>
    %swap3A_368 = arith.constant 16 : index
    %swap3A_369 = tpu.vector_load %arg8[%swap3A_368] {strides = array<i32>} : memref<80xi32, #tpu.memory_space<vmem>>, vector<16xi32>,
    %swap3A_370 = vector.shape_cast %swap3A_369 : vector<16xi32> to vector<16xi32>
    %swap3A_371 = vector.shape_cast %add3A_367 : vector<16xi32> to vector<16xi32>
    tpu.vector_store %arg8[%swap3A_368], %swap3A_371 {strides = array<i32>} : memref<80xi32, #tpu.memory_space<vmem>>, vector<16xi32>,
    %get3A_372 = arith.constant 9936 : index
    %get3A_373 = tpu.vector_load %arg7[%get3A_372] {strides = array<i32>} : memref<10000xi32, #tpu.memory_space<vmem>>, vector<16xi32>,
    %get3A_374 = vector.shape_cast %get3A_373 : vector<16xi32> to vector<16xi32>
    %swap3A_375 = arith.constant 16 : index
    %swap3A_376 = tpu.vector_load %arg9[%swap3A_375] {strides = array<i32>} : memref<80xi32, #tpu.memory_space<vmem>>, vector<16xi32>,
    %swap3A_377 = vector.shape_cast %swap3A_376 : vector<16xi32> to vector<16xi32>
    %swap3A_378 = vector.shape_cast %get3A_374 : vector<16xi32> to vector<16xi32>
    tpu.vector_store %arg9[%swap3A_375], %swap3A_378 {strides = array<i32>} : memref<80xi32, #tpu.memory_space<vmem>>, vector<16xi32>,
    %add3A_379 = arith.constant 19872 : i32
    %add3A_380 = arith.addi %add3A_33, %add3A_379 : i32
    %add3A_381 = vector.broadcast %add3A_380 : i32 to vector<16xi32>
    %add3A_382 = arith.addi %add3A_381, %mul3A_36 : vector<16xi32>
    %swap3A_383 = arith.constant 16 : index
    %swap3A_384 = tpu.vector_load %arg10[%swap3A_383] {strides = array<i32>} : memref<80xi32, #tpu.memory_space<vmem>>, vector<16xi32>,
    %swap3A_385 = vector.shape_cast %swap3A_384 : vector<16xi32> to vector<16xi32>
    %swap3A_386 = vector.shape_cast %add3A_382 : vector<16xi32> to vector<16xi32>
    tpu.vector_store %arg10[%swap3A_383], %swap3A_386 {strides = array<i32>} : memref<80xi32, #tpu.memory_space<vmem>>, vector<16xi32>,
    %get3A_387 = arith.constant 9952 : index
    %get3A_388 = tpu.vector_load %arg6[%get3A_387] {strides = array<i32>} : memref<10000xi32, #tpu.memory_space<vmem>>, vector<16xi32>,
    %get3A_389 = vector.shape_cast %get3A_388 : vector<16xi32> to vector<16xi32>
    %mul3A_390 = arith.constant 2 : i32
    %mul3A_391 = vector.broadcast %mul3A_390 : i32 to vector<16xi32>
    %mul3A_392 = arith.muli %get3A_389, %mul3A_391 : vector<16xi32>
    %add3A_393 = vector.broadcast %arg0 : i32 to vector<16xi32>
    %add3A_394 = arith.addi %mul3A_392, %add3A_393 : vector<16xi32>
    %swap3A_395 = arith.constant 32 : index
    %swap3A_396 = tpu.vector_load %arg8[%swap3A_395] {strides = array<i32>} : memref<80xi32, #tpu.memory_space<vmem>>, vector<16xi32>,
    %swap3A_397 = vector.shape_cast %swap3A_396 : vector<16xi32> to vector<16xi32>
    %swap3A_398 = vector.shape_cast %add3A_394 : vector<16xi32> to vector<16xi32>
    tpu.vector_store %arg8[%swap3A_395], %swap3A_398 {strides = array<i32>} : memref<80xi32, #tpu.memory_space<vmem>>, vector<16xi32>,
    %get3A_399 = arith.constant 9952 : index
    %get3A_400 = tpu.vector_load %arg7[%get3A_399] {strides = array<i32>} : memref<10000xi32, #tpu.memory_space<vmem>>, vector<16xi32>,
    %get3A_401 = vector.shape_cast %get3A_400 : vector<16xi32> to vector<16xi32>
    %swap3A_402 = arith.constant 32 : index
    %swap3A_403 = tpu.vector_load %arg9[%swap3A_402] {strides = array<i32>} : memref<80xi32, #tpu.memory_space<vmem>>, vector<16xi32>,
    %swap3A_404 = vector.shape_cast %swap3A_403 : vector<16xi32> to vector<16xi32>
    %swap3A_405 = vector.shape_cast %get3A_401 : vector<16xi32> to vector<16xi32>
    tpu.vector_store %arg9[%swap3A_402], %swap3A_405 {strides = array<i32>} : memref<80xi32, #tpu.memory_space<vmem>>, vector<16xi32>,
    %add3A_406 = arith.constant 19904 : i32
    %add3A_407 = arith.addi %add3A_33, %add3A_406 : i32
    %add3A_408 = vector.broadcast %add3A_407 : i32 to vector<16xi32>
    %add3A_409 = arith.addi %add3A_408, %mul3A_36 : vector<16xi32>
    %swap3A_410 = arith.constant 32 : index
    %swap3A_411 = tpu.vector_load %arg10[%swap3A_410] {strides = array<i32>} : memref<80xi32, #tpu.memory_space<vmem>>, vector<16xi32>,
    %swap3A_412 = vector.shape_cast %swap3A_411 : vector<16xi32> to vector<16xi32>
    %swap3A_413 = vector.shape_cast %add3A_409 : vector<16xi32> to vector<16xi32>
    tpu.vector_store %arg10[%swap3A_410], %swap3A_413 {strides = array<i32>} : memref<80xi32, #tpu.memory_space<vmem>>, vector<16xi32>,
    %get3A_414 = arith.constant 9968 : index
    %get3A_415 = tpu.vector_load %arg6[%get3A_414] {strides = array<i32>} : memref<10000xi32, #tpu.memory_space<vmem>>, vector<16xi32>,
    %get3A_416 = vector.shape_cast %get3A_415 : vector<16xi32> to vector<16xi32>
    %mul3A_417 = arith.constant 2 : i32
    %mul3A_418 = vector.broadcast %mul3A_417 : i32 to vector<16xi32>
    %mul3A_419 = arith.muli %get3A_416, %mul3A_418 : vector<16xi32>
    %add3A_420 = vector.broadcast %arg0 : i32 to vector<16xi32>
    %add3A_421 = arith.addi %mul3A_419, %add3A_420 : vector<16xi32>
    %swap3A_422 = arith.constant 48 : index
    %swap3A_423 = tpu.vector_load %arg8[%swap3A_422] {strides = array<i32>} : memref<80xi32, #tpu.memory_space<vmem>>, vector<16xi32>,
    %swap3A_424 = vector.shape_cast %swap3A_423 : vector<16xi32> to vector<16xi32>
    %swap3A_425 = vector.shape_cast %add3A_421 : vector<16xi32> to vector<16xi32>
    tpu.vector_store %arg8[%swap3A_422], %swap3A_425 {strides = array<i32>} : memref<80xi32, #tpu.memory_space<vmem>>, vector<16xi32>,
    %get3A_426 = arith.constant 9968 : index
    %get3A_427 = tpu.vector_load %arg7[%get3A_426] {strides = array<i32>} : memref<10000xi32, #tpu.memory_space<vmem>>, vector<16xi32>,
    %get3A_428 = vector.shape_cast %get3A_427 : vector<16xi32> to vector<16xi32>
    %swap3A_429 = arith.constant 48 : index
    %swap3A_430 = tpu.vector_load %arg9[%swap3A_429] {strides = array<i32>} : memref<80xi32, #tpu.memory_space<vmem>>, vector<16xi32>,
    %swap3A_431 = vector.shape_cast %swap3A_430 : vector<16xi32> to vector<16xi32>
    %swap3A_432 = vector.shape_cast %get3A_428 : vector<16xi32> to vector<16xi32>
    tpu.vector_store %arg9[%swap3A_429], %swap3A_432 {strides = array<i32>} : memref<80xi32, #tpu.memory_space<vmem>>, vector<16xi32>,
    %add3A_433 = arith.constant 19936 : i32
    %add3A_434 = arith.addi %add3A_33, %add3A_433 : i32
    %add3A_435 = vector.broadcast %add3A_434 : i32 to vector<16xi32>
    %add3A_436 = arith.addi %add3A_435, %mul3A_36 : vector<16xi32>
    %swap3A_437 = arith.constant 48 : index
    %swap3A_438 = tpu.vector_load %arg10[%swap3A_437] {strides = array<i32>} : memref<80xi32, #tpu.memory_space<vmem>>, vector<16xi32>,
    %swap3A_439 = vector.shape_cast %swap3A_438 : vector<16xi32> to vector<16xi32>
    %swap3A_440 = vector.shape_cast %add3A_436 : vector<16xi32> to vector<16xi32>
    tpu.vector_store %arg10[%swap3A_437], %swap3A_440 {strides = array<i32>} : memref<80xi32, #tpu.memory_space<vmem>>, vector<16xi32>,
    %get3A_441 = arith.constant 9984 : index
    %get3A_442 = tpu.vector_load %arg6[%get3A_441] {strides = array<i32>} : memref<10000xi32, #tpu.memory_space<vmem>>, vector<16xi32>,
    %get3A_443 = vector.shape_cast %get3A_442 : vector<16xi32> to vector<16xi32>
    %mul3A_444 = arith.constant 2 : i32
    %mul3A_445 = vector.broadcast %mul3A_444 : i32 to vector<16xi32>
    %mul3A_446 = arith.muli %get3A_443, %mul3A_445 : vector<16xi32>
    %add3A_447 = vector.broadcast %arg0 : i32 to vector<16xi32>
    %add3A_448 = arith.addi %mul3A_446, %add3A_447 : vector<16xi32>
    %swap3A_449 = arith.constant 64 : index
    %swap3A_450 = tpu.vector_load %arg8[%swap3A_449] {strides = array<i32>} : memref<80xi32, #tpu.memory_space<vmem>>, vector<16xi32>,
    %swap3A_451 = vector.shape_cast %swap3A_450 : vector<16xi32> to vector<16xi32>
    %swap3A_452 = vector.shape_cast %add3A_448 : vector<16xi32> to vector<16xi32>
    tpu.vector_store %arg8[%swap3A_449], %swap3A_452 {strides = array<i32>} : memref<80xi32, #tpu.memory_space<vmem>>, vector<16xi32>,
    %get3A_453 = arith.constant 9984 : index
    %get3A_454 = tpu.vector_load %arg7[%get3A_453] {strides = array<i32>} : memref<10000xi32, #tpu.memory_space<vmem>>, vector<16xi32>,
    %get3A_455 = vector.shape_cast %get3A_454 : vector<16xi32> to vector<16xi32>
    %swap3A_456 = arith.constant 64 : index
    %swap3A_457 = tpu.vector_load %arg9[%swap3A_456] {strides = array<i32>} : memref<80xi32, #tpu.memory_space<vmem>>, vector<16xi32>,
    %swap3A_458 = vector.shape_cast %swap3A_457 : vector<16xi32> to vector<16xi32>
    %swap3A_459 = vector.shape_cast %get3A_455 : vector<16xi32> to vector<16xi32>
    tpu.vector_store %arg9[%swap3A_456], %swap3A_459 {strides = array<i32>} : memref<80xi32, #tpu.memory_space<vmem>>, vector<16xi32>,
    %add3A_460 = arith.constant 19968 : i32
    %add3A_461 = arith.addi %add3A_33, %add3A_460 : i32
    %add3A_462 = vector.broadcast %add3A_461 : i32 to vector<16xi32>
    %add3A_463 = arith.addi %add3A_462, %mul3A_36 : vector<16xi32>
    %swap3A_464 = arith.constant 64 : index
    %swap3A_465 = tpu.vector_load %arg10[%swap3A_464] {strides = array<i32>} : memref<80xi32, #tpu.memory_space<vmem>>, vector<16xi32>,
    %swap3A_466 = vector.shape_cast %swap3A_465 : vector<16xi32> to vector<16xi32>
    %swap3A_467 = vector.shape_cast %add3A_463 : vector<16xi32> to vector<16xi32>
    tpu.vector_store %arg10[%swap3A_464], %swap3A_467 {strides = array<i32>} : memref<80xi32, #tpu.memory_space<vmem>>, vector<16xi32>,
    %dma_start3A_468 = arith.constant 0 : i32
    %dma_start3A_469 = arith.constant 0 : i32
    %dma_start3A_470 = tpu.memref_slice %arg2[%dma_start3A_468, %dma_start3A_469] : memref<20000x64xf32, #tpu.memory_space<hbm>> -> memref<20000x64xf32, #tpu.memory_space<hbm>>
    tpu.enqueue_indirect_dma source(%dma_start3A_470 : memref<20000x64xf32, #tpu.memory_space<hbm>>) target(%arg11 : memref<80x64xf32, #tpu.memory_space<vmem>>) offsets(%arg8 : memref<80xi32, #tpu.memory_space<vmem>>) semaphore(%arg19 : memref<!tpu.dma_semaphore, #tpu.memory_space<semaphore_mem>>)
    %dma_start3A_471 = arith.constant 0 : i32
    %dma_start3A_472 = arith.constant 0 : i32
    %dma_start3A_473 = tpu.memref_slice %arg4[%dma_start3A_471, %dma_start3A_472] : memref<320000x64xf32, #tpu.memory_space<hbm>> -> memref<320000x64xf32, #tpu.memory_space<hbm>>
    tpu.enqueue_indirect_dma source(%dma_start3A_473 : memref<320000x64xf32, #tpu.memory_space<hbm>>) target(%arg12 : memref<80x64xf32, #tpu.memory_space<vmem>>) offsets(%arg10 : memref<80xi32, #tpu.memory_space<vmem>>) semaphore(%arg20 : memref<!tpu.dma_semaphore, #tpu.memory_space<semaphore_mem>>)
    %dma_wait3A_474 = arith.constant 0 : i32
    %dma_wait3A_475 = arith.constant 0 : i32
    %dma_wait3A_476 = tpu.memref_slice %arg2[%dma_wait3A_474, %dma_wait3A_475] : memref<20000x64xf32, #tpu.memory_space<hbm>> -> memref<20000x64xf32, #tpu.memory_space<hbm>>
    tpu.wait_indirect_dma semaphore(%arg21 : memref<!tpu.dma_semaphore, #tpu.memory_space<semaphore_mem>>) src(%dma_wait3A_476 : memref<20000x64xf32, #tpu.memory_space<hbm>>) dst(%arg16 : memref<80x64xf32, #tpu.memory_space<vmem>>)
    %dma_wait3A_477 = arith.constant 0 : i32
    %dma_wait3A_478 = arith.constant 0 : i32
    %dma_wait3A_479 = tpu.memref_slice %arg4[%dma_wait3A_477, %dma_wait3A_478] : memref<320000x64xf32, #tpu.memory_space<hbm>> -> memref<320000x64xf32, #tpu.memory_space<hbm>>
    tpu.wait_indirect_dma semaphore(%arg22 : memref<!tpu.dma_semaphore, #tpu.memory_space<semaphore_mem>>) src(%dma_wait3A_479 : memref<320000x64xf32, #tpu.memory_space<hbm>>) dst(%arg17 : memref<80x64xf32, #tpu.memory_space<vmem>>)
    %scan3A_480 = arith.constant 0 : i32
    %scan3A_481 = arith.constant 0 : i32
    %scan3A_482 = arith.constant 40 : i32
    %scan3A_483 = arith.addi %scan3A_481, %scan3A_482 : i32
    %scan3A_484 = arith.constant 1 : i32
    scf.for %scan3A_501 = %scan3A_481 to %scan3A_483 step %scan3A_484  : i32 {
      %mul3A_502 = arith.constant 2 : i32
      %mul3A_503 = arith.muli %mul3A_502, %scan3A_501 : i32
      %add3A_504 = arith.constant 0 : i32
      %add3A_505 = arith.addi %mul3A_503, %add3A_504 : i32
      %get3A_506 = arith.index_cast %add3A_505 : i32 to index
      %get3A_507 = arith.constant 0 : index
      %get3A_508 = tpu.vector_load %arg16[%get3A_506, %get3A_507] {strides = array<i32>} : memref<80x64xf32, #tpu.memory_space<vmem>>, vector<1x16xf32>,
      %get3A_509 = vector.shape_cast %get3A_508 : vector<1x16xf32> to vector<16xf32>
      %get3A_510 = arith.index_cast %add3A_505 : i32 to index
      %get3A_511 = arith.constant 0 : index
      %get3A_512 = tpu.vector_load %arg17[%get3A_510, %get3A_511] {strides = array<i32>} : memref<80x64xf32, #tpu.memory_space<vmem>>, vector<1x16xf32>,
      %get3A_513 = vector.shape_cast %get3A_512 : vector<1x16xf32> to vector<16xf32>
      %add3A_514 = arith.addf %get3A_509, %get3A_513 : vector<16xf32>
      %max3A = arith.constant 0.000000e+00 : f32
      %max3A_515 = vector.broadcast %max3A : f32 to vector<16xf32>
      %max3A_516 = arith.maximumf %add3A_514, %max3A_515 : vector<16xf32>
      %swap3A_517 = arith.index_cast %add3A_505 : i32 to index
      %swap3A_518 = arith.constant 0 : index
      %swap3A_519 = tpu.vector_load %arg17[%swap3A_517, %swap3A_518] {strides = array<i32>} : memref<80x64xf32, #tpu.memory_space<vmem>>, vector<1x16xf32>,
      %swap3A_520 = vector.shape_cast %swap3A_519 : vector<1x16xf32> to vector<16xf32>
      %swap3A_521 = vector.shape_cast %max3A_516 : vector<16xf32> to vector<1x16xf32>
      tpu.vector_store %arg17[%swap3A_517, %swap3A_518], %swap3A_521 {strides = array<i32>} : memref<80x64xf32, #tpu.memory_space<vmem>>, vector<1x16xf32>,
      %mul3A_522 = arith.constant 2 : i32
      %mul3A_523 = arith.muli %mul3A_522, %scan3A_501 : i32
      %add3A_524 = arith.constant 0 : i32
      %add3A_525 = arith.addi %mul3A_523, %add3A_524 : i32
      %get3A_526 = arith.index_cast %add3A_525 : i32 to index
      %get3A_527 = arith.constant 16 : index
      %get3A_528 = tpu.vector_load %arg16[%get3A_526, %get3A_527] {strides = array<i32>} : memref<80x64xf32, #tpu.memory_space<vmem>>, vector<1x16xf32>,
      %get3A_529 = vector.shape_cast %get3A_528 : vector<1x16xf32> to vector<16xf32>
      %get3A_530 = arith.index_cast %add3A_525 : i32 to index
      %get3A_531 = arith.constant 16 : index
      %get3A_532 = tpu.vector_load %arg17[%get3A_530, %get3A_531] {strides = array<i32>} : memref<80x64xf32, #tpu.memory_space<vmem>>, vector<1x16xf32>,
      %get3A_533 = vector.shape_cast %get3A_532 : vector<1x16xf32> to vector<16xf32>
      %add3A_534 = arith.addf %get3A_529, %get3A_533 : vector<16xf32>
      %max3A_535 = arith.constant 0.000000e+00 : f32
      %max3A_536 = vector.broadcast %max3A_535 : f32 to vector<16xf32>
      %max3A_537 = arith.maximumf %add3A_534, %max3A_536 : vector<16xf32>
      %swap3A_538 = arith.index_cast %add3A_525 : i32 to index
      %swap3A_539 = arith.constant 16 : index
      %swap3A_540 = tpu.vector_load %arg17[%swap3A_538, %swap3A_539] {strides = array<i32>} : memref<80x64xf32, #tpu.memory_space<vmem>>, vector<1x16xf32>,
      %swap3A_541 = vector.shape_cast %swap3A_540 : vector<1x16xf32> to vector<16xf32>
      %swap3A_542 = vector.shape_cast %max3A_537 : vector<16xf32> to vector<1x16xf32>
      tpu.vector_store %arg17[%swap3A_538, %swap3A_539], %swap3A_542 {strides = array<i32>} : memref<80x64xf32, #tpu.memory_space<vmem>>, vector<1x16xf32>,
      %mul3A_543 = arith.constant 2 : i32
      %mul3A_544 = arith.muli %mul3A_543, %scan3A_501 : i32
      %add3A_545 = arith.constant 0 : i32
      %add3A_546 = arith.addi %mul3A_544, %add3A_545 : i32
      %get3A_547 = arith.index_cast %add3A_546 : i32 to index
      %get3A_548 = arith.constant 32 : index
      %get3A_549 = tpu.vector_load %arg16[%get3A_547, %get3A_548] {strides = array<i32>} : memref<80x64xf32, #tpu.memory_space<vmem>>, vector<1x16xf32>,
      %get3A_550 = vector.shape_cast %get3A_549 : vector<1x16xf32> to vector<16xf32>
      %get3A_551 = arith.index_cast %add3A_546 : i32 to index
      %get3A_552 = arith.constant 32 : index
      %get3A_553 = tpu.vector_load %arg17[%get3A_551, %get3A_552] {strides = array<i32>} : memref<80x64xf32, #tpu.memory_space<vmem>>, vector<1x16xf32>,
      %get3A_554 = vector.shape_cast %get3A_553 : vector<1x16xf32> to vector<16xf32>
      %add3A_555 = arith.addf %get3A_550, %get3A_554 : vector<16xf32>
      %max3A_556 = arith.constant 0.000000e+00 : f32
      %max3A_557 = vector.broadcast %max3A_556 : f32 to vector<16xf32>
      %max3A_558 = arith.maximumf %add3A_555, %max3A_557 : vector<16xf32>
      %swap3A_559 = arith.index_cast %add3A_546 : i32 to index
      %swap3A_560 = arith.constant 32 : index
      %swap3A_561 = tpu.vector_load %arg17[%swap3A_559, %swap3A_560] {strides = array<i32>} : memref<80x64xf32, #tpu.memory_space<vmem>>, vector<1x16xf32>,
      %swap3A_562 = vector.shape_cast %swap3A_561 : vector<1x16xf32> to vector<16xf32>
      %swap3A_563 = vector.shape_cast %max3A_558 : vector<16xf32> to vector<1x16xf32>
      tpu.vector_store %arg17[%swap3A_559, %swap3A_560], %swap3A_563 {strides = array<i32>} : memref<80x64xf32, #tpu.memory_space<vmem>>, vector<1x16xf32>,
      %mul3A_564 = arith.constant 2 : i32
      %mul3A_565 = arith.muli %mul3A_564, %scan3A_501 : i32
      %add3A_566 = arith.constant 0 : i32
      %add3A_567 = arith.addi %mul3A_565, %add3A_566 : i32
      %get3A_568 = arith.index_cast %add3A_567 : i32 to index
      %get3A_569 = arith.constant 48 : index
      %get3A_570 = tpu.vector_load %arg16[%get3A_568, %get3A_569] {strides = array<i32>} : memref<80x64xf32, #tpu.memory_space<vmem>>, vector<1x16xf32>,
      %get3A_571 = vector.shape_cast %get3A_570 : vector<1x16xf32> to vector<16xf32>
      %get3A_572 = arith.index_cast %add3A_567 : i32 to index
      %get3A_573 = arith.constant 48 : index
      %get3A_574 = tpu.vector_load %arg17[%get3A_572, %get3A_573] {strides = array<i32>} : memref<80x64xf32, #tpu.memory_space<vmem>>, vector<1x16xf32>,
      %get3A_575 = vector.shape_cast %get3A_574 : vector<1x16xf32> to vector<16xf32>
      %add3A_576 = arith.addf %get3A_571, %get3A_575 : vector<16xf32>
      %max3A_577 = arith.constant 0.000000e+00 : f32
      %max3A_578 = vector.broadcast %max3A_577 : f32 to vector<16xf32>
      %max3A_579 = arith.maximumf %add3A_576, %max3A_578 : vector<16xf32>
      %swap3A_580 = arith.index_cast %add3A_567 : i32 to index
      %swap3A_581 = arith.constant 48 : index
      %swap3A_582 = tpu.vector_load %arg17[%swap3A_580, %swap3A_581] {strides = array<i32>} : memref<80x64xf32, #tpu.memory_space<vmem>>, vector<1x16xf32>,
      %swap3A_583 = vector.shape_cast %swap3A_582 : vector<1x16xf32> to vector<16xf32>
      %swap3A_584 = vector.shape_cast %max3A_579 : vector<16xf32> to vector<1x16xf32>
      tpu.vector_store %arg17[%swap3A_580, %swap3A_581], %swap3A_584 {strides = array<i32>} : memref<80x64xf32, #tpu.memory_space<vmem>>, vector<1x16xf32>,
      %mul3A_585 = arith.constant 2 : i32
      %mul3A_586 = arith.muli %mul3A_585, %scan3A_501 : i32
      %add3A_587 = arith.constant 1 : i32
      %add3A_588 = arith.addi %mul3A_586, %add3A_587 : i32
      %get3A_589 = arith.index_cast %add3A_588 : i32 to index
      %get3A_590 = arith.constant 0 : index
      %get3A_591 = tpu.vector_load %arg16[%get3A_589, %get3A_590] {strides = array<i32>} : memref<80x64xf32, #tpu.memory_space<vmem>>, vector<1x16xf32>,
      %get3A_592 = vector.shape_cast %get3A_591 : vector<1x16xf32> to vector<16xf32>
      %get3A_593 = arith.index_cast %add3A_588 : i32 to index
      %get3A_594 = arith.constant 0 : index
      %get3A_595 = tpu.vector_load %arg17[%get3A_593, %get3A_594] {strides = array<i32>} : memref<80x64xf32, #tpu.memory_space<vmem>>, vector<1x16xf32>,
      %get3A_596 = vector.shape_cast %get3A_595 : vector<1x16xf32> to vector<16xf32>
      %add3A_597 = arith.addf %get3A_592, %get3A_596 : vector<16xf32>
      %max3A_598 = arith.constant 0.000000e+00 : f32
      %max3A_599 = vector.broadcast %max3A_598 : f32 to vector<16xf32>
      %max3A_600 = arith.maximumf %add3A_597, %max3A_599 : vector<16xf32>
      %swap3A_601 = arith.index_cast %add3A_588 : i32 to index
      %swap3A_602 = arith.constant 0 : index
      %swap3A_603 = tpu.vector_load %arg17[%swap3A_601, %swap3A_602] {strides = array<i32>} : memref<80x64xf32, #tpu.memory_space<vmem>>, vector<1x16xf32>,
      %swap3A_604 = vector.shape_cast %swap3A_603 : vector<1x16xf32> to vector<16xf32>
      %swap3A_605 = vector.shape_cast %max3A_600 : vector<16xf32> to vector<1x16xf32>
      tpu.vector_store %arg17[%swap3A_601, %swap3A_602], %swap3A_605 {strides = array<i32>} : memref<80x64xf32, #tpu.memory_space<vmem>>, vector<1x16xf32>,
      %mul3A_606 = arith.constant 2 : i32
      %mul3A_607 = arith.muli %mul3A_606, %scan3A_501 : i32
      %add3A_608 = arith.constant 1 : i32
      %add3A_609 = arith.addi %mul3A_607, %add3A_608 : i32
      %get3A_610 = arith.index_cast %add3A_609 : i32 to index
      %get3A_611 = arith.constant 16 : index
      %get3A_612 = tpu.vector_load %arg16[%get3A_610, %get3A_611] {strides = array<i32>} : memref<80x64xf32, #tpu.memory_space<vmem>>, vector<1x16xf32>,
      %get3A_613 = vector.shape_cast %get3A_612 : vector<1x16xf32> to vector<16xf32>
      %get3A_614 = arith.index_cast %add3A_609 : i32 to index
      %get3A_615 = arith.constant 16 : index
      %get3A_616 = tpu.vector_load %arg17[%get3A_614, %get3A_615] {strides = array<i32>} : memref<80x64xf32, #tpu.memory_space<vmem>>, vector<1x16xf32>,
      %get3A_617 = vector.shape_cast %get3A_616 : vector<1x16xf32> to vector<16xf32>
      %add3A_618 = arith.addf %get3A_613, %get3A_617 : vector<16xf32>
      %max3A_619 = arith.constant 0.000000e+00 : f32
      %max3A_620 = vector.broadcast %max3A_619 : f32 to vector<16xf32>
      %max3A_621 = arith.maximumf %add3A_618, %max3A_620 : vector<16xf32>
      %swap3A_622 = arith.index_cast %add3A_609 : i32 to index
      %swap3A_623 = arith.constant 16 : index
      %swap3A_624 = tpu.vector_load %arg17[%swap3A_622, %swap3A_623] {strides = array<i32>} : memref<80x64xf32, #tpu.memory_space<vmem>>, vector<1x16xf32>,
      %swap3A_625 = vector.shape_cast %swap3A_624 : vector<1x16xf32> to vector<16xf32>
      %swap3A_626 = vector.shape_cast %max3A_621 : vector<16xf32> to vector<1x16xf32>
      tpu.vector_store %arg17[%swap3A_622, %swap3A_623], %swap3A_626 {strides = array<i32>} : memref<80x64xf32, #tpu.memory_space<vmem>>, vector<1x16xf32>,
      %mul3A_627 = arith.constant 2 : i32
      %mul3A_628 = arith.muli %mul3A_627, %scan3A_501 : i32
      %add3A_629 = arith.constant 1 : i32
      %add3A_630 = arith.addi %mul3A_628, %add3A_629 : i32
      %get3A_631 = arith.index_cast %add3A_630 : i32 to index
      %get3A_632 = arith.constant 32 : index
      %get3A_633 = tpu.vector_load %arg16[%get3A_631, %get3A_632] {strides = array<i32>} : memref<80x64xf32, #tpu.memory_space<vmem>>, vector<1x16xf32>,
      %get3A_634 = vector.shape_cast %get3A_633 : vector<1x16xf32> to vector<16xf32>
      %get3A_635 = arith.index_cast %add3A_630 : i32 to index
      %get3A_636 = arith.constant 32 : index
      %get3A_637 = tpu.vector_load %arg17[%get3A_635, %get3A_636] {strides = array<i32>} : memref<80x64xf32, #tpu.memory_space<vmem>>, vector<1x16xf32>,
      %get3A_638 = vector.shape_cast %get3A_637 : vector<1x16xf32> to vector<16xf32>
      %add3A_639 = arith.addf %get3A_634, %get3A_638 : vector<16xf32>
      %max3A_640 = arith.constant 0.000000e+00 : f32
      %max3A_641 = vector.broadcast %max3A_640 : f32 to vector<16xf32>
      %max3A_642 = arith.maximumf %add3A_639, %max3A_641 : vector<16xf32>
      %swap3A_643 = arith.index_cast %add3A_630 : i32 to index
      %swap3A_644 = arith.constant 32 : index
      %swap3A_645 = tpu.vector_load %arg17[%swap3A_643, %swap3A_644] {strides = array<i32>} : memref<80x64xf32, #tpu.memory_space<vmem>>, vector<1x16xf32>,
      %swap3A_646 = vector.shape_cast %swap3A_645 : vector<1x16xf32> to vector<16xf32>
      %swap3A_647 = vector.shape_cast %max3A_642 : vector<16xf32> to vector<1x16xf32>
      tpu.vector_store %arg17[%swap3A_643, %swap3A_644], %swap3A_647 {strides = array<i32>} : memref<80x64xf32, #tpu.memory_space<vmem>>, vector<1x16xf32>,
      %mul3A_648 = arith.constant 2 : i32
      %mul3A_649 = arith.muli %mul3A_648, %scan3A_501 : i32
      %add3A_650 = arith.constant 1 : i32
      %add3A_651 = arith.addi %mul3A_649, %add3A_650 : i32
      %get3A_652 = arith.index_cast %add3A_651 : i32 to index
      %get3A_653 = arith.constant 48 : index
      %get3A_654 = tpu.vector_load %arg16[%get3A_652, %get3A_653] {strides = array<i32>} : memref<80x64xf32, #tpu.memory_space<vmem>>, vector<1x16xf32>,
      %get3A_655 = vector.shape_cast %get3A_654 : vector<1x16xf32> to vector<16xf32>
      %get3A_656 = arith.index_cast %add3A_651 : i32 to index
      %get3A_657 = arith.constant 48 : index
      %get3A_658 = tpu.vector_load %arg17[%get3A_656, %get3A_657] {strides = array<i32>} : memref<80x64xf32, #tpu.memory_space<vmem>>, vector<1x16xf32>,
      %get3A_659 = vector.shape_cast %get3A_658 : vector<1x16xf32> to vector<16xf32>
      %add3A_660 = arith.addf %get3A_655, %get3A_659 : vector<16xf32>
      %max3A_661 = arith.constant 0.000000e+00 : f32
      %max3A_662 = vector.broadcast %max3A_661 : f32 to vector<16xf32>
      %max3A_663 = arith.maximumf %add3A_660, %max3A_662 : vector<16xf32>
      %swap3A_664 = arith.index_cast %add3A_651 : i32 to index
      %swap3A_665 = arith.constant 48 : index
      %swap3A_666 = tpu.vector_load %arg17[%swap3A_664, %swap3A_665] {strides = array<i32>} : memref<80x64xf32, #tpu.memory_space<vmem>>, vector<1x16xf32>,
      %swap3A_667 = vector.shape_cast %swap3A_666 : vector<1x16xf32> to vector<16xf32>
      %swap3A_668 = vector.shape_cast %max3A_663 : vector<16xf32> to vector<1x16xf32>
      tpu.vector_store %arg17[%swap3A_664, %swap3A_665], %swap3A_668 {strides = array<i32>} : memref<80x64xf32, #tpu.memory_space<vmem>>, vector<1x16xf32>,
    }
    %scan3A_485 = arith.constant 40 : i32
    "tpu.region"() ({
      %run_scoped3A = tpu.sem_alloc : memref<!tpu.dma_semaphore, #tpu.memory_space<semaphore_mem>>
      %dma_start3A_501 = arith.constant 0 : i32
      %dma_start3A_502 = arith.constant 0 : i32
      %dma_start3A_503 = tpu.memref_slice %arg18[%dma_start3A_501, %dma_start3A_502] : memref<10240x64xf32, #tpu.memory_space<vmem_shared>> -> memref<10240x64xf32, #tpu.memory_space<vmem_shared>>
      tpu.enqueue_indirect_dma source(%arg17 : memref<80x64xf32, #tpu.memory_space<vmem>>) target(%dma_start3A_503 : memref<10240x64xf32, #tpu.memory_space<vmem_shared>>) offsets(%arg14 : memref<80xi32, #tpu.memory_space<vmem>>) semaphore(%run_scoped3A : memref<!tpu.dma_semaphore, #tpu.memory_space<semaphore_mem>>) {add = true}
      %dma_wait3A_504 = arith.constant 0 : i32
      %dma_wait3A_505 = arith.constant 0 : i32
      %dma_wait3A_506 = tpu.memref_slice %arg18[%dma_wait3A_504, %dma_wait3A_505] : memref<10240x64xf32, #tpu.memory_space<vmem_shared>> -> memref<10240x64xf32, #tpu.memory_space<vmem_shared>>
      tpu.wait_indirect_dma semaphore(%run_scoped3A : memref<!tpu.dma_semaphore, #tpu.memory_space<semaphore_mem>>) src(%arg17 : memref<80x64xf32, #tpu.memory_space<vmem>>) dst(%dma_wait3A_506 : memref<10240x64xf32, #tpu.memory_space<vmem_shared>>)
      tpu.yield
    }) : () -> ()
    %dma_wait3A_486 = arith.constant 0 : i32
    %dma_wait3A_487 = arith.constant 0 : i32
    %dma_wait3A_488 = tpu.memref_slice %arg2[%dma_wait3A_486, %dma_wait3A_487] : memref<20000x64xf32, #tpu.memory_space<hbm>> -> memref<20000x64xf32, #tpu.memory_space<hbm>>
    tpu.wait_indirect_dma semaphore(%arg19 : memref<!tpu.dma_semaphore, #tpu.memory_space<semaphore_mem>>) src(%dma_wait3A_488 : memref<20000x64xf32, #tpu.memory_space<hbm>>) dst(%arg11 : memref<80x64xf32, #tpu.memory_space<vmem>>)
    %dma_wait3A_489 = arith.constant 0 : i32
    %dma_wait3A_490 = arith.constant 0 : i32
    %dma_wait3A_491 = tpu.memref_slice %arg4[%dma_wait3A_489, %dma_wait3A_490] : memref<320000x64xf32, #tpu.memory_space<hbm>> -> memref<320000x64xf32, #tpu.memory_space<hbm>>
    tpu.wait_indirect_dma semaphore(%arg20 : memref<!tpu.dma_semaphore, #tpu.memory_space<semaphore_mem>>) src(%dma_wait3A_491 : memref<320000x64xf32, #tpu.memory_space<hbm>>) dst(%arg12 : memref<80x64xf32, #tpu.memory_space<vmem>>)
    %scan3A_492 = arith.constant 0 : i32
    %scan3A_493 = arith.constant 0 : i32
    %scan3A_494 = arith.constant 40 : i32
    %scan3A_495 = arith.addi %scan3A_493, %scan3A_494 : i32
    %scan3A_496 = arith.constant 1 : i32
    scf.for %scan3A_501 = %scan3A_493 to %scan3A_495 step %scan3A_496  : i32 {
      %mul3A_502 = arith.constant 2 : i32
      %mul3A_503 = arith.muli %mul3A_502, %scan3A_501 : i32
      %add3A_504 = arith.constant 0 : i32
      %add3A_505 = arith.addi %mul3A_503, %add3A_504 : i32
      %get3A_506 = arith.index_cast %add3A_505 : i32 to index
      %get3A_507 = arith.constant 0 : index
      %get3A_508 = tpu.vector_load %arg11[%get3A_506, %get3A_507] {strides = array<i32>} : memref<80x64xf32, #tpu.memory_space<vmem>>, vector<1x16xf32>,
      %get3A_509 = vector.shape_cast %get3A_508 : vector<1x16xf32> to vector<16xf32>
      %get3A_510 = arith.index_cast %add3A_505 : i32 to index
      %get3A_511 = arith.constant 0 : index
      %get3A_512 = tpu.vector_load %arg12[%get3A_510, %get3A_511] {strides = array<i32>} : memref<80x64xf32, #tpu.memory_space<vmem>>, vector<1x16xf32>,
      %get3A_513 = vector.shape_cast %get3A_512 : vector<1x16xf32> to vector<16xf32>
      %add3A_514 = arith.addf %get3A_509, %get3A_513 : vector<16xf32>
      %max3A = arith.constant 0.000000e+00 : f32
      %max3A_515 = vector.broadcast %max3A : f32 to vector<16xf32>
      %max3A_516 = arith.maximumf %add3A_514, %max3A_515 : vector<16xf32>
      %swap3A_517 = arith.index_cast %add3A_505 : i32 to index
      %swap3A_518 = arith.constant 0 : index
      %swap3A_519 = tpu.vector_load %arg12[%swap3A_517, %swap3A_518] {strides = array<i32>} : memref<80x64xf32, #tpu.memory_space<vmem>>, vector<1x16xf32>,
      %swap3A_520 = vector.shape_cast %swap3A_519 : vector<1x16xf32> to vector<16xf32>
      %swap3A_521 = vector.shape_cast %max3A_516 : vector<16xf32> to vector<1x16xf32>
      tpu.vector_store %arg12[%swap3A_517, %swap3A_518], %swap3A_521 {strides = array<i32>} : memref<80x64xf32, #tpu.memory_space<vmem>>, vector<1x16xf32>,
      %mul3A_522 = arith.constant 2 : i32
      %mul3A_523 = arith.muli %mul3A_522, %scan3A_501 : i32
      %add3A_524 = arith.constant 0 : i32
      %add3A_525 = arith.addi %mul3A_523, %add3A_524 : i32
      %get3A_526 = arith.index_cast %add3A_525 : i32 to index
      %get3A_527 = arith.constant 16 : index
      %get3A_528 = tpu.vector_load %arg11[%get3A_526, %get3A_527] {strides = array<i32>} : memref<80x64xf32, #tpu.memory_space<vmem>>, vector<1x16xf32>,
      %get3A_529 = vector.shape_cast %get3A_528 : vector<1x16xf32> to vector<16xf32>
      %get3A_530 = arith.index_cast %add3A_525 : i32 to index
      %get3A_531 = arith.constant 16 : index
      %get3A_532 = tpu.vector_load %arg12[%get3A_530, %get3A_531] {strides = array<i32>} : memref<80x64xf32, #tpu.memory_space<vmem>>, vector<1x16xf32>,
      %get3A_533 = vector.shape_cast %get3A_532 : vector<1x16xf32> to vector<16xf32>
      %add3A_534 = arith.addf %get3A_529, %get3A_533 : vector<16xf32>
      %max3A_535 = arith.constant 0.000000e+00 : f32
      %max3A_536 = vector.broadcast %max3A_535 : f32 to vector<16xf32>
      %max3A_537 = arith.maximumf %add3A_534, %max3A_536 : vector<16xf32>
      %swap3A_538 = arith.index_cast %add3A_525 : i32 to index
      %swap3A_539 = arith.constant 16 : index
      %swap3A_540 = tpu.vector_load %arg12[%swap3A_538, %swap3A_539] {strides = array<i32>} : memref<80x64xf32, #tpu.memory_space<vmem>>, vector<1x16xf32>,
      %swap3A_541 = vector.shape_cast %swap3A_540 : vector<1x16xf32> to vector<16xf32>
      %swap3A_542 = vector.shape_cast %max3A_537 : vector<16xf32> to vector<1x16xf32>
      tpu.vector_store %arg12[%swap3A_538, %swap3A_539], %swap3A_542 {strides = array<i32>} : memref<80x64xf32, #tpu.memory_space<vmem>>, vector<1x16xf32>,
      %mul3A_543 = arith.constant 2 : i32
      %mul3A_544 = arith.muli %mul3A_543, %scan3A_501 : i32
      %add3A_545 = arith.constant 0 : i32
      %add3A_546 = arith.addi %mul3A_544, %add3A_545 : i32
      %get3A_547 = arith.index_cast %add3A_546 : i32 to index
      %get3A_548 = arith.constant 32 : index
      %get3A_549 = tpu.vector_load %arg11[%get3A_547, %get3A_548] {strides = array<i32>} : memref<80x64xf32, #tpu.memory_space<vmem>>, vector<1x16xf32>,
      %get3A_550 = vector.shape_cast %get3A_549 : vector<1x16xf32> to vector<16xf32>
      %get3A_551 = arith.index_cast %add3A_546 : i32 to index
      %get3A_552 = arith.constant 32 : index
      %get3A_553 = tpu.vector_load %arg12[%get3A_551, %get3A_552] {strides = array<i32>} : memref<80x64xf32, #tpu.memory_space<vmem>>, vector<1x16xf32>,
      %get3A_554 = vector.shape_cast %get3A_553 : vector<1x16xf32> to vector<16xf32>
      %add3A_555 = arith.addf %get3A_550, %get3A_554 : vector<16xf32>
      %max3A_556 = arith.constant 0.000000e+00 : f32
      %max3A_557 = vector.broadcast %max3A_556 : f32 to vector<16xf32>
      %max3A_558 = arith.maximumf %add3A_555, %max3A_557 : vector<16xf32>
      %swap3A_559 = arith.index_cast %add3A_546 : i32 to index
      %swap3A_560 = arith.constant 32 : index
      %swap3A_561 = tpu.vector_load %arg12[%swap3A_559, %swap3A_560] {strides = array<i32>} : memref<80x64xf32, #tpu.memory_space<vmem>>, vector<1x16xf32>,
      %swap3A_562 = vector.shape_cast %swap3A_561 : vector<1x16xf32> to vector<16xf32>
      %swap3A_563 = vector.shape_cast %max3A_558 : vector<16xf32> to vector<1x16xf32>
      tpu.vector_store %arg12[%swap3A_559, %swap3A_560], %swap3A_563 {strides = array<i32>} : memref<80x64xf32, #tpu.memory_space<vmem>>, vector<1x16xf32>,
      %mul3A_564 = arith.constant 2 : i32
      %mul3A_565 = arith.muli %mul3A_564, %scan3A_501 : i32
      %add3A_566 = arith.constant 0 : i32
      %add3A_567 = arith.addi %mul3A_565, %add3A_566 : i32
      %get3A_568 = arith.index_cast %add3A_567 : i32 to index
      %get3A_569 = arith.constant 48 : index
      %get3A_570 = tpu.vector_load %arg11[%get3A_568, %get3A_569] {strides = array<i32>} : memref<80x64xf32, #tpu.memory_space<vmem>>, vector<1x16xf32>,
      %get3A_571 = vector.shape_cast %get3A_570 : vector<1x16xf32> to vector<16xf32>
      %get3A_572 = arith.index_cast %add3A_567 : i32 to index
      %get3A_573 = arith.constant 48 : index
      %get3A_574 = tpu.vector_load %arg12[%get3A_572, %get3A_573] {strides = array<i32>} : memref<80x64xf32, #tpu.memory_space<vmem>>, vector<1x16xf32>,
      %get3A_575 = vector.shape_cast %get3A_574 : vector<1x16xf32> to vector<16xf32>
      %add3A_576 = arith.addf %get3A_571, %get3A_575 : vector<16xf32>
      %max3A_577 = arith.constant 0.000000e+00 : f32
      %max3A_578 = vector.broadcast %max3A_577 : f32 to vector<16xf32>
      %max3A_579 = arith.maximumf %add3A_576, %max3A_578 : vector<16xf32>
      %swap3A_580 = arith.index_cast %add3A_567 : i32 to index
      %swap3A_581 = arith.constant 48 : index
      %swap3A_582 = tpu.vector_load %arg12[%swap3A_580, %swap3A_581] {strides = array<i32>} : memref<80x64xf32, #tpu.memory_space<vmem>>, vector<1x16xf32>,
      %swap3A_583 = vector.shape_cast %swap3A_582 : vector<1x16xf32> to vector<16xf32>
      %swap3A_584 = vector.shape_cast %max3A_579 : vector<16xf32> to vector<1x16xf32>
      tpu.vector_store %arg12[%swap3A_580, %swap3A_581], %swap3A_584 {strides = array<i32>} : memref<80x64xf32, #tpu.memory_space<vmem>>, vector<1x16xf32>,
      %mul3A_585 = arith.constant 2 : i32
      %mul3A_586 = arith.muli %mul3A_585, %scan3A_501 : i32
      %add3A_587 = arith.constant 1 : i32
      %add3A_588 = arith.addi %mul3A_586, %add3A_587 : i32
      %get3A_589 = arith.index_cast %add3A_588 : i32 to index
      %get3A_590 = arith.constant 0 : index
      %get3A_591 = tpu.vector_load %arg11[%get3A_589, %get3A_590] {strides = array<i32>} : memref<80x64xf32, #tpu.memory_space<vmem>>, vector<1x16xf32>,
      %get3A_592 = vector.shape_cast %get3A_591 : vector<1x16xf32> to vector<16xf32>
      %get3A_593 = arith.index_cast %add3A_588 : i32 to index
      %get3A_594 = arith.constant 0 : index
      %get3A_595 = tpu.vector_load %arg12[%get3A_593, %get3A_594] {strides = array<i32>} : memref<80x64xf32, #tpu.memory_space<vmem>>, vector<1x16xf32>,
      %get3A_596 = vector.shape_cast %get3A_595 : vector<1x16xf32> to vector<16xf32>
      %add3A_597 = arith.addf %get3A_592, %get3A_596 : vector<16xf32>
      %max3A_598 = arith.constant 0.000000e+00 : f32
      %max3A_599 = vector.broadcast %max3A_598 : f32 to vector<16xf32>
      %max3A_600 = arith.maximumf %add3A_597, %max3A_599 : vector<16xf32>
      %swap3A_601 = arith.index_cast %add3A_588 : i32 to index
      %swap3A_602 = arith.constant 0 : index
      %swap3A_603 = tpu.vector_load %arg12[%swap3A_601, %swap3A_602] {strides = array<i32>} : memref<80x64xf32, #tpu.memory_space<vmem>>, vector<1x16xf32>,
      %swap3A_604 = vector.shape_cast %swap3A_603 : vector<1x16xf32> to vector<16xf32>
      %swap3A_605 = vector.shape_cast %max3A_600 : vector<16xf32> to vector<1x16xf32>
      tpu.vector_store %arg12[%swap3A_601, %swap3A_602], %swap3A_605 {strides = array<i32>} : memref<80x64xf32, #tpu.memory_space<vmem>>, vector<1x16xf32>,
      %mul3A_606 = arith.constant 2 : i32
      %mul3A_607 = arith.muli %mul3A_606, %scan3A_501 : i32
      %add3A_608 = arith.constant 1 : i32
      %add3A_609 = arith.addi %mul3A_607, %add3A_608 : i32
      %get3A_610 = arith.index_cast %add3A_609 : i32 to index
      %get3A_611 = arith.constant 16 : index
      %get3A_612 = tpu.vector_load %arg11[%get3A_610, %get3A_611] {strides = array<i32>} : memref<80x64xf32, #tpu.memory_space<vmem>>, vector<1x16xf32>,
      %get3A_613 = vector.shape_cast %get3A_612 : vector<1x16xf32> to vector<16xf32>
      %get3A_614 = arith.index_cast %add3A_609 : i32 to index
      %get3A_615 = arith.constant 16 : index
      %get3A_616 = tpu.vector_load %arg12[%get3A_614, %get3A_615] {strides = array<i32>} : memref<80x64xf32, #tpu.memory_space<vmem>>, vector<1x16xf32>,
      %get3A_617 = vector.shape_cast %get3A_616 : vector<1x16xf32> to vector<16xf32>
      %add3A_618 = arith.addf %get3A_613, %get3A_617 : vector<16xf32>
      %max3A_619 = arith.constant 0.000000e+00 : f32
      %max3A_620 = vector.broadcast %max3A_619 : f32 to vector<16xf32>
      %max3A_621 = arith.maximumf %add3A_618, %max3A_620 : vector<16xf32>
      %swap3A_622 = arith.index_cast %add3A_609 : i32 to index
      %swap3A_623 = arith.constant 16 : index
      %swap3A_624 = tpu.vector_load %arg12[%swap3A_622, %swap3A_623] {strides = array<i32>} : memref<80x64xf32, #tpu.memory_space<vmem>>, vector<1x16xf32>,
      %swap3A_625 = vector.shape_cast %swap3A_624 : vector<1x16xf32> to vector<16xf32>
      %swap3A_626 = vector.shape_cast %max3A_621 : vector<16xf32> to vector<1x16xf32>
      tpu.vector_store %arg12[%swap3A_622, %swap3A_623], %swap3A_626 {strides = array<i32>} : memref<80x64xf32, #tpu.memory_space<vmem>>, vector<1x16xf32>,
      %mul3A_627 = arith.constant 2 : i32
      %mul3A_628 = arith.muli %mul3A_627, %scan3A_501 : i32
      %add3A_629 = arith.constant 1 : i32
      %add3A_630 = arith.addi %mul3A_628, %add3A_629 : i32
      %get3A_631 = arith.index_cast %add3A_630 : i32 to index
      %get3A_632 = arith.constant 32 : index
      %get3A_633 = tpu.vector_load %arg11[%get3A_631, %get3A_632] {strides = array<i32>} : memref<80x64xf32, #tpu.memory_space<vmem>>, vector<1x16xf32>,
      %get3A_634 = vector.shape_cast %get3A_633 : vector<1x16xf32> to vector<16xf32>
      %get3A_635 = arith.index_cast %add3A_630 : i32 to index
      %get3A_636 = arith.constant 32 : index
      %get3A_637 = tpu.vector_load %arg12[%get3A_635, %get3A_636] {strides = array<i32>} : memref<80x64xf32, #tpu.memory_space<vmem>>, vector<1x16xf32>,
      %get3A_638 = vector.shape_cast %get3A_637 : vector<1x16xf32> to vector<16xf32>
      %add3A_639 = arith.addf %get3A_634, %get3A_638 : vector<16xf32>
      %max3A_640 = arith.constant 0.000000e+00 : f32
      %max3A_641 = vector.broadcast %max3A_640 : f32 to vector<16xf32>
      %max3A_642 = arith.maximumf %add3A_639, %max3A_641 : vector<16xf32>
      %swap3A_643 = arith.index_cast %add3A_630 : i32 to index
      %swap3A_644 = arith.constant 32 : index
      %swap3A_645 = tpu.vector_load %arg12[%swap3A_643, %swap3A_644] {strides = array<i32>} : memref<80x64xf32, #tpu.memory_space<vmem>>, vector<1x16xf32>,
      %swap3A_646 = vector.shape_cast %swap3A_645 : vector<1x16xf32> to vector<16xf32>
      %swap3A_647 = vector.shape_cast %max3A_642 : vector<16xf32> to vector<1x16xf32>
      tpu.vector_store %arg12[%swap3A_643, %swap3A_644], %swap3A_647 {strides = array<i32>} : memref<80x64xf32, #tpu.memory_space<vmem>>, vector<1x16xf32>,
      %mul3A_648 = arith.constant 2 : i32
      %mul3A_649 = arith.muli %mul3A_648, %scan3A_501 : i32
      %add3A_650 = arith.constant 1 : i32
      %add3A_651 = arith.addi %mul3A_649, %add3A_650 : i32
      %get3A_652 = arith.index_cast %add3A_651 : i32 to index
      %get3A_653 = arith.constant 48 : index
      %get3A_654 = tpu.vector_load %arg11[%get3A_652, %get3A_653] {strides = array<i32>} : memref<80x64xf32, #tpu.memory_space<vmem>>, vector<1x16xf32>,
      %get3A_655 = vector.shape_cast %get3A_654 : vector<1x16xf32> to vector<16xf32>
      %get3A_656 = arith.index_cast %add3A_651 : i32 to index
      %get3A_657 = arith.constant 48 : index
      %get3A_658 = tpu.vector_load %arg12[%get3A_656, %get3A_657] {strides = array<i32>} : memref<80x64xf32, #tpu.memory_space<vmem>>, vector<1x16xf32>,
      %get3A_659 = vector.shape_cast %get3A_658 : vector<1x16xf32> to vector<16xf32>
      %add3A_660 = arith.addf %get3A_655, %get3A_659 : vector<16xf32>
      %max3A_661 = arith.constant 0.000000e+00 : f32
      %max3A_662 = vector.broadcast %max3A_661 : f32 to vector<16xf32>
      %max3A_663 = arith.maximumf %add3A_660, %max3A_662 : vector<16xf32>
      %swap3A_664 = arith.index_cast %add3A_651 : i32 to index
      %swap3A_665 = arith.constant 48 : index
      %swap3A_666 = tpu.vector_load %arg12[%swap3A_664, %swap3A_665] {strides = array<i32>} : memref<80x64xf32, #tpu.memory_space<vmem>>, vector<1x16xf32>,
      %swap3A_667 = vector.shape_cast %swap3A_666 : vector<1x16xf32> to vector<16xf32>
      %swap3A_668 = vector.shape_cast %max3A_663 : vector<16xf32> to vector<1x16xf32>
      tpu.vector_store %arg12[%swap3A_664, %swap3A_665], %swap3A_668 {strides = array<i32>} : memref<80x64xf32, #tpu.memory_space<vmem>>, vector<1x16xf32>,
    }
    %scan3A_497 = arith.constant 40 : i32
    "tpu.region"() ({
      %run_scoped3A = tpu.sem_alloc : memref<!tpu.dma_semaphore, #tpu.memory_space<semaphore_mem>>
      %dma_start3A_501 = arith.constant 0 : i32
      %dma_start3A_502 = arith.constant 0 : i32
      %dma_start3A_503 = tpu.memref_slice %arg18[%dma_start3A_501, %dma_start3A_502] : memref<10240x64xf32, #tpu.memory_space<vmem_shared>> -> memref<10240x64xf32, #tpu.memory_space<vmem_shared>>
      tpu.enqueue_indirect_dma source(%arg12 : memref<80x64xf32, #tpu.memory_space<vmem>>) target(%dma_start3A_503 : memref<10240x64xf32, #tpu.memory_space<vmem_shared>>) offsets(%arg9 : memref<80xi32, #tpu.memory_space<vmem>>) semaphore(%run_scoped3A : memref<!tpu.dma_semaphore, #tpu.memory_space<semaphore_mem>>) {add = true}
      %dma_wait3A_504 = arith.constant 0 : i32
      %dma_wait3A_505 = arith.constant 0 : i32
      %dma_wait3A_506 = tpu.memref_slice %arg18[%dma_wait3A_504, %dma_wait3A_505] : memref<10240x64xf32, #tpu.memory_space<vmem_shared>> -> memref<10240x64xf32, #tpu.memory_space<vmem_shared>>
      tpu.wait_indirect_dma semaphore(%run_scoped3A : memref<!tpu.dma_semaphore, #tpu.memory_space<semaphore_mem>>) src(%arg12 : memref<80x64xf32, #tpu.memory_space<vmem>>) dst(%dma_wait3A_506 : memref<10240x64xf32, #tpu.memory_space<vmem_shared>>)
      tpu.yield
    }) : () -> ()
    %barrier3A_498 = arith.constant 0 : index
    tpu.barrier barrier_id(%barrier3A_498)
    %mul3A_499 = arith.constant 64 : i32
    %mul3A_500 = arith.muli %arg0, %mul3A_499 : i32
    "tpu.region"() ({
      %run_scoped3A = tpu.sem_alloc : memref<!tpu.dma_semaphore, #tpu.memory_space<semaphore_mem>>
      %dma_start3A_501 = tpu.memref_slice %arg5[%mul3A_5, %mul3A_500] : memref<10240x128xf32, #tpu.memory_space<hbm>> -> memref<640x64xf32, #tpu.memory_space<hbm>>
      %dma_start3A_502 = arith.constant 0 : i32
      %dma_start3A_503 = tpu.memref_slice %arg18[%mul3A_5, %dma_start3A_502] : memref<10240x64xf32, #tpu.memory_space<vmem_shared>> -> memref<640x64xf32, #tpu.memory_space<vmem_shared>>
      tpu.enqueue_dma source(%dma_start3A_503 : memref<640x64xf32, #tpu.memory_space<vmem_shared>>) target(%dma_start3A_501 : memref<640x64xf32, #tpu.memory_space<hbm>>) target_semaphore(%run_scoped3A : memref<!tpu.dma_semaphore, #tpu.memory_space<semaphore_mem>>)
      %dma_wait3A_504 = tpu.memref_slice %arg5[%mul3A_5, %mul3A_500] : memref<10240x128xf32, #tpu.memory_space<hbm>> -> memref<640x64xf32, #tpu.memory_space<hbm>>
      %dma_wait3A_505 = arith.constant 0 : i32
      %dma_wait3A_506 = tpu.memref_slice %arg18[%mul3A_5, %dma_wait3A_505] : memref<10240x64xf32, #tpu.memory_space<vmem_shared>> -> memref<640x64xf32, #tpu.memory_space<vmem_shared>>
      tpu.wait_dma2 semaphore(%run_scoped3A : memref<!tpu.dma_semaphore, #tpu.memory_space<semaphore_mem>>) src(%dma_wait3A_506 : memref<640x64xf32, #tpu.memory_space<vmem_shared>>) dst(%dma_wait3A_504 : memref<640x64xf32, #tpu.memory_space<hbm>>)
      tpu.yield
    }) : () -> ()
    return
  }
}

module attributes {stable_mosaic.version = 14 : i64} {
  func.func @_node_mlp_body(%arg0: i32, %arg1: memref<400x128xf32, #tpu.memory_space<vmem>>, %arg2: memref<400x128xf32, #tpu.memory_space<vmem>>, %arg3: memref<400x128xf32, #tpu.memory_space<vmem>>, %arg4: memref<1x1xf32, #tpu.memory_space<vmem>>, %arg5: memref<128x256xf32, #tpu.memory_space<vmem>>, %arg6: memref<1x256xf32, #tpu.memory_space<vmem>>, %arg7: memref<256x128xf32, #tpu.memory_space<vmem>>, %arg8: memref<1x128xf32, #tpu.memory_space<vmem>>, %arg9: memref<400x128xf32, #tpu.memory_space<vmem>>) attributes {dimension_semantics = [#tpu.dimension_semantics<arbitrary>], iteration_bounds = array<i64: 25>, scalar_prefetch = 0 : i64, scratch_operands = 0 : i64, tpu.core_type = #tpu.core_type<tc>, window_params = [{transform_indices = @transform_0, window_bounds = array<i64: 400, 128>}, {transform_indices = @transform_1, window_bounds = array<i64: 400, 128>}, {transform_indices = @transform_2, window_bounds = array<i64: 400, 128>}, {pipeline_mode = #tpu.pipeline_mode<synchronous>, transform_indices = @transform_3, window_bounds = array<i64: 1, 1>}, {pipeline_mode = #tpu.pipeline_mode<synchronous>, transform_indices = @transform_4, window_bounds = array<i64: 128, 256>}, {pipeline_mode = #tpu.pipeline_mode<synchronous>, transform_indices = @transform_5, window_bounds = array<i64: 1, 256>}, {pipeline_mode = #tpu.pipeline_mode<synchronous>, transform_indices = @transform_6, window_bounds = array<i64: 256, 128>}, {pipeline_mode = #tpu.pipeline_mode<synchronous>, transform_indices = @transform_7, window_bounds = array<i64: 1, 128>}, {transform_indices = @transform_8, window_bounds = array<i64: 400, 128>}]} {
    %get3A = arith.constant 0 : index
    %get3A_0 = arith.constant 0 : index
    %get3A_1 = vector.load %arg4[%get3A, %get3A_0] : memref<1x1xf32, #tpu.memory_space<vmem>>, vector<1x1xf32>
    %get3A_2 = vector.extract %get3A_1[0, 0] : f32 from vector<1x1xf32>
    %add3A = arith.constant 1.000000e+00 : f32
    %add3A_3 = arith.addf %add3A, %get3A_2 : f32
    %get3A_4 = arith.constant 0 : index
    %get3A_5 = arith.constant 0 : index
    %get3A_6 = vector.load %arg1[%get3A_4, %get3A_5] : memref<400x128xf32, #tpu.memory_space<vmem>>, vector<400x128xf32>
    %mul3A = vector.broadcast %add3A_3 : f32 to vector<400x128xf32>
    %mul3A_7 = arith.mulf %mul3A, %get3A_6 : vector<400x128xf32>
    %get3A_8 = arith.constant 0 : index
    %get3A_9 = arith.constant 0 : index
    %get3A_10 = vector.load %arg2[%get3A_8, %get3A_9] : memref<400x128xf32, #tpu.memory_space<vmem>>, vector<400x128xf32>
    %add3A_11 = arith.addf %mul3A_7, %get3A_10 : vector<400x128xf32>
    %get3A_12 = arith.constant 0 : index
    %get3A_13 = arith.constant 0 : index
    %get3A_14 = vector.load %arg3[%get3A_12, %get3A_13] : memref<400x128xf32, #tpu.memory_space<vmem>>, vector<400x128xf32>
    %add3A_15 = arith.addf %add3A_11, %get3A_14 : vector<400x128xf32>
    %get3A_16 = arith.constant 0 : index
    %get3A_17 = arith.constant 0 : index
    %get3A_18 = vector.load %arg5[%get3A_16, %get3A_17] : memref<128x256xf32, #tpu.memory_space<vmem>>, vector<128x256xf32>
    %dot_general3A = arith.constant dense<0.000000e+00> : vector<400x256xf32>
    %dot_general3A_19 = tpu.matmul %add3A_15, %get3A_18, %dot_general3A {dimension_numbers = #tpu.dot_dimension_numbers<[1], [0], [0], [1], [0, 0, 1, 1], [], []>, transpose_lhs_hint = false} : vector<400x128xf32>, vector<128x256xf32>, vector<400x256xf32> -> vector<400x256xf32>
    %get3A_20 = arith.constant 0 : index
    %get3A_21 = arith.constant 0 : index
    %get3A_22 = vector.load %arg6[%get3A_20, %get3A_21] : memref<1x256xf32, #tpu.memory_space<vmem>>, vector<1x256xf32>
    %add3A_23 = vector.broadcast %get3A_22 : vector<1x256xf32> to vector<400x256xf32>
    %add3A_24 = arith.addf %dot_general3A_19, %add3A_23 : vector<400x256xf32>
    %max3A = arith.constant 0.000000e+00 : f32
    %max3A_25 = vector.broadcast %max3A : f32 to vector<400x256xf32>
    %max3A_26 = arith.maximumf %add3A_24, %max3A_25 : vector<400x256xf32>
    %get3A_27 = arith.constant 0 : index
    %get3A_28 = arith.constant 0 : index
    %get3A_29 = vector.load %arg7[%get3A_27, %get3A_28] : memref<256x128xf32, #tpu.memory_space<vmem>>, vector<256x128xf32>
    %dot_general3A_30 = arith.constant dense<0.000000e+00> : vector<400x128xf32>
    %dot_general3A_31 = tpu.matmul %max3A_26, %get3A_29, %dot_general3A_30 {dimension_numbers = #tpu.dot_dimension_numbers<[1], [0], [0], [1], [0, 0, 1, 1], [], []>, transpose_lhs_hint = false} : vector<400x256xf32>, vector<256x128xf32>, vector<400x128xf32> -> vector<400x128xf32>
    %get3A_32 = arith.constant 0 : index
    %get3A_33 = arith.constant 0 : index
    %get3A_34 = vector.load %arg8[%get3A_32, %get3A_33] : memref<1x128xf32, #tpu.memory_space<vmem>>, vector<1x128xf32>
    %add3A_35 = vector.broadcast %get3A_34 : vector<1x128xf32> to vector<400x128xf32>
    %add3A_36 = arith.addf %dot_general3A_31, %add3A_35 : vector<400x128xf32>
    %swap3A = arith.constant 0 : index
    %swap3A_37 = arith.constant 0 : index
    %swap3A_38 = vector.load %arg9[%swap3A, %swap3A_37] : memref<400x128xf32, #tpu.memory_space<vmem>>, vector<400x128xf32>
    tpu.vector_store %arg9[%swap3A, %swap3A_37], %add3A_36 {strides = array<i32>} : memref<400x128xf32, #tpu.memory_space<vmem>>, vector<400x128xf32>,
    return
  }
  func.func @transform_0(%arg0: i32) -> (i32, i32) {
    %c0_i32 = arith.constant 0 : i32
    %c0_i32_0 = arith.constant 0 : i32
    return %arg0, %c0_i32 : i32, i32
  }
  func.func @transform_1(%arg0: i32) -> (i32, i32) {
    %c0_i32 = arith.constant 0 : i32
    %c0_i32_0 = arith.constant 0 : i32
    return %arg0, %c0_i32 : i32, i32
  }
  func.func @transform_2(%arg0: i32) -> (i32, i32) {
    %c0_i32 = arith.constant 0 : i32
    %c0_i32_0 = arith.constant 0 : i32
    return %arg0, %c0_i32 : i32, i32
  }
  func.func @transform_3(%arg0: i32) -> (i32, i32) {
    %c0_i32 = arith.constant 0 : i32
    %c0_i32_0 = arith.constant 0 : i32
    %c0_i32_1 = arith.constant 0 : i32
    return %c0_i32, %c0_i32_0 : i32, i32
  }
  func.func @transform_4(%arg0: i32) -> (i32, i32) {
    %c0_i32 = arith.constant 0 : i32
    %c0_i32_0 = arith.constant 0 : i32
    %c0_i32_1 = arith.constant 0 : i32
    return %c0_i32, %c0_i32_0 : i32, i32
  }
  func.func @transform_5(%arg0: i32) -> (i32, i32) {
    %c0_i32 = arith.constant 0 : i32
    %c0_i32_0 = arith.constant 0 : i32
    %c0_i32_1 = arith.constant 0 : i32
    return %c0_i32, %c0_i32_0 : i32, i32
  }
  func.func @transform_6(%arg0: i32) -> (i32, i32) {
    %c0_i32 = arith.constant 0 : i32
    %c0_i32_0 = arith.constant 0 : i32
    %c0_i32_1 = arith.constant 0 : i32
    return %c0_i32, %c0_i32_0 : i32, i32
  }
  func.func @transform_7(%arg0: i32) -> (i32, i32) {
    %c0_i32 = arith.constant 0 : i32
    %c0_i32_0 = arith.constant 0 : i32
    %c0_i32_1 = arith.constant 0 : i32
    return %c0_i32, %c0_i32_0 : i32, i32
  }
  func.func @transform_8(%arg0: i32) -> (i32, i32) {
    %c0_i32 = arith.constant 0 : i32
    %c0_i32_0 = arith.constant 0 : i32
    return %arg0, %c0_i32 : i32, i32
  }
}

module attributes {stable_mosaic.version = 14 : i64} {
  func.func @_edge_mlp_body(%arg0: i32, %arg1: memref<320000x16xf32, #tpu.memory_space<any>>, %arg2: memref<16x32xf32, #tpu.memory_space<vmem>>, %arg3: memref<1x32xf32, #tpu.memory_space<vmem>>, %arg4: memref<32x128xf32, #tpu.memory_space<vmem>>, %arg5: memref<1x128xf32, #tpu.memory_space<vmem>>, %arg6: memref<8000x128xf32, #tpu.memory_space<vmem>>, %arg7: memref<4000x16xf32, #tpu.memory_space<vmem>>, %arg8: memref<4000x16xf32, #tpu.memory_space<vmem>>, %arg9: memref<!tpu.dma_semaphore, #tpu.memory_space<semaphore_mem>>, %arg10: memref<!tpu.dma_semaphore, #tpu.memory_space<semaphore_mem>>) attributes {dimension_semantics = [#tpu.dimension_semantics<arbitrary>], iteration_bounds = array<i64: 20>, scalar_prefetch = 0 : i64, scratch_operands = 4 : i64, tpu.core_type = #tpu.core_type<tc>, window_params = [{}, {pipeline_mode = #tpu.pipeline_mode<synchronous>, transform_indices = @transform_1, window_bounds = array<i64: 16, 32>}, {pipeline_mode = #tpu.pipeline_mode<synchronous>, transform_indices = @transform_2, window_bounds = array<i64: 1, 32>}, {pipeline_mode = #tpu.pipeline_mode<synchronous>, transform_indices = @transform_3, window_bounds = array<i64: 32, 128>}, {pipeline_mode = #tpu.pipeline_mode<synchronous>, transform_indices = @transform_4, window_bounds = array<i64: 1, 128>}, {transform_indices = @transform_5, window_bounds = array<i64: 8000, 128>}]} {
    %mul3A = arith.constant 8000 : i32
    %mul3A_0 = arith.muli %arg0, %mul3A : i32
    %add3A = arith.constant 160000 : i32
    %add3A_1 = arith.addi %add3A, %mul3A_0 : i32
    %eq3A = arith.constant 0 : i32
    %eq3A_2 = arith.cmpi eq, %arg0, %eq3A : i32
    %convert_element_type3A = arith.extui %eq3A_2 : i1 to i32
    %cond3A = arith.constant 0 : i32
    %cond3A_3 = arith.cmpi ne, %convert_element_type3A, %cond3A : i32
    scf.if %cond3A_3 {
      %dma_start3A = arith.constant 0 : i32
      %dma_start3A_76 = tpu.memref_slice %arg1[%add3A_1, %dma_start3A] : memref<320000x16xf32, #tpu.memory_space<any>> -> memref<4000x16xf32, #tpu.memory_space<any>>
      tpu.enqueue_dma source(%dma_start3A_76 : memref<4000x16xf32, #tpu.memory_space<any>>) target(%arg7 : memref<4000x16xf32, #tpu.memory_space<vmem>>) target_semaphore(%arg9 : memref<!tpu.dma_semaphore, #tpu.memory_space<semaphore_mem>>)
      %add3A_77 = arith.constant 4000 : i32
      %add3A_78 = arith.addi %add3A_1, %add3A_77 : i32
      %dma_start3A_79 = arith.constant 0 : i32
      %dma_start3A_80 = tpu.memref_slice %arg1[%add3A_78, %dma_start3A_79] : memref<320000x16xf32, #tpu.memory_space<any>> -> memref<4000x16xf32, #tpu.memory_space<any>>
      tpu.enqueue_dma source(%dma_start3A_80 : memref<4000x16xf32, #tpu.memory_space<any>>) target(%arg8 : memref<4000x16xf32, #tpu.memory_space<vmem>>) target_semaphore(%arg10 : memref<!tpu.dma_semaphore, #tpu.memory_space<semaphore_mem>>)
    } else {
    }
    %dma_wait3A = arith.constant 0 : i32
    %dma_wait3A_4 = tpu.memref_slice %arg1[%add3A_1, %dma_wait3A] : memref<320000x16xf32, #tpu.memory_space<any>> -> memref<4000x16xf32, #tpu.memory_space<any>>
    tpu.wait_dma2 semaphore(%arg9 : memref<!tpu.dma_semaphore, #tpu.memory_space<semaphore_mem>>) src(%dma_wait3A_4 : memref<4000x16xf32, #tpu.memory_space<any>>) dst(%arg7 : memref<4000x16xf32, #tpu.memory_space<vmem>>)
    %get3A = arith.constant 0 : index
    %get3A_5 = arith.constant 0 : index
    %get3A_6 = vector.load %arg7[%get3A, %get3A_5] : memref<4000x16xf32, #tpu.memory_space<vmem>>, vector<4000x16xf32>
    %get3A_7 = arith.constant 0 : index
    %get3A_8 = arith.constant 0 : index
    %get3A_9 = vector.load %arg2[%get3A_7, %get3A_8] : memref<16x32xf32, #tpu.memory_space<vmem>>, vector<16x32xf32>
    %dot_general3A = arith.constant dense<0.000000e+00> : vector<4000x32xf32>
    %dot_general3A_10 = tpu.matmul %get3A_6, %get3A_9, %dot_general3A {dimension_numbers = #tpu.dot_dimension_numbers<[1], [0], [0], [1], [0, 0, 1, 1], [], []>, transpose_lhs_hint = false} : vector<4000x16xf32>, vector<16x32xf32>, vector<4000x32xf32> -> vector<4000x32xf32>
    %get3A_11 = arith.constant 0 : index
    %get3A_12 = arith.constant 0 : index
    %get3A_13 = vector.load %arg3[%get3A_11, %get3A_12] : memref<1x32xf32, #tpu.memory_space<vmem>>, vector<1x32xf32>
    %add3A_14 = vector.broadcast %get3A_13 : vector<1x32xf32> to vector<4000x32xf32>
    %add3A_15 = arith.addf %dot_general3A_10, %add3A_14 : vector<4000x32xf32>
    %max3A = arith.constant 0.000000e+00 : f32
    %max3A_16 = vector.broadcast %max3A : f32 to vector<4000x32xf32>
    %max3A_17 = arith.maximumf %add3A_15, %max3A_16 : vector<4000x32xf32>
    %get3A_18 = arith.constant 0 : index
    %get3A_19 = arith.constant 0 : index
    %get3A_20 = vector.load %arg4[%get3A_18, %get3A_19] : memref<32x128xf32, #tpu.memory_space<vmem>>, vector<32x128xf32>
    %dot_general3A_21 = arith.constant dense<0.000000e+00> : vector<4000x128xf32>
    %dot_general3A_22 = tpu.matmul %max3A_17, %get3A_20, %dot_general3A_21 {dimension_numbers = #tpu.dot_dimension_numbers<[1], [0], [0], [1], [0, 0, 1, 1], [], []>, transpose_lhs_hint = false} : vector<4000x32xf32>, vector<32x128xf32>, vector<4000x128xf32> -> vector<4000x128xf32>
    %get3A_23 = arith.constant 0 : index
    %get3A_24 = arith.constant 0 : index
    %get3A_25 = vector.load %arg5[%get3A_23, %get3A_24] : memref<1x128xf32, #tpu.memory_space<vmem>>, vector<1x128xf32>
    %add3A_26 = vector.broadcast %get3A_25 : vector<1x128xf32> to vector<4000x128xf32>
    %add3A_27 = arith.addf %dot_general3A_22, %add3A_26 : vector<4000x128xf32>
    %swap3A = arith.constant 0 : index
    %swap3A_28 = arith.constant 0 : index
    %swap3A_29 = vector.load %arg6[%swap3A, %swap3A_28] : memref<8000x128xf32, #tpu.memory_space<vmem>>, vector<4000x128xf32>
    tpu.vector_store %arg6[%swap3A, %swap3A_28], %add3A_27 {strides = array<i32>} : memref<8000x128xf32, #tpu.memory_space<vmem>>, vector<4000x128xf32>,
    %add3A_30 = arith.constant 1 : i32
    %add3A_31 = arith.addi %arg0, %add3A_30 : i32
    %lt3A = arith.constant 20 : i32
    %lt3A_32 = arith.cmpi slt, %add3A_31, %lt3A : i32
    %convert_element_type3A_33 = arith.extui %lt3A_32 : i1 to i32
    %cond3A_34 = arith.constant 0 : i32
    %cond3A_35 = arith.cmpi ne, %convert_element_type3A_33, %cond3A_34 : i32
    scf.if %cond3A_35 {
      %add3A_76 = arith.constant 8000 : i32
      %add3A_77 = arith.addi %add3A_1, %add3A_76 : i32
      %dma_start3A = arith.constant 0 : i32
      %dma_start3A_78 = tpu.memref_slice %arg1[%add3A_77, %dma_start3A] : memref<320000x16xf32, #tpu.memory_space<any>> -> memref<4000x16xf32, #tpu.memory_space<any>>
      tpu.enqueue_dma source(%dma_start3A_78 : memref<4000x16xf32, #tpu.memory_space<any>>) target(%arg7 : memref<4000x16xf32, #tpu.memory_space<vmem>>) target_semaphore(%arg9 : memref<!tpu.dma_semaphore, #tpu.memory_space<semaphore_mem>>)
    } else {
    }
    %add3A_36 = arith.constant 4000 : i32
    %add3A_37 = arith.addi %add3A_1, %add3A_36 : i32
    %dma_wait3A_38 = arith.constant 0 : i32
    %dma_wait3A_39 = tpu.memref_slice %arg1[%add3A_37, %dma_wait3A_38] : memref<320000x16xf32, #tpu.memory_space<any>> -> memref<4000x16xf32, #tpu.memory_space<any>>
    tpu.wait_dma2 semaphore(%arg10 : memref<!tpu.dma_semaphore, #tpu.memory_space<semaphore_mem>>) src(%dma_wait3A_39 : memref<4000x16xf32, #tpu.memory_space<any>>) dst(%arg8 : memref<4000x16xf32, #tpu.memory_space<vmem>>)
    %get3A_40 = arith.constant 0 : index
    %get3A_41 = arith.constant 0 : index
    %get3A_42 = vector.load %arg8[%get3A_40, %get3A_41] : memref<4000x16xf32, #tpu.memory_space<vmem>>, vector<4000x16xf32>
    %get3A_43 = arith.constant 0 : index
    %get3A_44 = arith.constant 0 : index
    %get3A_45 = vector.load %arg2[%get3A_43, %get3A_44] : memref<16x32xf32, #tpu.memory_space<vmem>>, vector<16x32xf32>
    %dot_general3A_46 = arith.constant dense<0.000000e+00> : vector<4000x32xf32>
    %dot_general3A_47 = tpu.matmul %get3A_42, %get3A_45, %dot_general3A_46 {dimension_numbers = #tpu.dot_dimension_numbers<[1], [0], [0], [1], [0, 0, 1, 1], [], []>, transpose_lhs_hint = false} : vector<4000x16xf32>, vector<16x32xf32>, vector<4000x32xf32> -> vector<4000x32xf32>
    %get3A_48 = arith.constant 0 : index
    %get3A_49 = arith.constant 0 : index
    %get3A_50 = vector.load %arg3[%get3A_48, %get3A_49] : memref<1x32xf32, #tpu.memory_space<vmem>>, vector<1x32xf32>
    %add3A_51 = vector.broadcast %get3A_50 : vector<1x32xf32> to vector<4000x32xf32>
    %add3A_52 = arith.addf %dot_general3A_47, %add3A_51 : vector<4000x32xf32>
    %max3A_53 = arith.constant 0.000000e+00 : f32
    %max3A_54 = vector.broadcast %max3A_53 : f32 to vector<4000x32xf32>
    %max3A_55 = arith.maximumf %add3A_52, %max3A_54 : vector<4000x32xf32>
    %get3A_56 = arith.constant 0 : index
    %get3A_57 = arith.constant 0 : index
    %get3A_58 = vector.load %arg4[%get3A_56, %get3A_57] : memref<32x128xf32, #tpu.memory_space<vmem>>, vector<32x128xf32>
    %dot_general3A_59 = arith.constant dense<0.000000e+00> : vector<4000x128xf32>
    %dot_general3A_60 = tpu.matmul %max3A_55, %get3A_58, %dot_general3A_59 {dimension_numbers = #tpu.dot_dimension_numbers<[1], [0], [0], [1], [0, 0, 1, 1], [], []>, transpose_lhs_hint = false} : vector<4000x32xf32>, vector<32x128xf32>, vector<4000x128xf32> -> vector<4000x128xf32>
    %get3A_61 = arith.constant 0 : index
    %get3A_62 = arith.constant 0 : index
    %get3A_63 = vector.load %arg5[%get3A_61, %get3A_62] : memref<1x128xf32, #tpu.memory_space<vmem>>, vector<1x128xf32>
    %add3A_64 = vector.broadcast %get3A_63 : vector<1x128xf32> to vector<4000x128xf32>
    %add3A_65 = arith.addf %dot_general3A_60, %add3A_64 : vector<4000x128xf32>
    %swap3A_66 = arith.constant 4000 : index
    %swap3A_67 = arith.constant 0 : index
    %swap3A_68 = vector.load %arg6[%swap3A_66, %swap3A_67] : memref<8000x128xf32, #tpu.memory_space<vmem>>, vector<4000x128xf32>
    tpu.vector_store %arg6[%swap3A_66, %swap3A_67], %add3A_65 {strides = array<i32>} : memref<8000x128xf32, #tpu.memory_space<vmem>>, vector<4000x128xf32>,
    %add3A_69 = arith.constant 1 : i32
    %add3A_70 = arith.addi %arg0, %add3A_69 : i32
    %lt3A_71 = arith.constant 20 : i32
    %lt3A_72 = arith.cmpi slt, %add3A_70, %lt3A_71 : i32
    %convert_element_type3A_73 = arith.extui %lt3A_72 : i1 to i32
    %cond3A_74 = arith.constant 0 : i32
    %cond3A_75 = arith.cmpi ne, %convert_element_type3A_73, %cond3A_74 : i32
    scf.if %cond3A_75 {
      %add3A_76 = arith.constant 12000 : i32
      %add3A_77 = arith.addi %add3A_1, %add3A_76 : i32
      %dma_start3A = arith.constant 0 : i32
      %dma_start3A_78 = tpu.memref_slice %arg1[%add3A_77, %dma_start3A] : memref<320000x16xf32, #tpu.memory_space<any>> -> memref<4000x16xf32, #tpu.memory_space<any>>
      tpu.enqueue_dma source(%dma_start3A_78 : memref<4000x16xf32, #tpu.memory_space<any>>) target(%arg8 : memref<4000x16xf32, #tpu.memory_space<vmem>>) target_semaphore(%arg10 : memref<!tpu.dma_semaphore, #tpu.memory_space<semaphore_mem>>)
    } else {
    }
    return
  }
  func.func @transform_1(%arg0: i32) -> (i32, i32) {
    %c0_i32 = arith.constant 0 : i32
    %c0_i32_0 = arith.constant 0 : i32
    %c0_i32_1 = arith.constant 0 : i32
    return %c0_i32, %c0_i32_0 : i32, i32
  }
  func.func @transform_2(%arg0: i32) -> (i32, i32) {
    %c0_i32 = arith.constant 0 : i32
    %c0_i32_0 = arith.constant 0 : i32
    %c0_i32_1 = arith.constant 0 : i32
    return %c0_i32, %c0_i32_0 : i32, i32
  }
  func.func @transform_3(%arg0: i32) -> (i32, i32) {
    %c0_i32 = arith.constant 0 : i32
    %c0_i32_0 = arith.constant 0 : i32
    %c0_i32_1 = arith.constant 0 : i32
    return %c0_i32, %c0_i32_0 : i32, i32
  }
  func.func @transform_4(%arg0: i32) -> (i32, i32) {
    %c0_i32 = arith.constant 0 : i32
    %c0_i32_0 = arith.constant 0 : i32
    %c0_i32_1 = arith.constant 0 : i32
    return %c0_i32, %c0_i32_0 : i32, i32
  }
  func.func @transform_5(%arg0: i32) -> (i32, i32) {
    %c0_i32 = arith.constant 0 : i32
    %c0_i32_0 = arith.constant 0 : i32
    return %arg0, %c0_i32 : i32, i32
  }
}

module attributes {stable_mosaic.version = 14 : i64} {
  func.func @_edge_mlp_body(%arg0: i32, %arg1: memref<320000x16xf32, #tpu.memory_space<any>>, %arg2: memref<16x32xf32, #tpu.memory_space<vmem>>, %arg3: memref<1x32xf32, #tpu.memory_space<vmem>>, %arg4: memref<32x128xf32, #tpu.memory_space<vmem>>, %arg5: memref<1x128xf32, #tpu.memory_space<vmem>>, %arg6: memref<8000x128xf32, #tpu.memory_space<vmem>>, %arg7: memref<4000x16xf32, #tpu.memory_space<vmem>>, %arg8: memref<4000x16xf32, #tpu.memory_space<vmem>>, %arg9: memref<!tpu.dma_semaphore, #tpu.memory_space<semaphore_mem>>, %arg10: memref<!tpu.dma_semaphore, #tpu.memory_space<semaphore_mem>>) attributes {dimension_semantics = [#tpu.dimension_semantics<arbitrary>], iteration_bounds = array<i64: 20>, scalar_prefetch = 0 : i64, scratch_operands = 4 : i64, tpu.core_type = #tpu.core_type<tc>, window_params = [{}, {pipeline_mode = #tpu.pipeline_mode<synchronous>, transform_indices = @transform_1, window_bounds = array<i64: 16, 32>}, {pipeline_mode = #tpu.pipeline_mode<synchronous>, transform_indices = @transform_2, window_bounds = array<i64: 1, 32>}, {pipeline_mode = #tpu.pipeline_mode<synchronous>, transform_indices = @transform_3, window_bounds = array<i64: 32, 128>}, {pipeline_mode = #tpu.pipeline_mode<synchronous>, transform_indices = @transform_4, window_bounds = array<i64: 1, 128>}, {transform_indices = @transform_5, window_bounds = array<i64: 8000, 128>}]} {
    %mul3A = arith.constant 8000 : i32
    %mul3A_0 = arith.muli %arg0, %mul3A : i32
    %add3A = arith.constant 0 : i32
    %add3A_1 = arith.addi %add3A, %mul3A_0 : i32
    %eq3A = arith.constant 0 : i32
    %eq3A_2 = arith.cmpi eq, %arg0, %eq3A : i32
    %convert_element_type3A = arith.extui %eq3A_2 : i1 to i32
    %cond3A = arith.constant 0 : i32
    %cond3A_3 = arith.cmpi ne, %convert_element_type3A, %cond3A : i32
    scf.if %cond3A_3 {
      %dma_start3A = arith.constant 0 : i32
      %dma_start3A_76 = tpu.memref_slice %arg1[%add3A_1, %dma_start3A] : memref<320000x16xf32, #tpu.memory_space<any>> -> memref<4000x16xf32, #tpu.memory_space<any>>
      tpu.enqueue_dma source(%dma_start3A_76 : memref<4000x16xf32, #tpu.memory_space<any>>) target(%arg7 : memref<4000x16xf32, #tpu.memory_space<vmem>>) target_semaphore(%arg9 : memref<!tpu.dma_semaphore, #tpu.memory_space<semaphore_mem>>)
      %add3A_77 = arith.constant 4000 : i32
      %add3A_78 = arith.addi %add3A_1, %add3A_77 : i32
      %dma_start3A_79 = arith.constant 0 : i32
      %dma_start3A_80 = tpu.memref_slice %arg1[%add3A_78, %dma_start3A_79] : memref<320000x16xf32, #tpu.memory_space<any>> -> memref<4000x16xf32, #tpu.memory_space<any>>
      tpu.enqueue_dma source(%dma_start3A_80 : memref<4000x16xf32, #tpu.memory_space<any>>) target(%arg8 : memref<4000x16xf32, #tpu.memory_space<vmem>>) target_semaphore(%arg10 : memref<!tpu.dma_semaphore, #tpu.memory_space<semaphore_mem>>)
    } else {
    }
    %dma_wait3A = arith.constant 0 : i32
    %dma_wait3A_4 = tpu.memref_slice %arg1[%add3A_1, %dma_wait3A] : memref<320000x16xf32, #tpu.memory_space<any>> -> memref<4000x16xf32, #tpu.memory_space<any>>
    tpu.wait_dma2 semaphore(%arg9 : memref<!tpu.dma_semaphore, #tpu.memory_space<semaphore_mem>>) src(%dma_wait3A_4 : memref<4000x16xf32, #tpu.memory_space<any>>) dst(%arg7 : memref<4000x16xf32, #tpu.memory_space<vmem>>)
    %get3A = arith.constant 0 : index
    %get3A_5 = arith.constant 0 : index
    %get3A_6 = vector.load %arg7[%get3A, %get3A_5] : memref<4000x16xf32, #tpu.memory_space<vmem>>, vector<4000x16xf32>
    %get3A_7 = arith.constant 0 : index
    %get3A_8 = arith.constant 0 : index
    %get3A_9 = vector.load %arg2[%get3A_7, %get3A_8] : memref<16x32xf32, #tpu.memory_space<vmem>>, vector<16x32xf32>
    %dot_general3A = arith.constant dense<0.000000e+00> : vector<4000x32xf32>
    %dot_general3A_10 = tpu.matmul %get3A_6, %get3A_9, %dot_general3A {dimension_numbers = #tpu.dot_dimension_numbers<[1], [0], [0], [1], [0, 0, 1, 1], [], []>, transpose_lhs_hint = false} : vector<4000x16xf32>, vector<16x32xf32>, vector<4000x32xf32> -> vector<4000x32xf32>
    %get3A_11 = arith.constant 0 : index
    %get3A_12 = arith.constant 0 : index
    %get3A_13 = vector.load %arg3[%get3A_11, %get3A_12] : memref<1x32xf32, #tpu.memory_space<vmem>>, vector<1x32xf32>
    %add3A_14 = vector.broadcast %get3A_13 : vector<1x32xf32> to vector<4000x32xf32>
    %add3A_15 = arith.addf %dot_general3A_10, %add3A_14 : vector<4000x32xf32>
    %max3A = arith.constant 0.000000e+00 : f32
    %max3A_16 = vector.broadcast %max3A : f32 to vector<4000x32xf32>
    %max3A_17 = arith.maximumf %add3A_15, %max3A_16 : vector<4000x32xf32>
    %get3A_18 = arith.constant 0 : index
    %get3A_19 = arith.constant 0 : index
    %get3A_20 = vector.load %arg4[%get3A_18, %get3A_19] : memref<32x128xf32, #tpu.memory_space<vmem>>, vector<32x128xf32>
    %dot_general3A_21 = arith.constant dense<0.000000e+00> : vector<4000x128xf32>
    %dot_general3A_22 = tpu.matmul %max3A_17, %get3A_20, %dot_general3A_21 {dimension_numbers = #tpu.dot_dimension_numbers<[1], [0], [0], [1], [0, 0, 1, 1], [], []>, transpose_lhs_hint = false} : vector<4000x32xf32>, vector<32x128xf32>, vector<4000x128xf32> -> vector<4000x128xf32>
    %get3A_23 = arith.constant 0 : index
    %get3A_24 = arith.constant 0 : index
    %get3A_25 = vector.load %arg5[%get3A_23, %get3A_24] : memref<1x128xf32, #tpu.memory_space<vmem>>, vector<1x128xf32>
    %add3A_26 = vector.broadcast %get3A_25 : vector<1x128xf32> to vector<4000x128xf32>
    %add3A_27 = arith.addf %dot_general3A_22, %add3A_26 : vector<4000x128xf32>
    %swap3A = arith.constant 0 : index
    %swap3A_28 = arith.constant 0 : index
    %swap3A_29 = vector.load %arg6[%swap3A, %swap3A_28] : memref<8000x128xf32, #tpu.memory_space<vmem>>, vector<4000x128xf32>
    tpu.vector_store %arg6[%swap3A, %swap3A_28], %add3A_27 {strides = array<i32>} : memref<8000x128xf32, #tpu.memory_space<vmem>>, vector<4000x128xf32>,
    %add3A_30 = arith.constant 1 : i32
    %add3A_31 = arith.addi %arg0, %add3A_30 : i32
    %lt3A = arith.constant 20 : i32
    %lt3A_32 = arith.cmpi slt, %add3A_31, %lt3A : i32
    %convert_element_type3A_33 = arith.extui %lt3A_32 : i1 to i32
    %cond3A_34 = arith.constant 0 : i32
    %cond3A_35 = arith.cmpi ne, %convert_element_type3A_33, %cond3A_34 : i32
    scf.if %cond3A_35 {
      %add3A_76 = arith.constant 8000 : i32
      %add3A_77 = arith.addi %add3A_1, %add3A_76 : i32
      %dma_start3A = arith.constant 0 : i32
      %dma_start3A_78 = tpu.memref_slice %arg1[%add3A_77, %dma_start3A] : memref<320000x16xf32, #tpu.memory_space<any>> -> memref<4000x16xf32, #tpu.memory_space<any>>
      tpu.enqueue_dma source(%dma_start3A_78 : memref<4000x16xf32, #tpu.memory_space<any>>) target(%arg7 : memref<4000x16xf32, #tpu.memory_space<vmem>>) target_semaphore(%arg9 : memref<!tpu.dma_semaphore, #tpu.memory_space<semaphore_mem>>)
    } else {
    }
    %add3A_36 = arith.constant 4000 : i32
    %add3A_37 = arith.addi %add3A_1, %add3A_36 : i32
    %dma_wait3A_38 = arith.constant 0 : i32
    %dma_wait3A_39 = tpu.memref_slice %arg1[%add3A_37, %dma_wait3A_38] : memref<320000x16xf32, #tpu.memory_space<any>> -> memref<4000x16xf32, #tpu.memory_space<any>>
    tpu.wait_dma2 semaphore(%arg10 : memref<!tpu.dma_semaphore, #tpu.memory_space<semaphore_mem>>) src(%dma_wait3A_39 : memref<4000x16xf32, #tpu.memory_space<any>>) dst(%arg8 : memref<4000x16xf32, #tpu.memory_space<vmem>>)
    %get3A_40 = arith.constant 0 : index
    %get3A_41 = arith.constant 0 : index
    %get3A_42 = vector.load %arg8[%get3A_40, %get3A_41] : memref<4000x16xf32, #tpu.memory_space<vmem>>, vector<4000x16xf32>
    %get3A_43 = arith.constant 0 : index
    %get3A_44 = arith.constant 0 : index
    %get3A_45 = vector.load %arg2[%get3A_43, %get3A_44] : memref<16x32xf32, #tpu.memory_space<vmem>>, vector<16x32xf32>
    %dot_general3A_46 = arith.constant dense<0.000000e+00> : vector<4000x32xf32>
    %dot_general3A_47 = tpu.matmul %get3A_42, %get3A_45, %dot_general3A_46 {dimension_numbers = #tpu.dot_dimension_numbers<[1], [0], [0], [1], [0, 0, 1, 1], [], []>, transpose_lhs_hint = false} : vector<4000x16xf32>, vector<16x32xf32>, vector<4000x32xf32> -> vector<4000x32xf32>
    %get3A_48 = arith.constant 0 : index
    %get3A_49 = arith.constant 0 : index
    %get3A_50 = vector.load %arg3[%get3A_48, %get3A_49] : memref<1x32xf32, #tpu.memory_space<vmem>>, vector<1x32xf32>
    %add3A_51 = vector.broadcast %get3A_50 : vector<1x32xf32> to vector<4000x32xf32>
    %add3A_52 = arith.addf %dot_general3A_47, %add3A_51 : vector<4000x32xf32>
    %max3A_53 = arith.constant 0.000000e+00 : f32
    %max3A_54 = vector.broadcast %max3A_53 : f32 to vector<4000x32xf32>
    %max3A_55 = arith.maximumf %add3A_52, %max3A_54 : vector<4000x32xf32>
    %get3A_56 = arith.constant 0 : index
    %get3A_57 = arith.constant 0 : index
    %get3A_58 = vector.load %arg4[%get3A_56, %get3A_57] : memref<32x128xf32, #tpu.memory_space<vmem>>, vector<32x128xf32>
    %dot_general3A_59 = arith.constant dense<0.000000e+00> : vector<4000x128xf32>
    %dot_general3A_60 = tpu.matmul %max3A_55, %get3A_58, %dot_general3A_59 {dimension_numbers = #tpu.dot_dimension_numbers<[1], [0], [0], [1], [0, 0, 1, 1], [], []>, transpose_lhs_hint = false} : vector<4000x32xf32>, vector<32x128xf32>, vector<4000x128xf32> -> vector<4000x128xf32>
    %get3A_61 = arith.constant 0 : index
    %get3A_62 = arith.constant 0 : index
    %get3A_63 = vector.load %arg5[%get3A_61, %get3A_62] : memref<1x128xf32, #tpu.memory_space<vmem>>, vector<1x128xf32>
    %add3A_64 = vector.broadcast %get3A_63 : vector<1x128xf32> to vector<4000x128xf32>
    %add3A_65 = arith.addf %dot_general3A_60, %add3A_64 : vector<4000x128xf32>
    %swap3A_66 = arith.constant 4000 : index
    %swap3A_67 = arith.constant 0 : index
    %swap3A_68 = vector.load %arg6[%swap3A_66, %swap3A_67] : memref<8000x128xf32, #tpu.memory_space<vmem>>, vector<4000x128xf32>
    tpu.vector_store %arg6[%swap3A_66, %swap3A_67], %add3A_65 {strides = array<i32>} : memref<8000x128xf32, #tpu.memory_space<vmem>>, vector<4000x128xf32>,
    %add3A_69 = arith.constant 1 : i32
    %add3A_70 = arith.addi %arg0, %add3A_69 : i32
    %lt3A_71 = arith.constant 20 : i32
    %lt3A_72 = arith.cmpi slt, %add3A_70, %lt3A_71 : i32
    %convert_element_type3A_73 = arith.extui %lt3A_72 : i1 to i32
    %cond3A_74 = arith.constant 0 : i32
    %cond3A_75 = arith.cmpi ne, %convert_element_type3A_73, %cond3A_74 : i32
    scf.if %cond3A_75 {
      %add3A_76 = arith.constant 12000 : i32
      %add3A_77 = arith.addi %add3A_1, %add3A_76 : i32
      %dma_start3A = arith.constant 0 : i32
      %dma_start3A_78 = tpu.memref_slice %arg1[%add3A_77, %dma_start3A] : memref<320000x16xf32, #tpu.memory_space<any>> -> memref<4000x16xf32, #tpu.memory_space<any>>
      tpu.enqueue_dma source(%dma_start3A_78 : memref<4000x16xf32, #tpu.memory_space<any>>) target(%arg8 : memref<4000x16xf32, #tpu.memory_space<vmem>>) target_semaphore(%arg10 : memref<!tpu.dma_semaphore, #tpu.memory_space<semaphore_mem>>)
    } else {
    }
    return
  }
  func.func @transform_1(%arg0: i32) -> (i32, i32) {
    %c0_i32 = arith.constant 0 : i32
    %c0_i32_0 = arith.constant 0 : i32
    %c0_i32_1 = arith.constant 0 : i32
    return %c0_i32, %c0_i32_0 : i32, i32
  }
  func.func @transform_2(%arg0: i32) -> (i32, i32) {
    %c0_i32 = arith.constant 0 : i32
    %c0_i32_0 = arith.constant 0 : i32
    %c0_i32_1 = arith.constant 0 : i32
    return %c0_i32, %c0_i32_0 : i32, i32
  }
  func.func @transform_3(%arg0: i32) -> (i32, i32) {
    %c0_i32 = arith.constant 0 : i32
    %c0_i32_0 = arith.constant 0 : i32
    %c0_i32_1 = arith.constant 0 : i32
    return %c0_i32, %c0_i32_0 : i32, i32
  }
  func.func @transform_4(%arg0: i32) -> (i32, i32) {
    %c0_i32 = arith.constant 0 : i32
    %c0_i32_0 = arith.constant 0 : i32
    %c0_i32_1 = arith.constant 0 : i32
    return %c0_i32, %c0_i32_0 : i32, i32
  }
  func.func @transform_5(%arg0: i32) -> (i32, i32) {
    %c0_i32 = arith.constant 0 : i32
    %c0_i32_0 = arith.constant 0 : i32
    return %arg0, %c0_i32 : i32, i32
  }
}

</mosaic_0001>

<sc_bundles>
// kernel: kernel.10.cloned.1.call-start
scs
__scs_entry_jumppad:
0x0: {  	(pc) =	sbr.rel $0x88, $3  }
0x1: {  	(tag) =	ssettag $0x0;
	lr =	simm.s32 $0x1  }
0x2: {  	[smem:$0x3F95] =	sst lr;
	_ =	strace $0xD0000000  }
0x3: {  	_ = 	snop  }
0x4: {  	_ = 	snop  }
0x5: {  	_ = 	snop  }
0x6: {  	_ = 	snop  }
0x7: {  	_ = 	snop  }
__scs_overlays_trampoline_lowered:
0x8: {  	[smem:$0x3FA4] =	sst s0  }
0x9: {  	[smem:$0x3FA5] =	sst s1  }
0xa: {  	[smem:$0x3FA6] =	sst s2  }
0xb: {  	[smem:$0x3FA7] =	sst s3  }
0xc: {  	[smem:$0x3FA8] =	sst s4  }
0xd: {  	[smem:$0x3FA9] =	sst s5  }
0xe: {  	[smem:$0x3FAA] =	sst s6  }
0xf: {  	[smem:$0x3FAB] =	sst s7  }
0x10: {  	[smem:$0x3FAC] =	sst s8  }
0x11: {  	[smem:$0x3FAD] =	sst s9;
	s0 =	simm.s32 @!p0 $0x0  }
0x12: {  	s1 =	sld [smem:$0x3F93];
	s0 =	simm.s32 @p0 $0x1  }
0x13: {  	[smem:$0x3FAE] =	sst s0;
	s0 =	simm.s32 @!p1 $0x0  }
0x14: {  	s2 =	sld [smem:$0x3F92];
	s0 =	simm.s32 @p1 $0x1  }
0x15: {  	[smem:$0x3FAF] =	sst s0;
	s0 =	simm.s32 @!p2 $0x0  }
0x16: {  	s3 =	sld [smem:$0x3FDB];
	s0 =	simm.s32 @p2 $0x1  }
0x17: {  	s4 =	simm.s32 $0x1BF5;
	[smem:$0x3FB1] =	sst s0  }
0x18: {  	s0 =	sld [smem:$0x3F94];
	_ =	swait.ge [sflag:s4], $0x0  }
0x19: {  	s7 =	sld [smem:$0x3F95]  }
0x1a: {  	s8 =	sadd.s32 $0xFFFFE003, lr  }
0x1b: {  	s9 =	sadd.s32 $0xFFFFFEF7, lr;
	s5 =	simm.s32 $0xFFFFFFFF;
	p2 =	slt.u32 s8, $0xFFFFF086  }
0x1c: {  	p1 =	slt.u32 s9, $0xF7A;
	s5 =	simm.s32 @!p2 $0x0  }
0x1d: {  	s5 =	simm.s32 @p1 $0x1;
	p0 =	seq.s32 s7, s2  }
0x1e: {  	s7 =	smul.u32 @!p0 $0xF7A, s2;
	p2 =	seq.s32 @!p0 s5, $0x0  }
0x1f: {  	s9 =	smul.u32 $0xF7A, s1;
	s8 =	simm.s32 @!p0 $0x1BF5;
	p2 =	por !p2, p0  }
0x20: {  	[sflag:s8] =	ssyncset.s32 @!p0 $0xFFFFF086;
	s6 =	sadd.s32 @!p0 s3, s7;
	s7 =	simm.s32 @!p0 $0x108  }
0x21: {  	s3 =	sadd.s32 s3, s9;
	s6 =	sadd.s32 @!p0 $0x88, s6;
	s7 =	simm.s32 @p2 $0x1082  }
0x22: {  	[simem:s7], [sflag:s8] =	dma.local @!p0 [hbm:s6], $0xF7A  }
0x23: {  	s9 =	sor.u32 $0xD0000000, s2;
	s6 =	simm.s32 $0x108;
	_ =	swait.ge @!p0 [sflag:s8], $0x0  }
0x24: {  	s3 =	sadd.s32 $0x88, s3;
	s6 =	simm.s32 @!p1 $0x1082;
	[sflag:s4] =	ssyncset.s32 $0xFFFFF086  }
0x25: {  	[simem:s6], [sflag:s4] =	dma.local [hbm:s3], $0xF7A  }
0x26: {  	[smem:$0x3F95] =	sst s1;
	(tag) =	ssettag s2;
	_ =	strace s9  }
0x27: {  	s1 =	sld [smem:$0x3FA5]  }
0x28: {  	s2 =	sld [smem:$0x3FA6]  }
0x29: {  	s4 =	sld [smem:$0x3FA8]  }
0x2a: {  	p0 =	seq.s32 s5, $0x0;
	s5 =	sld [smem:$0x3FA9]  }
0x2b: {  	s6 =	sld [smem:$0x3FAA]  }
0x2c: {  	s7 =	sld [smem:$0x3FAB]  }
0x2d: {  	s3 =	simm.s32 $0x108;
	s8 =	sld [smem:$0x3FAC]  }
0x2e: {  	s3 =	simm.s32 @!p0 $0x1082;
	s9 =	sld [smem:$0x3FAD]  }
0x2f: {  	lr =	sadd.s32 s0, s3;
	s0 =	sld [smem:$0x3FA4]  }
0x30: {  	s3 =	sld [smem:$0x3FA7]  }
0x31: {  	[smem:$0x3FB0] =	sst s10  }
0x32: {  	s10 =	sld [smem:$0x3FAE];
	_ =	sdelay $0x3  }
0x33: {  	p0 =	seq.s32 s10, $0x1;
	s10 =	sld [smem:$0x3FB0];
	_ =	sdelay $0x3  }
0x34: {  	[smem:$0x3FB0] =	sst s10  }
0x35: {  	s10 =	sld [smem:$0x3FAF];
	_ =	sdelay $0x3  }
0x36: {  	p1 =	seq.s32 s10, $0x1;
	s10 =	sld [smem:$0x3FB0];
	_ =	sdelay $0x3  }
0x37: {  	[smem:$0x3FB0] =	sst s10  }
0x38: {  	s10 =	sld [smem:$0x3FB1]  }
0x39: {  	_ = 	snop;
	(pc) =	sbr.ind lr, $3  }
0x3a: {  	_ = 	snop  }
0x3b: {  	_ = 	snop  }
0x3c: {  	p2 =	seq.s32 s10, $0x1;
	s10 =	sld [smem:$0x3FB0]  }
0x3d: {  	_ =	shalt  }
0x3e: {  	_ =	shalt  }
0x3f: {  	_ =	shalt  }
0x40: {  	_ =	shalt  }
0x41: {  	_ =	shalt  }
0x42: {  	_ =	shalt  }
0x43: {  	_ =	shalt  }
0x44: {  	_ =	shalt  }
0x45: {  	_ =	shalt  }
0x46: {  	_ =	shalt  }
0x47: {  	_ =	shalt  }
0x48: {  	_ =	shalt  }
0x49: {  	_ =	shalt  }
0x4a: {  	_ =	shalt  }
0x4b: {  	_ =	shalt  }
0x4c: {  	_ =	shalt  }
0x4d: {  	_ =	shalt  }
0x4e: {  	_ =	shalt  }
0x4f: {  	_ =	shalt  }
0x50: {  	_ =	shalt  }
0x51: {  	_ =	shalt  }
0x52: {  	_ =	shalt  }
0x53: {  	_ =	shalt  }
0x54: {  	_ =	shalt  }
0x55: {  	_ =	shalt  }
0x56: {  	_ =	shalt  }
0x57: {  	_ =	shalt  }
0x58: {  	_ =	shalt  }
0x59: {  	_ =	shalt  }
0x5a: {  	_ =	shalt  }
0x5b: {  	_ =	shalt  }
0x5c: {  	_ =	shalt  }
0x5d: {  	_ =	shalt  }
0x5e: {  	_ =	shalt  }
0x5f: {  	_ =	shalt  }
0x60: {  	_ =	shalt  }
0x61: {  	_ =	shalt  }
0x62: {  	_ =	shalt  }
0x63: {  	_ =	shalt  }
0x64: {  	_ =	shalt  }
0x65: {  	_ =	shalt  }
0x66: {  	_ =	shalt  }
0x67: {  	_ =	shalt  }
0x68: {  	_ =	shalt  }
0x69: {  	_ =	shalt  }
0x6a: {  	_ =	shalt  }
0x6b: {  	_ =	shalt  }
0x6c: {  	_ =	shalt  }
0x6d: {  	_ =	shalt  }
0x6e: {  	_ =	shalt  }
0x6f: {  	_ =	shalt  }
0x70: {  	_ =	shalt  }
0x71: {  	_ =	shalt  }
0x72: {  	_ =	shalt  }
0x73: {  	_ =	shalt  }
0x74: {  	_ =	shalt  }
0x75: {  	_ =	shalt  }
0x76: {  	_ =	shalt  }
0x77: {  	_ =	shalt  }
0x78: {  	_ =	shalt  }
0x79: {  	_ =	shalt  }
0x7a: {  	_ =	shalt  }
0x7b: {  	_ =	shalt  }
0x7c: {  	_ =	shalt  }
0x7d: {  	_ =	shalt  }
0x7e: {  	_ =	shalt  }
0x7f: {  	_ =	shalt  }
0x80: {  	_ =	shalt  }
0x81: {  	_ =	shalt  }
0x82: {  	_ =	shalt  }
0x83: {  	_ =	shalt  }
0x84: {  	_ =	shalt  }
0x85: {  	_ =	shalt  }
0x86: {  	_ =	shalt  }
0x87: {  	_ =	shalt  }
.Lfunc_end0:
.L_simem_size_0:
called_computation.1_lowered:
.L_overlay_start_0:
0x88: {  	s2 =	sld [smem:$0x3FD9]  }
0x89: {  	s3 =	sld [smem:$0x3FFE];
	_ =	sdelay $0x1  }
0x8a: {  	s1 =	srdreg.scid  }
0x8b: {  	s0 =	sand.u32 $0x1, s1  }
0x8c: {  	s17 =	sshll.u32 s0, $0xA;
	s2 =	sadd.s32 s3, s2  }
0x8d: {  	s2 =	sadd.s32 s2, s17  }
0x8e: {  	[smem:$0x3FBC] =	sst s2  }
0x8f: {  	_ = 	snop  }
0x90: {  	s18 =	sld [smem:$0x3FC9]  }
0x91: {  	s4 =	sld [smem:$0x3FD0];
	(tm) =	ssettm $0x1  }
0x92: {  	s19 =	sld [smem:$0x3FFB];
	_ =	sdelay $0x3  }
0x93: {  	_ =	strace s19  }
0x94: {  	s2 =	sld [smem:$0x3FFC];
	_ =	sdelay $0x3  }
0x95: {  	_ =	strace s2  }
0x96: {  	s2 =	sld [smem:$0x3FFD];
	_ =	sdelay $0x3  }
0x97: {  	_ =	strace s2  }
0x98: {  	_ =	strace $0x8FFFFFFF  }
0x99: {  	s20 =	sld [smem:$0x3FDB];
	_ =	sdelay $0x1  }
0x9a: {  	s5 =	simm.s32 $_scs_section_size  }
0x9b: {  	s6 =	simm.s32 $_size__tile_overlayer_lowered;
	s7 =	simm.s32 $_tile_overlayer_lowered  }
0x9c: {  	s8 =	simm.s32 $0x1BFF;
	s21 =	sshll.u32 s7, $0x1;
	s5 =	sadd.s32 s5, s20  }
0x9d: {  	s22 =	simm.s32 $0x0;
	s6 =	sshll.u32 s6, $0x1;
	s7 =	sadd.s32 s21, s5  }
0x9e: {  	[timem:s22], [sflag:s8] =	dma.local [hbm:s7], s6  }
0x9f: {  	_ =	swait.ge [sflag:s8], s6  }
0xa0: {  	s6 =	ssub.s32 $0x0, s6;
	[sflag:s8] =	ssyncset.done $0x0  }
0xa1: {  	[sflag:s8] =	ssyncadd.s32 s6;
	_ =	sdelay $0x1  }
0xa2: {  	s23 =	simm.s32 $0x1B8B  }
0xa3: {  	_ =	swait.ge [sflag:s23], $0x1  }
0xa4: {  	[sflag:s23] =	ssyncset.done $0x0  }
0xa5: {  	[sflag:s23] =	ssyncadd.s32 $0xFFFFFFFF  }
0xa6: {  	s6 =	sld [smem:$0x0]  }
0xa7: {  	s7 =	sand.u32 $0xFFFFFFFE, s1  }
0xa8: {  	p0 =	sne.s32 s1, s7  }
0xa9: {  	s7 =	sshll.u32 @p0 s7, $0xE  }
0xaa: {  	s7 =	sadd.s32 @p0 $0x11B8D, s7;
	s8 =	sshll.u32 @p0 s6, $0x11  }
0xab: {  	s7 =	sor.u32 @p0 s8, s7  }
0xac: {  	[sflag:s7] =	ssyncadd.remote.s32 @p0 $0x1;
	_ =	sdelay $0x1  }
0xad: {  	s7 =	simm.s32 @p0 $0x1B8D  }
0xae: {  	_ =	swait.eq @p0 [sflag:s7], $0x1  }
0xaf: {  	[sflag:s7] =	ssyncadd.s32 @p0 $0xFFFFFFFF  }
0xb0: {  	s8 =	sshll.u32 @!p0 s1, $0xE  }
0xb1: {  	s8 =	sor.u32 @!p0 $0x4000, s8;
	s7 =	simm.s32 @!p0 $0x1B8D  }
0xb2: {  	s6 =	sshll.u32 @!p0 s6, $0x11;
	s8 =	sadd.s32 @!p0 $0x11B8D, s8;
	_ =	swait.eq @!p0 [sflag:s7], $0x1  }
0xb3: {  	s6 =	sor.u32 @!p0 s6, s8;
	[sflag:s7] =	ssyncadd.s32 @!p0 $0xFFFFFFFF  }
0xb4: {  	s25 =	simm.s32 $0x1B8E;
	s24 =	sld [smem:$0x3FFE];
	[sflag:s6] =	ssyncadd.remote.s32 @!p0 $0x1  }
0xb5: {  	s26 =	simm.s32 $execute0_lowered;
	[smem:$0x3FD2] =	sst s25  }
0xb6: {  	s7 =	sshll.u32 s26, $0x1;
	_ =	strace $0x80000049;
	[dreg:$0x1] =	wrdreg $0xFFFFFFFF  }
0xb7: {  	s28 =	simm.s32 $_size_execute0_lowered;
	s5 =	sadd.s32 s5, s7;
	[dreg:$0x0] =	wrdreg $0x0  }
0xb8: {  	s7 =	sshll.u32 s28, $0x1;
	[dreg:$0x2] =	wrdreg s5  }
0xb9: {  	[dreg:$0x3] =	wrdreg s7  }
0xba: {  	[dreg:$0x4] =	wrdreg $0xC0  }
0xbb: {  	_ =	task [dreg:s22], $0x5FFFF  }
0xbc: {  	[dreg:$0x1] =	wrdreg $0xFFFFFFFF  }
0xbd: {  	[dreg:$0x0] =	wrdreg $0x60  }
0xbe: {  	[dreg:$0x2] =	wrdreg s18  }
0xbf: {  	[dreg:$0x3] =	wrdreg s4  }
0xc0: {  	[dreg:$0x4] =	wrdreg s24  }
0xc1: {  	[dreg:$0x5] =	wrdreg $0xA0000  }
0xc2: {  	[dreg:$0x6] =	wrdreg $0xA  }
0xc3: {  	_ =	task.clear_ibuf [dreg:s22], $0x7FFFF;
	_ =	strace $0x90000049  }
0xc4: {  	s29 =	simm.s32 $0xA;
	_ =	strace $0x8000004B  }
0xc5: {  	_ =	swait.ge [sflag:s29], $0x1  }
0xc6: {  	[sflag:s29] =	ssyncadd.s32 $0xFFFFFFFF  }
0xc7: {  	_ =	strace $0x9000004B  }
0xc8: {  	_ =	sfence  }
0xc9: {  	s30 =	sld [smem:$0x0];
	_ =	sdelay $0x2  }
0xca: {  	s31 =	sshll.u32 s1, $0xD;
	s1 =	sshrl.u32 s1, $0x2  }
0xcb: {  	s4 =	sand.u32 $0x4000, s31;
	s1 =	sadd.s32 s1, s30  }
0xcc: {  	s0 =	sor.u32 s4, s0;
	s1 =	sshll.u32 s1, $0x11  }
0xcd: {  	s0 =	sor.u32 s1, s0  }
0xce: {  	s0 =	sadd.s32 $0x8F2B, s0  }
0xcf: {  	[sflag:s0] =	ssyncadd.remote.s32 $0x1  }
0xd0: {  	_ =	sfence.sel $0xFFFF  }
0xd1: {  	[dreg:$0x0] =	wrdreg $0xFFFFFFFF;
	(pc) =	sbr.abs _section_cstart, $3  }
0xd2: {  	[dreg:$0x1] =	wrdreg $0xFFFFFFFF  }
0xd3: {  	_ =	task.clear_ibuf [dreg:s22], $0x2FFFF;
	_ =	strace $0x9FFFFFFF  }
0xd4: {  	(tm) =	ssettm $0x7FFFFFFF  }
0xd5: {  	_ =	shalt  }
tec
execute0_lowered:
.L_overlay_start_1:
0x0: {  	(tag) =	ssettag $0x1  }
0x1: {  	s1 =	rddreg [dreg:$0x0]  }
0x2: {  	s0 =	rddreg [dreg:$0x1]  }
0x3: {  	s2 =	rddreg [dreg:$0x2]  }
0x4: {  	s3 =	rddreg [dreg:$0x3]  }
0x5: {  	s5 =	srdreg.scid;
	s10 =	stileid.u32  }
0x6: {  	s4 =	simm.s32 $0x0;
	s28 =	simm.s32 $0x7800;
	s13 =	smul.u32 $0x14000, s10  }
0x7: {  	s29 =	simm.s32 $0x77B0;
	s7 =	sand.u32 $0x1, s5;
	s8 =	smul.u32 $0x28000, s10  }
0x8: {  	[smem:$0x7FF] =	sst s4;
	s5 =	sadd.s32 $0x77D600, s2;
	s15 =	smul.u32 $0x2710, s10  }
0x9: {  	s10 =	smul.u32 $0x4E20, s10;
	s6 =	sshll.u32 s7, $0x6;
	s9 =	ssub.s32 $0x2, s7  }
0xa: {  	_ =	strace $0x8000004A;
	s6 =	sor.u32 s6, s13;
	s14 =	sshrl.u32 s9, $0x1  }
0xb: {  	s8 =	sshrl.u32 s8, $0x2;
	s6 =	sshrl.u32 s6, $0x3;
	s9 =	ssub.s32 s9, s14  }
0xc: {  	s2 =	sadd.s32 s6, s2;
	s6 =	sadd.s32 s8, s3;
	s8 =	sshrl.u32 s15, $0x3  }
0xd: {  	v1 =	vmov s7;
	s15 =	sor.u32 s7, s10;
	s7 =	simm.s32 $0x4;
	s11 =	sadd.s32 $0x1400, s6  }
0xe: {  	s16 =	sadd.s32 $0x2800, s6;
	s17 =	sadd.s32 $0x3C00, s6;
	s18 =	sadd.s32 $0x5000, s6  }
0xf: {  	s19 =	sadd.s32 $0x6400, s6;
	s20 =	sadd.s32 $0x7800, s6;
	s0 =	sadd.s32 s0, s8  }
0x10: {  	s21 =	sadd.s32 $0x8C00, s6;
	s23 =	sadd.s32 $0x20, s15;
	[dreg:$0xe] =	wrdreg s11  }
0x11: {  	s24 =	sadd.s32 $0x40, s15;
	s10 =	sadd.s32 $0x60, s15;
	[dreg:$0xd] =	wrdreg s16  }
0x12: {  	s25 =	sadd.s32 $0x80, s15;
	s12 =	sadd.s32 $0xA0, s15;
	[dreg:$0x5] =	wrdreg s17  }
0x13: {  	s2 =	sadd.s32 $0x2600, s2;
	s26 =	sadd.s32 $0xE0, s15;
	[dreg:$0x6] =	wrdreg s18  }
0x14: {  	s30 =	sadd.s32 $0x120, s15;
	s31 =	sadd.s32 $0x4D80, s15;
	[dreg:$0x7] =	wrdreg s19  }
0x15: {  	s13 =	sadd.s32 $0x4DA0, s15;
	s14 =	sadd.s32 $0x4DC0, s15;
	[dreg:$0x8] =	wrdreg s20  }
0x16: {  	s8 =	simm.s32 $0x7760;
	[dreg:$0x9] =	wrdreg s21;
	s22 =	sadd.s32 $0x4E20, s0  }
0x17: {  	v0 =	vlaneseq.u32;
	s0 =	sadd.s32 $0xEA60, s0;
	s21 =	sadd.s32 $0xC0, s15;
	[dreg:$0xc] =	wrdreg s2  }
0x18: {  	v0 =	vmul.u32 $0x2, v0;
	s18 =	smax.u32 s9, $0x1;
	s9 =	sadd.s32 $0x100, s15;
	s16 =	sadd.s32 $0x4DE0, s15  }
0x19: {  	v17 =	vimm.f32 $0.0e+00;
	s17 =	sadd.s32 $0x4E00, s15;
	s19 =	simm.s32 $0x4F10;
	s20 =	simm.s32 $0x5  }
0x1a: {  	v2 =	vor.u32 s23, v0;
	v3 =	vor.u32 s24, v0;
	v5 =	vor.u32 s25, v0;
	s23 =	simm.s32 $0x4E20;
	s24 =	simm.s32 $0x4EC0;
	s25 =	simm.s32 $0x6310  }
0x1b: {  	v16 =	vor.u32 s15, v0;
	v8 =	vor.u32 s26, v0;
	s26 =	simm.s32 $0x7710;
	v10 =	vor.u32 s30, v0;
	s30 =	simm.s32 $0x8C00;
	[dreg:$0xa] =	wrdreg s22  }
0x1c: {  	v4 =	vor.u32 s10, v0;
	v11 =	vor.u32 s31, v0;
	s31 =	simm.s32 $0x1;
	v13 =	vor.u32 s14, v0;
	s14 =	stileid.u32;
	[dreg:$0xb] =	wrdreg s0  }
0x1d: {  	v6 =	vor.u32 s12, v0;
	v12 =	vor.u32 s13, v0;
	s2 =	simm.s32 $0x3;
	s22 =	simm.s32 $0x50;
	v14 =	vor.u32 s16, v0;
	s16 =	rddreg [dreg:$0xe]  }
0x1e: {  	v7 =	vor.u32 s21, v0;
	v9 =	vor.u32 s9, v0;
	s0 =	simm.s32 $0x2;
	s21 =	simm.s32 $0x4E70;
	v15 =	vor.u32 s17, v0;
	s17 =	rddreg [dreg:$0xd]  }
.LBB2_1:
0x1f: {  	s10 =	simm.s32 $0x100;
	s9 =	simm.s32 $0x0  }
.LBB2_2:
0x20: {  	p0 =	sne.s32 s10, $0x4F00;
	[tilespmem:s9+$0x4F40] =	vst v17;
	s11 =	smov.u32 s10;
	s10 =	sadd.s32 $0x100, s10  }
.Ltmp0:
0x21: {  	[tilespmem:s9+$0x4F30] =	vst v17;
	(pc) =	sbr.rel @p0 .LBB2_2-.Ltmp0, $3  }
0x22: {  	[tilespmem:s9+$0x4F10] =	vst v17  }
0x23: {  	[tilespmem:s9+$0x4F20] =	vst v17;
	_ =	sdelay $0x1  }
0x24: {  	s9 =	sshra.s32 s11, $0x2  }
0x25: {  	[tilespmem:s9+$0x4F40] =	vst v17  }
0x26: {  	[tilespmem:s9+$0x4F30] =	vst v17  }
0x27: {  	[tilespmem:s9+$0x4F10] =	vst v17  }
0x28: {  	[tilespmem:s9+$0x4F20] =	vst v17  }
0x29: {  	[spmem:s6] =	stream.linear.scatter [tilespmem:s19], [sflag:$0x5], $0x1400, $0x38;
	[tilespmem:$0x14000] =	vst v63  }
0x2a: {  	_ =	swait.ge [sflag:s20], $0x1400  }
0x2b: {  	[sflag:s20] =	ssyncset.done $0x0  }
0x2c: {  	[sflag:s20] =	ssyncadd.s32 $0xFFFFEC00  }
0x2d: {  	[spmem:s16] =	stream.linear.scatter [tilespmem:s19], [sflag:$0x5], $0x1400, $0x38;
	[tilespmem:$0x14000] =	vst v63  }
0x2e: {  	_ =	swait.ge [sflag:s20], $0x1400  }
0x2f: {  	[sflag:s20] =	ssyncset.done $0x0  }
0x30: {  	[sflag:s20] =	ssyncadd.s32 $0xFFFFEC00  }
0x31: {  	[spmem:s17] =	stream.linear.scatter [tilespmem:s19], [sflag:$0x5], $0x1400, $0x38;
	[tilespmem:$0x14000] =	vst v63  }
0x32: {  	_ =	swait.ge [sflag:s20], $0x1400  }
0x33: {  	[sflag:s20] =	ssyncset.done $0x0  }
0x34: {  	s12 =	rddreg [dreg:$0x5];
	[sflag:s20] =	ssyncadd.s32 $0xFFFFEC00  }
0x35: {  	[spmem:s12] =	stream.linear.scatter [tilespmem:s19], [sflag:$0x5], $0x1400, $0x38;
	[tilespmem:$0x14000] =	vst v63  }
0x36: {  	_ =	swait.ge [sflag:s20], $0x1400  }
0x37: {  	[sflag:s20] =	ssyncset.done $0x0  }
0x38: {  	s13 =	rddreg [dreg:$0x6];
	[sflag:s20] =	ssyncadd.s32 $0xFFFFEC00  }
0x39: {  	[spmem:s13] =	stream.linear.scatter [tilespmem:s19], [sflag:$0x5], $0x1400, $0x38;
	[tilespmem:$0x14000] =	vst v63  }
0x3a: {  	_ =	swait.ge [sflag:s20], $0x1400  }
0x3b: {  	[sflag:s20] =	ssyncset.done $0x0  }
0x3c: {  	s10 =	rddreg [dreg:$0x7];
	[sflag:s20] =	ssyncadd.s32 $0xFFFFEC00  }
0x3d: {  	[spmem:s10] =	stream.linear.scatter [tilespmem:s19], [sflag:$0x5], $0x1400, $0x38;
	[tilespmem:$0x14000] =	vst v63  }
0x3e: {  	_ =	swait.ge [sflag:s20], $0x1400  }
0x3f: {  	[sflag:s20] =	ssyncset.done $0x0  }
0x40: {  	s11 =	rddreg [dreg:$0x8];
	[sflag:s20] =	ssyncadd.s32 $0xFFFFEC00  }
0x41: {  	[spmem:s11] =	stream.linear.scatter [tilespmem:s19], [sflag:$0x5], $0x1400, $0x38;
	[tilespmem:$0x14000] =	vst v63  }
0x42: {  	_ =	swait.ge [sflag:s20], $0x1400  }
0x43: {  	[sflag:s20] =	ssyncset.done $0x0  }
0x44: {  	s12 =	rddreg [dreg:$0x9];
	[sflag:s20] =	ssyncadd.s32 $0xFFFFEC00  }
0x45: {  	[spmem:s12] =	stream.linear.scatter [tilespmem:s19], [sflag:$0x5], $0x1400, $0x38;
	[tilespmem:$0x14000] =	vst v63  }
0x46: {  	_ =	swait.ge [sflag:s20], $0x1400  }
0x47: {  	[sflag:s20] =	ssyncset.done $0x0  }
0x48: {  	[sflag:s20] =	ssyncadd.s32 $0xFFFFEC00  }
0x49: {  	[bflag:$0x0] =	sbarrier.arrive $0xFFFF  }
0x4a: {  	s9 =	simm.s32 $0x0;
	s10 =	rddreg [dreg:$0xa]  }
0x4b: {  	[tilespmem:s9], [sflag:$0x5] =	stream.linear.gather [hbm4b:s10+s9], $0x2710, $0x38;
	[tilespmem:$0x14000] =	vst v63  }
0x4c: {  	_ =	swait.ge [sflag:s20], $0x2710  }
0x4d: {  	[sflag:s20] =	ssyncset.done $0x0  }
0x4e: {  	s11 =	simm.s32 $0x2710;
	s13 =	rddreg [dreg:$0xb];
	[sflag:s20] =	ssyncadd.s32 $0xFFFFD8F0  }
0x4f: {  	[tilespmem:s11], [sflag:$0x5] =	stream.linear.gather [hbm4b:s13+s9], $0x2710, $0x38;
	[tilespmem:$0x14000] =	vst v63  }
0x50: {  	_ =	swait.ge [sflag:s20], $0x2710  }
0x51: {  	[sflag:s20] =	ssyncset.done $0x0  }
0x52: {  	[sflag:s20] =	ssyncadd.s32 $0xFFFFD8F0  }
0x53: {  	v18 =	vld [tilespmem:$0x0]  }
0x54: {  	v19 =	vld [tilespmem:$0x2710];
	_ =	sdelay $0x1  }
0x55: {  	v20 =	vld [tilespmem:$0x10];
	[tilespmem:$0x4EC0] =	vst v16  }
0x56: {  	[tilespmem:$0x4ED0] =	vst v2  }
0x57: {  	v22 =	vld [tilespmem:$0x20];
	[tilespmem:$0x4EE0] =	vst v3  }
0x58: {  	v18 =	vshll.u32 v18, $0x1;
	[tilespmem:$0x4E70] =	vst v19;
	v19 =	vld [tilespmem:$0x2730]  }
0x59: {  	v56 =	vld [tilespmem:$0x30];
	[tilespmem:$0x4EF0] =	vst v4;
	v18 =	vor.u32 v1, v18  }
0x5a: {  	v21 =	vld [tilespmem:$0x2720];
	[tilespmem:$0x4E20] =	vst v18;
	v18 =	vshll.u32 v20, $0x1  }
0x5b: {  	v58 =	vld [tilespmem:$0x40];
	[tilespmem:$0x4F00] =	vst v5;
	v18 =	vor.u32 v1, v18  }
0x5c: {  	v57 =	vld [tilespmem:$0x2740];
	[tilespmem:$0x4E30] =	vst v18;
	v18 =	vshll.u32 v22, $0x1  }
0x5d: {  	v18 =	vor.u32 v1, v18;
	[tilespmem:$0x4E90] =	vst v19  }
0x5e: {  	v19 =	vld [tilespmem:$0x2750];
	[tilespmem:$0x4E40] =	vst v18;
	v18 =	vshll.u32 v56, $0x1  }
0x5f: {  	[tilespmem:$0x4E80] =	vst v21;
	v18 =	vor.u32 v1, v18  }
0x60: {  	[tilespmem:$0x4E50] =	vst v18;
	v18 =	vshll.u32 v58, $0x1  }
0x61: {  	[tilespmem:$0x4EA0] =	vst v57;
	v18 =	vor.u32 v1, v18  }
0x62: {  	[tilespmem:$0x4E60] =	vst v18  }
0x63: {  	[tilespmem:$0x4EB0] =	vst v19  }
0x64: {  	[tilespmem:s19], [sflag:$0x1] =	stream.indirect.gather [hbm4b:s1+s22], $0x40, s23, s22, $0xb8;
	[tilespmem:$0x14000] =	vst v63  }
0x65: {  	_ = 	snop  }
0x66: {  	[tilespmem:s25], [sflag:$0x2] =	stream.indirect.gather [hbm4b:s5+s22], $0x40, s24, s22, $0xb8;
	[tilespmem:$0x14000] =	vst v63  }
0x67: {  	v18 =	vld [tilespmem:$0x50];
	_ =	sdelay $0x1  }
0x68: {  	v19 =	vld [tilespmem:$0x60];
	_ =	sdelay $0x1  }
0x69: {  	v60 =	vld [tilespmem:$0x70]  }
0x6a: {  	v18 =	vshll.u32 v18, $0x1  }
0x6b: {  	v23 =	vld [tilespmem:$0x80];
	[tilespmem:$0x77B0] =	vst v6;
	v18 =	vor.u32 v1, v18  }
0x6c: {  	[tilespmem:$0x7710] =	vst v18;
	v18 =	vshll.u32 v19, $0x1  }
0x6d: {  	v62 =	vld [tilespmem:$0x90];
	[tilespmem:$0x77C0] =	vst v7;
	v18 =	vor.u32 v1, v18  }
0x6e: {  	[tilespmem:$0x7720] =	vst v18;
	v18 =	vshll.u32 v60, $0x1  }
0x6f: {  	[tilespmem:$0x77D0] =	vst v8;
	v18 =	vor.u32 v1, v18  }
0x70: {  	v59 =	vld [tilespmem:$0x2760];
	[tilespmem:$0x7730] =	vst v18;
	v18 =	vshll.u32 v23, $0x1  }
0x71: {  	v61 =	vld [tilespmem:$0x2770];
	[tilespmem:$0x77E0] =	vst v9;
	v18 =	vor.u32 v1, v18  }
0x72: {  	v63 =	vld [tilespmem:$0x2790];
	[tilespmem:$0x7740] =	vst v18;
	v18 =	vshll.u32 v62, $0x1  }
0x73: {  	[tilespmem:$0x77F0] =	vst v10;
	v19 =	vld [tilespmem:$0x2780];
	v18 =	vor.u32 v1, v18  }
0x74: {  	[tilespmem:$0x7750] =	vst v18;
	v18 =	vld [tilespmem:$0x27A0]  }
0x75: {  	[tilespmem:$0x7760] =	vst v59  }
0x76: {  	[tilespmem:$0x7770] =	vst v61  }
0x77: {  	[tilespmem:$0x7790] =	vst v63  }
0x78: {  	[tilespmem:$0x7780] =	vst v19  }
0x79: {  	[tilespmem:$0x77A0] =	vst v18  }
0x7a: {  	[tilespmem:s28], [sflag:$0x3] =	stream.indirect.gather [hbm4b:s1+s22], $0x40, s26, s22, $0xb8;
	[tilespmem:$0x14000] =	vst v63  }
0x7b: {  	_ = 	snop  }
0x7c: {  	[tilespmem:s30], [sflag:$0x4] =	stream.indirect.gather [hbm4b:s5+s22], $0x40, s29, s22, $0xb8;
	[tilespmem:$0x14000] =	vst v63  }
.LBB2_4:
0x7d: {  	_ =	swait.ge [sflag:s31], $0x1400  }
0x7e: {  	[sflag:s31] =	ssyncset.done $0x0  }
0x7f: {  	[sflag:s31] =	ssyncadd.s32 $0xFFFFEC00  }
0x80: {  	_ =	swait.ge [sflag:s0], $0x1400  }
0x81: {  	[sflag:s0] =	ssyncset.done $0x0  }
0x82: {  	s10 =	simm.s32 $0x70;
	[sflag:s0] =	ssyncadd.s32 $0xFFFFEC00  }
0x83: {  	v24 =	vld [tilespmem:s10+$0x4EA0]  }
0x84: {  	v29 =	vld [tilespmem:s10+$0x4EB0]  }
0x85: {  	v23 =	vld [tilespmem:s10+$0x4EC0]  }
0x86: {  	v22 =	vld [tilespmem:s10+$0x4ED0]  }
0x87: {  	v21 =	vld [tilespmem:s10+$0x4EE0]  }
0x88: {  	v20 =	vld [tilespmem:s10+$0x4EF0]  }
0x89: {  	v19 =	vld [tilespmem:s10+$0x4F00]  }
0x8a: {  	v18 =	vld [tilespmem:s10+$0x4F10]  }
0x8b: {  	v30 =	vld [tilespmem:s10+$0x62A0]  }
0x8c: {  	v31 =	vld [tilespmem:s10+$0x62B0]  }
0x8d: {  	v28 =	vld [tilespmem:s10+$0x62C0]  }
0x8e: {  	v27 =	vld [tilespmem:s10+$0x62D0]  }
0x8f: {  	v26 =	vld [tilespmem:s10+$0x62E0]  }
0x90: {  	v25 =	vld [tilespmem:s10+$0x62F0];
	v30 =	vadd.f32 v30, v24  }
0x91: {  	s11 =	simm.s32 $0x3C0;
	v29 =	vadd.f32 v31, v29;
	v24 =	vld [tilespmem:s10+$0x6300]  }
.LBB2_5:
0x92: {  	s12 =	sshra.s32 s11, $0x2;
	p0 =	sne.s32 s11, $0x4FC0;
	v30 =	vmax.f32 v30, $0.0e+00;
	v23 =	vadd.f32 v28, v23;
	v28 =	vld [tilespmem:s10+$0x6310]  }
0x93: {  	v31 =	vld [tilespmem:s12+$0x4EA0];
	[tilespmem:s10+$0x62A0] =	vst v30;
	v29 =	vmax.f32 v29, $0.0e+00;
	v22 =	vadd.f32 v27, v22  }
0x94: {  	v32 =	vld [tilespmem:s12+$0x4EB0];
	[tilespmem:s10+$0x62B0] =	vst v29;
	v27 =	vmax.f32 v23, $0.0e+00;
	v21 =	vadd.f32 v26, v21  }
0x95: {  	v23 =	vld [tilespmem:s12+$0x4EC0];
	[tilespmem:s10+$0x62C0] =	vst v27;
	v26 =	vmax.f32 v22, $0.0e+00;
	v20 =	vadd.f32 v25, v20  }
0x96: {  	v22 =	vld [tilespmem:s12+$0x4ED0];
	[tilespmem:s10+$0x62D0] =	vst v26;
	v25 =	vmax.f32 v21, $0.0e+00;
	v19 =	vadd.f32 v24, v19  }
0x97: {  	v21 =	vld [tilespmem:s12+$0x4EE0];
	[tilespmem:s10+$0x62E0] =	vst v25;
	v24 =	vmax.f32 v20, $0.0e+00;
	v18 =	vadd.f32 v28, v18  }
0x98: {  	v20 =	vld [tilespmem:s12+$0x4EF0];
	[tilespmem:s10+$0x62F0] =	vst v24;
	v24 =	vmax.f32 v19, $0.0e+00  }
0x99: {  	v19 =	vld [tilespmem:s12+$0x4F00];
	[tilespmem:s10+$0x6300] =	vst v24;
	v24 =	vmax.f32 v18, $0.0e+00  }
0x9a: {  	v18 =	vld [tilespmem:s12+$0x4F10];
	[tilespmem:s10+$0x6310] =	vst v24;
	s10 =	smov.u32 s12  }
0x9b: {  	v24 =	vld [tilespmem:s10+$0x62A0]  }
0x9c: {  	v29 =	vld [tilespmem:s10+$0x62B0]  }
.Ltmp1:
0x9d: {  	v28 =	vld [tilespmem:s10+$0x62C0];
	(pc) =	sbr.rel @p0 .LBB2_5-.Ltmp1, $4  }
0x9e: {  	v27 =	vld [tilespmem:s10+$0x62D0]  }
0x9f: {  	v26 =	vld [tilespmem:s10+$0x62E0]  }
0xa0: {  	v30 =	vadd.f32 v24, v31;
	v25 =	vld [tilespmem:s10+$0x62F0]  }
0xa1: {  	s11 =	sadd.s32 $0x200, s11;
	v29 =	vadd.f32 v29, v32;
	v24 =	vld [tilespmem:s10+$0x6300]  }
0xa2: {  	v30 =	vmax.f32 v30, $0.0e+00;
	v23 =	vadd.f32 v28, v23;
	v28 =	vld [tilespmem:s10+$0x6310]  }
0xa3: {  	[tilespmem:s10+$0x62A0] =	vst v30;
	v29 =	vmax.f32 v29, $0.0e+00;
	v22 =	vadd.f32 v27, v22  }
0xa4: {  	[tilespmem:s10+$0x62B0] =	vst v29;
	v23 =	vmax.f32 v23, $0.0e+00;
	v21 =	vadd.f32 v26, v21  }
0xa5: {  	[tilespmem:s10+$0x62C0] =	vst v23;
	v22 =	vmax.f32 v22, $0.0e+00;
	v20 =	vadd.f32 v25, v20  }
0xa6: {  	[tilespmem:s10+$0x62D0] =	vst v22;
	v21 =	vmax.f32 v21, $0.0e+00;
	v19 =	vadd.f32 v24, v19  }
0xa7: {  	[tilespmem:s10+$0x62E0] =	vst v21;
	v20 =	vmax.f32 v20, $0.0e+00;
	v18 =	vadd.f32 v28, v18  }
0xa8: {  	[tilespmem:s10+$0x62F0] =	vst v20;
	v19 =	vmax.f32 v19, $0.0e+00  }
0xa9: {  	[tilespmem:s10+$0x6300] =	vst v19;
	v18 =	vmax.f32 v18, $0.0e+00  }
0xaa: {  	[tilespmem:s10+$0x6310] =	vst v18;
	s10 =	sshll.u32 s9, $0x1  }
0xab: {  	[spmem:s3] =	stream.indirect.scatter.add.f32 [tilespmem:s25], [sflag:$0x5], $0x40, s21, s22, $0xb8;
	[tilespmem:$0x14000] =	vst v63  }
0xac: {  	s11 =	sadd.s32 $0x2, s10;
	_ =	swait.ge [sflag:s20], $0x1400  }
0xad: {  	s12 =	smul.u32 $0x50, s11;
	[sflag:s20] =	ssyncset.done $0x0  }
0xae: {  	[sflag:s20] =	ssyncadd.s32 $0xFFFFEC00  }
0xaf: {  	v18 =	vld [tilespmem:s12+$0x0];
	_ =	sdelay $0x4  }
0xb0: {  	v18 =	vshll.u32 v18, $0x1  }
0xb1: {  	v18 =	vor.u32 v1, v18  }
0xb2: {  	[tilespmem:$0x4E20] =	vst v18  }
0xb3: {  	v18 =	vld [tilespmem:s12+$0x2710];
	_ =	sdelay $0x1  }
0xb4: {  	s11 =	smul.u32 $0xA0, s11;
	_ =	sdelay $0x1  }
0xb5: {  	s11 =	sadd.s32 s15, s11  }
0xb6: {  	[tilespmem:$0x4E70] =	vst v18;
	v18 =	vor.u32 s11, v0  }
0xb7: {  	[tilespmem:$0x4EC0] =	vst v18  }
0xb8: {  	v18 =	vld [tilespmem:s12+$0x10];
	_ =	sdelay $0x4  }
0xb9: {  	v18 =	vshll.u32 v18, $0x1  }
0xba: {  	v18 =	vor.u32 v1, v18  }
0xbb: {  	[tilespmem:$0x4E30] =	vst v18  }
0xbc: {  	v18 =	vld [tilespmem:s12+$0x2720];
	_ =	sdelay $0x1  }
0xbd: {  	s13 =	sor.u32 $0x10, s12  }
0xbe: {  	s11 =	sshll.u32 s13, $0x1  }
0xbf: {  	s11 =	sadd.s32 s15, s11  }
0xc0: {  	[tilespmem:$0x4E80] =	vst v18;
	v18 =	vor.u32 s11, v0  }
0xc1: {  	[tilespmem:$0x4ED0] =	vst v18  }
0xc2: {  	v18 =	vld [tilespmem:s12+$0x20];
	_ =	sdelay $0x4  }
0xc3: {  	v18 =	vshll.u32 v18, $0x1  }
0xc4: {  	v18 =	vor.u32 v1, v18  }
0xc5: {  	[tilespmem:$0x4E40] =	vst v18  }
0xc6: {  	v18 =	vld [tilespmem:s12+$0x2730];
	_ =	sdelay $0x1  }
0xc7: {  	s13 =	sadd.s32 $0x20, s12  }
0xc8: {  	s11 =	sshll.u32 s13, $0x1  }
0xc9: {  	s11 =	sadd.s32 s15, s11  }
0xca: {  	[tilespmem:$0x4E90] =	vst v18;
	v18 =	vor.u32 s11, v0  }
0xcb: {  	[tilespmem:$0x4EE0] =	vst v18  }
0xcc: {  	v18 =	vld [tilespmem:s12+$0x30];
	_ =	sdelay $0x4  }
0xcd: {  	v18 =	vshll.u32 v18, $0x1  }
0xce: {  	v18 =	vor.u32 v1, v18  }
0xcf: {  	[tilespmem:$0x4E50] =	vst v18  }
0xd0: {  	v18 =	vld [tilespmem:s12+$0x2740];
	_ =	sdelay $0x1  }
0xd1: {  	s13 =	sadd.s32 $0x30, s12  }
0xd2: {  	s11 =	sshll.u32 s13, $0x1  }
0xd3: {  	s11 =	sadd.s32 s15, s11  }
0xd4: {  	[tilespmem:$0x4EA0] =	vst v18;
	v18 =	vor.u32 s11, v0  }
0xd5: {  	[tilespmem:$0x4EF0] =	vst v18  }
0xd6: {  	v18 =	vld [tilespmem:s12+$0x40];
	_ =	sdelay $0x4  }
0xd7: {  	v18 =	vshll.u32 v18, $0x1  }
0xd8: {  	v18 =	vor.u32 v1, v18  }
0xd9: {  	[tilespmem:$0x4E60] =	vst v18  }
0xda: {  	v18 =	vld [tilespmem:s12+$0x2750];
	_ =	sdelay $0x1  }
0xdb: {  	s13 =	sadd.s32 $0x40, s12  }
0xdc: {  	s11 =	sshll.u32 s13, $0x1  }
0xdd: {  	s11 =	sadd.s32 s15, s11  }
0xde: {  	[tilespmem:$0x4EB0] =	vst v18;
	v18 =	vor.u32 s11, v0  }
0xdf: {  	[tilespmem:$0x4F00] =	vst v18  }
0xe0: {  	[tilespmem:s19], [sflag:$0x1] =	stream.indirect.gather [hbm4b:s1+s22], $0x40, s23, s22, $0xb8;
	[tilespmem:$0x14000] =	vst v63  }
0xe1: {  	_ = 	snop  }
0xe2: {  	[tilespmem:s25], [sflag:$0x2] =	stream.indirect.gather [hbm4b:s5+s22], $0x40, s24, s22, $0xb8;
	[tilespmem:$0x14000] =	vst v63  }
0xe3: {  	_ =	swait.ge [sflag:s2], $0x1400  }
0xe4: {  	[sflag:s2] =	ssyncset.done $0x0  }
0xe5: {  	[sflag:s2] =	ssyncadd.s32 $0xFFFFEC00  }
0xe6: {  	_ =	swait.ge [sflag:s7], $0x1400  }
0xe7: {  	[sflag:s7] =	ssyncset.done $0x0  }
0xe8: {  	s11 =	simm.s32 $0x70;
	[sflag:s7] =	ssyncadd.s32 $0xFFFFEC00  }
0xe9: {  	v24 =	vld [tilespmem:s11+$0x7790]  }
0xea: {  	v29 =	vld [tilespmem:s11+$0x77A0]  }
0xeb: {  	v23 =	vld [tilespmem:s11+$0x77B0]  }
0xec: {  	v22 =	vld [tilespmem:s11+$0x77C0]  }
0xed: {  	v21 =	vld [tilespmem:s11+$0x77D0]  }
0xee: {  	v20 =	vld [tilespmem:s11+$0x77E0]  }
0xef: {  	v19 =	vld [tilespmem:s11+$0x77F0]  }
0xf0: {  	v18 =	vld [tilespmem:s11+$0x7800]  }
0xf1: {  	v30 =	vld [tilespmem:s11+$0x8B90]  }
0xf2: {  	v31 =	vld [tilespmem:s11+$0x8BA0]  }
0xf3: {  	v28 =	vld [tilespmem:s11+$0x8BB0]  }
0xf4: {  	v27 =	vld [tilespmem:s11+$0x8BC0]  }
0xf5: {  	v26 =	vld [tilespmem:s11+$0x8BD0]  }
0xf6: {  	v25 =	vld [tilespmem:s11+$0x8BE0];
	v30 =	vadd.f32 v30, v24  }
0xf7: {  	s12 =	simm.s32 $0x3C0;
	v29 =	vadd.f32 v31, v29;
	v24 =	vld [tilespmem:s11+$0x8BF0]  }
.LBB2_7:
0xf8: {  	s13 =	sshra.s32 s12, $0x2;
	p0 =	sne.s32 s12, $0x4FC0;
	v30 =	vmax.f32 v30, $0.0e+00;
	v23 =	vadd.f32 v28, v23;
	v28 =	vld [tilespmem:s11+$0x8C00]  }
0xf9: {  	v31 =	vld [tilespmem:s13+$0x7790];
	[tilespmem:s11+$0x8B90] =	vst v30;
	v29 =	vmax.f32 v29, $0.0e+00;
	v22 =	vadd.f32 v27, v22  }
0xfa: {  	v32 =	vld [tilespmem:s13+$0x77A0];
	[tilespmem:s11+$0x8BA0] =	vst v29;
	v27 =	vmax.f32 v23, $0.0e+00;
	v21 =	vadd.f32 v26, v21  }
0xfb: {  	v23 =	vld [tilespmem:s13+$0x77B0];
	[tilespmem:s11+$0x8BB0] =	vst v27;
	v26 =	vmax.f32 v22, $0.0e+00;
	v20 =	vadd.f32 v25, v20  }
0xfc: {  	v22 =	vld [tilespmem:s13+$0x77C0];
	[tilespmem:s11+$0x8BC0] =	vst v26;
	v25 =	vmax.f32 v21, $0.0e+00;
	v19 =	vadd.f32 v24, v19  }
0xfd: {  	v21 =	vld [tilespmem:s13+$0x77D0];
	[tilespmem:s11+$0x8BD0] =	vst v25;
	v24 =	vmax.f32 v20, $0.0e+00;
	v18 =	vadd.f32 v28, v18  }
0xfe: {  	v20 =	vld [tilespmem:s13+$0x77E0];
	[tilespmem:s11+$0x8BE0] =	vst v24;
	v24 =	vmax.f32 v19, $0.0e+00  }
0xff: {  	v19 =	vld [tilespmem:s13+$0x77F0];
	[tilespmem:s11+$0x8BF0] =	vst v24;
	v24 =	vmax.f32 v18, $0.0e+00  }
0x100: {  	v18 =	vld [tilespmem:s13+$0x7800];
	[tilespmem:s11+$0x8C00] =	vst v24;
	s11 =	smov.u32 s13  }
0x101: {  	v24 =	vld [tilespmem:s11+$0x8B90]  }
0x102: {  	v29 =	vld [tilespmem:s11+$0x8BA0]  }
.Ltmp2:
0x103: {  	v28 =	vld [tilespmem:s11+$0x8BB0];
	(pc) =	sbr.rel @p0 .LBB2_7-.Ltmp2, $4  }
0x104: {  	v27 =	vld [tilespmem:s11+$0x8BC0]  }
0x105: {  	v26 =	vld [tilespmem:s11+$0x8BD0]  }
0x106: {  	v30 =	vadd.f32 v24, v31;
	v25 =	vld [tilespmem:s11+$0x8BE0]  }
0x107: {  	s12 =	sadd.s32 $0x200, s12;
	v29 =	vadd.f32 v29, v32;
	v24 =	vld [tilespmem:s11+$0x8BF0]  }
0x108: {  	v30 =	vmax.f32 v30, $0.0e+00;
	v23 =	vadd.f32 v28, v23;
	v63 =	vld [tilespmem:s11+$0x8C00]  }
0x109: {  	[tilespmem:s11+$0x8B90] =	vst v30;
	v29 =	vmax.f32 v29, $0.0e+00;
	v22 =	vadd.f32 v27, v22  }
0x10a: {  	[tilespmem:s11+$0x8BA0] =	vst v29;
	v23 =	vmax.f32 v23, $0.0e+00;
	v21 =	vadd.f32 v26, v21  }
0x10b: {  	[tilespmem:s11+$0x8BB0] =	vst v23;
	v22 =	vmax.f32 v22, $0.0e+00;
	v20 =	vadd.f32 v25, v20  }
0x10c: {  	[tilespmem:s11+$0x8BC0] =	vst v22;
	v21 =	vmax.f32 v21, $0.0e+00;
	v19 =	vadd.f32 v24, v19  }
0x10d: {  	[tilespmem:s11+$0x8BD0] =	vst v21;
	v20 =	vmax.f32 v20, $0.0e+00;
	v18 =	vadd.f32 v63, v18  }
0x10e: {  	[tilespmem:s11+$0x8BE0] =	vst v20;
	v19 =	vmax.f32 v19, $0.0e+00  }
0x10f: {  	[tilespmem:s11+$0x8BF0] =	vst v19;
	v18 =	vmax.f32 v18, $0.0e+00  }
0x110: {  	[tilespmem:s11+$0x8C00] =	vst v18  }
0x111: {  	[spmem:s3] =	stream.indirect.scatter.add.f32 [tilespmem:s30], [sflag:$0x5], $0x40, s8, s22, $0xb8;
	[tilespmem:$0x14000] =	vst v63  }
0x112: {  	s10 =	sadd.s32 $0x3, s10;
	_ =	swait.ge [sflag:s20], $0x1400  }
0x113: {  	s11 =	smul.u32 $0x50, s10;
	[sflag:s20] =	ssyncset.done $0x0  }
0x114: {  	[sflag:s20] =	ssyncadd.s32 $0xFFFFEC00  }
0x115: {  	v18 =	vld [tilespmem:s11+$0x0];
	_ =	sdelay $0x4  }
0x116: {  	v18 =	vshll.u32 v18, $0x1  }
0x117: {  	v18 =	vor.u32 v1, v18  }
0x118: {  	[tilespmem:$0x7710] =	vst v18  }
0x119: {  	v18 =	vld [tilespmem:s11+$0x2710];
	_ =	sdelay $0x1  }
0x11a: {  	s10 =	smul.u32 $0xA0, s10;
	_ =	sdelay $0x1  }
0x11b: {  	s10 =	sadd.s32 s15, s10  }
0x11c: {  	[tilespmem:$0x7760] =	vst v18;
	v18 =	vor.u32 s10, v0  }
0x11d: {  	[tilespmem:$0x77B0] =	vst v18  }
0x11e: {  	v18 =	vld [tilespmem:s11+$0x10];
	_ =	sdelay $0x4  }
0x11f: {  	v18 =	vshll.u32 v18, $0x1  }
0x120: {  	v18 =	vor.u32 v1, v18  }
0x121: {  	[tilespmem:$0x7720] =	vst v18  }
0x122: {  	v18 =	vld [tilespmem:s11+$0x2720];
	_ =	sdelay $0x1  }
0x123: {  	s12 =	sadd.s32 $0x10, s11  }
0x124: {  	s10 =	sshll.u32 s12, $0x1  }
0x125: {  	s10 =	sadd.s32 s15, s10  }
0x126: {  	[tilespmem:$0x7770] =	vst v18;
	v18 =	vor.u32 s10, v0  }
0x127: {  	[tilespmem:$0x77C0] =	vst v18  }
0x128: {  	v18 =	vld [tilespmem:s11+$0x20];
	_ =	sdelay $0x4  }
0x129: {  	v18 =	vshll.u32 v18, $0x1  }
0x12a: {  	v18 =	vor.u32 v1, v18  }
0x12b: {  	[tilespmem:$0x7730] =	vst v18  }
0x12c: {  	v18 =	vld [tilespmem:s11+$0x2730];
	_ =	sdelay $0x1  }
0x12d: {  	s13 =	sadd.s32 $0x20, s11  }
0x12e: {  	s10 =	sshll.u32 s13, $0x1  }
0x12f: {  	s10 =	sadd.s32 s15, s10  }
0x130: {  	[tilespmem:$0x7780] =	vst v18;
	v18 =	vor.u32 s10, v0  }
0x131: {  	[tilespmem:$0x77D0] =	vst v18  }
0x132: {  	v18 =	vld [tilespmem:s11+$0x30];
	_ =	sdelay $0x4  }
0x133: {  	v18 =	vshll.u32 v18, $0x1  }
0x134: {  	v18 =	vor.u32 v1, v18  }
0x135: {  	[tilespmem:$0x7740] =	vst v18  }
0x136: {  	v18 =	vld [tilespmem:s11+$0x2740];
	_ =	sdelay $0x1  }
0x137: {  	s12 =	sadd.s32 $0x30, s11  }
0x138: {  	s10 =	sshll.u32 s12, $0x1  }
0x139: {  	s10 =	sadd.s32 s15, s10  }
0x13a: {  	[tilespmem:$0x7790] =	vst v18;
	v18 =	vor.u32 s10, v0  }
0x13b: {  	[tilespmem:$0x77E0] =	vst v18  }
0x13c: {  	v18 =	vld [tilespmem:s11+$0x40];
	_ =	sdelay $0x4  }
0x13d: {  	v18 =	vshll.u32 v18, $0x1  }
0x13e: {  	v18 =	vor.u32 v1, v18  }
0x13f: {  	[tilespmem:$0x7750] =	vst v18  }
0x140: {  	v18 =	vld [tilespmem:s11+$0x2750];
	_ =	sdelay $0x1  }
0x141: {  	s13 =	sadd.s32 $0x40, s11  }
0x142: {  	s9 =	sadd.s32 $0x1, s9;
	s10 =	sshll.u32 s13, $0x1  }
0x143: {  	p0 =	sne.s32 s9, $0x3D;
	s10 =	sadd.s32 s15, s10  }
.Ltmp3:
0x144: {  	[tilespmem:$0x77A0] =	vst v18;
	v18 =	vor.u32 s10, v0;
	(pc) =	sbr.rel @p0 .LBB2_4-.Ltmp3, $4  }
0x145: {  	[tilespmem:$0x77F0] =	vst v18  }
0x146: {  	[tilespmem:s28], [sflag:$0x3] =	stream.indirect.gather [hbm4b:s1+s22], $0x40, s26, s22, $0xb8;
	[tilespmem:$0x14000] =	vst v63  }
0x147: {  	_ = 	snop  }
0x148: {  	[tilespmem:s30], [sflag:$0x4] =	stream.indirect.gather [hbm4b:s5+s22], $0x40, s29, s22, $0xb8;
	[tilespmem:$0x14000] =	vst v63  }
0x149: {  	_ =	swait.ge [sflag:s31], $0x1400  }
0x14a: {  	[sflag:s31] =	ssyncset.done $0x0  }
0x14b: {  	[sflag:s31] =	ssyncadd.s32 $0xFFFFEC00  }
0x14c: {  	_ =	swait.ge [sflag:s0], $0x1400  }
0x14d: {  	[sflag:s0] =	ssyncset.done $0x0  }
0x14e: {  	s9 =	simm.s32 $0x70;
	[sflag:s0] =	ssyncadd.s32 $0xFFFFEC00  }
0x14f: {  	v24 =	vld [tilespmem:s9+$0x4EA0]  }
0x150: {  	v29 =	vld [tilespmem:s9+$0x4EB0]  }
0x151: {  	v23 =	vld [tilespmem:s9+$0x4EC0]  }
0x152: {  	v22 =	vld [tilespmem:s9+$0x4ED0]  }
0x153: {  	v21 =	vld [tilespmem:s9+$0x4EE0]  }
0x154: {  	v20 =	vld [tilespmem:s9+$0x4EF0]  }
0x155: {  	v19 =	vld [tilespmem:s9+$0x4F00]  }
0x156: {  	v18 =	vld [tilespmem:s9+$0x4F10]  }
0x157: {  	v30 =	vld [tilespmem:s9+$0x62A0]  }
0x158: {  	v31 =	vld [tilespmem:s9+$0x62B0]  }
0x159: {  	v28 =	vld [tilespmem:s9+$0x62C0]  }
0x15a: {  	v27 =	vld [tilespmem:s9+$0x62D0]  }
0x15b: {  	v26 =	vld [tilespmem:s9+$0x62E0]  }
0x15c: {  	v25 =	vld [tilespmem:s9+$0x62F0];
	v30 =	vadd.f32 v30, v24  }
0x15d: {  	s10 =	simm.s32 $0x3C0;
	v29 =	vadd.f32 v31, v29;
	v24 =	vld [tilespmem:s9+$0x6300]  }
.LBB2_10:
0x15e: {  	s11 =	sshra.s32 s10, $0x2;
	p0 =	sne.s32 s10, $0x4FC0;
	v30 =	vmax.f32 v30, $0.0e+00;
	v23 =	vadd.f32 v28, v23;
	v28 =	vld [tilespmem:s9+$0x6310]  }
0x15f: {  	v31 =	vld [tilespmem:s11+$0x4EA0];
	[tilespmem:s9+$0x62A0] =	vst v30;
	v29 =	vmax.f32 v29, $0.0e+00;
	v22 =	vadd.f32 v27, v22  }
0x160: {  	v32 =	vld [tilespmem:s11+$0x4EB0];
	[tilespmem:s9+$0x62B0] =	vst v29;
	v27 =	vmax.f32 v23, $0.0e+00;
	v21 =	vadd.f32 v26, v21  }
0x161: {  	v23 =	vld [tilespmem:s11+$0x4EC0];
	[tilespmem:s9+$0x62C0] =	vst v27;
	v26 =	vmax.f32 v22, $0.0e+00;
	v20 =	vadd.f32 v25, v20  }
0x162: {  	v22 =	vld [tilespmem:s11+$0x4ED0];
	[tilespmem:s9+$0x62D0] =	vst v26;
	v25 =	vmax.f32 v21, $0.0e+00;
	v19 =	vadd.f32 v24, v19  }
0x163: {  	v21 =	vld [tilespmem:s11+$0x4EE0];
	[tilespmem:s9+$0x62E0] =	vst v25;
	v24 =	vmax.f32 v20, $0.0e+00;
	v18 =	vadd.f32 v28, v18  }
0x164: {  	v20 =	vld [tilespmem:s11+$0x4EF0];
	[tilespmem:s9+$0x62F0] =	vst v24;
	v24 =	vmax.f32 v19, $0.0e+00  }
0x165: {  	v19 =	vld [tilespmem:s11+$0x4F00];
	[tilespmem:s9+$0x6300] =	vst v24;
	v24 =	vmax.f32 v18, $0.0e+00  }
0x166: {  	v18 =	vld [tilespmem:s11+$0x4F10];
	[tilespmem:s9+$0x6310] =	vst v24;
	s9 =	smov.u32 s11  }
0x167: {  	v24 =	vld [tilespmem:s9+$0x62A0]  }
0x168: {  	v29 =	vld [tilespmem:s9+$0x62B0]  }
.Ltmp4:
0x169: {  	v28 =	vld [tilespmem:s9+$0x62C0];
	(pc) =	sbr.rel @p0 .LBB2_10-.Ltmp4, $4  }
0x16a: {  	v27 =	vld [tilespmem:s9+$0x62D0]  }
0x16b: {  	v26 =	vld [tilespmem:s9+$0x62E0]  }
0x16c: {  	v30 =	vadd.f32 v24, v31;
	v25 =	vld [tilespmem:s9+$0x62F0]  }
0x16d: {  	s10 =	sadd.s32 $0x200, s10;
	v29 =	vadd.f32 v29, v32;
	v24 =	vld [tilespmem:s9+$0x6300]  }
0x16e: {  	v30 =	vmax.f32 v30, $0.0e+00;
	v23 =	vadd.f32 v28, v23;
	v28 =	vld [tilespmem:s9+$0x6310]  }
0x16f: {  	[tilespmem:s9+$0x62A0] =	vst v30;
	v29 =	vmax.f32 v29, $0.0e+00;
	v22 =	vadd.f32 v27, v22  }
0x170: {  	[tilespmem:s9+$0x62B0] =	vst v29;
	v23 =	vmax.f32 v23, $0.0e+00;
	v21 =	vadd.f32 v26, v21  }
0x171: {  	[tilespmem:s9+$0x62C0] =	vst v23;
	v22 =	vmax.f32 v22, $0.0e+00;
	v20 =	vadd.f32 v25, v20  }
0x172: {  	[tilespmem:s9+$0x62D0] =	vst v22;
	v21 =	vmax.f32 v21, $0.0e+00;
	v19 =	vadd.f32 v24, v19  }
0x173: {  	[tilespmem:s9+$0x62E0] =	vst v21;
	v20 =	vmax.f32 v20, $0.0e+00;
	v18 =	vadd.f32 v28, v18  }
0x174: {  	[tilespmem:s9+$0x62F0] =	vst v20;
	v19 =	vmax.f32 v19, $0.0e+00  }
0x175: {  	[tilespmem:s9+$0x6300] =	vst v19;
	v18 =	vmax.f32 v18, $0.0e+00  }
0x176: {  	[tilespmem:s9+$0x6310] =	vst v18  }
0x177: {  	[spmem:s3] =	stream.indirect.scatter.add.f32 [tilespmem:s25], [sflag:$0x5], $0x40, s21, s22, $0xb8;
	[tilespmem:$0x14000] =	vst v63  }
0x178: {  	_ =	swait.ge [sflag:s20], $0x1400  }
0x179: {  	[sflag:s20] =	ssyncset.done $0x0  }
0x17a: {  	[sflag:s20] =	ssyncadd.s32 $0xFFFFEC00  }
0x17b: {  	v18 =	vld [tilespmem:$0x26C0]  }
0x17c: {  	v19 =	vld [tilespmem:$0x4DD0];
	_ =	sdelay $0x1  }
0x17d: {  	v20 =	vld [tilespmem:$0x26D0];
	[tilespmem:$0x4EC0] =	vst v11  }
0x17e: {  	v21 =	vld [tilespmem:$0x4DE0];
	[tilespmem:$0x4ED0] =	vst v12  }
0x17f: {  	v22 =	vld [tilespmem:$0x26E0];
	[tilespmem:$0x4EE0] =	vst v13  }
0x180: {  	v18 =	vshll.u32 v18, $0x1;
	[tilespmem:$0x4E70] =	vst v19;
	v19 =	vld [tilespmem:$0x4DF0]  }
0x181: {  	[tilespmem:$0x4EF0] =	vst v14;
	v18 =	vor.u32 v1, v18  }
0x182: {  	[tilespmem:$0x4E20] =	vst v18;
	v18 =	vshll.u32 v20, $0x1;
	v20 =	vld [tilespmem:$0x26F0]  }
0x183: {  	[tilespmem:$0x4E80] =	vst v21;
	v21 =	vld [tilespmem:$0x4E00];
	v18 =	vor.u32 v1, v18  }
0x184: {  	[tilespmem:$0x4E30] =	vst v18;
	v18 =	vshll.u32 v22, $0x1;
	v22 =	vld [tilespmem:$0x2700]  }
0x185: {  	[tilespmem:$0x4E90] =	vst v19;
	v19 =	vld [tilespmem:$0x4E10]  }
0x186: {  	[tilespmem:$0x4F00] =	vst v15;
	v18 =	vor.u32 v1, v18  }
0x187: {  	[tilespmem:$0x4E40] =	vst v18;
	v18 =	vshll.u32 v20, $0x1  }
0x188: {  	[tilespmem:$0x4EA0] =	vst v21;
	v18 =	vor.u32 v1, v18  }
0x189: {  	[tilespmem:$0x4E50] =	vst v18;
	v18 =	vshll.u32 v22, $0x1  }
0x18a: {  	v18 =	vor.u32 v1, v18;
	[tilespmem:$0x4EB0] =	vst v19  }
0x18b: {  	[tilespmem:$0x4E60] =	vst v18  }
0x18c: {  	[tilespmem:s19], [sflag:$0x1] =	stream.indirect.gather [hbm4b:s1+s22], $0x40, s23, s22, $0xb8;
	[tilespmem:$0x14000] =	vst v63  }
0x18d: {  	_ = 	snop  }
0x18e: {  	[tilespmem:s25], [sflag:$0x2] =	stream.indirect.gather [hbm4b:s5+s22], $0x40, s24, s22, $0xb8;
	[tilespmem:$0x14000] =	vst v63  }
0x18f: {  	_ =	swait.ge [sflag:s2], $0x1400  }
0x190: {  	[sflag:s2] =	ssyncset.done $0x0  }
0x191: {  	[sflag:s2] =	ssyncadd.s32 $0xFFFFEC00  }
0x192: {  	_ =	swait.ge [sflag:s7], $0x1400  }
0x193: {  	[sflag:s7] =	ssyncset.done $0x0  }
0x194: {  	s9 =	simm.s32 $0x70;
	[sflag:s7] =	ssyncadd.s32 $0xFFFFEC00  }
0x195: {  	v24 =	vld [tilespmem:s9+$0x7790]  }
0x196: {  	v29 =	vld [tilespmem:s9+$0x77A0]  }
0x197: {  	v23 =	vld [tilespmem:s9+$0x77B0]  }
0x198: {  	v22 =	vld [tilespmem:s9+$0x77C0]  }
0x199: {  	v21 =	vld [tilespmem:s9+$0x77D0]  }
0x19a: {  	v20 =	vld [tilespmem:s9+$0x77E0]  }
0x19b: {  	v19 =	vld [tilespmem:s9+$0x77F0]  }
0x19c: {  	v18 =	vld [tilespmem:s9+$0x7800]  }
0x19d: {  	v30 =	vld [tilespmem:s9+$0x8B90]  }
0x19e: {  	v31 =	vld [tilespmem:s9+$0x8BA0]  }
0x19f: {  	v28 =	vld [tilespmem:s9+$0x8BB0]  }
0x1a0: {  	v27 =	vld [tilespmem:s9+$0x8BC0]  }
0x1a1: {  	v26 =	vld [tilespmem:s9+$0x8BD0]  }
0x1a2: {  	v25 =	vld [tilespmem:s9+$0x8BE0];
	v30 =	vadd.f32 v30, v24  }
0x1a3: {  	s10 =	simm.s32 $0x3C0;
	v29 =	vadd.f32 v31, v29;
	v24 =	vld [tilespmem:s9+$0x8BF0]  }
.LBB2_12:
0x1a4: {  	s11 =	sshra.s32 s10, $0x2;
	p0 =	sne.s32 s10, $0x4FC0;
	v30 =	vmax.f32 v30, $0.0e+00;
	v23 =	vadd.f32 v28, v23;
	v28 =	vld [tilespmem:s9+$0x8C00]  }
0x1a5: {  	v31 =	vld [tilespmem:s11+$0x7790];
	[tilespmem:s9+$0x8B90] =	vst v30;
	v29 =	vmax.f32 v29, $0.0e+00;
	v22 =	vadd.f32 v27, v22  }
0x1a6: {  	v32 =	vld [tilespmem:s11+$0x77A0];
	[tilespmem:s9+$0x8BA0] =	vst v29;
	v27 =	vmax.f32 v23, $0.0e+00;
	v21 =	vadd.f32 v26, v21  }
0x1a7: {  	v23 =	vld [tilespmem:s11+$0x77B0];
	[tilespmem:s9+$0x8BB0] =	vst v27;
	v26 =	vmax.f32 v22, $0.0e+00;
	v20 =	vadd.f32 v25, v20  }
0x1a8: {  	v22 =	vld [tilespmem:s11+$0x77C0];
	[tilespmem:s9+$0x8BC0] =	vst v26;
	v25 =	vmax.f32 v21, $0.0e+00;
	v19 =	vadd.f32 v24, v19  }
0x1a9: {  	v21 =	vld [tilespmem:s11+$0x77D0];
	[tilespmem:s9+$0x8BD0] =	vst v25;
	v24 =	vmax.f32 v20, $0.0e+00;
	v18 =	vadd.f32 v28, v18  }
0x1aa: {  	v20 =	vld [tilespmem:s11+$0x77E0];
	[tilespmem:s9+$0x8BE0] =	vst v24;
	v24 =	vmax.f32 v19, $0.0e+00  }
0x1ab: {  	v19 =	vld [tilespmem:s11+$0x77F0];
	[tilespmem:s9+$0x8BF0] =	vst v24;
	v24 =	vmax.f32 v18, $0.0e+00  }
0x1ac: {  	v18 =	vld [tilespmem:s11+$0x7800];
	[tilespmem:s9+$0x8C00] =	vst v24;
	s9 =	smov.u32 s11  }
0x1ad: {  	v24 =	vld [tilespmem:s9+$0x8B90]  }
0x1ae: {  	v29 =	vld [tilespmem:s9+$0x8BA0]  }
.Ltmp5:
0x1af: {  	v28 =	vld [tilespmem:s9+$0x8BB0];
	(pc) =	sbr.rel @p0 .LBB2_12-.Ltmp5, $4  }
0x1b0: {  	v27 =	vld [tilespmem:s9+$0x8BC0]  }
0x1b1: {  	v26 =	vld [tilespmem:s9+$0x8BD0]  }
0x1b2: {  	v30 =	vadd.f32 v24, v31;
	v25 =	vld [tilespmem:s9+$0x8BE0]  }
0x1b3: {  	s10 =	sadd.s32 $0x200, s10;
	v29 =	vadd.f32 v29, v32;
	v24 =	vld [tilespmem:s9+$0x8BF0]  }
0x1b4: {  	v30 =	vmax.f32 v30, $0.0e+00;
	v23 =	vadd.f32 v28, v23;
	v28 =	vld [tilespmem:s9+$0x8C00]  }
0x1b5: {  	[tilespmem:s9+$0x8B90] =	vst v30;
	v29 =	vmax.f32 v29, $0.0e+00;
	v22 =	vadd.f32 v27, v22  }
0x1b6: {  	[tilespmem:s9+$0x8BA0] =	vst v29;
	v23 =	vmax.f32 v23, $0.0e+00;
	v21 =	vadd.f32 v26, v21  }
0x1b7: {  	[tilespmem:s9+$0x8BB0] =	vst v23;
	v22 =	vmax.f32 v22, $0.0e+00;
	v20 =	vadd.f32 v25, v20  }
0x1b8: {  	[tilespmem:s9+$0x8BC0] =	vst v22;
	v21 =	vmax.f32 v21, $0.0e+00;
	v19 =	vadd.f32 v24, v19  }
0x1b9: {  	[tilespmem:s9+$0x8BD0] =	vst v21;
	v20 =	vmax.f32 v20, $0.0e+00;
	v18 =	vadd.f32 v28, v18  }
0x1ba: {  	[tilespmem:s9+$0x8BE0] =	vst v20;
	v19 =	vmax.f32 v19, $0.0e+00  }
0x1bb: {  	[tilespmem:s9+$0x8BF0] =	vst v19;
	v18 =	vmax.f32 v18, $0.0e+00  }
0x1bc: {  	[tilespmem:s9+$0x8C00] =	vst v18  }
0x1bd: {  	[spmem:s3] =	stream.indirect.scatter.add.f32 [tilespmem:s30], [sflag:$0x5], $0x40, s8, s22, $0xb8;
	[tilespmem:$0x14000] =	vst v63  }
0x1be: {  	_ =	swait.ge [sflag:s20], $0x1400  }
0x1bf: {  	[sflag:s20] =	ssyncset.done $0x0  }
0x1c0: {  	[sflag:s20] =	ssyncadd.s32 $0xFFFFEC00  }
0x1c1: {  	_ =	swait.ge [sflag:s31], $0x1400  }
0x1c2: {  	[sflag:s31] =	ssyncset.done $0x0  }
0x1c3: {  	[sflag:s31] =	ssyncadd.s32 $0xFFFFEC00  }
0x1c4: {  	_ =	swait.ge [sflag:s0], $0x1400  }
0x1c5: {  	[sflag:s0] =	ssyncset.done $0x0  }
0x1c6: {  	s9 =	simm.s32 $0x70;
	[sflag:s0] =	ssyncadd.s32 $0xFFFFEC00  }
0x1c7: {  	v24 =	vld [tilespmem:s9+$0x4EA0]  }
0x1c8: {  	v29 =	vld [tilespmem:s9+$0x4EB0]  }
0x1c9: {  	v23 =	vld [tilespmem:s9+$0x4EC0]  }
0x1ca: {  	v22 =	vld [tilespmem:s9+$0x4ED0]  }
0x1cb: {  	v21 =	vld [tilespmem:s9+$0x4EE0]  }
0x1cc: {  	v20 =	vld [tilespmem:s9+$0x4EF0]  }
0x1cd: {  	v19 =	vld [tilespmem:s9+$0x4F00]  }
0x1ce: {  	v18 =	vld [tilespmem:s9+$0x4F10]  }
0x1cf: {  	v30 =	vld [tilespmem:s9+$0x62A0]  }
0x1d0: {  	v31 =	vld [tilespmem:s9+$0x62B0]  }
0x1d1: {  	v28 =	vld [tilespmem:s9+$0x62C0]  }
0x1d2: {  	v27 =	vld [tilespmem:s9+$0x62D0]  }
0x1d3: {  	v26 =	vld [tilespmem:s9+$0x62E0]  }
0x1d4: {  	v25 =	vld [tilespmem:s9+$0x62F0];
	v30 =	vadd.f32 v30, v24  }
0x1d5: {  	s10 =	simm.s32 $0x3C0;
	v29 =	vadd.f32 v31, v29;
	v24 =	vld [tilespmem:s9+$0x6300]  }
.LBB2_14:
0x1d6: {  	s11 =	sshra.s32 s10, $0x2;
	p0 =	sne.s32 s10, $0x4FC0;
	v30 =	vmax.f32 v30, $0.0e+00;
	v23 =	vadd.f32 v28, v23;
	v28 =	vld [tilespmem:s9+$0x6310]  }
0x1d7: {  	v31 =	vld [tilespmem:s11+$0x4EA0];
	[tilespmem:s9+$0x62A0] =	vst v30;
	v29 =	vmax.f32 v29, $0.0e+00;
	v22 =	vadd.f32 v27, v22  }
0x1d8: {  	v32 =	vld [tilespmem:s11+$0x4EB0];
	[tilespmem:s9+$0x62B0] =	vst v29;
	v27 =	vmax.f32 v23, $0.0e+00;
	v21 =	vadd.f32 v26, v21  }
0x1d9: {  	v23 =	vld [tilespmem:s11+$0x4EC0];
	[tilespmem:s9+$0x62C0] =	vst v27;
	v26 =	vmax.f32 v22, $0.0e+00;
	v20 =	vadd.f32 v25, v20  }
0x1da: {  	v22 =	vld [tilespmem:s11+$0x4ED0];
	[tilespmem:s9+$0x62D0] =	vst v26;
	v25 =	vmax.f32 v21, $0.0e+00;
	v19 =	vadd.f32 v24, v19  }
0x1db: {  	v21 =	vld [tilespmem:s11+$0x4EE0];
	[tilespmem:s9+$0x62E0] =	vst v25;
	v24 =	vmax.f32 v20, $0.0e+00;
	v18 =	vadd.f32 v28, v18  }
0x1dc: {  	v20 =	vld [tilespmem:s11+$0x4EF0];
	[tilespmem:s9+$0x62F0] =	vst v24;
	v24 =	vmax.f32 v19, $0.0e+00  }
0x1dd: {  	v19 =	vld [tilespmem:s11+$0x4F00];
	[tilespmem:s9+$0x6300] =	vst v24;
	v24 =	vmax.f32 v18, $0.0e+00  }
0x1de: {  	v18 =	vld [tilespmem:s11+$0x4F10];
	[tilespmem:s9+$0x6310] =	vst v24;
	s9 =	smov.u32 s11  }
0x1df: {  	v24 =	vld [tilespmem:s9+$0x62A0]  }
0x1e0: {  	v29 =	vld [tilespmem:s9+$0x62B0]  }
.Ltmp6:
0x1e1: {  	v28 =	vld [tilespmem:s9+$0x62C0];
	(pc) =	sbr.rel @p0 .LBB2_14-.Ltmp6, $4  }
0x1e2: {  	v27 =	vld [tilespmem:s9+$0x62D0]  }
0x1e3: {  	v26 =	vld [tilespmem:s9+$0x62E0]  }
0x1e4: {  	v30 =	vadd.f32 v24, v31;
	v25 =	vld [tilespmem:s9+$0x62F0]  }
0x1e5: {  	s10 =	sadd.s32 $0x200, s10;
	v29 =	vadd.f32 v29, v32;
	v24 =	vld [tilespmem:s9+$0x6300]  }
0x1e6: {  	v30 =	vmax.f32 v30, $0.0e+00;
	v23 =	vadd.f32 v28, v23;
	v63 =	vld [tilespmem:s9+$0x6310]  }
0x1e7: {  	[tilespmem:s9+$0x62A0] =	vst v30;
	v29 =	vmax.f32 v29, $0.0e+00;
	v22 =	vadd.f32 v27, v22  }
0x1e8: {  	[tilespmem:s9+$0x62B0] =	vst v29;
	v23 =	vmax.f32 v23, $0.0e+00;
	v21 =	vadd.f32 v26, v21  }
0x1e9: {  	[tilespmem:s9+$0x62C0] =	vst v23;
	v22 =	vmax.f32 v22, $0.0e+00;
	v20 =	vadd.f32 v25, v20  }
0x1ea: {  	[tilespmem:s9+$0x62D0] =	vst v22;
	v21 =	vmax.f32 v21, $0.0e+00;
	v19 =	vadd.f32 v24, v19  }
0x1eb: {  	[tilespmem:s9+$0x62E0] =	vst v21;
	v20 =	vmax.f32 v20, $0.0e+00;
	v18 =	vadd.f32 v63, v18  }
0x1ec: {  	[tilespmem:s9+$0x62F0] =	vst v20;
	v19 =	vmax.f32 v19, $0.0e+00  }
0x1ed: {  	[tilespmem:s9+$0x6300] =	vst v19;
	v18 =	vmax.f32 v18, $0.0e+00  }
0x1ee: {  	[tilespmem:s9+$0x6310] =	vst v18  }
0x1ef: {  	[spmem:s3] =	stream.indirect.scatter.add.f32 [tilespmem:s25], [sflag:$0x5], $0x40, s21, s22, $0xb8;
	[tilespmem:$0x14000] =	vst v63  }
0x1f0: {  	_ =	swait.ge [sflag:s20], $0x1400  }
0x1f1: {  	s13 =	sshll.u32 s14, $0x6;
	s10 =	sshrl.u32 s6, $0x3;
	[sflag:s20] =	ssyncset.done $0x0  }
0x1f2: {  	s12 =	simm.s32 $0x10;
	s4 =	sadd.s32 $0x1, s4;
	[sflag:s20] =	ssyncadd.s32 $0xFFFFEC00  }
0x1f3: {  	p0 =	sne.s32 s4, s18;
	s9 =	sor.u32 $0x1C05, s13;
	[bflag:$0x0] =	sbarrier.arrive $0xFFFF  }
.Ltmp7:
0x1f4: {  	s13 =	simm.s32 $0x8;
	s11 =	rddreg [dreg:$0xc];
	(pc) =	sbr.rel @p0 .LBB2_1-.Ltmp7, $4  }
0x1f5: {  	[hbm:s11@s12], [sflag:s9] =	dma.strided [spmem:s10@s13], $0x1400, s31, $0x8   }
0x1f6: {  	_ =	swait.ge [sflag:s20], $0x1400  }
0x1f7: {  	[sflag:s20] =	ssyncset.done $0x0  }
0x1f8: {  	[sflag:s20] =	ssyncadd.s32 $0xFFFFEC00  }
0x1f9: {  	_ =	sfence.sel $0x180000  }
0x1fa: {  	[bflag:$0x0] =	sbarrier.arrive $0xFFFF  }
0x1fb: {  	_ =	strace $0x9000004A  }
0x1fc: {  	[bflag:$0x2] =	sbarrier.arrive $0xFFFF  }
0x1fd: {  	p0 =	sne.s32 s14, $0x0;
	s0 =	rddreg [dreg:$0x4]  }
0x1fe: {  	s0 =	sadd.s32 @!p0 $0x100000, s0  }
0x1ff: {  	[sflag:s0] =	ssyncadd.tile.s32 @!p0 $0x1;
	_ =	shalt  }
.Lfunc_end2:
_tile_overlayer_lowered:
.L_overlay_start_2:
0x200: {  	(tag) =	ssettag $0x2  }
0x201: {  	s0 =	rddreg [dreg:$0x0];
	s2 =	stileid.u32  }
0x202: {  	s1 =	rddreg [dreg:$0x1];
	p0 =	sne.s32 s2, $0x0  }
0x203: {  	s3 =	rddreg [dreg:$0x2];
	[bflag:$0x3] =	sbarrier.arrive $0xFFFF;
	s2 =	simm.s32 @!p0 $0x1C05  }
0x204: {  	[timem:s3], [sflag:s2] =	dma.local @!p0 [hbm:s0], s1  }
0x205: {  	s0 =	simm.s32 @!p0 $0x5  }
0x206: {  	_ =	swait.ge @!p0 [sflag:s0], s1  }
0x207: {  	s1 =	ssub.s32 @!p0 $0x0, s1;
	[sflag:s0] =	ssyncset.done @!p0 $0x0  }
0x208: {  	[sflag:s0] =	ssyncadd.s32 @!p0 s1  }
0x209: {  	[bflag:$0x3] =	sbarrier.arrive $0xFFFF  }
0x20a: {  	_ =	shalt  }

// kernel: kernel.7.cloned.1.call-start
scs
__scs_entry_jumppad:
0x0: {  	(pc) =	sbr.rel $0x88, $3  }
0x1: {  	(tag) =	ssettag $0x0;
	lr =	simm.s32 $0x1  }
0x2: {  	[smem:$0x3F95] =	sst lr;
	_ =	strace $0xD0000000  }
0x3: {  	_ = 	snop  }
0x4: {  	_ = 	snop  }
0x5: {  	_ = 	snop  }
0x6: {  	_ = 	snop  }
0x7: {  	_ = 	snop  }
__scs_overlays_trampoline_lowered:
0x8: {  	[smem:$0x3FA4] =	sst s0  }
0x9: {  	[smem:$0x3FA5] =	sst s1  }
0xa: {  	[smem:$0x3FA6] =	sst s2  }
0xb: {  	[smem:$0x3FA7] =	sst s3  }
0xc: {  	[smem:$0x3FA8] =	sst s4  }
0xd: {  	[smem:$0x3FA9] =	sst s5  }
0xe: {  	[smem:$0x3FAA] =	sst s6  }
0xf: {  	[smem:$0x3FAB] =	sst s7  }
0x10: {  	[smem:$0x3FAC] =	sst s8  }
0x11: {  	[smem:$0x3FAD] =	sst s9;
	s0 =	simm.s32 @!p0 $0x0  }
0x12: {  	s1 =	sld [smem:$0x3F93];
	s0 =	simm.s32 @p0 $0x1  }
0x13: {  	[smem:$0x3FAE] =	sst s0;
	s0 =	simm.s32 @!p1 $0x0  }
0x14: {  	s2 =	sld [smem:$0x3F92];
	s0 =	simm.s32 @p1 $0x1  }
0x15: {  	[smem:$0x3FAF] =	sst s0;
	s0 =	simm.s32 @!p2 $0x0  }
0x16: {  	s3 =	sld [smem:$0x3FDB];
	s0 =	simm.s32 @p2 $0x1  }
0x17: {  	s4 =	simm.s32 $0x1BF5;
	[smem:$0x3FB1] =	sst s0  }
0x18: {  	s0 =	sld [smem:$0x3F94];
	_ =	swait.ge [sflag:s4], $0x0  }
0x19: {  	s7 =	sld [smem:$0x3F95]  }
0x1a: {  	s8 =	sadd.s32 $0xFFFFE003, lr  }
0x1b: {  	s9 =	sadd.s32 $0xFFFFFEF7, lr;
	s5 =	simm.s32 $0xFFFFFFFF;
	p2 =	slt.u32 s8, $0xFFFFF086  }
0x1c: {  	p1 =	slt.u32 s9, $0xF7A;
	s5 =	simm.s32 @!p2 $0x0  }
0x1d: {  	s5 =	simm.s32 @p1 $0x1;
	p0 =	seq.s32 s7, s2  }
0x1e: {  	s7 =	smul.u32 @!p0 $0xF7A, s2;
	p2 =	seq.s32 @!p0 s5, $0x0  }
0x1f: {  	s9 =	smul.u32 $0xF7A, s1;
	s8 =	simm.s32 @!p0 $0x1BF5;
	p2 =	por !p2, p0  }
0x20: {  	[sflag:s8] =	ssyncset.s32 @!p0 $0xFFFFF086;
	s6 =	sadd.s32 @!p0 s3, s7;
	s7 =	simm.s32 @!p0 $0x108  }
0x21: {  	s3 =	sadd.s32 s3, s9;
	s6 =	sadd.s32 @!p0 $0x88, s6;
	s7 =	simm.s32 @p2 $0x1082  }
0x22: {  	[simem:s7], [sflag:s8] =	dma.local @!p0 [hbm:s6], $0xF7A  }
0x23: {  	s9 =	sor.u32 $0xD0000000, s2;
	s6 =	simm.s32 $0x108;
	_ =	swait.ge @!p0 [sflag:s8], $0x0  }
0x24: {  	s3 =	sadd.s32 $0x88, s3;
	s6 =	simm.s32 @!p1 $0x1082;
	[sflag:s4] =	ssyncset.s32 $0xFFFFF086  }
0x25: {  	[simem:s6], [sflag:s4] =	dma.local [hbm:s3], $0xF7A  }
0x26: {  	[smem:$0x3F95] =	sst s1;
	(tag) =	ssettag s2;
	_ =	strace s9  }
0x27: {  	s1 =	sld [smem:$0x3FA5]  }
0x28: {  	s2 =	sld [smem:$0x3FA6]  }
0x29: {  	s4 =	sld [smem:$0x3FA8]  }
0x2a: {  	p0 =	seq.s32 s5, $0x0;
	s5 =	sld [smem:$0x3FA9]  }
0x2b: {  	s6 =	sld [smem:$0x3FAA]  }
0x2c: {  	s7 =	sld [smem:$0x3FAB]  }
0x2d: {  	s3 =	simm.s32 $0x108;
	s8 =	sld [smem:$0x3FAC]  }
0x2e: {  	s3 =	simm.s32 @!p0 $0x1082;
	s9 =	sld [smem:$0x3FAD]  }
0x2f: {  	lr =	sadd.s32 s0, s3;
	s0 =	sld [smem:$0x3FA4]  }
0x30: {  	s3 =	sld [smem:$0x3FA7]  }
0x31: {  	[smem:$0x3FB0] =	sst s10  }
0x32: {  	s10 =	sld [smem:$0x3FAE];
	_ =	sdelay $0x3  }
0x33: {  	p0 =	seq.s32 s10, $0x1;
	s10 =	sld [smem:$0x3FB0];
	_ =	sdelay $0x3  }
0x34: {  	[smem:$0x3FB0] =	sst s10  }
0x35: {  	s10 =	sld [smem:$0x3FAF];
	_ =	sdelay $0x3  }
0x36: {  	p1 =	seq.s32 s10, $0x1;
	s10 =	sld [smem:$0x3FB0];
	_ =	sdelay $0x3  }
0x37: {  	[smem:$0x3FB0] =	sst s10  }
0x38: {  	s10 =	sld [smem:$0x3FB1]  }
0x39: {  	_ = 	snop;
	(pc) =	sbr.ind lr, $3  }
0x3a: {  	_ = 	snop  }
0x3b: {  	_ = 	snop  }
0x3c: {  	p2 =	seq.s32 s10, $0x1;
	s10 =	sld [smem:$0x3FB0]  }
0x3d: {  	_ =	shalt  }
0x3e: {  	_ =	shalt  }
0x3f: {  	_ =	shalt  }
0x40: {  	_ =	shalt  }
0x41: {  	_ =	shalt  }
0x42: {  	_ =	shalt  }
0x43: {  	_ =	shalt  }
0x44: {  	_ =	shalt  }
0x45: {  	_ =	shalt  }
0x46: {  	_ =	shalt  }
0x47: {  	_ =	shalt  }
0x48: {  	_ =	shalt  }
0x49: {  	_ =	shalt  }
0x4a: {  	_ =	shalt  }
0x4b: {  	_ =	shalt  }
0x4c: {  	_ =	shalt  }
0x4d: {  	_ =	shalt  }
0x4e: {  	_ =	shalt  }
0x4f: {  	_ =	shalt  }
0x50: {  	_ =	shalt  }
0x51: {  	_ =	shalt  }
0x52: {  	_ =	shalt  }
0x53: {  	_ =	shalt  }
0x54: {  	_ =	shalt  }
0x55: {  	_ =	shalt  }
0x56: {  	_ =	shalt  }
0x57: {  	_ =	shalt  }
0x58: {  	_ =	shalt  }
0x59: {  	_ =	shalt  }
0x5a: {  	_ =	shalt  }
0x5b: {  	_ =	shalt  }
0x5c: {  	_ =	shalt  }
0x5d: {  	_ =	shalt  }
0x5e: {  	_ =	shalt  }
0x5f: {  	_ =	shalt  }
0x60: {  	_ =	shalt  }
0x61: {  	_ =	shalt  }
0x62: {  	_ =	shalt  }
0x63: {  	_ =	shalt  }
0x64: {  	_ =	shalt  }
0x65: {  	_ =	shalt  }
0x66: {  	_ =	shalt  }
0x67: {  	_ =	shalt  }
0x68: {  	_ =	shalt  }
0x69: {  	_ =	shalt  }
0x6a: {  	_ =	shalt  }
0x6b: {  	_ =	shalt  }
0x6c: {  	_ =	shalt  }
0x6d: {  	_ =	shalt  }
0x6e: {  	_ =	shalt  }
0x6f: {  	_ =	shalt  }
0x70: {  	_ =	shalt  }
0x71: {  	_ =	shalt  }
0x72: {  	_ =	shalt  }
0x73: {  	_ =	shalt  }
0x74: {  	_ =	shalt  }
0x75: {  	_ =	shalt  }
0x76: {  	_ =	shalt  }
0x77: {  	_ =	shalt  }
0x78: {  	_ =	shalt  }
0x79: {  	_ =	shalt  }
0x7a: {  	_ =	shalt  }
0x7b: {  	_ =	shalt  }
0x7c: {  	_ =	shalt  }
0x7d: {  	_ =	shalt  }
0x7e: {  	_ =	shalt  }
0x7f: {  	_ =	shalt  }
0x80: {  	_ =	shalt  }
0x81: {  	_ =	shalt  }
0x82: {  	_ =	shalt  }
0x83: {  	_ =	shalt  }
0x84: {  	_ =	shalt  }
0x85: {  	_ =	shalt  }
0x86: {  	_ =	shalt  }
0x87: {  	_ =	shalt  }
.Lfunc_end0:
.L_simem_size_0:
called_computation_lowered:
.L_overlay_start_0:
0x88: {  	s2 =	sld [smem:$0x3FD9]  }
0x89: {  	s3 =	sld [smem:$0x3FFE];
	_ =	sdelay $0x1  }
0x8a: {  	s1 =	srdreg.scid  }
0x8b: {  	s0 =	sand.u32 $0x1, s1  }
0x8c: {  	s17 =	sshll.u32 s0, $0xA;
	s2 =	sadd.s32 s3, s2  }
0x8d: {  	s2 =	sadd.s32 s2, s17  }
0x8e: {  	[smem:$0x3FBC] =	sst s2  }
0x8f: {  	_ = 	snop  }
0x90: {  	s2 =	sld [smem:$0x3FC9]  }
0x91: {  	s18 =	sld [smem:$0x3FD0];
	(tm) =	ssettm $0x1  }
0x92: {  	s4 =	sld [smem:$0x3FFB];
	_ =	sdelay $0x3  }
0x93: {  	_ =	strace s4  }
0x94: {  	s4 =	sld [smem:$0x3FFC];
	_ =	sdelay $0x3  }
0x95: {  	_ =	strace s4  }
0x96: {  	s4 =	sld [smem:$0x3FFD];
	_ =	sdelay $0x3  }
0x97: {  	_ =	strace s4  }
0x98: {  	_ =	strace $0x8FFFFFFF  }
0x99: {  	s19 =	sld [smem:$0x3FDB];
	_ =	sdelay $0x1  }
0x9a: {  	s5 =	simm.s32 $_scs_section_size  }
0x9b: {  	s6 =	simm.s32 $_size__tile_overlayer_lowered;
	s7 =	simm.s32 $_tile_overlayer_lowered  }
0x9c: {  	s22 =	simm.s32 $0x1BFF;
	s21 =	sshll.u32 s7, $0x1;
	s4 =	sadd.s32 s5, s19  }
0x9d: {  	s8 =	simm.s32 $0x0;
	s20 =	sshll.u32 s6, $0x1;
	s6 =	sadd.s32 s21, s4  }
0x9e: {  	[timem:s8], [sflag:s22] =	dma.local [hbm:s6], s20  }
0x9f: {  	_ =	swait.ge [sflag:s22], s20  }
0xa0: {  	s5 =	ssub.s32 $0x0, s20;
	[sflag:s22] =	ssyncset.done $0x0  }
0xa1: {  	[sflag:s22] =	ssyncadd.s32 s5;
	_ =	sdelay $0x1  }
0xa2: {  	s23 =	simm.s32 $0x1B8B  }
0xa3: {  	_ =	swait.ge [sflag:s23], $0x1  }
0xa4: {  	[sflag:s23] =	ssyncset.done $0x0  }
0xa5: {  	s25 =	simm.s32 $0x1B8E;
	s24 =	sld [smem:$0x3FFE];
	[sflag:s23] =	ssyncadd.s32 $0xFFFFFFFF  }
0xa6: {  	s26 =	simm.s32 $execute0_lowered;
	[smem:$0x3FD2] =	sst s25  }
0xa7: {  	s6 =	sshll.u32 s26, $0x1;
	_ =	strace $0x80000046;
	[dreg:$0x1] =	wrdreg $0xFFFFFFFF  }
0xa8: {  	s28 =	simm.s32 $_size_execute0_lowered;
	s4 =	sadd.s32 s4, s6;
	[dreg:$0x0] =	wrdreg $0x0  }
0xa9: {  	s6 =	sshll.u32 s28, $0x1;
	[dreg:$0x2] =	wrdreg s4  }
0xaa: {  	[dreg:$0x3] =	wrdreg s6  }
0xab: {  	[dreg:$0x4] =	wrdreg $0xC0  }
0xac: {  	_ =	task [dreg:s8], $0x5FFFF  }
0xad: {  	[dreg:$0x1] =	wrdreg $0xFFFFFFFF  }
0xae: {  	[dreg:$0x0] =	wrdreg $0x60  }
0xaf: {  	[dreg:$0x2] =	wrdreg s2  }
0xb0: {  	[dreg:$0x3] =	wrdreg s18  }
0xb1: {  	[dreg:$0x4] =	wrdreg s24  }
0xb2: {  	[dreg:$0x5] =	wrdreg $0xA0000  }
0xb3: {  	[dreg:$0x6] =	wrdreg $0x9  }
0xb4: {  	_ =	task.clear_ibuf [dreg:s8], $0x7FFFF;
	_ =	strace $0x90000046  }
0xb5: {  	s29 =	simm.s32 $0x9;
	_ =	strace $0x80000048  }
0xb6: {  	_ =	swait.ge [sflag:s29], $0x1  }
0xb7: {  	[sflag:s29] =	ssyncadd.s32 $0xFFFFFFFF  }
0xb8: {  	_ =	strace $0x90000048  }
0xb9: {  	_ =	sfence  }
0xba: {  	s30 =	sld [smem:$0x0];
	_ =	sdelay $0x2  }
0xbb: {  	s31 =	sshll.u32 s1, $0xD;
	s1 =	sshrl.u32 s1, $0x2  }
0xbc: {  	s3 =	sand.u32 $0x4000, s31;
	s1 =	sadd.s32 s1, s30  }
0xbd: {  	s0 =	sor.u32 s3, s0;
	s1 =	sshll.u32 s1, $0x11  }
0xbe: {  	s0 =	sor.u32 s1, s0  }
0xbf: {  	s0 =	sadd.s32 $0x8F2B, s0  }
0xc0: {  	[sflag:s0] =	ssyncadd.remote.s32 $0x1  }
0xc1: {  	_ =	sfence.sel $0xFFFF  }
0xc2: {  	[dreg:$0x0] =	wrdreg $0xFFFFFFFF;
	(pc) =	sbr.abs _section_cstart, $3  }
0xc3: {  	[dreg:$0x1] =	wrdreg $0xFFFFFFFF  }
0xc4: {  	_ =	task.clear_ibuf [dreg:s8], $0x2FFFF;
	_ =	strace $0x9FFFFFFF  }
0xc5: {  	(tm) =	ssettm $0x7FFFFFFF  }
tec
execute0_lowered:
.L_overlay_start_1:
0x0: {  	(tag) =	ssettag $0x1  }
0x1: {  	s1 =	rddreg [dreg:$0x0]  }
0x2: {  	s0 =	rddreg [dreg:$0x1]  }
0x3: {  	s2 =	rddreg [dreg:$0x2]  }
0x4: {  	s3 =	rddreg [dreg:$0x3]  }
0x5: {  	s4 =	simm.s32 $0x0;
	s5 =	srdreg.scid;
	s11 =	stileid.u32  }
0x6: {  	[smem:$0x7FF] =	sst s4;
	s7 =	sand.u32 $0x1, s5;
	s6 =	smul.u32 $0x14000, s11  }
0x7: {  	s9 =	smul.u32 $0x28000, s11;
	s8 =	sshll.u32 s7, $0x6;
	s13 =	ssub.s32 $0x2, s7  }
0x8: {  	s5 =	sadd.s32 $0x4E4600, s2;
	s6 =	sor.u32 s8, s6;
	s10 =	sshrl.u32 s13, $0x1  }
0x9: {  	s9 =	sshrl.u32 s9, $0x2;
	s6 =	sshrl.u32 s6, $0x3;
	s8 =	ssub.s32 s13, s10  }
0xa: {  	s2 =	sadd.s32 s6, s2;
	s6 =	sadd.s32 s9, s3;
	s25 =	smax.u32 s8, $0x1  }
0xb: {  	_ =	strace $0x80000047;
	s9 =	sadd.s32 $0x1400, s6;
	[dreg:$0xc] =	wrdreg s25  }
0xc: {  	s14 =	sadd.s32 $0x2800, s6;
	[dreg:$0xe] =	wrdreg s9  }
0xd: {  	s16 =	sadd.s32 $0x3C00, s6;
	[dreg:$0xd] =	wrdreg s14  }
0xe: {  	s28 =	simm.s32 $0x7800;
	s17 =	sadd.s32 $0x5000, s6;
	[dreg:$0x5] =	wrdreg s16  }
0xf: {  	s29 =	simm.s32 $0x77B0;
	s19 =	sadd.s32 $0x6400, s6;
	[dreg:$0x6] =	wrdreg s17  }
0x10: {  	s15 =	smul.u32 $0x2710, s11;
	s20 =	sadd.s32 $0x7800, s6;
	[dreg:$0x7] =	wrdreg s19  }
0x11: {  	s18 =	smul.u32 $0x4E20, s11;
	s21 =	sadd.s32 $0x8C00, s6;
	[dreg:$0x8] =	wrdreg s20  }
0x12: {  	s2 =	sadd.s32 $0x755600, s2;
	s25 =	simm.s32 $0x6310;
	[dreg:$0x9] =	wrdreg s21  }
0x13: {  	s9 =	sshrl.u32 s15, $0x3;
	s15 =	sor.u32 s7, s18;
	[dreg:$0xb] =	wrdreg s2  }
0x14: {  	s19 =	simm.s32 $0x4F10;
	s20 =	simm.s32 $0x5;
	s2 =	simm.s32 $0x3  }
0x15: {  	v1 =	vmov s7;
	s7 =	simm.s32 $0x4;
	s14 =	sadd.s32 s0, s9;
	s22 =	sadd.s32 $0x20, s15  }
0x16: {  	s23 =	sadd.s32 $0x40, s15;
	s10 =	sadd.s32 $0x60, s15;
	s24 =	sadd.s32 $0x80, s15  }
0x17: {  	v0 =	vlaneseq.u32;
	s12 =	sadd.s32 $0xA0, s15;
	s21 =	sadd.s32 $0xC0, s15;
	s26 =	sadd.s32 $0xE0, s15  }
0x18: {  	v0 =	vmul.u32 $0x2, v0;
	s8 =	sadd.s32 $0x100, s15;
	s30 =	sadd.s32 $0x120, s15;
	s31 =	sadd.s32 $0x4D80, s15  }
0x19: {  	v17 =	vimm.f32 $0.0e+00;
	s13 =	sadd.s32 $0x4DA0, s15;
	s16 =	sadd.s32 $0x4DC0, s15;
	s17 =	sadd.s32 $0x4DE0, s15  }
0x1a: {  	s18 =	sadd.s32 $0x4E00, s15;
	v16 =	vor.u32 s15, v0;
	s0 =	sadd.s32 $0x9C40, s14;
	v2 =	vor.u32 s22, v0;
	s22 =	simm.s32 $0x50;
	v3 =	vor.u32 s23, v0  }
0x1b: {  	v4 =	vor.u32 s10, v0;
	v5 =	vor.u32 s24, v0;
	s23 =	simm.s32 $0x4E20;
	s24 =	simm.s32 $0x4EC0;
	v8 =	vor.u32 s26, v0;
	s26 =	simm.s32 $0x7710  }
0x1c: {  	v10 =	vor.u32 s30, v0;
	v11 =	vor.u32 s31, v0;
	s30 =	simm.s32 $0x8C00;
	s31 =	simm.s32 $0x1;
	v14 =	vor.u32 s17, v0;
	s17 =	rddreg [dreg:$0xe]  }
0x1d: {  	v7 =	vor.u32 s21, v0;
	v13 =	vor.u32 s16, v0;
	s16 =	stileid.u32;
	s21 =	simm.s32 $0x4E70;
	v15 =	vor.u32 s18, v0;
	s18 =	rddreg [dreg:$0xd]  }
0x1e: {  	v6 =	vor.u32 s12, v0;
	v9 =	vor.u32 s8, v0;
	v12 =	vor.u32 s13, v0;
	s8 =	simm.s32 $0x7760;
	[dreg:$0xa] =	wrdreg s0;
	s0 =	simm.s32 $0x2  }
.LBB2_1:
0x1f: {  	s10 =	simm.s32 $0x100;
	s9 =	simm.s32 $0x0  }
.LBB2_2:
0x20: {  	p0 =	sne.s32 s10, $0x4F00;
	[tilespmem:s9+$0x4F40] =	vst v17;
	s11 =	smov.u32 s10;
	s10 =	sadd.s32 $0x100, s10  }
.Ltmp0:
0x21: {  	[tilespmem:s9+$0x4F30] =	vst v17;
	(pc) =	sbr.rel @p0 .LBB2_2-.Ltmp0, $3  }
0x22: {  	[tilespmem:s9+$0x4F10] =	vst v17  }
0x23: {  	[tilespmem:s9+$0x4F20] =	vst v17;
	_ =	sdelay $0x1  }
0x24: {  	s9 =	sshra.s32 s11, $0x2  }
0x25: {  	[tilespmem:s9+$0x4F40] =	vst v17  }
0x26: {  	[tilespmem:s9+$0x4F30] =	vst v17  }
0x27: {  	[tilespmem:s9+$0x4F10] =	vst v17  }
0x28: {  	[tilespmem:s9+$0x4F20] =	vst v17  }
0x29: {  	[spmem:s6] =	stream.linear.scatter [tilespmem:s19], [sflag:$0x5], $0x1400, $0x38;
	[tilespmem:$0x14000] =	vst v63  }
0x2a: {  	_ =	swait.ge [sflag:s20], $0x1400  }
0x2b: {  	[sflag:s20] =	ssyncset.done $0x0  }
0x2c: {  	[sflag:s20] =	ssyncadd.s32 $0xFFFFEC00  }
0x2d: {  	[spmem:s17] =	stream.linear.scatter [tilespmem:s19], [sflag:$0x5], $0x1400, $0x38;
	[tilespmem:$0x14000] =	vst v63  }
0x2e: {  	_ =	swait.ge [sflag:s20], $0x1400  }
0x2f: {  	[sflag:s20] =	ssyncset.done $0x0  }
0x30: {  	[sflag:s20] =	ssyncadd.s32 $0xFFFFEC00  }
0x31: {  	[spmem:s18] =	stream.linear.scatter [tilespmem:s19], [sflag:$0x5], $0x1400, $0x38;
	[tilespmem:$0x14000] =	vst v63  }
0x32: {  	_ =	swait.ge [sflag:s20], $0x1400  }
0x33: {  	[sflag:s20] =	ssyncset.done $0x0  }
0x34: {  	s13 =	rddreg [dreg:$0x5];
	[sflag:s20] =	ssyncadd.s32 $0xFFFFEC00  }
0x35: {  	[spmem:s13] =	stream.linear.scatter [tilespmem:s19], [sflag:$0x5], $0x1400, $0x38;
	[tilespmem:$0x14000] =	vst v63  }
0x36: {  	_ =	swait.ge [sflag:s20], $0x1400  }
0x37: {  	[sflag:s20] =	ssyncset.done $0x0  }
0x38: {  	s10 =	rddreg [dreg:$0x6];
	[sflag:s20] =	ssyncadd.s32 $0xFFFFEC00  }
0x39: {  	[spmem:s10] =	stream.linear.scatter [tilespmem:s19], [sflag:$0x5], $0x1400, $0x38;
	[tilespmem:$0x14000] =	vst v63  }
0x3a: {  	_ =	swait.ge [sflag:s20], $0x1400  }
0x3b: {  	[sflag:s20] =	ssyncset.done $0x0  }
0x3c: {  	s11 =	rddreg [dreg:$0x7];
	[sflag:s20] =	ssyncadd.s32 $0xFFFFEC00  }
0x3d: {  	[spmem:s11] =	stream.linear.scatter [tilespmem:s19], [sflag:$0x5], $0x1400, $0x38;
	[tilespmem:$0x14000] =	vst v63  }
0x3e: {  	_ =	swait.ge [sflag:s20], $0x1400  }
0x3f: {  	[sflag:s20] =	ssyncset.done $0x0  }
0x40: {  	s12 =	rddreg [dreg:$0x8];
	[sflag:s20] =	ssyncadd.s32 $0xFFFFEC00  }
0x41: {  	[spmem:s12] =	stream.linear.scatter [tilespmem:s19], [sflag:$0x5], $0x1400, $0x38;
	[tilespmem:$0x14000] =	vst v63  }
0x42: {  	_ =	swait.ge [sflag:s20], $0x1400  }
0x43: {  	[sflag:s20] =	ssyncset.done $0x0  }
0x44: {  	s13 =	rddreg [dreg:$0x9];
	[sflag:s20] =	ssyncadd.s32 $0xFFFFEC00  }
0x45: {  	[spmem:s13] =	stream.linear.scatter [tilespmem:s19], [sflag:$0x5], $0x1400, $0x38;
	[tilespmem:$0x14000] =	vst v63  }
0x46: {  	_ =	swait.ge [sflag:s20], $0x1400  }
0x47: {  	[sflag:s20] =	ssyncset.done $0x0  }
0x48: {  	[sflag:s20] =	ssyncadd.s32 $0xFFFFEC00  }
0x49: {  	s9 =	simm.s32 $0x0;
	[bflag:$0x0] =	sbarrier.arrive $0xFFFF  }
0x4a: {  	[tilespmem:s9], [sflag:$0x5] =	stream.linear.gather [hbm4b:s14+s9], $0x2710, $0x38;
	[tilespmem:$0x14000] =	vst v63  }
0x4b: {  	_ =	swait.ge [sflag:s20], $0x2710  }
0x4c: {  	[sflag:s20] =	ssyncset.done $0x0  }
0x4d: {  	s11 =	simm.s32 $0x2710;
	s10 =	rddreg [dreg:$0xa];
	[sflag:s20] =	ssyncadd.s32 $0xFFFFD8F0  }
0x4e: {  	[tilespmem:s11], [sflag:$0x5] =	stream.linear.gather [hbm4b:s10+s9], $0x2710, $0x38;
	[tilespmem:$0x14000] =	vst v63  }
0x4f: {  	_ =	swait.ge [sflag:s20], $0x2710  }
0x50: {  	[sflag:s20] =	ssyncset.done $0x0  }
0x51: {  	[sflag:s20] =	ssyncadd.s32 $0xFFFFD8F0  }
0x52: {  	v18 =	vld [tilespmem:$0x0]  }
0x53: {  	v19 =	vld [tilespmem:$0x2710];
	_ =	sdelay $0x1  }
0x54: {  	v20 =	vld [tilespmem:$0x10];
	[tilespmem:$0x4EC0] =	vst v16  }
0x55: {  	[tilespmem:$0x4ED0] =	vst v2  }
0x56: {  	v22 =	vld [tilespmem:$0x20];
	[tilespmem:$0x4EE0] =	vst v3  }
0x57: {  	v18 =	vshll.u32 v18, $0x1;
	[tilespmem:$0x4E70] =	vst v19;
	v19 =	vld [tilespmem:$0x2730]  }
0x58: {  	v56 =	vld [tilespmem:$0x30];
	[tilespmem:$0x4EF0] =	vst v4;
	v18 =	vor.u32 v1, v18  }
0x59: {  	v21 =	vld [tilespmem:$0x2720];
	[tilespmem:$0x4E20] =	vst v18;
	v18 =	vshll.u32 v20, $0x1  }
0x5a: {  	v58 =	vld [tilespmem:$0x40];
	[tilespmem:$0x4F00] =	vst v5;
	v18 =	vor.u32 v1, v18  }
0x5b: {  	v57 =	vld [tilespmem:$0x2740];
	[tilespmem:$0x4E30] =	vst v18;
	v18 =	vshll.u32 v22, $0x1  }
0x5c: {  	v18 =	vor.u32 v1, v18;
	[tilespmem:$0x4E90] =	vst v19  }
0x5d: {  	v19 =	vld [tilespmem:$0x2750];
	[tilespmem:$0x4E40] =	vst v18;
	v18 =	vshll.u32 v56, $0x1  }
0x5e: {  	[tilespmem:$0x4E80] =	vst v21;
	v18 =	vor.u32 v1, v18  }
0x5f: {  	[tilespmem:$0x4E50] =	vst v18;
	v18 =	vshll.u32 v58, $0x1  }
0x60: {  	[tilespmem:$0x4EA0] =	vst v57;
	v18 =	vor.u32 v1, v18  }
0x61: {  	[tilespmem:$0x4E60] =	vst v18  }
0x62: {  	[tilespmem:$0x4EB0] =	vst v19  }
0x63: {  	[tilespmem:s19], [sflag:$0x1] =	stream.indirect.gather [hbm4b:s1+s22], $0x40, s23, s22, $0xb8;
	[tilespmem:$0x14000] =	vst v63  }
0x64: {  	_ = 	snop  }
0x65: {  	[tilespmem:s25], [sflag:$0x2] =	stream.indirect.gather [hbm4b:s5+s22], $0x40, s24, s22, $0xb8;
	[tilespmem:$0x14000] =	vst v63  }
0x66: {  	v18 =	vld [tilespmem:$0x50];
	_ =	sdelay $0x1  }
0x67: {  	v19 =	vld [tilespmem:$0x60];
	_ =	sdelay $0x1  }
0x68: {  	v60 =	vld [tilespmem:$0x70]  }
0x69: {  	v18 =	vshll.u32 v18, $0x1  }
0x6a: {  	v23 =	vld [tilespmem:$0x80];
	[tilespmem:$0x77B0] =	vst v6;
	v18 =	vor.u32 v1, v18  }
0x6b: {  	[tilespmem:$0x7710] =	vst v18;
	v18 =	vshll.u32 v19, $0x1  }
0x6c: {  	v62 =	vld [tilespmem:$0x90];
	[tilespmem:$0x77C0] =	vst v7;
	v18 =	vor.u32 v1, v18  }
0x6d: {  	[tilespmem:$0x7720] =	vst v18;
	v18 =	vshll.u32 v60, $0x1  }
0x6e: {  	[tilespmem:$0x77D0] =	vst v8;
	v18 =	vor.u32 v1, v18  }
0x6f: {  	v59 =	vld [tilespmem:$0x2760];
	[tilespmem:$0x7730] =	vst v18;
	v18 =	vshll.u32 v23, $0x1  }
0x70: {  	v61 =	vld [tilespmem:$0x2770];
	[tilespmem:$0x77E0] =	vst v9;
	v18 =	vor.u32 v1, v18  }
0x71: {  	v63 =	vld [tilespmem:$0x2790];
	[tilespmem:$0x7740] =	vst v18;
	v18 =	vshll.u32 v62, $0x1  }
0x72: {  	[tilespmem:$0x77F0] =	vst v10;
	v19 =	vld [tilespmem:$0x2780];
	v18 =	vor.u32 v1, v18  }
0x73: {  	[tilespmem:$0x7750] =	vst v18;
	v18 =	vld [tilespmem:$0x27A0]  }
0x74: {  	[tilespmem:$0x7760] =	vst v59  }
0x75: {  	[tilespmem:$0x7770] =	vst v61  }
0x76: {  	[tilespmem:$0x7790] =	vst v63  }
0x77: {  	[tilespmem:$0x7780] =	vst v19  }
0x78: {  	[tilespmem:$0x77A0] =	vst v18  }
0x79: {  	[tilespmem:s28], [sflag:$0x3] =	stream.indirect.gather [hbm4b:s1+s22], $0x40, s26, s22, $0xb8;
	[tilespmem:$0x14000] =	vst v63  }
0x7a: {  	_ = 	snop  }
0x7b: {  	[tilespmem:s30], [sflag:$0x4] =	stream.indirect.gather [hbm4b:s5+s22], $0x40, s29, s22, $0xb8;
	[tilespmem:$0x14000] =	vst v63  }
.LBB2_4:
0x7c: {  	_ =	swait.ge [sflag:s31], $0x1400  }
0x7d: {  	[sflag:s31] =	ssyncset.done $0x0  }
0x7e: {  	[sflag:s31] =	ssyncadd.s32 $0xFFFFEC00  }
0x7f: {  	_ =	swait.ge [sflag:s0], $0x1400  }
0x80: {  	[sflag:s0] =	ssyncset.done $0x0  }
0x81: {  	s10 =	simm.s32 $0x70;
	[sflag:s0] =	ssyncadd.s32 $0xFFFFEC00  }
0x82: {  	v24 =	vld [tilespmem:s10+$0x4EA0]  }
0x83: {  	v29 =	vld [tilespmem:s10+$0x4EB0]  }
0x84: {  	v23 =	vld [tilespmem:s10+$0x4EC0]  }
0x85: {  	v22 =	vld [tilespmem:s10+$0x4ED0]  }
0x86: {  	v21 =	vld [tilespmem:s10+$0x4EE0]  }
0x87: {  	v20 =	vld [tilespmem:s10+$0x4EF0]  }
0x88: {  	v19 =	vld [tilespmem:s10+$0x4F00]  }
0x89: {  	v18 =	vld [tilespmem:s10+$0x4F10]  }
0x8a: {  	v30 =	vld [tilespmem:s10+$0x62A0]  }
0x8b: {  	v31 =	vld [tilespmem:s10+$0x62B0]  }
0x8c: {  	v28 =	vld [tilespmem:s10+$0x62C0]  }
0x8d: {  	v27 =	vld [tilespmem:s10+$0x62D0]  }
0x8e: {  	v26 =	vld [tilespmem:s10+$0x62E0]  }
0x8f: {  	v25 =	vld [tilespmem:s10+$0x62F0];
	v30 =	vadd.f32 v30, v24  }
0x90: {  	s11 =	simm.s32 $0x3C0;
	v29 =	vadd.f32 v31, v29;
	v24 =	vld [tilespmem:s10+$0x6300]  }
.LBB2_5:
0x91: {  	s12 =	sshra.s32 s11, $0x2;
	p0 =	sne.s32 s11, $0x4FC0;
	v30 =	vmax.f32 v30, $0.0e+00;
	v23 =	vadd.f32 v28, v23;
	v28 =	vld [tilespmem:s10+$0x6310]  }
0x92: {  	v31 =	vld [tilespmem:s12+$0x4EA0];
	[tilespmem:s10+$0x62A0] =	vst v30;
	v29 =	vmax.f32 v29, $0.0e+00;
	v22 =	vadd.f32 v27, v22  }
0x93: {  	v32 =	vld [tilespmem:s12+$0x4EB0];
	[tilespmem:s10+$0x62B0] =	vst v29;
	v27 =	vmax.f32 v23, $0.0e+00;
	v21 =	vadd.f32 v26, v21  }
0x94: {  	v23 =	vld [tilespmem:s12+$0x4EC0];
	[tilespmem:s10+$0x62C0] =	vst v27;
	v26 =	vmax.f32 v22, $0.0e+00;
	v20 =	vadd.f32 v25, v20  }
0x95: {  	v22 =	vld [tilespmem:s12+$0x4ED0];
	[tilespmem:s10+$0x62D0] =	vst v26;
	v25 =	vmax.f32 v21, $0.0e+00;
	v19 =	vadd.f32 v24, v19  }
0x96: {  	v21 =	vld [tilespmem:s12+$0x4EE0];
	[tilespmem:s10+$0x62E0] =	vst v25;
	v24 =	vmax.f32 v20, $0.0e+00;
	v18 =	vadd.f32 v28, v18  }
0x97: {  	v20 =	vld [tilespmem:s12+$0x4EF0];
	[tilespmem:s10+$0x62F0] =	vst v24;
	v24 =	vmax.f32 v19, $0.0e+00  }
0x98: {  	v19 =	vld [tilespmem:s12+$0x4F00];
	[tilespmem:s10+$0x6300] =	vst v24;
	v24 =	vmax.f32 v18, $0.0e+00  }
0x99: {  	v18 =	vld [tilespmem:s12+$0x4F10];
	[tilespmem:s10+$0x6310] =	vst v24;
	s10 =	smov.u32 s12  }
0x9a: {  	v24 =	vld [tilespmem:s10+$0x62A0]  }
0x9b: {  	v29 =	vld [tilespmem:s10+$0x62B0]  }
.Ltmp1:
0x9c: {  	v28 =	vld [tilespmem:s10+$0x62C0];
	(pc) =	sbr.rel @p0 .LBB2_5-.Ltmp1, $4  }
0x9d: {  	v27 =	vld [tilespmem:s10+$0x62D0]  }
0x9e: {  	v26 =	vld [tilespmem:s10+$0x62E0]  }
0x9f: {  	v30 =	vadd.f32 v24, v31;
	v25 =	vld [tilespmem:s10+$0x62F0]  }
0xa0: {  	s11 =	sadd.s32 $0x200, s11;
	v29 =	vadd.f32 v29, v32;
	v24 =	vld [tilespmem:s10+$0x6300]  }
0xa1: {  	v30 =	vmax.f32 v30, $0.0e+00;
	v23 =	vadd.f32 v28, v23;
	v28 =	vld [tilespmem:s10+$0x6310]  }
0xa2: {  	[tilespmem:s10+$0x62A0] =	vst v30;
	v29 =	vmax.f32 v29, $0.0e+00;
	v22 =	vadd.f32 v27, v22  }
0xa3: {  	[tilespmem:s10+$0x62B0] =	vst v29;
	v23 =	vmax.f32 v23, $0.0e+00;
	v21 =	vadd.f32 v26, v21  }
0xa4: {  	[tilespmem:s10+$0x62C0] =	vst v23;
	v22 =	vmax.f32 v22, $0.0e+00;
	v20 =	vadd.f32 v25, v20  }
0xa5: {  	[tilespmem:s10+$0x62D0] =	vst v22;
	v21 =	vmax.f32 v21, $0.0e+00;
	v19 =	vadd.f32 v24, v19  }
0xa6: {  	[tilespmem:s10+$0x62E0] =	vst v21;
	v20 =	vmax.f32 v20, $0.0e+00;
	v18 =	vadd.f32 v28, v18  }
0xa7: {  	[tilespmem:s10+$0x62F0] =	vst v20;
	v19 =	vmax.f32 v19, $0.0e+00  }
0xa8: {  	[tilespmem:s10+$0x6300] =	vst v19;
	v18 =	vmax.f32 v18, $0.0e+00  }
0xa9: {  	[tilespmem:s10+$0x6310] =	vst v18;
	s10 =	sshll.u32 s9, $0x1  }
0xaa: {  	[spmem:s3] =	stream.indirect.scatter.add.f32 [tilespmem:s25], [sflag:$0x5], $0x40, s21, s22, $0xb8;
	[tilespmem:$0x14000] =	vst v63  }
0xab: {  	s11 =	sadd.s32 $0x2, s10;
	_ =	swait.ge [sflag:s20], $0x1400  }
0xac: {  	s12 =	smul.u32 $0x50, s11;
	[sflag:s20] =	ssyncset.done $0x0  }
0xad: {  	[sflag:s20] =	ssyncadd.s32 $0xFFFFEC00  }
0xae: {  	v18 =	vld [tilespmem:s12+$0x0];
	_ =	sdelay $0x4  }
0xaf: {  	v18 =	vshll.u32 v18, $0x1  }
0xb0: {  	v18 =	vor.u32 v1, v18  }
0xb1: {  	[tilespmem:$0x4E20] =	vst v18  }
0xb2: {  	v18 =	vld [tilespmem:s12+$0x2710];
	_ =	sdelay $0x1  }
0xb3: {  	s11 =	smul.u32 $0xA0, s11;
	_ =	sdelay $0x1  }
0xb4: {  	s11 =	sadd.s32 s15, s11  }
0xb5: {  	[tilespmem:$0x4E70] =	vst v18;
	v18 =	vor.u32 s11, v0  }
0xb6: {  	[tilespmem:$0x4EC0] =	vst v18  }
0xb7: {  	v18 =	vld [tilespmem:s12+$0x10];
	_ =	sdelay $0x4  }
0xb8: {  	v18 =	vshll.u32 v18, $0x1  }
0xb9: {  	v18 =	vor.u32 v1, v18  }
0xba: {  	[tilespmem:$0x4E30] =	vst v18  }
0xbb: {  	v18 =	vld [tilespmem:s12+$0x2720];
	_ =	sdelay $0x1  }
0xbc: {  	s13 =	sor.u32 $0x10, s12  }
0xbd: {  	s11 =	sshll.u32 s13, $0x1  }
0xbe: {  	s11 =	sadd.s32 s15, s11  }
0xbf: {  	[tilespmem:$0x4E80] =	vst v18;
	v18 =	vor.u32 s11, v0  }
0xc0: {  	[tilespmem:$0x4ED0] =	vst v18  }
0xc1: {  	v18 =	vld [tilespmem:s12+$0x20];
	_ =	sdelay $0x4  }
0xc2: {  	v18 =	vshll.u32 v18, $0x1  }
0xc3: {  	v18 =	vor.u32 v1, v18  }
0xc4: {  	[tilespmem:$0x4E40] =	vst v18  }
0xc5: {  	v18 =	vld [tilespmem:s12+$0x2730];
	_ =	sdelay $0x1  }
0xc6: {  	s13 =	sadd.s32 $0x20, s12  }
0xc7: {  	s11 =	sshll.u32 s13, $0x1  }
0xc8: {  	s11 =	sadd.s32 s15, s11  }
0xc9: {  	[tilespmem:$0x4E90] =	vst v18;
	v18 =	vor.u32 s11, v0  }
0xca: {  	[tilespmem:$0x4EE0] =	vst v18  }
0xcb: {  	v18 =	vld [tilespmem:s12+$0x30];
	_ =	sdelay $0x4  }
0xcc: {  	v18 =	vshll.u32 v18, $0x1  }
0xcd: {  	v18 =	vor.u32 v1, v18  }
0xce: {  	[tilespmem:$0x4E50] =	vst v18  }
0xcf: {  	v18 =	vld [tilespmem:s12+$0x2740];
	_ =	sdelay $0x1  }
0xd0: {  	s13 =	sadd.s32 $0x30, s12  }
0xd1: {  	s11 =	sshll.u32 s13, $0x1  }
0xd2: {  	s11 =	sadd.s32 s15, s11  }
0xd3: {  	[tilespmem:$0x4EA0] =	vst v18;
	v18 =	vor.u32 s11, v0  }
0xd4: {  	[tilespmem:$0x4EF0] =	vst v18  }
0xd5: {  	v18 =	vld [tilespmem:s12+$0x40];
	_ =	sdelay $0x4  }
0xd6: {  	v18 =	vshll.u32 v18, $0x1  }
0xd7: {  	v18 =	vor.u32 v1, v18  }
0xd8: {  	[tilespmem:$0x4E60] =	vst v18  }
0xd9: {  	v18 =	vld [tilespmem:s12+$0x2750];
	_ =	sdelay $0x1  }
0xda: {  	s13 =	sadd.s32 $0x40, s12  }
0xdb: {  	s11 =	sshll.u32 s13, $0x1  }
0xdc: {  	s11 =	sadd.s32 s15, s11  }
0xdd: {  	[tilespmem:$0x4EB0] =	vst v18;
	v18 =	vor.u32 s11, v0  }
0xde: {  	[tilespmem:$0x4F00] =	vst v18  }
0xdf: {  	[tilespmem:s19], [sflag:$0x1] =	stream.indirect.gather [hbm4b:s1+s22], $0x40, s23, s22, $0xb8;
	[tilespmem:$0x14000] =	vst v63  }
0xe0: {  	_ = 	snop  }
0xe1: {  	[tilespmem:s25], [sflag:$0x2] =	stream.indirect.gather [hbm4b:s5+s22], $0x40, s24, s22, $0xb8;
	[tilespmem:$0x14000] =	vst v63  }
0xe2: {  	_ =	swait.ge [sflag:s2], $0x1400  }
0xe3: {  	[sflag:s2] =	ssyncset.done $0x0  }
0xe4: {  	[sflag:s2] =	ssyncadd.s32 $0xFFFFEC00  }
0xe5: {  	_ =	swait.ge [sflag:s7], $0x1400  }
0xe6: {  	[sflag:s7] =	ssyncset.done $0x0  }
0xe7: {  	s11 =	simm.s32 $0x70;
	[sflag:s7] =	ssyncadd.s32 $0xFFFFEC00  }
0xe8: {  	v24 =	vld [tilespmem:s11+$0x7790]  }
0xe9: {  	v29 =	vld [tilespmem:s11+$0x77A0]  }
0xea: {  	v23 =	vld [tilespmem:s11+$0x77B0]  }
0xeb: {  	v22 =	vld [tilespmem:s11+$0x77C0]  }
0xec: {  	v21 =	vld [tilespmem:s11+$0x77D0]  }
0xed: {  	v20 =	vld [tilespmem:s11+$0x77E0]  }
0xee: {  	v19 =	vld [tilespmem:s11+$0x77F0]  }
0xef: {  	v18 =	vld [tilespmem:s11+$0x7800]  }
0xf0: {  	v30 =	vld [tilespmem:s11+$0x8B90]  }
0xf1: {  	v31 =	vld [tilespmem:s11+$0x8BA0]  }
0xf2: {  	v28 =	vld [tilespmem:s11+$0x8BB0]  }
0xf3: {  	v27 =	vld [tilespmem:s11+$0x8BC0]  }
0xf4: {  	v26 =	vld [tilespmem:s11+$0x8BD0]  }
0xf5: {  	v25 =	vld [tilespmem:s11+$0x8BE0];
	v30 =	vadd.f32 v30, v24  }
0xf6: {  	s12 =	simm.s32 $0x3C0;
	v29 =	vadd.f32 v31, v29;
	v24 =	vld [tilespmem:s11+$0x8BF0]  }
.LBB2_7:
0xf7: {  	s13 =	sshra.s32 s12, $0x2;
	p0 =	sne.s32 s12, $0x4FC0;
	v30 =	vmax.f32 v30, $0.0e+00;
	v23 =	vadd.f32 v28, v23;
	v28 =	vld [tilespmem:s11+$0x8C00]  }
0xf8: {  	v31 =	vld [tilespmem:s13+$0x7790];
	[tilespmem:s11+$0x8B90] =	vst v30;
	v29 =	vmax.f32 v29, $0.0e+00;
	v22 =	vadd.f32 v27, v22  }
0xf9: {  	v32 =	vld [tilespmem:s13+$0x77A0];
	[tilespmem:s11+$0x8BA0] =	vst v29;
	v27 =	vmax.f32 v23, $0.0e+00;
	v21 =	vadd.f32 v26, v21  }
0xfa: {  	v23 =	vld [tilespmem:s13+$0x77B0];
	[tilespmem:s11+$0x8BB0] =	vst v27;
	v26 =	vmax.f32 v22, $0.0e+00;
	v20 =	vadd.f32 v25, v20  }
0xfb: {  	v22 =	vld [tilespmem:s13+$0x77C0];
	[tilespmem:s11+$0x8BC0] =	vst v26;
	v25 =	vmax.f32 v21, $0.0e+00;
	v19 =	vadd.f32 v24, v19  }
0xfc: {  	v21 =	vld [tilespmem:s13+$0x77D0];
	[tilespmem:s11+$0x8BD0] =	vst v25;
	v24 =	vmax.f32 v20, $0.0e+00;
	v18 =	vadd.f32 v28, v18  }
0xfd: {  	v20 =	vld [tilespmem:s13+$0x77E0];
	[tilespmem:s11+$0x8BE0] =	vst v24;
	v24 =	vmax.f32 v19, $0.0e+00  }
0xfe: {  	v19 =	vld [tilespmem:s13+$0x77F0];
	[tilespmem:s11+$0x8BF0] =	vst v24;
	v24 =	vmax.f32 v18, $0.0e+00  }
0xff: {  	v18 =	vld [tilespmem:s13+$0x7800];
	[tilespmem:s11+$0x8C00] =	vst v24;
	s11 =	smov.u32 s13  }
0x100: {  	v24 =	vld [tilespmem:s11+$0x8B90]  }
0x101: {  	v29 =	vld [tilespmem:s11+$0x8BA0]  }
.Ltmp2:
0x102: {  	v28 =	vld [tilespmem:s11+$0x8BB0];
	(pc) =	sbr.rel @p0 .LBB2_7-.Ltmp2, $4  }
0x103: {  	v27 =	vld [tilespmem:s11+$0x8BC0]  }
0x104: {  	v26 =	vld [tilespmem:s11+$0x8BD0]  }
0x105: {  	v30 =	vadd.f32 v24, v31;
	v25 =	vld [tilespmem:s11+$0x8BE0]  }
0x106: {  	s12 =	sadd.s32 $0x200, s12;
	v29 =	vadd.f32 v29, v32;
	v24 =	vld [tilespmem:s11+$0x8BF0]  }
0x107: {  	v30 =	vmax.f32 v30, $0.0e+00;
	v23 =	vadd.f32 v28, v23;
	v63 =	vld [tilespmem:s11+$0x8C00]  }
0x108: {  	[tilespmem:s11+$0x8B90] =	vst v30;
	v29 =	vmax.f32 v29, $0.0e+00;
	v22 =	vadd.f32 v27, v22  }
0x109: {  	[tilespmem:s11+$0x8BA0] =	vst v29;
	v23 =	vmax.f32 v23, $0.0e+00;
	v21 =	vadd.f32 v26, v21  }
0x10a: {  	[tilespmem:s11+$0x8BB0] =	vst v23;
	v22 =	vmax.f32 v22, $0.0e+00;
	v20 =	vadd.f32 v25, v20  }
0x10b: {  	[tilespmem:s11+$0x8BC0] =	vst v22;
	v21 =	vmax.f32 v21, $0.0e+00;
	v19 =	vadd.f32 v24, v19  }
0x10c: {  	[tilespmem:s11+$0x8BD0] =	vst v21;
	v20 =	vmax.f32 v20, $0.0e+00;
	v18 =	vadd.f32 v63, v18  }
0x10d: {  	[tilespmem:s11+$0x8BE0] =	vst v20;
	v19 =	vmax.f32 v19, $0.0e+00  }
0x10e: {  	[tilespmem:s11+$0x8BF0] =	vst v19;
	v18 =	vmax.f32 v18, $0.0e+00  }
0x10f: {  	[tilespmem:s11+$0x8C00] =	vst v18  }
0x110: {  	[spmem:s3] =	stream.indirect.scatter.add.f32 [tilespmem:s30], [sflag:$0x5], $0x40, s8, s22, $0xb8;
	[tilespmem:$0x14000] =	vst v63  }
0x111: {  	s10 =	sadd.s32 $0x3, s10;
	_ =	swait.ge [sflag:s20], $0x1400  }
0x112: {  	s11 =	smul.u32 $0x50, s10;
	[sflag:s20] =	ssyncset.done $0x0  }
0x113: {  	[sflag:s20] =	ssyncadd.s32 $0xFFFFEC00  }
0x114: {  	v18 =	vld [tilespmem:s11+$0x0];
	_ =	sdelay $0x4  }
0x115: {  	v18 =	vshll.u32 v18, $0x1  }
0x116: {  	v18 =	vor.u32 v1, v18  }
0x117: {  	[tilespmem:$0x7710] =	vst v18  }
0x118: {  	v18 =	vld [tilespmem:s11+$0x2710];
	_ =	sdelay $0x1  }
0x119: {  	s10 =	smul.u32 $0xA0, s10;
	_ =	sdelay $0x1  }
0x11a: {  	s10 =	sadd.s32 s15, s10  }
0x11b: {  	[tilespmem:$0x7760] =	vst v18;
	v18 =	vor.u32 s10, v0  }
0x11c: {  	[tilespmem:$0x77B0] =	vst v18  }
0x11d: {  	v18 =	vld [tilespmem:s11+$0x10];
	_ =	sdelay $0x4  }
0x11e: {  	v18 =	vshll.u32 v18, $0x1  }
0x11f: {  	v18 =	vor.u32 v1, v18  }
0x120: {  	[tilespmem:$0x7720] =	vst v18  }
0x121: {  	v18 =	vld [tilespmem:s11+$0x2720];
	_ =	sdelay $0x1  }
0x122: {  	s12 =	sadd.s32 $0x10, s11  }
0x123: {  	s10 =	sshll.u32 s12, $0x1  }
0x124: {  	s10 =	sadd.s32 s15, s10  }
0x125: {  	[tilespmem:$0x7770] =	vst v18;
	v18 =	vor.u32 s10, v0  }
0x126: {  	[tilespmem:$0x77C0] =	vst v18  }
0x127: {  	v18 =	vld [tilespmem:s11+$0x20];
	_ =	sdelay $0x4  }
0x128: {  	v18 =	vshll.u32 v18, $0x1  }
0x129: {  	v18 =	vor.u32 v1, v18  }
0x12a: {  	[tilespmem:$0x7730] =	vst v18  }
0x12b: {  	v18 =	vld [tilespmem:s11+$0x2730];
	_ =	sdelay $0x1  }
0x12c: {  	s13 =	sadd.s32 $0x20, s11  }
0x12d: {  	s10 =	sshll.u32 s13, $0x1  }
0x12e: {  	s10 =	sadd.s32 s15, s10  }
0x12f: {  	[tilespmem:$0x7780] =	vst v18;
	v18 =	vor.u32 s10, v0  }
0x130: {  	[tilespmem:$0x77D0] =	vst v18  }
0x131: {  	v18 =	vld [tilespmem:s11+$0x30];
	_ =	sdelay $0x4  }
0x132: {  	v18 =	vshll.u32 v18, $0x1  }
0x133: {  	v18 =	vor.u32 v1, v18  }
0x134: {  	[tilespmem:$0x7740] =	vst v18  }
0x135: {  	v18 =	vld [tilespmem:s11+$0x2740];
	_ =	sdelay $0x1  }
0x136: {  	s12 =	sadd.s32 $0x30, s11  }
0x137: {  	s10 =	sshll.u32 s12, $0x1  }
0x138: {  	s10 =	sadd.s32 s15, s10  }
0x139: {  	[tilespmem:$0x7790] =	vst v18;
	v18 =	vor.u32 s10, v0  }
0x13a: {  	[tilespmem:$0x77E0] =	vst v18  }
0x13b: {  	v18 =	vld [tilespmem:s11+$0x40];
	_ =	sdelay $0x4  }
0x13c: {  	v18 =	vshll.u32 v18, $0x1  }
0x13d: {  	v18 =	vor.u32 v1, v18  }
0x13e: {  	[tilespmem:$0x7750] =	vst v18  }
0x13f: {  	v18 =	vld [tilespmem:s11+$0x2750];
	_ =	sdelay $0x1  }
0x140: {  	s13 =	sadd.s32 $0x40, s11  }
0x141: {  	s9 =	sadd.s32 $0x1, s9;
	s10 =	sshll.u32 s13, $0x1  }
0x142: {  	p0 =	sne.s32 s9, $0x3D;
	s10 =	sadd.s32 s15, s10  }
.Ltmp3:
0x143: {  	[tilespmem:$0x77A0] =	vst v18;
	v18 =	vor.u32 s10, v0;
	(pc) =	sbr.rel @p0 .LBB2_4-.Ltmp3, $4  }
0x144: {  	[tilespmem:$0x77F0] =	vst v18  }
0x145: {  	[tilespmem:s28], [sflag:$0x3] =	stream.indirect.gather [hbm4b:s1+s22], $0x40, s26, s22, $0xb8;
	[tilespmem:$0x14000] =	vst v63  }
0x146: {  	_ = 	snop  }
0x147: {  	[tilespmem:s30], [sflag:$0x4] =	stream.indirect.gather [hbm4b:s5+s22], $0x40, s29, s22, $0xb8;
	[tilespmem:$0x14000] =	vst v63  }
0x148: {  	_ =	swait.ge [sflag:s31], $0x1400  }
0x149: {  	[sflag:s31] =	ssyncset.done $0x0  }
0x14a: {  	[sflag:s31] =	ssyncadd.s32 $0xFFFFEC00  }
0x14b: {  	_ =	swait.ge [sflag:s0], $0x1400  }
0x14c: {  	[sflag:s0] =	ssyncset.done $0x0  }
0x14d: {  	s9 =	simm.s32 $0x70;
	[sflag:s0] =	ssyncadd.s32 $0xFFFFEC00  }
0x14e: {  	v24 =	vld [tilespmem:s9+$0x4EA0]  }
0x14f: {  	v29 =	vld [tilespmem:s9+$0x4EB0]  }
0x150: {  	v23 =	vld [tilespmem:s9+$0x4EC0]  }
0x151: {  	v22 =	vld [tilespmem:s9+$0x4ED0]  }
0x152: {  	v21 =	vld [tilespmem:s9+$0x4EE0]  }
0x153: {  	v20 =	vld [tilespmem:s9+$0x4EF0]  }
0x154: {  	v19 =	vld [tilespmem:s9+$0x4F00]  }
0x155: {  	v18 =	vld [tilespmem:s9+$0x4F10]  }
0x156: {  	v30 =	vld [tilespmem:s9+$0x62A0]  }
0x157: {  	v31 =	vld [tilespmem:s9+$0x62B0]  }
0x158: {  	v28 =	vld [tilespmem:s9+$0x62C0]  }
0x159: {  	v27 =	vld [tilespmem:s9+$0x62D0]  }
0x15a: {  	v26 =	vld [tilespmem:s9+$0x62E0]  }
0x15b: {  	v25 =	vld [tilespmem:s9+$0x62F0];
	v30 =	vadd.f32 v30, v24  }
0x15c: {  	s10 =	simm.s32 $0x3C0;
	v29 =	vadd.f32 v31, v29;
	v24 =	vld [tilespmem:s9+$0x6300]  }
.LBB2_10:
0x15d: {  	s11 =	sshra.s32 s10, $0x2;
	p0 =	sne.s32 s10, $0x4FC0;
	v30 =	vmax.f32 v30, $0.0e+00;
	v23 =	vadd.f32 v28, v23;
	v28 =	vld [tilespmem:s9+$0x6310]  }
0x15e: {  	v31 =	vld [tilespmem:s11+$0x4EA0];
	[tilespmem:s9+$0x62A0] =	vst v30;
	v29 =	vmax.f32 v29, $0.0e+00;
	v22 =	vadd.f32 v27, v22  }
0x15f: {  	v32 =	vld [tilespmem:s11+$0x4EB0];
	[tilespmem:s9+$0x62B0] =	vst v29;
	v27 =	vmax.f32 v23, $0.0e+00;
	v21 =	vadd.f32 v26, v21  }
0x160: {  	v23 =	vld [tilespmem:s11+$0x4EC0];
	[tilespmem:s9+$0x62C0] =	vst v27;
	v26 =	vmax.f32 v22, $0.0e+00;
	v20 =	vadd.f32 v25, v20  }
0x161: {  	v22 =	vld [tilespmem:s11+$0x4ED0];
	[tilespmem:s9+$0x62D0] =	vst v26;
	v25 =	vmax.f32 v21, $0.0e+00;
	v19 =	vadd.f32 v24, v19  }
0x162: {  	v21 =	vld [tilespmem:s11+$0x4EE0];
	[tilespmem:s9+$0x62E0] =	vst v25;
	v24 =	vmax.f32 v20, $0.0e+00;
	v18 =	vadd.f32 v28, v18  }
0x163: {  	v20 =	vld [tilespmem:s11+$0x4EF0];
	[tilespmem:s9+$0x62F0] =	vst v24;
	v24 =	vmax.f32 v19, $0.0e+00  }
0x164: {  	v19 =	vld [tilespmem:s11+$0x4F00];
	[tilespmem:s9+$0x6300] =	vst v24;
	v24 =	vmax.f32 v18, $0.0e+00  }
0x165: {  	v18 =	vld [tilespmem:s11+$0x4F10];
	[tilespmem:s9+$0x6310] =	vst v24;
	s9 =	smov.u32 s11  }
0x166: {  	v24 =	vld [tilespmem:s9+$0x62A0]  }
0x167: {  	v29 =	vld [tilespmem:s9+$0x62B0]  }
.Ltmp4:
0x168: {  	v28 =	vld [tilespmem:s9+$0x62C0];
	(pc) =	sbr.rel @p0 .LBB2_10-.Ltmp4, $4  }
0x169: {  	v27 =	vld [tilespmem:s9+$0x62D0]  }
0x16a: {  	v26 =	vld [tilespmem:s9+$0x62E0]  }
0x16b: {  	v30 =	vadd.f32 v24, v31;
	v25 =	vld [tilespmem:s9+$0x62F0]  }
0x16c: {  	s10 =	sadd.s32 $0x200, s10;
	v29 =	vadd.f32 v29, v32;
	v24 =	vld [tilespmem:s9+$0x6300]  }
0x16d: {  	v30 =	vmax.f32 v30, $0.0e+00;
	v23 =	vadd.f32 v28, v23;
	v28 =	vld [tilespmem:s9+$0x6310]  }
0x16e: {  	[tilespmem:s9+$0x62A0] =	vst v30;
	v29 =	vmax.f32 v29, $0.0e+00;
	v22 =	vadd.f32 v27, v22  }
0x16f: {  	[tilespmem:s9+$0x62B0] =	vst v29;
	v23 =	vmax.f32 v23, $0.0e+00;
	v21 =	vadd.f32 v26, v21  }
0x170: {  	[tilespmem:s9+$0x62C0] =	vst v23;
	v22 =	vmax.f32 v22, $0.0e+00;
	v20 =	vadd.f32 v25, v20  }
0x171: {  	[tilespmem:s9+$0x62D0] =	vst v22;
	v21 =	vmax.f32 v21, $0.0e+00;
	v19 =	vadd.f32 v24, v19  }
0x172: {  	[tilespmem:s9+$0x62E0] =	vst v21;
	v20 =	vmax.f32 v20, $0.0e+00;
	v18 =	vadd.f32 v28, v18  }
0x173: {  	[tilespmem:s9+$0x62F0] =	vst v20;
	v19 =	vmax.f32 v19, $0.0e+00  }
0x174: {  	[tilespmem:s9+$0x6300] =	vst v19;
	v18 =	vmax.f32 v18, $0.0e+00  }
0x175: {  	[tilespmem:s9+$0x6310] =	vst v18  }
0x176: {  	[spmem:s3] =	stream.indirect.scatter.add.f32 [tilespmem:s25], [sflag:$0x5], $0x40, s21, s22, $0xb8;
	[tilespmem:$0x14000] =	vst v63  }
0x177: {  	_ =	swait.ge [sflag:s20], $0x1400  }
0x178: {  	[sflag:s20] =	ssyncset.done $0x0  }
0x179: {  	[sflag:s20] =	ssyncadd.s32 $0xFFFFEC00  }
0x17a: {  	v18 =	vld [tilespmem:$0x26C0]  }
0x17b: {  	v19 =	vld [tilespmem:$0x4DD0];
	_ =	sdelay $0x1  }
0x17c: {  	v20 =	vld [tilespmem:$0x26D0];
	[tilespmem:$0x4EC0] =	vst v11  }
0x17d: {  	v21 =	vld [tilespmem:$0x4DE0];
	[tilespmem:$0x4ED0] =	vst v12  }
0x17e: {  	v22 =	vld [tilespmem:$0x26E0];
	[tilespmem:$0x4EE0] =	vst v13  }
0x17f: {  	v18 =	vshll.u32 v18, $0x1;
	[tilespmem:$0x4E70] =	vst v19;
	v19 =	vld [tilespmem:$0x4DF0]  }
0x180: {  	[tilespmem:$0x4EF0] =	vst v14;
	v18 =	vor.u32 v1, v18  }
0x181: {  	[tilespmem:$0x4E20] =	vst v18;
	v18 =	vshll.u32 v20, $0x1;
	v20 =	vld [tilespmem:$0x26F0]  }
0x182: {  	[tilespmem:$0x4E80] =	vst v21;
	v21 =	vld [tilespmem:$0x4E00];
	v18 =	vor.u32 v1, v18  }
0x183: {  	[tilespmem:$0x4E30] =	vst v18;
	v18 =	vshll.u32 v22, $0x1;
	v22 =	vld [tilespmem:$0x2700]  }
0x184: {  	[tilespmem:$0x4E90] =	vst v19;
	v19 =	vld [tilespmem:$0x4E10]  }
0x185: {  	[tilespmem:$0x4F00] =	vst v15;
	v18 =	vor.u32 v1, v18  }
0x186: {  	[tilespmem:$0x4E40] =	vst v18;
	v18 =	vshll.u32 v20, $0x1  }
0x187: {  	[tilespmem:$0x4EA0] =	vst v21;
	v18 =	vor.u32 v1, v18  }
0x188: {  	[tilespmem:$0x4E50] =	vst v18;
	v18 =	vshll.u32 v22, $0x1  }
0x189: {  	v18 =	vor.u32 v1, v18;
	[tilespmem:$0x4EB0] =	vst v19  }
0x18a: {  	[tilespmem:$0x4E60] =	vst v18  }
0x18b: {  	[tilespmem:s19], [sflag:$0x1] =	stream.indirect.gather [hbm4b:s1+s22], $0x40, s23, s22, $0xb8;
	[tilespmem:$0x14000] =	vst v63  }
0x18c: {  	_ = 	snop  }
0x18d: {  	[tilespmem:s25], [sflag:$0x2] =	stream.indirect.gather [hbm4b:s5+s22], $0x40, s24, s22, $0xb8;
	[tilespmem:$0x14000] =	vst v63  }
0x18e: {  	_ =	swait.ge [sflag:s2], $0x1400  }
0x18f: {  	[sflag:s2] =	ssyncset.done $0x0  }
0x190: {  	[sflag:s2] =	ssyncadd.s32 $0xFFFFEC00  }
0x191: {  	_ =	swait.ge [sflag:s7], $0x1400  }
0x192: {  	[sflag:s7] =	ssyncset.done $0x0  }
0x193: {  	s9 =	simm.s32 $0x70;
	[sflag:s7] =	ssyncadd.s32 $0xFFFFEC00  }
0x194: {  	v24 =	vld [tilespmem:s9+$0x7790]  }
0x195: {  	v29 =	vld [tilespmem:s9+$0x77A0]  }
0x196: {  	v23 =	vld [tilespmem:s9+$0x77B0]  }
0x197: {  	v22 =	vld [tilespmem:s9+$0x77C0]  }
0x198: {  	v21 =	vld [tilespmem:s9+$0x77D0]  }
0x199: {  	v20 =	vld [tilespmem:s9+$0x77E0]  }
0x19a: {  	v19 =	vld [tilespmem:s9+$0x77F0]  }
0x19b: {  	v18 =	vld [tilespmem:s9+$0x7800]  }
0x19c: {  	v30 =	vld [tilespmem:s9+$0x8B90]  }
0x19d: {  	v31 =	vld [tilespmem:s9+$0x8BA0]  }
0x19e: {  	v28 =	vld [tilespmem:s9+$0x8BB0]  }
0x19f: {  	v27 =	vld [tilespmem:s9+$0x8BC0]  }
0x1a0: {  	v26 =	vld [tilespmem:s9+$0x8BD0]  }
0x1a1: {  	v25 =	vld [tilespmem:s9+$0x8BE0];
	v30 =	vadd.f32 v30, v24  }
0x1a2: {  	s10 =	simm.s32 $0x3C0;
	v29 =	vadd.f32 v31, v29;
	v24 =	vld [tilespmem:s9+$0x8BF0]  }
.LBB2_12:
0x1a3: {  	s11 =	sshra.s32 s10, $0x2;
	p0 =	sne.s32 s10, $0x4FC0;
	v30 =	vmax.f32 v30, $0.0e+00;
	v23 =	vadd.f32 v28, v23;
	v28 =	vld [tilespmem:s9+$0x8C00]  }
0x1a4: {  	v31 =	vld [tilespmem:s11+$0x7790];
	[tilespmem:s9+$0x8B90] =	vst v30;
	v29 =	vmax.f32 v29, $0.0e+00;
	v22 =	vadd.f32 v27, v22  }
0x1a5: {  	v32 =	vld [tilespmem:s11+$0x77A0];
	[tilespmem:s9+$0x8BA0] =	vst v29;
	v27 =	vmax.f32 v23, $0.0e+00;
	v21 =	vadd.f32 v26, v21  }
0x1a6: {  	v23 =	vld [tilespmem:s11+$0x77B0];
	[tilespmem:s9+$0x8BB0] =	vst v27;
	v26 =	vmax.f32 v22, $0.0e+00;
	v20 =	vadd.f32 v25, v20  }
0x1a7: {  	v22 =	vld [tilespmem:s11+$0x77C0];
	[tilespmem:s9+$0x8BC0] =	vst v26;
	v25 =	vmax.f32 v21, $0.0e+00;
	v19 =	vadd.f32 v24, v19  }
0x1a8: {  	v21 =	vld [tilespmem:s11+$0x77D0];
	[tilespmem:s9+$0x8BD0] =	vst v25;
	v24 =	vmax.f32 v20, $0.0e+00;
	v18 =	vadd.f32 v28, v18  }
0x1a9: {  	v20 =	vld [tilespmem:s11+$0x77E0];
	[tilespmem:s9+$0x8BE0] =	vst v24;
	v24 =	vmax.f32 v19, $0.0e+00  }
0x1aa: {  	v19 =	vld [tilespmem:s11+$0x77F0];
	[tilespmem:s9+$0x8BF0] =	vst v24;
	v24 =	vmax.f32 v18, $0.0e+00  }
0x1ab: {  	v18 =	vld [tilespmem:s11+$0x7800];
	[tilespmem:s9+$0x8C00] =	vst v24;
	s9 =	smov.u32 s11  }
0x1ac: {  	v24 =	vld [tilespmem:s9+$0x8B90]  }
0x1ad: {  	v29 =	vld [tilespmem:s9+$0x8BA0]  }
.Ltmp5:
0x1ae: {  	v28 =	vld [tilespmem:s9+$0x8BB0];
	(pc) =	sbr.rel @p0 .LBB2_12-.Ltmp5, $4  }
0x1af: {  	v27 =	vld [tilespmem:s9+$0x8BC0]  }
0x1b0: {  	v26 =	vld [tilespmem:s9+$0x8BD0]  }
0x1b1: {  	v30 =	vadd.f32 v24, v31;
	v25 =	vld [tilespmem:s9+$0x8BE0]  }
0x1b2: {  	s10 =	sadd.s32 $0x200, s10;
	v29 =	vadd.f32 v29, v32;
	v24 =	vld [tilespmem:s9+$0x8BF0]  }
0x1b3: {  	v30 =	vmax.f32 v30, $0.0e+00;
	v23 =	vadd.f32 v28, v23;
	v28 =	vld [tilespmem:s9+$0x8C00]  }
0x1b4: {  	[tilespmem:s9+$0x8B90] =	vst v30;
	v29 =	vmax.f32 v29, $0.0e+00;
	v22 =	vadd.f32 v27, v22  }
0x1b5: {  	[tilespmem:s9+$0x8BA0] =	vst v29;
	v23 =	vmax.f32 v23, $0.0e+00;
	v21 =	vadd.f32 v26, v21  }
0x1b6: {  	[tilespmem:s9+$0x8BB0] =	vst v23;
	v22 =	vmax.f32 v22, $0.0e+00;
	v20 =	vadd.f32 v25, v20  }
0x1b7: {  	[tilespmem:s9+$0x8BC0] =	vst v22;
	v21 =	vmax.f32 v21, $0.0e+00;
	v19 =	vadd.f32 v24, v19  }
0x1b8: {  	[tilespmem:s9+$0x8BD0] =	vst v21;
	v20 =	vmax.f32 v20, $0.0e+00;
	v18 =	vadd.f32 v28, v18  }
0x1b9: {  	[tilespmem:s9+$0x8BE0] =	vst v20;
	v19 =	vmax.f32 v19, $0.0e+00  }
0x1ba: {  	[tilespmem:s9+$0x8BF0] =	vst v19;
	v18 =	vmax.f32 v18, $0.0e+00  }
0x1bb: {  	[tilespmem:s9+$0x8C00] =	vst v18  }
0x1bc: {  	[spmem:s3] =	stream.indirect.scatter.add.f32 [tilespmem:s30], [sflag:$0x5], $0x40, s8, s22, $0xb8;
	[tilespmem:$0x14000] =	vst v63  }
0x1bd: {  	_ =	swait.ge [sflag:s20], $0x1400  }
0x1be: {  	[sflag:s20] =	ssyncset.done $0x0  }
0x1bf: {  	[sflag:s20] =	ssyncadd.s32 $0xFFFFEC00  }
0x1c0: {  	_ =	swait.ge [sflag:s31], $0x1400  }
0x1c1: {  	[sflag:s31] =	ssyncset.done $0x0  }
0x1c2: {  	[sflag:s31] =	ssyncadd.s32 $0xFFFFEC00  }
0x1c3: {  	_ =	swait.ge [sflag:s0], $0x1400  }
0x1c4: {  	[sflag:s0] =	ssyncset.done $0x0  }
0x1c5: {  	s9 =	simm.s32 $0x70;
	[sflag:s0] =	ssyncadd.s32 $0xFFFFEC00  }
0x1c6: {  	v24 =	vld [tilespmem:s9+$0x4EA0]  }
0x1c7: {  	v29 =	vld [tilespmem:s9+$0x4EB0]  }
0x1c8: {  	v23 =	vld [tilespmem:s9+$0x4EC0]  }
0x1c9: {  	v22 =	vld [tilespmem:s9+$0x4ED0]  }
0x1ca: {  	v21 =	vld [tilespmem:s9+$0x4EE0]  }
0x1cb: {  	v20 =	vld [tilespmem:s9+$0x4EF0]  }
0x1cc: {  	v19 =	vld [tilespmem:s9+$0x4F00]  }
0x1cd: {  	v18 =	vld [tilespmem:s9+$0x4F10]  }
0x1ce: {  	v30 =	vld [tilespmem:s9+$0x62A0]  }
0x1cf: {  	v31 =	vld [tilespmem:s9+$0x62B0]  }
0x1d0: {  	v28 =	vld [tilespmem:s9+$0x62C0]  }
0x1d1: {  	v27 =	vld [tilespmem:s9+$0x62D0]  }
0x1d2: {  	v26 =	vld [tilespmem:s9+$0x62E0]  }
0x1d3: {  	v25 =	vld [tilespmem:s9+$0x62F0];
	v30 =	vadd.f32 v30, v24  }
0x1d4: {  	s10 =	simm.s32 $0x3C0;
	v29 =	vadd.f32 v31, v29;
	v24 =	vld [tilespmem:s9+$0x6300]  }
.LBB2_14:
0x1d5: {  	s11 =	sshra.s32 s10, $0x2;
	p0 =	sne.s32 s10, $0x4FC0;
	v30 =	vmax.f32 v30, $0.0e+00;
	v23 =	vadd.f32 v28, v23;
	v28 =	vld [tilespmem:s9+$0x6310]  }
0x1d6: {  	v31 =	vld [tilespmem:s11+$0x4EA0];
	[tilespmem:s9+$0x62A0] =	vst v30;
	v29 =	vmax.f32 v29, $0.0e+00;
	v22 =	vadd.f32 v27, v22  }
0x1d7: {  	v32 =	vld [tilespmem:s11+$0x4EB0];
	[tilespmem:s9+$0x62B0] =	vst v29;
	v27 =	vmax.f32 v23, $0.0e+00;
	v21 =	vadd.f32 v26, v21  }
0x1d8: {  	v23 =	vld [tilespmem:s11+$0x4EC0];
	[tilespmem:s9+$0x62C0] =	vst v27;
	v26 =	vmax.f32 v22, $0.0e+00;
	v20 =	vadd.f32 v25, v20  }
0x1d9: {  	v22 =	vld [tilespmem:s11+$0x4ED0];
	[tilespmem:s9+$0x62D0] =	vst v26;
	v25 =	vmax.f32 v21, $0.0e+00;
	v19 =	vadd.f32 v24, v19  }
0x1da: {  	v21 =	vld [tilespmem:s11+$0x4EE0];
	[tilespmem:s9+$0x62E0] =	vst v25;
	v24 =	vmax.f32 v20, $0.0e+00;
	v18 =	vadd.f32 v28, v18  }
0x1db: {  	v20 =	vld [tilespmem:s11+$0x4EF0];
	[tilespmem:s9+$0x62F0] =	vst v24;
	v24 =	vmax.f32 v19, $0.0e+00  }
0x1dc: {  	v19 =	vld [tilespmem:s11+$0x4F00];
	[tilespmem:s9+$0x6300] =	vst v24;
	v24 =	vmax.f32 v18, $0.0e+00  }
0x1dd: {  	v18 =	vld [tilespmem:s11+$0x4F10];
	[tilespmem:s9+$0x6310] =	vst v24;
	s9 =	smov.u32 s11  }
0x1de: {  	v24 =	vld [tilespmem:s9+$0x62A0]  }
0x1df: {  	v29 =	vld [tilespmem:s9+$0x62B0]  }
.Ltmp6:
0x1e0: {  	v28 =	vld [tilespmem:s9+$0x62C0];
	(pc) =	sbr.rel @p0 .LBB2_14-.Ltmp6, $4  }
0x1e1: {  	v27 =	vld [tilespmem:s9+$0x62D0]  }
0x1e2: {  	v26 =	vld [tilespmem:s9+$0x62E0]  }
0x1e3: {  	v30 =	vadd.f32 v24, v31;
	v25 =	vld [tilespmem:s9+$0x62F0]  }
0x1e4: {  	s10 =	sadd.s32 $0x200, s10;
	v29 =	vadd.f32 v29, v32;
	v24 =	vld [tilespmem:s9+$0x6300]  }
0x1e5: {  	v30 =	vmax.f32 v30, $0.0e+00;
	v23 =	vadd.f32 v28, v23;
	v63 =	vld [tilespmem:s9+$0x6310]  }
0x1e6: {  	[tilespmem:s9+$0x62A0] =	vst v30;
	v29 =	vmax.f32 v29, $0.0e+00;
	v22 =	vadd.f32 v27, v22  }
0x1e7: {  	[tilespmem:s9+$0x62B0] =	vst v29;
	v23 =	vmax.f32 v23, $0.0e+00;
	v21 =	vadd.f32 v26, v21  }
0x1e8: {  	[tilespmem:s9+$0x62C0] =	vst v23;
	v22 =	vmax.f32 v22, $0.0e+00;
	v20 =	vadd.f32 v25, v20  }
0x1e9: {  	[tilespmem:s9+$0x62D0] =	vst v22;
	v21 =	vmax.f32 v21, $0.0e+00;
	v19 =	vadd.f32 v24, v19  }
0x1ea: {  	[tilespmem:s9+$0x62E0] =	vst v21;
	v20 =	vmax.f32 v20, $0.0e+00;
	v18 =	vadd.f32 v63, v18  }
0x1eb: {  	[tilespmem:s9+$0x62F0] =	vst v20;
	v19 =	vmax.f32 v19, $0.0e+00  }
0x1ec: {  	[tilespmem:s9+$0x6300] =	vst v19;
	v18 =	vmax.f32 v18, $0.0e+00  }
0x1ed: {  	[tilespmem:s9+$0x6310] =	vst v18  }
0x1ee: {  	[spmem:s3] =	stream.indirect.scatter.add.f32 [tilespmem:s25], [sflag:$0x5], $0x40, s21, s22, $0xb8;
	[tilespmem:$0x14000] =	vst v63  }
0x1ef: {  	_ =	swait.ge [sflag:s20], $0x1400  }
0x1f0: {  	[sflag:s20] =	ssyncset.done $0x0  }
0x1f1: {  	s12 =	sshll.u32 s16, $0x6;
	[sflag:s20] =	ssyncadd.s32 $0xFFFFEC00  }
0x1f2: {  	s10 =	sshrl.u32 s6, $0x3;
	s13 =	simm.s32 $0x8;
	[bflag:$0x0] =	sbarrier.arrive $0xFFFF  }
0x1f3: {  	s9 =	sor.u32 $0x1C05, s12;
	s12 =	simm.s32 $0x10;
	s11 =	rddreg [dreg:$0xb]  }
0x1f4: {  	[hbm:s11@s12], [sflag:s9] =	dma.strided [spmem:s10@s13], $0x1400, s31, $0x8   }
0x1f5: {  	_ =	swait.ge [sflag:s20], $0x1400  }
0x1f6: {  	s4 =	sadd.s32 $0x1, s4;
	s13 =	rddreg [dreg:$0xc]  }
0x1f7: {  	p0 =	sne.s32 s4, s13  }
.Ltmp7:
0x1f8: {  	_ = 	snop;
	(pc) =	sbr.rel @p0 .LBB2_1-.Ltmp7, $3  }
0x1f9: {  	_ =	sdelay $0x1  }
0x1fa: {  	[sflag:s20] =	ssyncset.done $0x0  }
0x1fb: {  	[sflag:s20] =	ssyncadd.s32 $0xFFFFEC00  }
0x1fc: {  	_ =	sfence.sel $0x180000  }
0x1fd: {  	[bflag:$0x0] =	sbarrier.arrive $0xFFFF  }
0x1fe: {  	_ =	strace $0x90000047  }
0x1ff: {  	[bflag:$0x2] =	sbarrier.arrive $0xFFFF  }
0x200: {  	p0 =	sne.s32 s16, $0x0;
	s0 =	rddreg [dreg:$0x4]  }
0x201: {  	s0 =	sadd.s32 @!p0 $0x100000, s0  }
0x202: {  	[sflag:s0] =	ssyncadd.tile.s32 @!p0 $0x1;
	_ =	shalt  }
.Lfunc_end2:
_tile_overlayer_lowered:
.L_overlay_start_2:
0x203: {  	(tag) =	ssettag $0x2  }
0x204: {  	s0 =	rddreg [dreg:$0x0];
	s2 =	stileid.u32  }
0x205: {  	s1 =	rddreg [dreg:$0x1];
	p0 =	sne.s32 s2, $0x0  }
0x206: {  	s3 =	rddreg [dreg:$0x2];
	[bflag:$0x3] =	sbarrier.arrive $0xFFFF;
	s2 =	simm.s32 @!p0 $0x1C05  }
0x207: {  	[timem:s3], [sflag:s2] =	dma.local @!p0 [hbm:s0], s1  }
0x208: {  	s0 =	simm.s32 @!p0 $0x5  }
0x209: {  	_ =	swait.ge @!p0 [sflag:s0], s1  }
0x20a: {  	s1 =	ssub.s32 @!p0 $0x0, s1;
	[sflag:s0] =	ssyncset.done @!p0 $0x0  }
0x20b: {  	[sflag:s0] =	ssyncadd.s32 @!p0 s1  }
0x20c: {  	[bflag:$0x3] =	sbarrier.arrive $0xFFFF  }
0x20d: {  	_ =	shalt  }

</sc_bundles>
